<compile_context>
chip_gen: v7x
topology: tpu7x:2x2x1
jax: 0.10.2.dev20260603
libtpu: 0.0.44.dev20260713+nightly
codegen_flags: <defaults>
</compile_context>

<pallas_src>
import functools

import jax
import jax.numpy as jnp
from jax import lax
from jax.experimental import pallas as pl
from jax.experimental.pallas import tpu as pltpu
from jax.experimental.pallas import tpu_sc as plsc

DM = 768
NLAYER = 12
NEXP = 4
FF = 3072
PS = 16
NPATCH = 196
NHEAD = 12
DH = 64
NCLS = 1000
BS = 4
SEQ = 197
SEQP = 200
NTOK = BS * SEQP
TILE = 64
NTILE = 16
NSORT = NTILE * TILE
EPAD = 128
NEG = -1e30


def _dispatch_mat(meta, rows):
    dest_i = meta[:, 0:1].astype(jnp.int32)
    gate = meta[:, 1:2]
    slot_i = lax.broadcasted_iota(jnp.int32, (rows, NSORT), 1)
    return jnp.where(slot_i == dest_i, gate, 0.0)


def _layer_body(li_ref, h_ref, yprev_ref, mprev_ref, l1s_ref, l1b_ref,
                wqkv_ref, bqkv_ref, wo_ref, bo_ref, l2s_ref, l2b_ref, gw_ref,
                hout_ref, z_ref, perm_ref, meta_ref, estart_ref, ecnt_ref):
    b = pl.program_id(0)
    dmat = _dispatch_mat(mprev_ref[...], SEQP)
    hb = h_ref[0] + jnp.dot(dmat, yprev_ref[...],
                            preferred_element_type=jnp.float32)

    m = jnp.mean(hb, axis=-1, keepdims=True)
    va = jnp.mean((hb - m) ** 2, axis=-1, keepdims=True)
    qin = (hb - m) * lax.rsqrt(va + 1e-5) * l1s_ref[0] + l1b_ref[0]
    wqkv = wqkv_ref[0]
    bqkv_ = bqkv_ref[0]
    q = jnp.dot(qin, wqkv[:, :DM],
                preferred_element_type=jnp.float32) + bqkv_[:, :DM]
    k = jnp.dot(hb, wqkv[:, DM:2 * DM],
                preferred_element_type=jnp.float32) + bqkv_[:, DM:2 * DM]
    v = jnp.dot(hb, wqkv[:, 2 * DM:],
                preferred_element_type=jnp.float32) + bqkv_[:, 2 * DM:]
    colpad = lax.broadcasted_iota(jnp.int32, (SEQP, SEQP), 1) >= SEQ
    kmask = jnp.where(colpad, NEG, 0.0)
    parts = []
    for hh in range(NHEAD):
        qh = q[:, hh * DH:(hh + 1) * DH]
        kh = k[:, hh * DH:(hh + 1) * DH]
        vh = v[:, hh * DH:(hh + 1) * DH]
        lg = lax.dot_general(qh, kh, (((1,), (1,)), ((), ())),
                             preferred_element_type=jnp.float32) * 0.125
        lg = lg + kmask
        mx = jnp.max(lg, axis=-1, keepdims=True)
        ex = jnp.exp(lg - mx)
        att = ex / jnp.sum(ex, axis=-1, keepdims=True)
        parts.append(jnp.dot(att, vh, preferred_element_type=jnp.float32))
    o = jnp.concatenate(parts, axis=1)
    o = jnp.dot(o, wo_ref[0], preferred_element_type=jnp.float32) + bo_ref[0]
    rowpad = lax.broadcasted_iota(jnp.int32, (SEQP, DM), 0) >= SEQ
    hn = hb + jnp.where(rowpad, 0.0, o)
    hout_ref[0] = hn

    m2 = jnp.mean(hn, axis=-1, keepdims=True)
    v2 = jnp.mean((hn - m2) ** 2, axis=-1, keepdims=True)
    z_b = (hn - m2) * lax.rsqrt(v2 + 1e-5) * l2s_ref[0] + l2b_ref[0]
    z_ref[pl.ds(b * SEQP, SEQP), :] = z_b

    @pl.when(b == BS - 1)
    def _():
        z = z_ref[...]
        lane_i = lax.broadcasted_iota(jnp.int32, (NTOK, EPAD), 1)
        bias = jnp.where(lane_i < NEXP, 0.0, NEG)
        logits = jnp.dot(z, gw_ref[0], preferred_element_type=jnp.float32) + bias
        mx = jnp.max(logits, axis=1, keepdims=True)
        ex = jnp.exp(logits - mx)
        den = jnp.sum(ex, axis=1, keepdims=True)
        gate = jnp.max(ex, axis=1, keepdims=True) / den
        idx_i = jnp.min(jnp.where(logits >= mx, lane_i, EPAD), axis=1,
                        keepdims=True)

        trow_i = lax.broadcasted_iota(jnp.int32, (NTOK, 1), 0)
        is_real = (trow_i % SEQP) < SEQ
        onehot = jnp.where((lane_i == idx_i) & is_real, 1.0, 0.0)

        rr = lax.broadcasted_iota(jnp.int32, (NTOK, NTOK), 0)
        cc = lax.broadcasted_iota(jnp.int32, (NTOK, NTOK), 1)
        tril = jnp.where(rr > cc, 1.0, 0.0)
        cum = jnp.dot(tril, onehot, preferred_element_type=jnp.float32)
        rank = jnp.sum(cum * onehot, axis=1, keepdims=True)
        counts = jnp.sum(onehot, axis=0, keepdims=True)
        pc = jnp.floor((counts + float(TILE - 1)) / float(TILE)) * float(TILE)
        r2 = lax.broadcasted_iota(jnp.int32, (EPAD, EPAD), 0)
        c2 = lax.broadcasted_iota(jnp.int32, (EPAD, EPAD), 1)
        offs = jnp.dot(pc, jnp.where(r2 < c2, 1.0, 0.0),
                       preferred_element_type=jnp.float32)
        ends = offs + pc
        off_t = jnp.sum(onehot * offs, axis=1, keepdims=True)
        dest = off_t + rank
        dest_i = dest.astype(jnp.int32)
        gate = jnp.where(is_real, gate, 0.0)
        meta_ref[...] = (jnp.where(lane_i == 0, dest, 0.0) +
                         jnp.where(lane_i == 1, gate, 0.0))

        slot_i = lax.broadcasted_iota(jnp.int32, (NTOK, NSORT), 1)
        pmat = jnp.where((slot_i == dest_i) & is_real, 1.0, 0.0)
        trowf = trow_i.astype(jnp.float32)
        permf = jnp.sum(pmat * trowf, axis=0, keepdims=True)
        occ = jnp.sum(pmat, axis=0, keepdims=True)
        permr = jnp.where(occ > 0.5, permf, float(NTOK - 1))
        perm_ref[...] = jnp.broadcast_to(permr, (8, NSORT)).astype(jnp.int32)

        estart_ref[...] = jnp.broadcast_to(
            offs / float(TILE), (8, EPAD)).astype(jnp.int32)
        ecnt_ref[...] = jnp.broadcast_to(
            pc / float(TILE), (8, EPAD)).astype(jnp.int32)


def _layer_call(li, h, yprev, mprev, l1s3, l1b3, wqkv, bqkv3, wo, bo3, l2s3,
                l2b3, gwp):
    grid_spec = pltpu.PrefetchScalarGridSpec(
        num_scalar_prefetch=1,
        grid=(BS,),
        in_specs=[
            pl.BlockSpec((1, SEQP, DM), lambda b, li_r: (b, 0, 0)),
            pl.BlockSpec((NSORT, DM), lambda b, li_r: (0, 0)),
            pl.BlockSpec((SEQP, EPAD), lambda b, li_r: (b, 0)),
            pl.BlockSpec((1, 1, DM), lambda b, li_r: (li_r[0], 0, 0)),
            pl.BlockSpec((1, 1, DM), lambda b, li_r: (li_r[0], 0, 0)),
            pl.BlockSpec((1, DM, 3 * DM), lambda b, li_r: (li_r[0], 0, 0)),
            pl.BlockSpec((1, 1, 3 * DM), lambda b, li_r: (li_r[0], 0, 0)),
            pl.BlockSpec((1, DM, DM), lambda b, li_r: (li_r[0], 0, 0)),
            pl.BlockSpec((1, 1, DM), lambda b, li_r: (li_r[0], 0, 0)),
            pl.BlockSpec((1, 1, DM), lambda b, li_r: (li_r[0], 0, 0)),
            pl.BlockSpec((1, 1, DM), lambda b, li_r: (li_r[0], 0, 0)),
            pl.BlockSpec((1, DM, EPAD), lambda b, li_r: (li_r[0], 0, 0)),
        ],
        out_specs=[
            pl.BlockSpec((1, SEQP, DM), lambda b, li_r: (b, 0, 0)),
            pl.BlockSpec((NTOK, DM), lambda b, li_r: (0, 0)),
            pl.BlockSpec((8, NSORT), lambda b, li_r: (0, 0)),
            pl.BlockSpec((NTOK, EPAD), lambda b, li_r: (0, 0)),
            pl.BlockSpec((8, EPAD), lambda b, li_r: (0, 0)),
            pl.BlockSpec((8, EPAD), lambda b, li_r: (0, 0)),
        ],
    )
    return pl.pallas_call(
        _layer_body,
        grid_spec=grid_spec,
        out_shape=(
            jax.ShapeDtypeStruct((BS, SEQP, DM), jnp.float32),
            jax.ShapeDtypeStruct((NTOK, DM), jnp.float32),
            jax.ShapeDtypeStruct((8, NSORT), jnp.int32),
            jax.ShapeDtypeStruct((NTOK, EPAD), jnp.float32),
            jax.ShapeDtypeStruct((8, EPAD), jnp.int32),
            jax.ShapeDtypeStruct((8, EPAD), jnp.int32),
        ),
    )(li, h, yprev, mprev, l1s3, l1b3, wqkv, bqkv3, wo, bo3, l2s3, l2b3, gwp)


SC_CHUNK = NSORT // 32


@functools.lru_cache(maxsize=1)
def _sc_gather_kernel():
    @functools.partial(
        pl.kernel,
        out_type=jax.ShapeDtypeStruct((NSORT, DM), jnp.float32),
        mesh=plsc.VectorSubcoreMesh(core_axis_name="c", subcore_axis_name="s"),
        scratch_types=[
            pltpu.VMEM((SC_CHUNK,), jnp.int32),
            pltpu.VMEM((SC_CHUNK, DM), jnp.float32),
            pltpu.SemaphoreType.DMA,
        ],
    )
    def _sc_gather(z_hbm, idx_hbm, out_hbm, idx_v, rows_v, sem):
        wid = lax.axis_index("s") * 2 + lax.axis_index("c")
        base = wid * SC_CHUNK
        pltpu.sync_copy(idx_hbm.at[pl.ds(base, SC_CHUNK)], idx_v)
        pltpu.async_copy(z_hbm.at[idx_v], rows_v, sem).wait()
        pltpu.sync_copy(rows_v, out_hbm.at[pl.ds(base, SC_CHUNK)])

    return _sc_gather


def _ffn_body(li_ref, es_ref, ec_ref, z_ref, w1_ref, b1_ref, w2_ref, b2_ref,
              out_ref, w1a, w1b_, w2a, w2b_, s1a, s1b, s2a, s2b):
    li = li_ref[0]
    w1bufs, w2bufs = (w1a, w1b_), (w2a, w2b_)
    s1, s2 = (s1a, s1b), (s2a, s2b)
    out_ref[...] = jnp.zeros((NSORT, DM), jnp.float32)

    def fetch(e):
        pltpu.make_async_copy(w1_ref.at[li, e], w1bufs[e % 2], s1[e % 2]).start()
        pltpu.make_async_copy(w2_ref.at[li, e], w2bufs[e % 2], s2[e % 2]).start()

    fetch(0)
    fetch(1)
    for e in range(NEXP):
        pltpu.make_async_copy(w1_ref.at[li, e], w1bufs[e % 2], s1[e % 2]).wait()
        pltpu.make_async_copy(w2_ref.at[li, e], w2bufs[e % 2], s2[e % 2]).wait()
        w1e = w1bufs[e % 2][...]
        w2e = w2bufs[e % 2][...]
        b1e = b1_ref[0, e]
        b2e = b2_ref[0, e]
        start = es_ref[e]
        cnt = ec_ref[e]

        def tile_step(i, _):
            r = pl.multiple_of((start + i) * TILE, TILE)
            zt = z_ref[pl.ds(r, TILE), :]
            h1 = jnp.dot(zt, w1e, preferred_element_type=jnp.float32) + b1e
            a = jax.nn.gelu(h1)
            out_ref[pl.ds(r, TILE), :] = jnp.dot(
                a, w2e, preferred_element_type=jnp.float32) + b2e
            return 0

        lax.fori_loop(0, cnt, tile_step, 0)
        if e + 2 < NEXP:
            fetch(e + 2)


def _ffn_call(li, es, ec, z_sorted, w1, b1r, w2, b2r):
    grid_spec = pltpu.PrefetchScalarGridSpec(
        num_scalar_prefetch=3,
        grid=(1,),
        in_specs=[
            pl.BlockSpec((NSORT, DM), lambda g, li_r, es_r, ec_r: (0, 0)),
            pl.BlockSpec(memory_space=pltpu.MemorySpace.HBM),
            pl.BlockSpec((1, NEXP, 1, FF),
                         lambda g, li_r, es_r, ec_r: (li_r[0], 0, 0, 0)),
            pl.BlockSpec(memory_space=pltpu.MemorySpace.HBM),
            pl.BlockSpec((1, NEXP, 1, DM),
                         lambda g, li_r, es_r, ec_r: (li_r[0], 0, 0, 0)),
        ],
        out_specs=pl.BlockSpec((NSORT, DM), lambda g, li_r, es_r, ec_r: (0, 0)),
        scratch_shapes=[
            pltpu.VMEM((DM, FF), jnp.float32),
            pltpu.VMEM((DM, FF), jnp.float32),
            pltpu.VMEM((FF, DM), jnp.float32),
            pltpu.VMEM((FF, DM), jnp.float32),
            pltpu.SemaphoreType.DMA,
            pltpu.SemaphoreType.DMA,
            pltpu.SemaphoreType.DMA,
            pltpu.SemaphoreType.DMA,
        ],
    )
    return pl.pallas_call(
        _ffn_body,
        grid_spec=grid_spec,
        out_shape=jax.ShapeDtypeStruct((NSORT, DM), jnp.float32),
        compiler_params=pltpu.CompilerParams(
            vmem_limit_bytes=100 * 1024 * 1024),
    )(li, es, ec, z_sorted, w1, b1r, w2, b2r)


def _patch_body(p_ref, w_ref, b_ref, pos_ref, out_ref):
    out_ref[...] = (jnp.dot(p_ref[...], w_ref[...],
                            preferred_element_type=jnp.float32)
                    + b_ref[...] + pos_ref[...])


def _patch_call(p, w, b, pos_t):
    return pl.pallas_call(
        _patch_body,
        out_shape=jax.ShapeDtypeStruct((BS * NPATCH, DM), jnp.float32),
    )(p, w, b, pos_t)


def _head_body(h_ref, m_ref, y_ref, w_ref, b_ref, out_ref):
    dmat = _dispatch_mat(m_ref[...], 8)
    hc = h_ref[...] + jnp.dot(dmat, y_ref[...],
                              preferred_element_type=jnp.float32)
    out_ref[...] = jnp.dot(hc, w_ref[...],
                           preferred_element_type=jnp.float32) + b_ref[...]


def _head_call(hcls8, mcls8, y, w, b):
    return pl.pallas_call(
        _head_body,
        out_shape=jax.ShapeDtypeStruct((8, 1024), jnp.float32),
    )(hcls8, mcls8, y, w, b)


def kernel(x, W_patch, b_patch, cls_token, pos_embed, ln1_s, ln1_b, Wqkv,
           bqkv, Wo, bo, ln2_s, ln2_b, gate_W, W1, b1, W2, b2, W_head,
           b_head):
    p = (x.reshape(BS, 3, 224 // PS, PS, 224 // PS, PS)
         .transpose(0, 2, 4, 1, 3, 5).reshape(BS * NPATCH, 3 * PS * PS))
    pos_t = jnp.tile(pos_embed[0, 1:, :], (BS, 1))
    t = _patch_call(p, W_patch, b_patch.reshape(1, DM), pos_t)
    cls = cls_token[0] + pos_embed[0, 0:1, :]
    h = jnp.concatenate(
        [jnp.broadcast_to(cls[None], (BS, 1, DM)), t.reshape(BS, NPATCH, DM)],
        axis=1)
    h = jnp.pad(h, ((0, 0), (0, SEQP - SEQ), (0, 0)))

    gwp = jnp.pad(gate_W, ((0, 0), (0, 0), (0, EPAD - NEXP)))
    l1s3 = ln1_s.reshape(NLAYER, 1, DM)
    l1b3 = ln1_b.reshape(NLAYER, 1, DM)
    bqkv3 = bqkv.reshape(NLAYER, 1, 3 * DM)
    bo3 = bo.reshape(NLAYER, 1, DM)
    l2s3 = ln2_s.reshape(NLAYER, 1, DM)
    l2b3 = ln2_b.reshape(NLAYER, 1, DM)
    b1r = b1.reshape(NLAYER, NEXP, 1, FF)
    b2r = b2.reshape(NLAYER, NEXP, 1, DM)

    y = jnp.zeros((NSORT, DM), jnp.float32)
    mt = jnp.zeros((NTOK, EPAD), jnp.float32)
    for i in range(NLAYER):
        li = jnp.full((1,), i, jnp.int32)
        h, z, perm8, mt, estart8, ecnt8 = _layer_call(
            li, h, y, mt, l1s3, l1b3, Wqkv, bqkv3, Wo, bo3, l2s3, l2b3, gwp)
        z_sorted = _sc_gather_kernel()(z, perm8[0])
        y = _ffn_call(li, estart8[0, :8], ecnt8[0, :8], z_sorted, W1, b1r,
                      W2, b2r)

    hcls = h.reshape(NTOK, DM)[::SEQP]
    hcls8 = jnp.pad(hcls, ((0, 8 - BS), (0, 0)))
    mcls8 = jnp.pad(mt[::SEQP], ((0, 8 - BS), (0, 0)))
    whp = jnp.pad(W_head, ((0, 0), (0, 1024 - NCLS)))
    bhp = jnp.pad(b_head, (0, 1024 - NCLS)).reshape(1, 1024)
    out = _head_call(hcls8, mcls8, y, whp, bhp)
    return out[:BS, :NCLS]

# --- scband reference (transcript-rebuilt; emitter-appended) ---
"""Pipeline reference for scband-mo-evi-t-85736137163327 (READ-ONLY COPY).

The authoritative reference and input builder live on the scoring server;
editing this copy changes nothing except your own understanding.
"""

import jax, jax.numpy as jnp
import numpy as np

D = 768
L = 12
E = 4
HID = 3072
P = 16
NP = 196
NH = 12
V = 1000
B = 4


def setup_inputs(seed: int = 0) -> dict:
    key = jax.random.key(seed)
    ks = jax.random.split(key, 16)

    def nrm(k, shape, scale=0.02):
        return jax.random.normal(k, shape, dtype=jnp.float32) * scale

    inp = {
        "x": jax.random.normal(ks[0], (B, 3, 224, 224), dtype=jnp.float32),
        "W_patch": nrm(ks[1], (3 * P * P, D)),
        "b_patch": jnp.zeros((D,), jnp.float32),
        "cls_token": nrm(ks[2], (1, 1, D)),
        "pos_embed": nrm(ks[3], (1, NP + 1, D)),
        "ln1_s": jnp.ones((L, D), jnp.float32),
        "ln1_b": jnp.zeros((L, D), jnp.float32),
        "Wqkv": nrm(ks[4], (L, D, 3 * D)),
        "bqkv": jnp.zeros((L, 3 * D), jnp.float32),
        "Wo": nrm(ks[5], (L, D, D)),
        "bo": jnp.zeros((L, D), jnp.float32),
        "ln2_s": jnp.ones((L, D), jnp.float32),
        "ln2_b": jnp.zeros((L, D), jnp.float32),
        "gate_W": nrm(ks[6], (L, D, E)),
        "W1": nrm(ks[7], (L, E, D, HID)),
        "b1": jnp.zeros((L, E, HID), jnp.float32),
        "W2": nrm(ks[8], (L, E, HID, D)),
        "b2": jnp.zeros((L, E, D), jnp.float32),
        "W_head": nrm(ks[9], (D, V)),
        "b_head": jnp.zeros((V,), jnp.float32),
    }
    return inp


def _ln(x, s, b):
    m = x.mean(-1, keepdims=True)
    v = ((x - m) ** 2).mean(-1, keepdims=True)
    return (x - m) / jnp.sqrt(v + 1e-5) * s + b


def reference(x, W_patch, b_patch, cls_token, pos_embed, ln1_s, ln1_b, Wqkv, bqkv, Wo, bo, ln2_s, ln2_b, gate_W, W1, b1, W2, b2, W_head, b_head):
    Bsz = x.shape[0]
    S = NP + 1
    dh = D // NH
    # PatchEmbed: conv(kernel=stride=16) == unfold + linear
    p = x.reshape(Bsz, 3, 224 // P, P, 224 // P, P).transpose(0, 2, 4, 1, 3, 5).reshape(Bsz, NP, 3 * P * P)
    t = p @ W_patch + b_patch
    h = jnp.concatenate([jnp.broadcast_to(cls_token, (Bsz, 1, D)), t], axis=1) + pos_embed
    for i in range(L):
        # attention: query is norm1(x), key/value are raw x (faithful to source)
        qin = _ln(h, ln1_s[i], ln1_b[i])
        q = qin @ Wqkv[i][:, :D] + bqkv[i][:D]
        k = h @ Wqkv[i][:, D:2 * D] + bqkv[i][D:2 * D]
        v = h @ Wqkv[i][:, 2 * D:] + bqkv[i][2 * D:]
        q = q.reshape(Bsz, S, NH, dh).transpose(0, 2, 1, 3)
        k = k.reshape(Bsz, S, NH, dh).transpose(0, 2, 1, 3)
        v = v.reshape(Bsz, S, NH, dh).transpose(0, 2, 1, 3)
        att = jax.nn.softmax(q @ k.transpose(0, 1, 3, 2) / jnp.sqrt(jnp.float32(dh)), axis=-1)
        o = (att @ v).transpose(0, 2, 1, 3).reshape(Bsz, S, D) @ Wo[i] + bo[i]
        h = h + o
        # MoE MLP with top-1 gate
        z = _ln(h, ln2_s[i], ln2_b[i]).reshape(Bsz * S, D)
        logits = z @ gate_W[i]
        probs = jax.nn.softmax(logits, axis=-1)
        idx = jnp.argmax(logits, axis=-1)
        gate = jnp.take_along_axis(probs, idx[:, None], axis=1)[:, 0]
        comb = jax.nn.one_hot(idx, E, dtype=jnp.float32) * gate[:, None]
        hh = jnp.einsum('td,edh->eth', z, W1[i]) + b1[i][:, None, :]
        a = jax.nn.gelu(hh)
        y = jnp.einsum('eth,ehd->etd', a, W2[i]) + b2[i][:, None, :]
        y = jnp.einsum('etd,te->td', y, comb)
        h = h + y.reshape(Bsz, S, D)
    return h[:, 0] @ W_head + b_head

if __name__ == "__main__":
    import jax
    _d = setup_inputs()
    print(jax.jit(kernel)(*tuple(_d.values())))

</pallas_src>

<mosaic_0001>
#map = affine_map<(d0, d1) -> (0, 0)>
#map1 = affine_map<(d0, d1) -> (0)>
module attributes {stable_mosaic.version = 14 : i64} {
  func.func @_sc_gather(%arg0: i32, %arg1: i32, %arg2: memref<800x768xf32, #tpu.memory_space<hbm>>, %arg3: memref<1024xi32, #tpu.memory_space<hbm>>, %arg4: memref<1024x768xf32, #tpu.memory_space<hbm>>, %arg5: memref<32xi32, #tpu.memory_space<vmem>>, %arg6: memref<32x768xf32, #tpu.memory_space<vmem>>, %arg7: memref<!tpu.dma_semaphore, #tpu.memory_space<semaphore_mem>>) attributes {dimension_semantics = [#tpu.dimension_semantics<core_parallel>, #tpu.dimension_semantics<subcore_parallel>], iteration_bounds = array<i64: 2, 16>, scalar_prefetch = 0 : i64, scratch_operands = 3 : i64, tpu.core_type = #tpu.core_type<sc_vector_subcore>, window_params = [{transform_indices = #map}, {transform_indices = #map1}, {transform_indices = #map}]} {
    %mul3A = arith.constant 2 : i32
    %mul3A_0 = arith.muli %arg1, %mul3A : i32
    %add3A = arith.addi %mul3A_0, %arg0 : i32
    %mul3A_1 = arith.constant 32 : i32
    %mul3A_2 = arith.muli %add3A, %mul3A_1 : i32
    "tpu.region"() ({
      %run_scoped3A = tpu.sem_alloc : memref<!tpu.dma_semaphore, #tpu.memory_space<semaphore_mem>>
      %dma_start3A_7 = tpu.memref_slice %arg3[%mul3A_2] : memref<1024xi32, #tpu.memory_space<hbm>> -> memref<32xi32, #tpu.memory_space<hbm>>
      %dma_start3A_8 = tpu.memref_slice %arg3[%mul3A_2] : memref<1024xi32, #tpu.memory_space<hbm>> -> memref<32xi32, #tpu.memory_space<hbm>>
      tpu.enqueue_dma source(%dma_start3A_8 : memref<32xi32, #tpu.memory_space<hbm>>) target(%arg5 : memref<32xi32, #tpu.memory_space<vmem>>) target_semaphore(%run_scoped3A : memref<!tpu.dma_semaphore, #tpu.memory_space<semaphore_mem>>)
      %dma_wait3A_9 = tpu.memref_slice %arg3[%mul3A_2] : memref<1024xi32, #tpu.memory_space<hbm>> -> memref<32xi32, #tpu.memory_space<hbm>>
      %dma_wait3A_10 = tpu.memref_slice %arg3[%mul3A_2] : memref<1024xi32, #tpu.memory_space<hbm>> -> memref<32xi32, #tpu.memory_space<hbm>>
      tpu.wait_dma2 semaphore(%run_scoped3A : memref<!tpu.dma_semaphore, #tpu.memory_space<semaphore_mem>>) src(%dma_wait3A_10 : memref<32xi32, #tpu.memory_space<hbm>>) dst(%arg5 : memref<32xi32, #tpu.memory_space<vmem>>)
      tpu.yield
    }) : () -> ()
    %dma_start3A = arith.constant 0 : i32
    %dma_start3A_3 = arith.constant 0 : i32
    %dma_start3A_4 = tpu.memref_slice %arg2[%dma_start3A, %dma_start3A_3] : memref<800x768xf32, #tpu.memory_space<hbm>> -> memref<800x768xf32, #tpu.memory_space<hbm>>
    tpu.enqueue_indirect_dma source(%dma_start3A_4 : memref<800x768xf32, #tpu.memory_space<hbm>>) target(%arg6 : memref<32x768xf32, #tpu.memory_space<vmem>>) offsets(%arg5 : memref<32xi32, #tpu.memory_space<vmem>>) semaphore(%arg7 : memref<!tpu.dma_semaphore, #tpu.memory_space<semaphore_mem>>)
    %dma_wait3A = arith.constant 0 : i32
    %dma_wait3A_5 = arith.constant 0 : i32
    %dma_wait3A_6 = tpu.memref_slice %arg2[%dma_wait3A, %dma_wait3A_5] : memref<800x768xf32, #tpu.memory_space<hbm>> -> memref<800x768xf32, #tpu.memory_space<hbm>>
    tpu.wait_indirect_dma semaphore(%arg7 : memref<!tpu.dma_semaphore, #tpu.memory_space<semaphore_mem>>) src(%dma_wait3A_6 : memref<800x768xf32, #tpu.memory_space<hbm>>) dst(%arg6 : memref<32x768xf32, #tpu.memory_space<vmem>>)
    "tpu.region"() ({
      %run_scoped3A = tpu.sem_alloc : memref<!tpu.dma_semaphore, #tpu.memory_space<semaphore_mem>>
      %dma_start3A_7 = arith.constant 0 : i32
      %dma_start3A_8 = tpu.memref_slice %arg4[%mul3A_2, %dma_start3A_7] : memref<1024x768xf32, #tpu.memory_space<hbm>> -> memref<32x768xf32, #tpu.memory_space<hbm>>
      %dma_start3A_9 = arith.constant 0 : i32
      %dma_start3A_10 = tpu.memref_slice %arg4[%mul3A_2, %dma_start3A_9] : memref<1024x768xf32, #tpu.memory_space<hbm>> -> memref<32x768xf32, #tpu.memory_space<hbm>>
      tpu.enqueue_dma source(%arg6 : memref<32x768xf32, #tpu.memory_space<vmem>>) target(%dma_start3A_10 : memref<32x768xf32, #tpu.memory_space<hbm>>) target_semaphore(%run_scoped3A : memref<!tpu.dma_semaphore, #tpu.memory_space<semaphore_mem>>)
      %dma_wait3A_11 = arith.constant 0 : i32
      %dma_wait3A_12 = tpu.memref_slice %arg4[%mul3A_2, %dma_wait3A_11] : memref<1024x768xf32, #tpu.memory_space<hbm>> -> memref<32x768xf32, #tpu.memory_space<hbm>>
      %dma_wait3A_13 = arith.constant 0 : i32
      %dma_wait3A_14 = tpu.memref_slice %arg4[%mul3A_2, %dma_wait3A_13] : memref<1024x768xf32, #tpu.memory_space<hbm>> -> memref<32x768xf32, #tpu.memory_space<hbm>>
      tpu.wait_dma2 semaphore(%run_scoped3A : memref<!tpu.dma_semaphore, #tpu.memory_space<semaphore_mem>>) src(%arg6 : memref<32x768xf32, #tpu.memory_space<vmem>>) dst(%dma_wait3A_14 : memref<32x768xf32, #tpu.memory_space<hbm>>)
      tpu.yield
    }) : () -> ()
    return
  }
}

#map = affine_map<(d0, d1) -> (0, 0)>
#map1 = affine_map<(d0, d1) -> (0)>
module attributes {stable_mosaic.version = 14 : i64} {
  func.func @_sc_gather(%arg0: i32, %arg1: i32, %arg2: memref<800x768xf32, #tpu.memory_space<hbm>>, %arg3: memref<1024xi32, #tpu.memory_space<hbm>>, %arg4: memref<1024x768xf32, #tpu.memory_space<hbm>>, %arg5: memref<32xi32, #tpu.memory_space<vmem>>, %arg6: memref<32x768xf32, #tpu.memory_space<vmem>>, %arg7: memref<!tpu.dma_semaphore, #tpu.memory_space<semaphore_mem>>) attributes {dimension_semantics = [#tpu.dimension_semantics<core_parallel>, #tpu.dimension_semantics<subcore_parallel>], iteration_bounds = array<i64: 2, 16>, scalar_prefetch = 0 : i64, scratch_operands = 3 : i64, tpu.core_type = #tpu.core_type<sc_vector_subcore>, window_params = [{transform_indices = #map}, {transform_indices = #map1}, {transform_indices = #map}]} {
    %mul3A = arith.constant 2 : i32
    %mul3A_0 = arith.muli %arg1, %mul3A : i32
    %add3A = arith.addi %mul3A_0, %arg0 : i32
    %mul3A_1 = arith.constant 32 : i32
    %mul3A_2 = arith.muli %add3A, %mul3A_1 : i32
    "tpu.region"() ({
      %run_scoped3A = tpu.sem_alloc : memref<!tpu.dma_semaphore, #tpu.memory_space<semaphore_mem>>
      %dma_start3A_7 = tpu.memref_slice %arg3[%mul3A_2] : memref<1024xi32, #tpu.memory_space<hbm>> -> memref<32xi32, #tpu.memory_space<hbm>>
      %dma_start3A_8 = tpu.memref_slice %arg3[%mul3A_2] : memref<1024xi32, #tpu.memory_space<hbm>> -> memref<32xi32, #tpu.memory_space<hbm>>
      tpu.enqueue_dma source(%dma_start3A_8 : memref<32xi32, #tpu.memory_space<hbm>>) target(%arg5 : memref<32xi32, #tpu.memory_space<vmem>>) target_semaphore(%run_scoped3A : memref<!tpu.dma_semaphore, #tpu.memory_space<semaphore_mem>>)
      %dma_wait3A_9 = tpu.memref_slice %arg3[%mul3A_2] : memref<1024xi32, #tpu.memory_space<hbm>> -> memref<32xi32, #tpu.memory_space<hbm>>
      %dma_wait3A_10 = tpu.memref_slice %arg3[%mul3A_2] : memref<1024xi32, #tpu.memory_space<hbm>> -> memref<32xi32, #tpu.memory_space<hbm>>
      tpu.wait_dma2 semaphore(%run_scoped3A : memref<!tpu.dma_semaphore, #tpu.memory_space<semaphore_mem>>) src(%dma_wait3A_10 : memref<32xi32, #tpu.memory_space<hbm>>) dst(%arg5 : memref<32xi32, #tpu.memory_space<vmem>>)
      tpu.yield
    }) : () -> ()
    %dma_start3A = arith.constant 0 : i32
    %dma_start3A_3 = arith.constant 0 : i32
    %dma_start3A_4 = tpu.memref_slice %arg2[%dma_start3A, %dma_start3A_3] : memref<800x768xf32, #tpu.memory_space<hbm>> -> memref<800x768xf32, #tpu.memory_space<hbm>>
    tpu.enqueue_indirect_dma source(%dma_start3A_4 : memref<800x768xf32, #tpu.memory_space<hbm>>) target(%arg6 : memref<32x768xf32, #tpu.memory_space<vmem>>) offsets(%arg5 : memref<32xi32, #tpu.memory_space<vmem>>) semaphore(%arg7 : memref<!tpu.dma_semaphore, #tpu.memory_space<semaphore_mem>>)
    %dma_wait3A = arith.constant 0 : i32
    %dma_wait3A_5 = arith.constant 0 : i32
    %dma_wait3A_6 = tpu.memref_slice %arg2[%dma_wait3A, %dma_wait3A_5] : memref<800x768xf32, #tpu.memory_space<hbm>> -> memref<800x768xf32, #tpu.memory_space<hbm>>
    tpu.wait_indirect_dma semaphore(%arg7 : memref<!tpu.dma_semaphore, #tpu.memory_space<semaphore_mem>>) src(%dma_wait3A_6 : memref<800x768xf32, #tpu.memory_space<hbm>>) dst(%arg6 : memref<32x768xf32, #tpu.memory_space<vmem>>)
    "tpu.region"() ({
      %run_scoped3A = tpu.sem_alloc : memref<!tpu.dma_semaphore, #tpu.memory_space<semaphore_mem>>
      %dma_start3A_7 = arith.constant 0 : i32
      %dma_start3A_8 = tpu.memref_slice %arg4[%mul3A_2, %dma_start3A_7] : memref<1024x768xf32, #tpu.memory_space<hbm>> -> memref<32x768xf32, #tpu.memory_space<hbm>>
      %dma_start3A_9 = arith.constant 0 : i32
      %dma_start3A_10 = tpu.memref_slice %arg4[%mul3A_2, %dma_start3A_9] : memref<1024x768xf32, #tpu.memory_space<hbm>> -> memref<32x768xf32, #tpu.memory_space<hbm>>
      tpu.enqueue_dma source(%arg6 : memref<32x768xf32, #tpu.memory_space<vmem>>) target(%dma_start3A_10 : memref<32x768xf32, #tpu.memory_space<hbm>>) target_semaphore(%run_scoped3A : memref<!tpu.dma_semaphore, #tpu.memory_space<semaphore_mem>>)
      %dma_wait3A_11 = arith.constant 0 : i32
      %dma_wait3A_12 = tpu.memref_slice %arg4[%mul3A_2, %dma_wait3A_11] : memref<1024x768xf32, #tpu.memory_space<hbm>> -> memref<32x768xf32, #tpu.memory_space<hbm>>
      %dma_wait3A_13 = arith.constant 0 : i32
      %dma_wait3A_14 = tpu.memref_slice %arg4[%mul3A_2, %dma_wait3A_13] : memref<1024x768xf32, #tpu.memory_space<hbm>> -> memref<32x768xf32, #tpu.memory_space<hbm>>
      tpu.wait_dma2 semaphore(%run_scoped3A : memref<!tpu.dma_semaphore, #tpu.memory_space<semaphore_mem>>) src(%arg6 : memref<32x768xf32, #tpu.memory_space<vmem>>) dst(%dma_wait3A_14 : memref<32x768xf32, #tpu.memory_space<hbm>>)
      tpu.yield
    }) : () -> ()
    return
  }
}

#map = affine_map<(d0, d1) -> (0, 0)>
#map1 = affine_map<(d0, d1) -> (0)>
module attributes {stable_mosaic.version = 14 : i64} {
  func.func @_sc_gather(%arg0: i32, %arg1: i32, %arg2: memref<800x768xf32, #tpu.memory_space<hbm>>, %arg3: memref<1024xi32, #tpu.memory_space<hbm>>, %arg4: memref<1024x768xf32, #tpu.memory_space<hbm>>, %arg5: memref<32xi32, #tpu.memory_space<vmem>>, %arg6: memref<32x768xf32, #tpu.memory_space<vmem>>, %arg7: memref<!tpu.dma_semaphore, #tpu.memory_space<semaphore_mem>>) attributes {dimension_semantics = [#tpu.dimension_semantics<core_parallel>, #tpu.dimension_semantics<subcore_parallel>], iteration_bounds = array<i64: 2, 16>, scalar_prefetch = 0 : i64, scratch_operands = 3 : i64, tpu.core_type = #tpu.core_type<sc_vector_subcore>, window_params = [{transform_indices = #map}, {transform_indices = #map1}, {transform_indices = #map}]} {
    %mul3A = arith.constant 2 : i32
    %mul3A_0 = arith.muli %arg1, %mul3A : i32
    %add3A = arith.addi %mul3A_0, %arg0 : i32
    %mul3A_1 = arith.constant 32 : i32
    %mul3A_2 = arith.muli %add3A, %mul3A_1 : i32
    "tpu.region"() ({
      %run_scoped3A = tpu.sem_alloc : memref<!tpu.dma_semaphore, #tpu.memory_space<semaphore_mem>>
      %dma_start3A_7 = tpu.memref_slice %arg3[%mul3A_2] : memref<1024xi32, #tpu.memory_space<hbm>> -> memref<32xi32, #tpu.memory_space<hbm>>
      %dma_start3A_8 = tpu.memref_slice %arg3[%mul3A_2] : memref<1024xi32, #tpu.memory_space<hbm>> -> memref<32xi32, #tpu.memory_space<hbm>>
      tpu.enqueue_dma source(%dma_start3A_8 : memref<32xi32, #tpu.memory_space<hbm>>) target(%arg5 : memref<32xi32, #tpu.memory_space<vmem>>) target_semaphore(%run_scoped3A : memref<!tpu.dma_semaphore, #tpu.memory_space<semaphore_mem>>)
      %dma_wait3A_9 = tpu.memref_slice %arg3[%mul3A_2] : memref<1024xi32, #tpu.memory_space<hbm>> -> memref<32xi32, #tpu.memory_space<hbm>>
      %dma_wait3A_10 = tpu.memref_slice %arg3[%mul3A_2] : memref<1024xi32, #tpu.memory_space<hbm>> -> memref<32xi32, #tpu.memory_space<hbm>>
      tpu.wait_dma2 semaphore(%run_scoped3A : memref<!tpu.dma_semaphore, #tpu.memory_space<semaphore_mem>>) src(%dma_wait3A_10 : memref<32xi32, #tpu.memory_space<hbm>>) dst(%arg5 : memref<32xi32, #tpu.memory_space<vmem>>)
      tpu.yield
    }) : () -> ()
    %dma_start3A = arith.constant 0 : i32
    %dma_start3A_3 = arith.constant 0 : i32
    %dma_start3A_4 = tpu.memref_slice %arg2[%dma_start3A, %dma_start3A_3] : memref<800x768xf32, #tpu.memory_space<hbm>> -> memref<800x768xf32, #tpu.memory_space<hbm>>
    tpu.enqueue_indirect_dma source(%dma_start3A_4 : memref<800x768xf32, #tpu.memory_space<hbm>>) target(%arg6 : memref<32x768xf32, #tpu.memory_space<vmem>>) offsets(%arg5 : memref<32xi32, #tpu.memory_space<vmem>>) semaphore(%arg7 : memref<!tpu.dma_semaphore, #tpu.memory_space<semaphore_mem>>)
    %dma_wait3A = arith.constant 0 : i32
    %dma_wait3A_5 = arith.constant 0 : i32
    %dma_wait3A_6 = tpu.memref_slice %arg2[%dma_wait3A, %dma_wait3A_5] : memref<800x768xf32, #tpu.memory_space<hbm>> -> memref<800x768xf32, #tpu.memory_space<hbm>>
    tpu.wait_indirect_dma semaphore(%arg7 : memref<!tpu.dma_semaphore, #tpu.memory_space<semaphore_mem>>) src(%dma_wait3A_6 : memref<800x768xf32, #tpu.memory_space<hbm>>) dst(%arg6 : memref<32x768xf32, #tpu.memory_space<vmem>>)
    "tpu.region"() ({
      %run_scoped3A = tpu.sem_alloc : memref<!tpu.dma_semaphore, #tpu.memory_space<semaphore_mem>>
      %dma_start3A_7 = arith.constant 0 : i32
      %dma_start3A_8 = tpu.memref_slice %arg4[%mul3A_2, %dma_start3A_7] : memref<1024x768xf32, #tpu.memory_space<hbm>> -> memref<32x768xf32, #tpu.memory_space<hbm>>
      %dma_start3A_9 = arith.constant 0 : i32
      %dma_start3A_10 = tpu.memref_slice %arg4[%mul3A_2, %dma_start3A_9] : memref<1024x768xf32, #tpu.memory_space<hbm>> -> memref<32x768xf32, #tpu.memory_space<hbm>>
      tpu.enqueue_dma source(%arg6 : memref<32x768xf32, #tpu.memory_space<vmem>>) target(%dma_start3A_10 : memref<32x768xf32, #tpu.memory_space<hbm>>) target_semaphore(%run_scoped3A : memref<!tpu.dma_semaphore, #tpu.memory_space<semaphore_mem>>)
      %dma_wait3A_11 = arith.constant 0 : i32
      %dma_wait3A_12 = tpu.memref_slice %arg4[%mul3A_2, %dma_wait3A_11] : memref<1024x768xf32, #tpu.memory_space<hbm>> -> memref<32x768xf32, #tpu.memory_space<hbm>>
      %dma_wait3A_13 = arith.constant 0 : i32
      %dma_wait3A_14 = tpu.memref_slice %arg4[%mul3A_2, %dma_wait3A_13] : memref<1024x768xf32, #tpu.memory_space<hbm>> -> memref<32x768xf32, #tpu.memory_space<hbm>>
      tpu.wait_dma2 semaphore(%run_scoped3A : memref<!tpu.dma_semaphore, #tpu.memory_space<semaphore_mem>>) src(%arg6 : memref<32x768xf32, #tpu.memory_space<vmem>>) dst(%dma_wait3A_14 : memref<32x768xf32, #tpu.memory_space<hbm>>)
      tpu.yield
    }) : () -> ()
    return
  }
}

#map = affine_map<(d0, d1) -> (0, 0)>
#map1 = affine_map<(d0, d1) -> (0)>
module attributes {stable_mosaic.version = 14 : i64} {
  func.func @_sc_gather(%arg0: i32, %arg1: i32, %arg2: memref<800x768xf32, #tpu.memory_space<hbm>>, %arg3: memref<1024xi32, #tpu.memory_space<hbm>>, %arg4: memref<1024x768xf32, #tpu.memory_space<hbm>>, %arg5: memref<32xi32, #tpu.memory_space<vmem>>, %arg6: memref<32x768xf32, #tpu.memory_space<vmem>>, %arg7: memref<!tpu.dma_semaphore, #tpu.memory_space<semaphore_mem>>) attributes {dimension_semantics = [#tpu.dimension_semantics<core_parallel>, #tpu.dimension_semantics<subcore_parallel>], iteration_bounds = array<i64: 2, 16>, scalar_prefetch = 0 : i64, scratch_operands = 3 : i64, tpu.core_type = #tpu.core_type<sc_vector_subcore>, window_params = [{transform_indices = #map}, {transform_indices = #map1}, {transform_indices = #map}]} {
    %mul3A = arith.constant 2 : i32
    %mul3A_0 = arith.muli %arg1, %mul3A : i32
    %add3A = arith.addi %mul3A_0, %arg0 : i32
    %mul3A_1 = arith.constant 32 : i32
    %mul3A_2 = arith.muli %add3A, %mul3A_1 : i32
    "tpu.region"() ({
      %run_scoped3A = tpu.sem_alloc : memref<!tpu.dma_semaphore, #tpu.memory_space<semaphore_mem>>
      %dma_start3A_7 = tpu.memref_slice %arg3[%mul3A_2] : memref<1024xi32, #tpu.memory_space<hbm>> -> memref<32xi32, #tpu.memory_space<hbm>>
      %dma_start3A_8 = tpu.memref_slice %arg3[%mul3A_2] : memref<1024xi32, #tpu.memory_space<hbm>> -> memref<32xi32, #tpu.memory_space<hbm>>
      tpu.enqueue_dma source(%dma_start3A_8 : memref<32xi32, #tpu.memory_space<hbm>>) target(%arg5 : memref<32xi32, #tpu.memory_space<vmem>>) target_semaphore(%run_scoped3A : memref<!tpu.dma_semaphore, #tpu.memory_space<semaphore_mem>>)
      %dma_wait3A_9 = tpu.memref_slice %arg3[%mul3A_2] : memref<1024xi32, #tpu.memory_space<hbm>> -> memref<32xi32, #tpu.memory_space<hbm>>
      %dma_wait3A_10 = tpu.memref_slice %arg3[%mul3A_2] : memref<1024xi32, #tpu.memory_space<hbm>> -> memref<32xi32, #tpu.memory_space<hbm>>
      tpu.wait_dma2 semaphore(%run_scoped3A : memref<!tpu.dma_semaphore, #tpu.memory_space<semaphore_mem>>) src(%dma_wait3A_10 : memref<32xi32, #tpu.memory_space<hbm>>) dst(%arg5 : memref<32xi32, #tpu.memory_space<vmem>>)
      tpu.yield
    }) : () -> ()
    %dma_start3A = arith.constant 0 : i32
    %dma_start3A_3 = arith.constant 0 : i32
    %dma_start3A_4 = tpu.memref_slice %arg2[%dma_start3A, %dma_start3A_3] : memref<800x768xf32, #tpu.memory_space<hbm>> -> memref<800x768xf32, #tpu.memory_space<hbm>>
    tpu.enqueue_indirect_dma source(%dma_start3A_4 : memref<800x768xf32, #tpu.memory_space<hbm>>) target(%arg6 : memref<32x768xf32, #tpu.memory_space<vmem>>) offsets(%arg5 : memref<32xi32, #tpu.memory_space<vmem>>) semaphore(%arg7 : memref<!tpu.dma_semaphore, #tpu.memory_space<semaphore_mem>>)
    %dma_wait3A = arith.constant 0 : i32
    %dma_wait3A_5 = arith.constant 0 : i32
    %dma_wait3A_6 = tpu.memref_slice %arg2[%dma_wait3A, %dma_wait3A_5] : memref<800x768xf32, #tpu.memory_space<hbm>> -> memref<800x768xf32, #tpu.memory_space<hbm>>
    tpu.wait_indirect_dma semaphore(%arg7 : memref<!tpu.dma_semaphore, #tpu.memory_space<semaphore_mem>>) src(%dma_wait3A_6 : memref<800x768xf32, #tpu.memory_space<hbm>>) dst(%arg6 : memref<32x768xf32, #tpu.memory_space<vmem>>)
    "tpu.region"() ({
      %run_scoped3A = tpu.sem_alloc : memref<!tpu.dma_semaphore, #tpu.memory_space<semaphore_mem>>
      %dma_start3A_7 = arith.constant 0 : i32
      %dma_start3A_8 = tpu.memref_slice %arg4[%mul3A_2, %dma_start3A_7] : memref<1024x768xf32, #tpu.memory_space<hbm>> -> memref<32x768xf32, #tpu.memory_space<hbm>>
      %dma_start3A_9 = arith.constant 0 : i32
      %dma_start3A_10 = tpu.memref_slice %arg4[%mul3A_2, %dma_start3A_9] : memref<1024x768xf32, #tpu.memory_space<hbm>> -> memref<32x768xf32, #tpu.memory_space<hbm>>
      tpu.enqueue_dma source(%arg6 : memref<32x768xf32, #tpu.memory_space<vmem>>) target(%dma_start3A_10 : memref<32x768xf32, #tpu.memory_space<hbm>>) target_semaphore(%run_scoped3A : memref<!tpu.dma_semaphore, #tpu.memory_space<semaphore_mem>>)
      %dma_wait3A_11 = arith.constant 0 : i32
      %dma_wait3A_12 = tpu.memref_slice %arg4[%mul3A_2, %dma_wait3A_11] : memref<1024x768xf32, #tpu.memory_space<hbm>> -> memref<32x768xf32, #tpu.memory_space<hbm>>
      %dma_wait3A_13 = arith.constant 0 : i32
      %dma_wait3A_14 = tpu.memref_slice %arg4[%mul3A_2, %dma_wait3A_13] : memref<1024x768xf32, #tpu.memory_space<hbm>> -> memref<32x768xf32, #tpu.memory_space<hbm>>
      tpu.wait_dma2 semaphore(%run_scoped3A : memref<!tpu.dma_semaphore, #tpu.memory_space<semaphore_mem>>) src(%arg6 : memref<32x768xf32, #tpu.memory_space<vmem>>) dst(%dma_wait3A_14 : memref<32x768xf32, #tpu.memory_space<hbm>>)
      tpu.yield
    }) : () -> ()
    return
  }
}

#map = affine_map<(d0, d1) -> (0, 0)>
#map1 = affine_map<(d0, d1) -> (0)>
module attributes {stable_mosaic.version = 14 : i64} {
  func.func @_sc_gather(%arg0: i32, %arg1: i32, %arg2: memref<800x768xf32, #tpu.memory_space<hbm>>, %arg3: memref<1024xi32, #tpu.memory_space<hbm>>, %arg4: memref<1024x768xf32, #tpu.memory_space<hbm>>, %arg5: memref<32xi32, #tpu.memory_space<vmem>>, %arg6: memref<32x768xf32, #tpu.memory_space<vmem>>, %arg7: memref<!tpu.dma_semaphore, #tpu.memory_space<semaphore_mem>>) attributes {dimension_semantics = [#tpu.dimension_semantics<core_parallel>, #tpu.dimension_semantics<subcore_parallel>], iteration_bounds = array<i64: 2, 16>, scalar_prefetch = 0 : i64, scratch_operands = 3 : i64, tpu.core_type = #tpu.core_type<sc_vector_subcore>, window_params = [{transform_indices = #map}, {transform_indices = #map1}, {transform_indices = #map}]} {
    %mul3A = arith.constant 2 : i32
    %mul3A_0 = arith.muli %arg1, %mul3A : i32
    %add3A = arith.addi %mul3A_0, %arg0 : i32
    %mul3A_1 = arith.constant 32 : i32
    %mul3A_2 = arith.muli %add3A, %mul3A_1 : i32
    "tpu.region"() ({
      %run_scoped3A = tpu.sem_alloc : memref<!tpu.dma_semaphore, #tpu.memory_space<semaphore_mem>>
      %dma_start3A_7 = tpu.memref_slice %arg3[%mul3A_2] : memref<1024xi32, #tpu.memory_space<hbm>> -> memref<32xi32, #tpu.memory_space<hbm>>
      %dma_start3A_8 = tpu.memref_slice %arg3[%mul3A_2] : memref<1024xi32, #tpu.memory_space<hbm>> -> memref<32xi32, #tpu.memory_space<hbm>>
      tpu.enqueue_dma source(%dma_start3A_8 : memref<32xi32, #tpu.memory_space<hbm>>) target(%arg5 : memref<32xi32, #tpu.memory_space<vmem>>) target_semaphore(%run_scoped3A : memref<!tpu.dma_semaphore, #tpu.memory_space<semaphore_mem>>)
      %dma_wait3A_9 = tpu.memref_slice %arg3[%mul3A_2] : memref<1024xi32, #tpu.memory_space<hbm>> -> memref<32xi32, #tpu.memory_space<hbm>>
      %dma_wait3A_10 = tpu.memref_slice %arg3[%mul3A_2] : memref<1024xi32, #tpu.memory_space<hbm>> -> memref<32xi32, #tpu.memory_space<hbm>>
      tpu.wait_dma2 semaphore(%run_scoped3A : memref<!tpu.dma_semaphore, #tpu.memory_space<semaphore_mem>>) src(%dma_wait3A_10 : memref<32xi32, #tpu.memory_space<hbm>>) dst(%arg5 : memref<32xi32, #tpu.memory_space<vmem>>)
      tpu.yield
    }) : () -> ()
    %dma_start3A = arith.constant 0 : i32
    %dma_start3A_3 = arith.constant 0 : i32
    %dma_start3A_4 = tpu.memref_slice %arg2[%dma_start3A, %dma_start3A_3] : memref<800x768xf32, #tpu.memory_space<hbm>> -> memref<800x768xf32, #tpu.memory_space<hbm>>
    tpu.enqueue_indirect_dma source(%dma_start3A_4 : memref<800x768xf32, #tpu.memory_space<hbm>>) target(%arg6 : memref<32x768xf32, #tpu.memory_space<vmem>>) offsets(%arg5 : memref<32xi32, #tpu.memory_space<vmem>>) semaphore(%arg7 : memref<!tpu.dma_semaphore, #tpu.memory_space<semaphore_mem>>)
    %dma_wait3A = arith.constant 0 : i32
    %dma_wait3A_5 = arith.constant 0 : i32
    %dma_wait3A_6 = tpu.memref_slice %arg2[%dma_wait3A, %dma_wait3A_5] : memref<800x768xf32, #tpu.memory_space<hbm>> -> memref<800x768xf32, #tpu.memory_space<hbm>>
    tpu.wait_indirect_dma semaphore(%arg7 : memref<!tpu.dma_semaphore, #tpu.memory_space<semaphore_mem>>) src(%dma_wait3A_6 : memref<800x768xf32, #tpu.memory_space<hbm>>) dst(%arg6 : memref<32x768xf32, #tpu.memory_space<vmem>>)
    "tpu.region"() ({
      %run_scoped3A = tpu.sem_alloc : memref<!tpu.dma_semaphore, #tpu.memory_space<semaphore_mem>>
      %dma_start3A_7 = arith.constant 0 : i32
      %dma_start3A_8 = tpu.memref_slice %arg4[%mul3A_2, %dma_start3A_7] : memref<1024x768xf32, #tpu.memory_space<hbm>> -> memref<32x768xf32, #tpu.memory_space<hbm>>
      %dma_start3A_9 = arith.constant 0 : i32
      %dma_start3A_10 = tpu.memref_slice %arg4[%mul3A_2, %dma_start3A_9] : memref<1024x768xf32, #tpu.memory_space<hbm>> -> memref<32x768xf32, #tpu.memory_space<hbm>>
      tpu.enqueue_dma source(%arg6 : memref<32x768xf32, #tpu.memory_space<vmem>>) target(%dma_start3A_10 : memref<32x768xf32, #tpu.memory_space<hbm>>) target_semaphore(%run_scoped3A : memref<!tpu.dma_semaphore, #tpu.memory_space<semaphore_mem>>)
      %dma_wait3A_11 = arith.constant 0 : i32
      %dma_wait3A_12 = tpu.memref_slice %arg4[%mul3A_2, %dma_wait3A_11] : memref<1024x768xf32, #tpu.memory_space<hbm>> -> memref<32x768xf32, #tpu.memory_space<hbm>>
      %dma_wait3A_13 = arith.constant 0 : i32
      %dma_wait3A_14 = tpu.memref_slice %arg4[%mul3A_2, %dma_wait3A_13] : memref<1024x768xf32, #tpu.memory_space<hbm>> -> memref<32x768xf32, #tpu.memory_space<hbm>>
      tpu.wait_dma2 semaphore(%run_scoped3A : memref<!tpu.dma_semaphore, #tpu.memory_space<semaphore_mem>>) src(%arg6 : memref<32x768xf32, #tpu.memory_space<vmem>>) dst(%dma_wait3A_14 : memref<32x768xf32, #tpu.memory_space<hbm>>)
      tpu.yield
    }) : () -> ()
    return
  }
}

#map = affine_map<(d0, d1) -> (0, 0)>
#map1 = affine_map<(d0, d1) -> (0)>
module attributes {stable_mosaic.version = 14 : i64} {
  func.func @_sc_gather(%arg0: i32, %arg1: i32, %arg2: memref<800x768xf32, #tpu.memory_space<hbm>>, %arg3: memref<1024xi32, #tpu.memory_space<hbm>>, %arg4: memref<1024x768xf32, #tpu.memory_space<hbm>>, %arg5: memref<32xi32, #tpu.memory_space<vmem>>, %arg6: memref<32x768xf32, #tpu.memory_space<vmem>>, %arg7: memref<!tpu.dma_semaphore, #tpu.memory_space<semaphore_mem>>) attributes {dimension_semantics = [#tpu.dimension_semantics<core_parallel>, #tpu.dimension_semantics<subcore_parallel>], iteration_bounds = array<i64: 2, 16>, scalar_prefetch = 0 : i64, scratch_operands = 3 : i64, tpu.core_type = #tpu.core_type<sc_vector_subcore>, window_params = [{transform_indices = #map}, {transform_indices = #map1}, {transform_indices = #map}]} {
    %mul3A = arith.constant 2 : i32
    %mul3A_0 = arith.muli %arg1, %mul3A : i32
    %add3A = arith.addi %mul3A_0, %arg0 : i32
    %mul3A_1 = arith.constant 32 : i32
    %mul3A_2 = arith.muli %add3A, %mul3A_1 : i32
    "tpu.region"() ({
      %run_scoped3A = tpu.sem_alloc : memref<!tpu.dma_semaphore, #tpu.memory_space<semaphore_mem>>
      %dma_start3A_7 = tpu.memref_slice %arg3[%mul3A_2] : memref<1024xi32, #tpu.memory_space<hbm>> -> memref<32xi32, #tpu.memory_space<hbm>>
      %dma_start3A_8 = tpu.memref_slice %arg3[%mul3A_2] : memref<1024xi32, #tpu.memory_space<hbm>> -> memref<32xi32, #tpu.memory_space<hbm>>
      tpu.enqueue_dma source(%dma_start3A_8 : memref<32xi32, #tpu.memory_space<hbm>>) target(%arg5 : memref<32xi32, #tpu.memory_space<vmem>>) target_semaphore(%run_scoped3A : memref<!tpu.dma_semaphore, #tpu.memory_space<semaphore_mem>>)
      %dma_wait3A_9 = tpu.memref_slice %arg3[%mul3A_2] : memref<1024xi32, #tpu.memory_space<hbm>> -> memref<32xi32, #tpu.memory_space<hbm>>
      %dma_wait3A_10 = tpu.memref_slice %arg3[%mul3A_2] : memref<1024xi32, #tpu.memory_space<hbm>> -> memref<32xi32, #tpu.memory_space<hbm>>
      tpu.wait_dma2 semaphore(%run_scoped3A : memref<!tpu.dma_semaphore, #tpu.memory_space<semaphore_mem>>) src(%dma_wait3A_10 : memref<32xi32, #tpu.memory_space<hbm>>) dst(%arg5 : memref<32xi32, #tpu.memory_space<vmem>>)
      tpu.yield
    }) : () -> ()
    %dma_start3A = arith.constant 0 : i32
    %dma_start3A_3 = arith.constant 0 : i32
    %dma_start3A_4 = tpu.memref_slice %arg2[%dma_start3A, %dma_start3A_3] : memref<800x768xf32, #tpu.memory_space<hbm>> -> memref<800x768xf32, #tpu.memory_space<hbm>>
    tpu.enqueue_indirect_dma source(%dma_start3A_4 : memref<800x768xf32, #tpu.memory_space<hbm>>) target(%arg6 : memref<32x768xf32, #tpu.memory_space<vmem>>) offsets(%arg5 : memref<32xi32, #tpu.memory_space<vmem>>) semaphore(%arg7 : memref<!tpu.dma_semaphore, #tpu.memory_space<semaphore_mem>>)
    %dma_wait3A = arith.constant 0 : i32
    %dma_wait3A_5 = arith.constant 0 : i32
    %dma_wait3A_6 = tpu.memref_slice %arg2[%dma_wait3A, %dma_wait3A_5] : memref<800x768xf32, #tpu.memory_space<hbm>> -> memref<800x768xf32, #tpu.memory_space<hbm>>
    tpu.wait_indirect_dma semaphore(%arg7 : memref<!tpu.dma_semaphore, #tpu.memory_space<semaphore_mem>>) src(%dma_wait3A_6 : memref<800x768xf32, #tpu.memory_space<hbm>>) dst(%arg6 : memref<32x768xf32, #tpu.memory_space<vmem>>)
    "tpu.region"() ({
      %run_scoped3A = tpu.sem_alloc : memref<!tpu.dma_semaphore, #tpu.memory_space<semaphore_mem>>
      %dma_start3A_7 = arith.constant 0 : i32
      %dma_start3A_8 = tpu.memref_slice %arg4[%mul3A_2, %dma_start3A_7] : memref<1024x768xf32, #tpu.memory_space<hbm>> -> memref<32x768xf32, #tpu.memory_space<hbm>>
      %dma_start3A_9 = arith.constant 0 : i32
      %dma_start3A_10 = tpu.memref_slice %arg4[%mul3A_2, %dma_start3A_9] : memref<1024x768xf32, #tpu.memory_space<hbm>> -> memref<32x768xf32, #tpu.memory_space<hbm>>
      tpu.enqueue_dma source(%arg6 : memref<32x768xf32, #tpu.memory_space<vmem>>) target(%dma_start3A_10 : memref<32x768xf32, #tpu.memory_space<hbm>>) target_semaphore(%run_scoped3A : memref<!tpu.dma_semaphore, #tpu.memory_space<semaphore_mem>>)
      %dma_wait3A_11 = arith.constant 0 : i32
      %dma_wait3A_12 = tpu.memref_slice %arg4[%mul3A_2, %dma_wait3A_11] : memref<1024x768xf32, #tpu.memory_space<hbm>> -> memref<32x768xf32, #tpu.memory_space<hbm>>
      %dma_wait3A_13 = arith.constant 0 : i32
      %dma_wait3A_14 = tpu.memref_slice %arg4[%mul3A_2, %dma_wait3A_13] : memref<1024x768xf32, #tpu.memory_space<hbm>> -> memref<32x768xf32, #tpu.memory_space<hbm>>
      tpu.wait_dma2 semaphore(%run_scoped3A : memref<!tpu.dma_semaphore, #tpu.memory_space<semaphore_mem>>) src(%arg6 : memref<32x768xf32, #tpu.memory_space<vmem>>) dst(%dma_wait3A_14 : memref<32x768xf32, #tpu.memory_space<hbm>>)
      tpu.yield
    }) : () -> ()
    return
  }
}

#map = affine_map<(d0, d1) -> (0, 0)>
#map1 = affine_map<(d0, d1) -> (0)>
module attributes {stable_mosaic.version = 14 : i64} {
  func.func @_sc_gather(%arg0: i32, %arg1: i32, %arg2: memref<800x768xf32, #tpu.memory_space<hbm>>, %arg3: memref<1024xi32, #tpu.memory_space<hbm>>, %arg4: memref<1024x768xf32, #tpu.memory_space<hbm>>, %arg5: memref<32xi32, #tpu.memory_space<vmem>>, %arg6: memref<32x768xf32, #tpu.memory_space<vmem>>, %arg7: memref<!tpu.dma_semaphore, #tpu.memory_space<semaphore_mem>>) attributes {dimension_semantics = [#tpu.dimension_semantics<core_parallel>, #tpu.dimension_semantics<subcore_parallel>], iteration_bounds = array<i64: 2, 16>, scalar_prefetch = 0 : i64, scratch_operands = 3 : i64, tpu.core_type = #tpu.core_type<sc_vector_subcore>, window_params = [{transform_indices = #map}, {transform_indices = #map1}, {transform_indices = #map}]} {
    %mul3A = arith.constant 2 : i32
    %mul3A_0 = arith.muli %arg1, %mul3A : i32
    %add3A = arith.addi %mul3A_0, %arg0 : i32
    %mul3A_1 = arith.constant 32 : i32
    %mul3A_2 = arith.muli %add3A, %mul3A_1 : i32
    "tpu.region"() ({
      %run_scoped3A = tpu.sem_alloc : memref<!tpu.dma_semaphore, #tpu.memory_space<semaphore_mem>>
      %dma_start3A_7 = tpu.memref_slice %arg3[%mul3A_2] : memref<1024xi32, #tpu.memory_space<hbm>> -> memref<32xi32, #tpu.memory_space<hbm>>
      %dma_start3A_8 = tpu.memref_slice %arg3[%mul3A_2] : memref<1024xi32, #tpu.memory_space<hbm>> -> memref<32xi32, #tpu.memory_space<hbm>>
      tpu.enqueue_dma source(%dma_start3A_8 : memref<32xi32, #tpu.memory_space<hbm>>) target(%arg5 : memref<32xi32, #tpu.memory_space<vmem>>) target_semaphore(%run_scoped3A : memref<!tpu.dma_semaphore, #tpu.memory_space<semaphore_mem>>)
      %dma_wait3A_9 = tpu.memref_slice %arg3[%mul3A_2] : memref<1024xi32, #tpu.memory_space<hbm>> -> memref<32xi32, #tpu.memory_space<hbm>>
      %dma_wait3A_10 = tpu.memref_slice %arg3[%mul3A_2] : memref<1024xi32, #tpu.memory_space<hbm>> -> memref<32xi32, #tpu.memory_space<hbm>>
      tpu.wait_dma2 semaphore(%run_scoped3A : memref<!tpu.dma_semaphore, #tpu.memory_space<semaphore_mem>>) src(%dma_wait3A_10 : memref<32xi32, #tpu.memory_space<hbm>>) dst(%arg5 : memref<32xi32, #tpu.memory_space<vmem>>)
      tpu.yield
    }) : () -> ()
    %dma_start3A = arith.constant 0 : i32
    %dma_start3A_3 = arith.constant 0 : i32
    %dma_start3A_4 = tpu.memref_slice %arg2[%dma_start3A, %dma_start3A_3] : memref<800x768xf32, #tpu.memory_space<hbm>> -> memref<800x768xf32, #tpu.memory_space<hbm>>
    tpu.enqueue_indirect_dma source(%dma_start3A_4 : memref<800x768xf32, #tpu.memory_space<hbm>>) target(%arg6 : memref<32x768xf32, #tpu.memory_space<vmem>>) offsets(%arg5 : memref<32xi32, #tpu.memory_space<vmem>>) semaphore(%arg7 : memref<!tpu.dma_semaphore, #tpu.memory_space<semaphore_mem>>)
    %dma_wait3A = arith.constant 0 : i32
    %dma_wait3A_5 = arith.constant 0 : i32
    %dma_wait3A_6 = tpu.memref_slice %arg2[%dma_wait3A, %dma_wait3A_5] : memref<800x768xf32, #tpu.memory_space<hbm>> -> memref<800x768xf32, #tpu.memory_space<hbm>>
    tpu.wait_indirect_dma semaphore(%arg7 : memref<!tpu.dma_semaphore, #tpu.memory_space<semaphore_mem>>) src(%dma_wait3A_6 : memref<800x768xf32, #tpu.memory_space<hbm>>) dst(%arg6 : memref<32x768xf32, #tpu.memory_space<vmem>>)
    "tpu.region"() ({
      %run_scoped3A = tpu.sem_alloc : memref<!tpu.dma_semaphore, #tpu.memory_space<semaphore_mem>>
      %dma_start3A_7 = arith.constant 0 : i32
      %dma_start3A_8 = tpu.memref_slice %arg4[%mul3A_2, %dma_start3A_7] : memref<1024x768xf32, #tpu.memory_space<hbm>> -> memref<32x768xf32, #tpu.memory_space<hbm>>
      %dma_start3A_9 = arith.constant 0 : i32
      %dma_start3A_10 = tpu.memref_slice %arg4[%mul3A_2, %dma_start3A_9] : memref<1024x768xf32, #tpu.memory_space<hbm>> -> memref<32x768xf32, #tpu.memory_space<hbm>>
      tpu.enqueue_dma source(%arg6 : memref<32x768xf32, #tpu.memory_space<vmem>>) target(%dma_start3A_10 : memref<32x768xf32, #tpu.memory_space<hbm>>) target_semaphore(%run_scoped3A : memref<!tpu.dma_semaphore, #tpu.memory_space<semaphore_mem>>)
      %dma_wait3A_11 = arith.constant 0 : i32
      %dma_wait3A_12 = tpu.memref_slice %arg4[%mul3A_2, %dma_wait3A_11] : memref<1024x768xf32, #tpu.memory_space<hbm>> -> memref<32x768xf32, #tpu.memory_space<hbm>>
      %dma_wait3A_13 = arith.constant 0 : i32
      %dma_wait3A_14 = tpu.memref_slice %arg4[%mul3A_2, %dma_wait3A_13] : memref<1024x768xf32, #tpu.memory_space<hbm>> -> memref<32x768xf32, #tpu.memory_space<hbm>>
      tpu.wait_dma2 semaphore(%run_scoped3A : memref<!tpu.dma_semaphore, #tpu.memory_space<semaphore_mem>>) src(%arg6 : memref<32x768xf32, #tpu.memory_space<vmem>>) dst(%dma_wait3A_14 : memref<32x768xf32, #tpu.memory_space<hbm>>)
      tpu.yield
    }) : () -> ()
    return
  }
}

#map = affine_map<(d0, d1) -> (0, 0)>
#map1 = affine_map<(d0, d1) -> (0)>
module attributes {stable_mosaic.version = 14 : i64} {
  func.func @_sc_gather(%arg0: i32, %arg1: i32, %arg2: memref<800x768xf32, #tpu.memory_space<hbm>>, %arg3: memref<1024xi32, #tpu.memory_space<hbm>>, %arg4: memref<1024x768xf32, #tpu.memory_space<hbm>>, %arg5: memref<32xi32, #tpu.memory_space<vmem>>, %arg6: memref<32x768xf32, #tpu.memory_space<vmem>>, %arg7: memref<!tpu.dma_semaphore, #tpu.memory_space<semaphore_mem>>) attributes {dimension_semantics = [#tpu.dimension_semantics<core_parallel>, #tpu.dimension_semantics<subcore_parallel>], iteration_bounds = array<i64: 2, 16>, scalar_prefetch = 0 : i64, scratch_operands = 3 : i64, tpu.core_type = #tpu.core_type<sc_vector_subcore>, window_params = [{transform_indices = #map}, {transform_indices = #map1}, {transform_indices = #map}]} {
    %mul3A = arith.constant 2 : i32
    %mul3A_0 = arith.muli %arg1, %mul3A : i32
    %add3A = arith.addi %mul3A_0, %arg0 : i32
    %mul3A_1 = arith.constant 32 : i32
    %mul3A_2 = arith.muli %add3A, %mul3A_1 : i32
    "tpu.region"() ({
      %run_scoped3A = tpu.sem_alloc : memref<!tpu.dma_semaphore, #tpu.memory_space<semaphore_mem>>
      %dma_start3A_7 = tpu.memref_slice %arg3[%mul3A_2] : memref<1024xi32, #tpu.memory_space<hbm>> -> memref<32xi32, #tpu.memory_space<hbm>>
      %dma_start3A_8 = tpu.memref_slice %arg3[%mul3A_2] : memref<1024xi32, #tpu.memory_space<hbm>> -> memref<32xi32, #tpu.memory_space<hbm>>
      tpu.enqueue_dma source(%dma_start3A_8 : memref<32xi32, #tpu.memory_space<hbm>>) target(%arg5 : memref<32xi32, #tpu.memory_space<vmem>>) target_semaphore(%run_scoped3A : memref<!tpu.dma_semaphore, #tpu.memory_space<semaphore_mem>>)
      %dma_wait3A_9 = tpu.memref_slice %arg3[%mul3A_2] : memref<1024xi32, #tpu.memory_space<hbm>> -> memref<32xi32, #tpu.memory_space<hbm>>
      %dma_wait3A_10 = tpu.memref_slice %arg3[%mul3A_2] : memref<1024xi32, #tpu.memory_space<hbm>> -> memref<32xi32, #tpu.memory_space<hbm>>
      tpu.wait_dma2 semaphore(%run_scoped3A : memref<!tpu.dma_semaphore, #tpu.memory_space<semaphore_mem>>) src(%dma_wait3A_10 : memref<32xi32, #tpu.memory_space<hbm>>) dst(%arg5 : memref<32xi32, #tpu.memory_space<vmem>>)
      tpu.yield
    }) : () -> ()
    %dma_start3A = arith.constant 0 : i32
    %dma_start3A_3 = arith.constant 0 : i32
    %dma_start3A_4 = tpu.memref_slice %arg2[%dma_start3A, %dma_start3A_3] : memref<800x768xf32, #tpu.memory_space<hbm>> -> memref<800x768xf32, #tpu.memory_space<hbm>>
    tpu.enqueue_indirect_dma source(%dma_start3A_4 : memref<800x768xf32, #tpu.memory_space<hbm>>) target(%arg6 : memref<32x768xf32, #tpu.memory_space<vmem>>) offsets(%arg5 : memref<32xi32, #tpu.memory_space<vmem>>) semaphore(%arg7 : memref<!tpu.dma_semaphore, #tpu.memory_space<semaphore_mem>>)
    %dma_wait3A = arith.constant 0 : i32
    %dma_wait3A_5 = arith.constant 0 : i32
    %dma_wait3A_6 = tpu.memref_slice %arg2[%dma_wait3A, %dma_wait3A_5] : memref<800x768xf32, #tpu.memory_space<hbm>> -> memref<800x768xf32, #tpu.memory_space<hbm>>
    tpu.wait_indirect_dma semaphore(%arg7 : memref<!tpu.dma_semaphore, #tpu.memory_space<semaphore_mem>>) src(%dma_wait3A_6 : memref<800x768xf32, #tpu.memory_space<hbm>>) dst(%arg6 : memref<32x768xf32, #tpu.memory_space<vmem>>)
    "tpu.region"() ({
      %run_scoped3A = tpu.sem_alloc : memref<!tpu.dma_semaphore, #tpu.memory_space<semaphore_mem>>
      %dma_start3A_7 = arith.constant 0 : i32
      %dma_start3A_8 = tpu.memref_slice %arg4[%mul3A_2, %dma_start3A_7] : memref<1024x768xf32, #tpu.memory_space<hbm>> -> memref<32x768xf32, #tpu.memory_space<hbm>>
      %dma_start3A_9 = arith.constant 0 : i32
      %dma_start3A_10 = tpu.memref_slice %arg4[%mul3A_2, %dma_start3A_9] : memref<1024x768xf32, #tpu.memory_space<hbm>> -> memref<32x768xf32, #tpu.memory_space<hbm>>
      tpu.enqueue_dma source(%arg6 : memref<32x768xf32, #tpu.memory_space<vmem>>) target(%dma_start3A_10 : memref<32x768xf32, #tpu.memory_space<hbm>>) target_semaphore(%run_scoped3A : memref<!tpu.dma_semaphore, #tpu.memory_space<semaphore_mem>>)
      %dma_wait3A_11 = arith.constant 0 : i32
      %dma_wait3A_12 = tpu.memref_slice %arg4[%mul3A_2, %dma_wait3A_11] : memref<1024x768xf32, #tpu.memory_space<hbm>> -> memref<32x768xf32, #tpu.memory_space<hbm>>
      %dma_wait3A_13 = arith.constant 0 : i32
      %dma_wait3A_14 = tpu.memref_slice %arg4[%mul3A_2, %dma_wait3A_13] : memref<1024x768xf32, #tpu.memory_space<hbm>> -> memref<32x768xf32, #tpu.memory_space<hbm>>
      tpu.wait_dma2 semaphore(%run_scoped3A : memref<!tpu.dma_semaphore, #tpu.memory_space<semaphore_mem>>) src(%arg6 : memref<32x768xf32, #tpu.memory_space<vmem>>) dst(%dma_wait3A_14 : memref<32x768xf32, #tpu.memory_space<hbm>>)
      tpu.yield
    }) : () -> ()
    return
  }
}

#map = affine_map<(d0, d1) -> (0, 0)>
#map1 = affine_map<(d0, d1) -> (0)>
module attributes {stable_mosaic.version = 14 : i64} {
  func.func @_sc_gather(%arg0: i32, %arg1: i32, %arg2: memref<800x768xf32, #tpu.memory_space<hbm>>, %arg3: memref<1024xi32, #tpu.memory_space<hbm>>, %arg4: memref<1024x768xf32, #tpu.memory_space<hbm>>, %arg5: memref<32xi32, #tpu.memory_space<vmem>>, %arg6: memref<32x768xf32, #tpu.memory_space<vmem>>, %arg7: memref<!tpu.dma_semaphore, #tpu.memory_space<semaphore_mem>>) attributes {dimension_semantics = [#tpu.dimension_semantics<core_parallel>, #tpu.dimension_semantics<subcore_parallel>], iteration_bounds = array<i64: 2, 16>, scalar_prefetch = 0 : i64, scratch_operands = 3 : i64, tpu.core_type = #tpu.core_type<sc_vector_subcore>, window_params = [{transform_indices = #map}, {transform_indices = #map1}, {transform_indices = #map}]} {
    %mul3A = arith.constant 2 : i32
    %mul3A_0 = arith.muli %arg1, %mul3A : i32
    %add3A = arith.addi %mul3A_0, %arg0 : i32
    %mul3A_1 = arith.constant 32 : i32
    %mul3A_2 = arith.muli %add3A, %mul3A_1 : i32
    "tpu.region"() ({
      %run_scoped3A = tpu.sem_alloc : memref<!tpu.dma_semaphore, #tpu.memory_space<semaphore_mem>>
      %dma_start3A_7 = tpu.memref_slice %arg3[%mul3A_2] : memref<1024xi32, #tpu.memory_space<hbm>> -> memref<32xi32, #tpu.memory_space<hbm>>
      %dma_start3A_8 = tpu.memref_slice %arg3[%mul3A_2] : memref<1024xi32, #tpu.memory_space<hbm>> -> memref<32xi32, #tpu.memory_space<hbm>>
      tpu.enqueue_dma source(%dma_start3A_8 : memref<32xi32, #tpu.memory_space<hbm>>) target(%arg5 : memref<32xi32, #tpu.memory_space<vmem>>) target_semaphore(%run_scoped3A : memref<!tpu.dma_semaphore, #tpu.memory_space<semaphore_mem>>)
      %dma_wait3A_9 = tpu.memref_slice %arg3[%mul3A_2] : memref<1024xi32, #tpu.memory_space<hbm>> -> memref<32xi32, #tpu.memory_space<hbm>>
      %dma_wait3A_10 = tpu.memref_slice %arg3[%mul3A_2] : memref<1024xi32, #tpu.memory_space<hbm>> -> memref<32xi32, #tpu.memory_space<hbm>>
      tpu.wait_dma2 semaphore(%run_scoped3A : memref<!tpu.dma_semaphore, #tpu.memory_space<semaphore_mem>>) src(%dma_wait3A_10 : memref<32xi32, #tpu.memory_space<hbm>>) dst(%arg5 : memref<32xi32, #tpu.memory_space<vmem>>)
      tpu.yield
    }) : () -> ()
    %dma_start3A = arith.constant 0 : i32
    %dma_start3A_3 = arith.constant 0 : i32
    %dma_start3A_4 = tpu.memref_slice %arg2[%dma_start3A, %dma_start3A_3] : memref<800x768xf32, #tpu.memory_space<hbm>> -> memref<800x768xf32, #tpu.memory_space<hbm>>
    tpu.enqueue_indirect_dma source(%dma_start3A_4 : memref<800x768xf32, #tpu.memory_space<hbm>>) target(%arg6 : memref<32x768xf32, #tpu.memory_space<vmem>>) offsets(%arg5 : memref<32xi32, #tpu.memory_space<vmem>>) semaphore(%arg7 : memref<!tpu.dma_semaphore, #tpu.memory_space<semaphore_mem>>)
    %dma_wait3A = arith.constant 0 : i32
    %dma_wait3A_5 = arith.constant 0 : i32
    %dma_wait3A_6 = tpu.memref_slice %arg2[%dma_wait3A, %dma_wait3A_5] : memref<800x768xf32, #tpu.memory_space<hbm>> -> memref<800x768xf32, #tpu.memory_space<hbm>>
    tpu.wait_indirect_dma semaphore(%arg7 : memref<!tpu.dma_semaphore, #tpu.memory_space<semaphore_mem>>) src(%dma_wait3A_6 : memref<800x768xf32, #tpu.memory_space<hbm>>) dst(%arg6 : memref<32x768xf32, #tpu.memory_space<vmem>>)
    "tpu.region"() ({
      %run_scoped3A = tpu.sem_alloc : memref<!tpu.dma_semaphore, #tpu.memory_space<semaphore_mem>>
      %dma_start3A_7 = arith.constant 0 : i32
      %dma_start3A_8 = tpu.memref_slice %arg4[%mul3A_2, %dma_start3A_7] : memref<1024x768xf32, #tpu.memory_space<hbm>> -> memref<32x768xf32, #tpu.memory_space<hbm>>
      %dma_start3A_9 = arith.constant 0 : i32
      %dma_start3A_10 = tpu.memref_slice %arg4[%mul3A_2, %dma_start3A_9] : memref<1024x768xf32, #tpu.memory_space<hbm>> -> memref<32x768xf32, #tpu.memory_space<hbm>>
      tpu.enqueue_dma source(%arg6 : memref<32x768xf32, #tpu.memory_space<vmem>>) target(%dma_start3A_10 : memref<32x768xf32, #tpu.memory_space<hbm>>) target_semaphore(%run_scoped3A : memref<!tpu.dma_semaphore, #tpu.memory_space<semaphore_mem>>)
      %dma_wait3A_11 = arith.constant 0 : i32
      %dma_wait3A_12 = tpu.memref_slice %arg4[%mul3A_2, %dma_wait3A_11] : memref<1024x768xf32, #tpu.memory_space<hbm>> -> memref<32x768xf32, #tpu.memory_space<hbm>>
      %dma_wait3A_13 = arith.constant 0 : i32
      %dma_wait3A_14 = tpu.memref_slice %arg4[%mul3A_2, %dma_wait3A_13] : memref<1024x768xf32, #tpu.memory_space<hbm>> -> memref<32x768xf32, #tpu.memory_space<hbm>>
      tpu.wait_dma2 semaphore(%run_scoped3A : memref<!tpu.dma_semaphore, #tpu.memory_space<semaphore_mem>>) src(%arg6 : memref<32x768xf32, #tpu.memory_space<vmem>>) dst(%dma_wait3A_14 : memref<32x768xf32, #tpu.memory_space<hbm>>)
      tpu.yield
    }) : () -> ()
    return
  }
}

#map = affine_map<(d0, d1) -> (0, 0)>
#map1 = affine_map<(d0, d1) -> (0)>
module attributes {stable_mosaic.version = 14 : i64} {
  func.func @_sc_gather(%arg0: i32, %arg1: i32, %arg2: memref<800x768xf32, #tpu.memory_space<hbm>>, %arg3: memref<1024xi32, #tpu.memory_space<hbm>>, %arg4: memref<1024x768xf32, #tpu.memory_space<hbm>>, %arg5: memref<32xi32, #tpu.memory_space<vmem>>, %arg6: memref<32x768xf32, #tpu.memory_space<vmem>>, %arg7: memref<!tpu.dma_semaphore, #tpu.memory_space<semaphore_mem>>) attributes {dimension_semantics = [#tpu.dimension_semantics<core_parallel>, #tpu.dimension_semantics<subcore_parallel>], iteration_bounds = array<i64: 2, 16>, scalar_prefetch = 0 : i64, scratch_operands = 3 : i64, tpu.core_type = #tpu.core_type<sc_vector_subcore>, window_params = [{transform_indices = #map}, {transform_indices = #map1}, {transform_indices = #map}]} {
    %mul3A = arith.constant 2 : i32
    %mul3A_0 = arith.muli %arg1, %mul3A : i32
    %add3A = arith.addi %mul3A_0, %arg0 : i32
    %mul3A_1 = arith.constant 32 : i32
    %mul3A_2 = arith.muli %add3A, %mul3A_1 : i32
    "tpu.region"() ({
      %run_scoped3A = tpu.sem_alloc : memref<!tpu.dma_semaphore, #tpu.memory_space<semaphore_mem>>
      %dma_start3A_7 = tpu.memref_slice %arg3[%mul3A_2] : memref<1024xi32, #tpu.memory_space<hbm>> -> memref<32xi32, #tpu.memory_space<hbm>>
      %dma_start3A_8 = tpu.memref_slice %arg3[%mul3A_2] : memref<1024xi32, #tpu.memory_space<hbm>> -> memref<32xi32, #tpu.memory_space<hbm>>
      tpu.enqueue_dma source(%dma_start3A_8 : memref<32xi32, #tpu.memory_space<hbm>>) target(%arg5 : memref<32xi32, #tpu.memory_space<vmem>>) target_semaphore(%run_scoped3A : memref<!tpu.dma_semaphore, #tpu.memory_space<semaphore_mem>>)
      %dma_wait3A_9 = tpu.memref_slice %arg3[%mul3A_2] : memref<1024xi32, #tpu.memory_space<hbm>> -> memref<32xi32, #tpu.memory_space<hbm>>
      %dma_wait3A_10 = tpu.memref_slice %arg3[%mul3A_2] : memref<1024xi32, #tpu.memory_space<hbm>> -> memref<32xi32, #tpu.memory_space<hbm>>
      tpu.wait_dma2 semaphore(%run_scoped3A : memref<!tpu.dma_semaphore, #tpu.memory_space<semaphore_mem>>) src(%dma_wait3A_10 : memref<32xi32, #tpu.memory_space<hbm>>) dst(%arg5 : memref<32xi32, #tpu.memory_space<vmem>>)
      tpu.yield
    }) : () -> ()
    %dma_start3A = arith.constant 0 : i32
    %dma_start3A_3 = arith.constant 0 : i32
    %dma_start3A_4 = tpu.memref_slice %arg2[%dma_start3A, %dma_start3A_3] : memref<800x768xf32, #tpu.memory_space<hbm>> -> memref<800x768xf32, #tpu.memory_space<hbm>>
    tpu.enqueue_indirect_dma source(%dma_start3A_4 : memref<800x768xf32, #tpu.memory_space<hbm>>) target(%arg6 : memref<32x768xf32, #tpu.memory_space<vmem>>) offsets(%arg5 : memref<32xi32, #tpu.memory_space<vmem>>) semaphore(%arg7 : memref<!tpu.dma_semaphore, #tpu.memory_space<semaphore_mem>>)
    %dma_wait3A = arith.constant 0 : i32
    %dma_wait3A_5 = arith.constant 0 : i32
    %dma_wait3A_6 = tpu.memref_slice %arg2[%dma_wait3A, %dma_wait3A_5] : memref<800x768xf32, #tpu.memory_space<hbm>> -> memref<800x768xf32, #tpu.memory_space<hbm>>
    tpu.wait_indirect_dma semaphore(%arg7 : memref<!tpu.dma_semaphore, #tpu.memory_space<semaphore_mem>>) src(%dma_wait3A_6 : memref<800x768xf32, #tpu.memory_space<hbm>>) dst(%arg6 : memref<32x768xf32, #tpu.memory_space<vmem>>)
    "tpu.region"() ({
      %run_scoped3A = tpu.sem_alloc : memref<!tpu.dma_semaphore, #tpu.memory_space<semaphore_mem>>
      %dma_start3A_7 = arith.constant 0 : i32
      %dma_start3A_8 = tpu.memref_slice %arg4[%mul3A_2, %dma_start3A_7] : memref<1024x768xf32, #tpu.memory_space<hbm>> -> memref<32x768xf32, #tpu.memory_space<hbm>>
      %dma_start3A_9 = arith.constant 0 : i32
      %dma_start3A_10 = tpu.memref_slice %arg4[%mul3A_2, %dma_start3A_9] : memref<1024x768xf32, #tpu.memory_space<hbm>> -> memref<32x768xf32, #tpu.memory_space<hbm>>
      tpu.enqueue_dma source(%arg6 : memref<32x768xf32, #tpu.memory_space<vmem>>) target(%dma_start3A_10 : memref<32x768xf32, #tpu.memory_space<hbm>>) target_semaphore(%run_scoped3A : memref<!tpu.dma_semaphore, #tpu.memory_space<semaphore_mem>>)
      %dma_wait3A_11 = arith.constant 0 : i32
      %dma_wait3A_12 = tpu.memref_slice %arg4[%mul3A_2, %dma_wait3A_11] : memref<1024x768xf32, #tpu.memory_space<hbm>> -> memref<32x768xf32, #tpu.memory_space<hbm>>
      %dma_wait3A_13 = arith.constant 0 : i32
      %dma_wait3A_14 = tpu.memref_slice %arg4[%mul3A_2, %dma_wait3A_13] : memref<1024x768xf32, #tpu.memory_space<hbm>> -> memref<32x768xf32, #tpu.memory_space<hbm>>
      tpu.wait_dma2 semaphore(%run_scoped3A : memref<!tpu.dma_semaphore, #tpu.memory_space<semaphore_mem>>) src(%arg6 : memref<32x768xf32, #tpu.memory_space<vmem>>) dst(%dma_wait3A_14 : memref<32x768xf32, #tpu.memory_space<hbm>>)
      tpu.yield
    }) : () -> ()
    return
  }
}

#map = affine_map<(d0, d1) -> (0, 0)>
#map1 = affine_map<(d0, d1) -> (0)>
module attributes {stable_mosaic.version = 14 : i64} {
  func.func @_sc_gather(%arg0: i32, %arg1: i32, %arg2: memref<800x768xf32, #tpu.memory_space<hbm>>, %arg3: memref<1024xi32, #tpu.memory_space<hbm>>, %arg4: memref<1024x768xf32, #tpu.memory_space<hbm>>, %arg5: memref<32xi32, #tpu.memory_space<vmem>>, %arg6: memref<32x768xf32, #tpu.memory_space<vmem>>, %arg7: memref<!tpu.dma_semaphore, #tpu.memory_space<semaphore_mem>>) attributes {dimension_semantics = [#tpu.dimension_semantics<core_parallel>, #tpu.dimension_semantics<subcore_parallel>], iteration_bounds = array<i64: 2, 16>, scalar_prefetch = 0 : i64, scratch_operands = 3 : i64, tpu.core_type = #tpu.core_type<sc_vector_subcore>, window_params = [{transform_indices = #map}, {transform_indices = #map1}, {transform_indices = #map}]} {
    %mul3A = arith.constant 2 : i32
    %mul3A_0 = arith.muli %arg1, %mul3A : i32
    %add3A = arith.addi %mul3A_0, %arg0 : i32
    %mul3A_1 = arith.constant 32 : i32
    %mul3A_2 = arith.muli %add3A, %mul3A_1 : i32
    "tpu.region"() ({
      %run_scoped3A = tpu.sem_alloc : memref<!tpu.dma_semaphore, #tpu.memory_space<semaphore_mem>>
      %dma_start3A_7 = tpu.memref_slice %arg3[%mul3A_2] : memref<1024xi32, #tpu.memory_space<hbm>> -> memref<32xi32, #tpu.memory_space<hbm>>
      %dma_start3A_8 = tpu.memref_slice %arg3[%mul3A_2] : memref<1024xi32, #tpu.memory_space<hbm>> -> memref<32xi32, #tpu.memory_space<hbm>>
      tpu.enqueue_dma source(%dma_start3A_8 : memref<32xi32, #tpu.memory_space<hbm>>) target(%arg5 : memref<32xi32, #tpu.memory_space<vmem>>) target_semaphore(%run_scoped3A : memref<!tpu.dma_semaphore, #tpu.memory_space<semaphore_mem>>)
      %dma_wait3A_9 = tpu.memref_slice %arg3[%mul3A_2] : memref<1024xi32, #tpu.memory_space<hbm>> -> memref<32xi32, #tpu.memory_space<hbm>>
      %dma_wait3A_10 = tpu.memref_slice %arg3[%mul3A_2] : memref<1024xi32, #tpu.memory_space<hbm>> -> memref<32xi32, #tpu.memory_space<hbm>>
      tpu.wait_dma2 semaphore(%run_scoped3A : memref<!tpu.dma_semaphore, #tpu.memory_space<semaphore_mem>>) src(%dma_wait3A_10 : memref<32xi32, #tpu.memory_space<hbm>>) dst(%arg5 : memref<32xi32, #tpu.memory_space<vmem>>)
      tpu.yield
    }) : () -> ()
    %dma_start3A = arith.constant 0 : i32
    %dma_start3A_3 = arith.constant 0 : i32
    %dma_start3A_4 = tpu.memref_slice %arg2[%dma_start3A, %dma_start3A_3] : memref<800x768xf32, #tpu.memory_space<hbm>> -> memref<800x768xf32, #tpu.memory_space<hbm>>
    tpu.enqueue_indirect_dma source(%dma_start3A_4 : memref<800x768xf32, #tpu.memory_space<hbm>>) target(%arg6 : memref<32x768xf32, #tpu.memory_space<vmem>>) offsets(%arg5 : memref<32xi32, #tpu.memory_space<vmem>>) semaphore(%arg7 : memref<!tpu.dma_semaphore, #tpu.memory_space<semaphore_mem>>)
    %dma_wait3A = arith.constant 0 : i32
    %dma_wait3A_5 = arith.constant 0 : i32
    %dma_wait3A_6 = tpu.memref_slice %arg2[%dma_wait3A, %dma_wait3A_5] : memref<800x768xf32, #tpu.memory_space<hbm>> -> memref<800x768xf32, #tpu.memory_space<hbm>>
    tpu.wait_indirect_dma semaphore(%arg7 : memref<!tpu.dma_semaphore, #tpu.memory_space<semaphore_mem>>) src(%dma_wait3A_6 : memref<800x768xf32, #tpu.memory_space<hbm>>) dst(%arg6 : memref<32x768xf32, #tpu.memory_space<vmem>>)
    "tpu.region"() ({
      %run_scoped3A = tpu.sem_alloc : memref<!tpu.dma_semaphore, #tpu.memory_space<semaphore_mem>>
      %dma_start3A_7 = arith.constant 0 : i32
      %dma_start3A_8 = tpu.memref_slice %arg4[%mul3A_2, %dma_start3A_7] : memref<1024x768xf32, #tpu.memory_space<hbm>> -> memref<32x768xf32, #tpu.memory_space<hbm>>
      %dma_start3A_9 = arith.constant 0 : i32
      %dma_start3A_10 = tpu.memref_slice %arg4[%mul3A_2, %dma_start3A_9] : memref<1024x768xf32, #tpu.memory_space<hbm>> -> memref<32x768xf32, #tpu.memory_space<hbm>>
      tpu.enqueue_dma source(%arg6 : memref<32x768xf32, #tpu.memory_space<vmem>>) target(%dma_start3A_10 : memref<32x768xf32, #tpu.memory_space<hbm>>) target_semaphore(%run_scoped3A : memref<!tpu.dma_semaphore, #tpu.memory_space<semaphore_mem>>)
      %dma_wait3A_11 = arith.constant 0 : i32
      %dma_wait3A_12 = tpu.memref_slice %arg4[%mul3A_2, %dma_wait3A_11] : memref<1024x768xf32, #tpu.memory_space<hbm>> -> memref<32x768xf32, #tpu.memory_space<hbm>>
      %dma_wait3A_13 = arith.constant 0 : i32
      %dma_wait3A_14 = tpu.memref_slice %arg4[%mul3A_2, %dma_wait3A_13] : memref<1024x768xf32, #tpu.memory_space<hbm>> -> memref<32x768xf32, #tpu.memory_space<hbm>>
      tpu.wait_dma2 semaphore(%run_scoped3A : memref<!tpu.dma_semaphore, #tpu.memory_space<semaphore_mem>>) src(%arg6 : memref<32x768xf32, #tpu.memory_space<vmem>>) dst(%dma_wait3A_14 : memref<32x768xf32, #tpu.memory_space<hbm>>)
      tpu.yield
    }) : () -> ()
    return
  }
}

#map = affine_map<(d0, d1) -> (0, 0)>
#map1 = affine_map<(d0, d1) -> (0)>
module attributes {stable_mosaic.version = 14 : i64} {
  func.func @_sc_gather(%arg0: i32, %arg1: i32, %arg2: memref<800x768xf32, #tpu.memory_space<hbm>>, %arg3: memref<1024xi32, #tpu.memory_space<hbm>>, %arg4: memref<1024x768xf32, #tpu.memory_space<hbm>>, %arg5: memref<32xi32, #tpu.memory_space<vmem>>, %arg6: memref<32x768xf32, #tpu.memory_space<vmem>>, %arg7: memref<!tpu.dma_semaphore, #tpu.memory_space<semaphore_mem>>) attributes {dimension_semantics = [#tpu.dimension_semantics<core_parallel>, #tpu.dimension_semantics<subcore_parallel>], iteration_bounds = array<i64: 2, 16>, scalar_prefetch = 0 : i64, scratch_operands = 3 : i64, tpu.core_type = #tpu.core_type<sc_vector_subcore>, window_params = [{transform_indices = #map}, {transform_indices = #map1}, {transform_indices = #map}]} {
    %mul3A = arith.constant 2 : i32
    %mul3A_0 = arith.muli %arg1, %mul3A : i32
    %add3A = arith.addi %mul3A_0, %arg0 : i32
    %mul3A_1 = arith.constant 32 : i32
    %mul3A_2 = arith.muli %add3A, %mul3A_1 : i32
    "tpu.region"() ({
      %run_scoped3A = tpu.sem_alloc : memref<!tpu.dma_semaphore, #tpu.memory_space<semaphore_mem>>
      %dma_start3A_7 = tpu.memref_slice %arg3[%mul3A_2] : memref<1024xi32, #tpu.memory_space<hbm>> -> memref<32xi32, #tpu.memory_space<hbm>>
      %dma_start3A_8 = tpu.memref_slice %arg3[%mul3A_2] : memref<1024xi32, #tpu.memory_space<hbm>> -> memref<32xi32, #tpu.memory_space<hbm>>
      tpu.enqueue_dma source(%dma_start3A_8 : memref<32xi32, #tpu.memory_space<hbm>>) target(%arg5 : memref<32xi32, #tpu.memory_space<vmem>>) target_semaphore(%run_scoped3A : memref<!tpu.dma_semaphore, #tpu.memory_space<semaphore_mem>>)
      %dma_wait3A_9 = tpu.memref_slice %arg3[%mul3A_2] : memref<1024xi32, #tpu.memory_space<hbm>> -> memref<32xi32, #tpu.memory_space<hbm>>
      %dma_wait3A_10 = tpu.memref_slice %arg3[%mul3A_2] : memref<1024xi32, #tpu.memory_space<hbm>> -> memref<32xi32, #tpu.memory_space<hbm>>
      tpu.wait_dma2 semaphore(%run_scoped3A : memref<!tpu.dma_semaphore, #tpu.memory_space<semaphore_mem>>) src(%dma_wait3A_10 : memref<32xi32, #tpu.memory_space<hbm>>) dst(%arg5 : memref<32xi32, #tpu.memory_space<vmem>>)
      tpu.yield
    }) : () -> ()
    %dma_start3A = arith.constant 0 : i32
    %dma_start3A_3 = arith.constant 0 : i32
    %dma_start3A_4 = tpu.memref_slice %arg2[%dma_start3A, %dma_start3A_3] : memref<800x768xf32, #tpu.memory_space<hbm>> -> memref<800x768xf32, #tpu.memory_space<hbm>>
    tpu.enqueue_indirect_dma source(%dma_start3A_4 : memref<800x768xf32, #tpu.memory_space<hbm>>) target(%arg6 : memref<32x768xf32, #tpu.memory_space<vmem>>) offsets(%arg5 : memref<32xi32, #tpu.memory_space<vmem>>) semaphore(%arg7 : memref<!tpu.dma_semaphore, #tpu.memory_space<semaphore_mem>>)
    %dma_wait3A = arith.constant 0 : i32
    %dma_wait3A_5 = arith.constant 0 : i32
    %dma_wait3A_6 = tpu.memref_slice %arg2[%dma_wait3A, %dma_wait3A_5] : memref<800x768xf32, #tpu.memory_space<hbm>> -> memref<800x768xf32, #tpu.memory_space<hbm>>
    tpu.wait_indirect_dma semaphore(%arg7 : memref<!tpu.dma_semaphore, #tpu.memory_space<semaphore_mem>>) src(%dma_wait3A_6 : memref<800x768xf32, #tpu.memory_space<hbm>>) dst(%arg6 : memref<32x768xf32, #tpu.memory_space<vmem>>)
    "tpu.region"() ({
      %run_scoped3A = tpu.sem_alloc : memref<!tpu.dma_semaphore, #tpu.memory_space<semaphore_mem>>
      %dma_start3A_7 = arith.constant 0 : i32
      %dma_start3A_8 = tpu.memref_slice %arg4[%mul3A_2, %dma_start3A_7] : memref<1024x768xf32, #tpu.memory_space<hbm>> -> memref<32x768xf32, #tpu.memory_space<hbm>>
      %dma_start3A_9 = arith.constant 0 : i32
      %dma_start3A_10 = tpu.memref_slice %arg4[%mul3A_2, %dma_start3A_9] : memref<1024x768xf32, #tpu.memory_space<hbm>> -> memref<32x768xf32, #tpu.memory_space<hbm>>
      tpu.enqueue_dma source(%arg6 : memref<32x768xf32, #tpu.memory_space<vmem>>) target(%dma_start3A_10 : memref<32x768xf32, #tpu.memory_space<hbm>>) target_semaphore(%run_scoped3A : memref<!tpu.dma_semaphore, #tpu.memory_space<semaphore_mem>>)
      %dma_wait3A_11 = arith.constant 0 : i32
      %dma_wait3A_12 = tpu.memref_slice %arg4[%mul3A_2, %dma_wait3A_11] : memref<1024x768xf32, #tpu.memory_space<hbm>> -> memref<32x768xf32, #tpu.memory_space<hbm>>
      %dma_wait3A_13 = arith.constant 0 : i32
      %dma_wait3A_14 = tpu.memref_slice %arg4[%mul3A_2, %dma_wait3A_13] : memref<1024x768xf32, #tpu.memory_space<hbm>> -> memref<32x768xf32, #tpu.memory_space<hbm>>
      tpu.wait_dma2 semaphore(%run_scoped3A : memref<!tpu.dma_semaphore, #tpu.memory_space<semaphore_mem>>) src(%arg6 : memref<32x768xf32, #tpu.memory_space<vmem>>) dst(%dma_wait3A_14 : memref<32x768xf32, #tpu.memory_space<hbm>>)
      tpu.yield
    }) : () -> ()
    return
  }
}

module attributes {stable_mosaic.version = 14 : i64} {
  func.func @_patch_body(%arg0: memref<784x768xf32, #tpu.memory_space<vmem>>, %arg1: memref<768x768xf32, #tpu.memory_space<vmem>>, %arg2: memref<1x768xf32, #tpu.memory_space<vmem>>, %arg3: memref<784x768xf32, #tpu.memory_space<vmem>>, %arg4: memref<784x768xf32, #tpu.memory_space<vmem>>) attributes {dimension_semantics = [], scalar_prefetch = 0 : i64, scratch_operands = 0 : i64, tpu.core_type = #tpu.core_type<tc>} {
    %get3A = arith.constant 0 : index
    %get3A_0 = arith.constant 0 : index
    %get3A_1 = vector.load %arg0[%get3A, %get3A_0] : memref<784x768xf32, #tpu.memory_space<vmem>>, vector<784x768xf32>
    %get3A_2 = arith.constant 0 : index
    %get3A_3 = arith.constant 0 : index
    %get3A_4 = vector.load %arg1[%get3A_2, %get3A_3] : memref<768x768xf32, #tpu.memory_space<vmem>>, vector<768x768xf32>
    %dot_general3A = arith.constant dense<0.000000e+00> : vector<784x768xf32>
    %dot_general3A_5 = tpu.matmul %get3A_1, %get3A_4, %dot_general3A {dimension_numbers = #tpu.dot_dimension_numbers<[1], [0], [0], [1], [0, 0, 1, 1], [], []>, transpose_lhs_hint = false} : vector<784x768xf32>, vector<768x768xf32>, vector<784x768xf32> -> vector<784x768xf32>
    %get3A_6 = arith.constant 0 : index
    %get3A_7 = arith.constant 0 : index
    %get3A_8 = vector.load %arg2[%get3A_6, %get3A_7] : memref<1x768xf32, #tpu.memory_space<vmem>>, vector<1x768xf32>
    %add3A = vector.broadcast %get3A_8 : vector<1x768xf32> to vector<784x768xf32>
    %add3A_9 = arith.addf %dot_general3A_5, %add3A : vector<784x768xf32>
    %get3A_10 = arith.constant 0 : index
    %get3A_11 = arith.constant 0 : index
    %get3A_12 = vector.load %arg3[%get3A_10, %get3A_11] : memref<784x768xf32, #tpu.memory_space<vmem>>, vector<784x768xf32>
    %add3A_13 = arith.addf %add3A_9, %get3A_12 : vector<784x768xf32>
    %swap3A = arith.constant 0 : index
    %swap3A_14 = arith.constant 0 : index
    %swap3A_15 = vector.load %arg4[%swap3A, %swap3A_14] : memref<784x768xf32, #tpu.memory_space<vmem>>, vector<784x768xf32>
    tpu.vector_store %arg4[%swap3A, %swap3A_14], %add3A_13 {strides = array<i32>} : memref<784x768xf32, #tpu.memory_space<vmem>>, vector<784x768xf32>,
    return
  }
}

module attributes {stable_mosaic.version = 14 : i64} {
  func.func @_layer_body(%arg0: i32, %arg1: memref<1xi32, #tpu.memory_space<smem>>, %arg2: memref<1x200x768xf32, #tpu.memory_space<vmem>>, %arg3: memref<1024x768xf32, #tpu.memory_space<vmem>>, %arg4: memref<200x128xf32, #tpu.memory_space<vmem>>, %arg5: memref<1x1x768xf32, #tpu.memory_space<vmem>>, %arg6: memref<1x1x768xf32, #tpu.memory_space<vmem>>, %arg7: memref<1x768x2304xf32, #tpu.memory_space<vmem>>, %arg8: memref<1x1x2304xf32, #tpu.memory_space<vmem>>, %arg9: memref<1x768x768xf32, #tpu.memory_space<vmem>>, %arg10: memref<1x1x768xf32, #tpu.memory_space<vmem>>, %arg11: memref<1x1x768xf32, #tpu.memory_space<vmem>>, %arg12: memref<1x1x768xf32, #tpu.memory_space<vmem>>, %arg13: memref<1x768x128xf32, #tpu.memory_space<vmem>>, %arg14: memref<1x200x768xf32, #tpu.memory_space<vmem>>, %arg15: memref<800x768xf32, #tpu.memory_space<vmem>>, %arg16: memref<8x1024xi32, #tpu.memory_space<vmem>>, %arg17: memref<800x128xf32, #tpu.memory_space<vmem>>, %arg18: memref<8x128xi32, #tpu.memory_space<vmem>>, %arg19: memref<8x128xi32, #tpu.memory_space<vmem>>) attributes {dimension_semantics = [#tpu.dimension_semantics<arbitrary>], iteration_bounds = array<i64: 4>, scalar_prefetch = 1 : i64, scratch_operands = 0 : i64, tpu.core_type = #tpu.core_type<tc>, window_params = [{transform_indices = @transform_0, window_bounds = array<i64: 1, 200, 768>}, {pipeline_mode = #tpu.pipeline_mode<synchronous>, transform_indices = @transform_1, window_bounds = array<i64: 1024, 768>}, {transform_indices = @transform_2, window_bounds = array<i64: 200, 128>}, {transform_indices = @transform_3, window_bounds = array<i64: 1, 1, 768>}, {transform_indices = @transform_4, window_bounds = array<i64: 1, 1, 768>}, {transform_indices = @transform_5, window_bounds = array<i64: 1, 768, 2304>}, {transform_indices = @transform_6, window_bounds = array<i64: 1, 1, 2304>}, {transform_indices = @transform_7, window_bounds = array<i64: 1, 768, 768>}, {transform_indices = @transform_8, window_bounds = array<i64: 1, 1, 768>}, {transform_indices = @transform_9, window_bounds = array<i64: 1, 1, 768>}, {transform_indices = @transform_10, window_bounds = array<i64: 1, 1, 768>}, {transform_indices = @transform_11, window_bounds = array<i64: 1, 768, 128>}, {transform_indices = @transform_12, window_bounds = array<i64: 1, 200, 768>}, {pipeline_mode = #tpu.pipeline_mode<synchronous>, transform_indices = @transform_13, window_bounds = array<i64: 800, 768>}, {pipeline_mode = #tpu.pipeline_mode<synchronous>, transform_indices = @transform_14, window_bounds = array<i64: 8, 1024>}, {pipeline_mode = #tpu.pipeline_mode<synchronous>, transform_indices = @transform_15, window_bounds = array<i64: 800, 128>}, {pipeline_mode = #tpu.pipeline_mode<synchronous>, transform_indices = @transform_16, window_bounds = array<i64: 8, 128>}, {pipeline_mode = #tpu.pipeline_mode<synchronous>, transform_indices = @transform_17, window_bounds = array<i64: 8, 128>}]} {
    %get3A = arith.constant 0 : index
    %get3A_0 = arith.constant 0 : index
    %get3A_1 = vector.load %arg4[%get3A, %get3A_0] : memref<200x128xf32, #tpu.memory_space<vmem>>, vector<200x128xf32>
    %slice3A = vector.extract_strided_slice %get3A_1 {offsets = [0, 0], sizes = [200, 1], strides = [1, 1]} : vector<200x128xf32> to vector<200x1xf32>
    %convert_element_type3A = arith.fptosi %slice3A : vector<200x1xf32> to vector<200x1xi32>
    %slice3A_2 = vector.extract_strided_slice %get3A_1 {offsets = [0, 1], sizes = [200, 1], strides = [1, 1]} : vector<200x128xf32> to vector<200x1xf32>
    %iota3A = tpu.iota {dimensions = array<i32: 1>} : vector<200x1024xi32>
    %eq3A = vector.broadcast %convert_element_type3A : vector<200x1xi32> to vector<200x1024xi32>
    %eq3A_3 = arith.cmpi eq, %iota3A, %eq3A : vector<200x1024xi32>
    %jit3A = arith.constant 0.000000e+00 : f32
    %broadcast_in_dim3A = vector.shape_cast %slice3A_2 : vector<200x1xf32> to vector<200x1xf32>
    %broadcast_in_dim3A_4 = vector.broadcast %broadcast_in_dim3A : vector<200x1xf32> to vector<200x1024xf32>
    %broadcast_in_dim3A_5 = vector.broadcast %jit3A : f32 to vector<200x1024xf32>
    %select_n3A = arith.select %eq3A_3, %broadcast_in_dim3A_4, %broadcast_in_dim3A_5 : vector<200x1024xi1>, vector<200x1024xf32>
    %get3A_6 = arith.constant 0 : index
    %get3A_7 = arith.constant 0 : index
    %get3A_8 = arith.constant 0 : index
    %get3A_9 = vector.load %arg2[%get3A_6, %get3A_7, %get3A_8] : memref<1x200x768xf32, #tpu.memory_space<vmem>>, vector<1x200x768xf32>
    %get3A_10 = vector.shape_cast %get3A_9 : vector<1x200x768xf32> to vector<200x768xf32>
    %get3A_11 = arith.constant 0 : index
    %get3A_12 = arith.constant 0 : index
    %get3A_13 = vector.load %arg3[%get3A_11, %get3A_12] : memref<1024x768xf32, #tpu.memory_space<vmem>>, vector<1024x768xf32>
    %dot_general3A = arith.constant dense<0.000000e+00> : vector<200x768xf32>
    %dot_general3A_14 = tpu.matmul %select_n3A, %get3A_13, %dot_general3A {dimension_numbers = #tpu.dot_dimension_numbers<[1], [0], [0], [1], [0, 0, 1, 1], [], []>, transpose_lhs_hint = false} : vector<200x1024xf32>, vector<1024x768xf32>, vector<200x768xf32> -> vector<200x768xf32>
    %add3A = arith.addf %get3A_10, %dot_general3A_14 : vector<200x768xf32>
    %reduce_sum3A = arith.constant dense<0.000000e+00> : vector<200xf32>
    %reduce_sum3A_15 = vector.multi_reduction <add>, %add3A, %reduce_sum3A [1] : vector<200x768xf32> to vector<200xf32>
    %broadcast_in_dim3A_16 = vector.shape_cast %reduce_sum3A_15 : vector<200xf32> to vector<200x1xf32>
    %div3A = arith.constant 7.680000e+02 : f32
    %div3A_17 = vector.broadcast %div3A : f32 to vector<200x1xf32>
    %div3A_18 = arith.divf %broadcast_in_dim3A_16, %div3A_17 : vector<200x1xf32>
    %sub3A = vector.broadcast %div3A_18 : vector<200x1xf32> to vector<200x768xf32>
    %sub3A_19 = arith.subf %add3A, %sub3A : vector<200x768xf32>
    %integer_pow3A = arith.mulf %sub3A_19, %sub3A_19 : vector<200x768xf32>
    %reduce_sum3A_20 = arith.constant dense<0.000000e+00> : vector<200xf32>
    %reduce_sum3A_21 = vector.multi_reduction <add>, %integer_pow3A, %reduce_sum3A_20 [1] : vector<200x768xf32> to vector<200xf32>
    %broadcast_in_dim3A_22 = vector.shape_cast %reduce_sum3A_21 : vector<200xf32> to vector<200x1xf32>
    %div3A_23 = arith.constant 7.680000e+02 : f32
    %div3A_24 = vector.broadcast %div3A_23 : f32 to vector<200x1xf32>
    %div3A_25 = arith.divf %broadcast_in_dim3A_22, %div3A_24 : vector<200x1xf32>
    %sub3A_26 = vector.broadcast %div3A_18 : vector<200x1xf32> to vector<200x768xf32>
    %sub3A_27 = arith.subf %add3A, %sub3A_26 : vector<200x768xf32>
    %add3A_28 = arith.constant 9.99999974E-6 : f32
    %add3A_29 = vector.broadcast %add3A_28 : f32 to vector<200x1xf32>
    %add3A_30 = arith.addf %div3A_25, %add3A_29 : vector<200x1xf32>
    %rsqrt3A = math.rsqrt %add3A_30 : vector<200x1xf32>
    %mul3A = vector.broadcast %rsqrt3A : vector<200x1xf32> to vector<200x768xf32>
    %mul3A_31 = arith.mulf %sub3A_27, %mul3A : vector<200x768xf32>
    %get3A_32 = arith.constant 0 : index
    %get3A_33 = arith.constant 0 : index
    %get3A_34 = arith.constant 0 : index
    %get3A_35 = vector.load %arg5[%get3A_32, %get3A_33, %get3A_34] : memref<1x1x768xf32, #tpu.memory_space<vmem>>, vector<1x1x768xf32>
    %get3A_36 = vector.shape_cast %get3A_35 : vector<1x1x768xf32> to vector<1x768xf32>
    %mul3A_37 = vector.broadcast %get3A_36 : vector<1x768xf32> to vector<200x768xf32>
    %mul3A_38 = arith.mulf %mul3A_31, %mul3A_37 : vector<200x768xf32>
    %get3A_39 = arith.constant 0 : index
    %get3A_40 = arith.constant 0 : index
    %get3A_41 = arith.constant 0 : index
    %get3A_42 = vector.load %arg6[%get3A_39, %get3A_40, %get3A_41] : memref<1x1x768xf32, #tpu.memory_space<vmem>>, vector<1x1x768xf32>
    %get3A_43 = vector.shape_cast %get3A_42 : vector<1x1x768xf32> to vector<1x768xf32>
    %add3A_44 = vector.broadcast %get3A_43 : vector<1x768xf32> to vector<200x768xf32>
    %add3A_45 = arith.addf %mul3A_38, %add3A_44 : vector<200x768xf32>
    %get3A_46 = arith.constant 0 : index
    %get3A_47 = arith.constant 0 : index
    %get3A_48 = arith.constant 0 : index
    %get3A_49 = vector.load %arg7[%get3A_46, %get3A_47, %get3A_48] : memref<1x768x2304xf32, #tpu.memory_space<vmem>>, vector<1x768x2304xf32>
    %get3A_50 = vector.shape_cast %get3A_49 : vector<1x768x2304xf32> to vector<768x2304xf32>
    %get3A_51 = arith.constant 0 : index
    %get3A_52 = arith.constant 0 : index
    %get3A_53 = arith.constant 0 : index
    %get3A_54 = vector.load %arg8[%get3A_51, %get3A_52, %get3A_53] : memref<1x1x2304xf32, #tpu.memory_space<vmem>>, vector<1x1x2304xf32>
    %get3A_55 = vector.shape_cast %get3A_54 : vector<1x1x2304xf32> to vector<1x2304xf32>
    %slice3A_56 = vector.extract_strided_slice %get3A_50 {offsets = [0, 0], sizes = [768, 768], strides = [1, 1]} : vector<768x2304xf32> to vector<768x768xf32>
    %dot_general3A_57 = arith.constant dense<0.000000e+00> : vector<200x768xf32>
    %dot_general3A_58 = tpu.matmul %add3A_45, %slice3A_56, %dot_general3A_57 {dimension_numbers = #tpu.dot_dimension_numbers<[1], [0], [0], [1], [0, 0, 1, 1], [], []>, transpose_lhs_hint = false} : vector<200x768xf32>, vector<768x768xf32>, vector<200x768xf32> -> vector<200x768xf32>
    %slice3A_59 = vector.extract_strided_slice %get3A_55 {offsets = [0, 0], sizes = [1, 768], strides = [1, 1]} : vector<1x2304xf32> to vector<1x768xf32>
    %add3A_60 = vector.broadcast %slice3A_59 : vector<1x768xf32> to vector<200x768xf32>
    %add3A_61 = arith.addf %dot_general3A_58, %add3A_60 : vector<200x768xf32>
    %slice3A_62 = vector.extract_strided_slice %get3A_50 {offsets = [0, 768], sizes = [768, 768], strides = [1, 1]} : vector<768x2304xf32> to vector<768x768xf32>
    %dot_general3A_63 = arith.constant dense<0.000000e+00> : vector<200x768xf32>
    %dot_general3A_64 = tpu.matmul %add3A, %slice3A_62, %dot_general3A_63 {dimension_numbers = #tpu.dot_dimension_numbers<[1], [0], [0], [1], [0, 0, 1, 1], [], []>, transpose_lhs_hint = false} : vector<200x768xf32>, vector<768x768xf32>, vector<200x768xf32> -> vector<200x768xf32>
    %slice3A_65 = vector.extract_strided_slice %get3A_55 {offsets = [0, 768], sizes = [1, 768], strides = [1, 1]} : vector<1x2304xf32> to vector<1x768xf32>
    %add3A_66 = vector.broadcast %slice3A_65 : vector<1x768xf32> to vector<200x768xf32>
    %add3A_67 = arith.addf %dot_general3A_64, %add3A_66 : vector<200x768xf32>
    %slice3A_68 = vector.extract_strided_slice %get3A_50 {offsets = [0, 1536], sizes = [768, 768], strides = [1, 1]} : vector<768x2304xf32> to vector<768x768xf32>
    %dot_general3A_69 = arith.constant dense<0.000000e+00> : vector<200x768xf32>
    %dot_general3A_70 = tpu.matmul %add3A, %slice3A_68, %dot_general3A_69 {dimension_numbers = #tpu.dot_dimension_numbers<[1], [0], [0], [1], [0, 0, 1, 1], [], []>, transpose_lhs_hint = false} : vector<200x768xf32>, vector<768x768xf32>, vector<200x768xf32> -> vector<200x768xf32>
    %slice3A_71 = vector.extract_strided_slice %get3A_55 {offsets = [0, 1536], sizes = [1, 768], strides = [1, 1]} : vector<1x2304xf32> to vector<1x768xf32>
    %add3A_72 = vector.broadcast %slice3A_71 : vector<1x768xf32> to vector<200x768xf32>
    %add3A_73 = arith.addf %dot_general3A_70, %add3A_72 : vector<200x768xf32>
    %iota3A_74 = tpu.iota {dimensions = array<i32: 1>} : vector<200x200xi32>
    %ge3A = arith.constant 197 : i32
    %ge3A_75 = vector.broadcast %ge3A : i32 to vector<200x200xi32>
    %ge3A_76 = arith.cmpi sge, %iota3A_74, %ge3A_75 : vector<200x200xi32>
    %jit3A_77 = arith.constant -1.000000e+30 : f32
    %jit3A_78 = arith.constant 0.000000e+00 : f32
    %broadcast_in_dim3A_79 = vector.broadcast %jit3A_77 : f32 to vector<200x200xf32>
    %broadcast_in_dim3A_80 = vector.broadcast %jit3A_78 : f32 to vector<200x200xf32>
    %select_n3A_81 = arith.select %ge3A_76, %broadcast_in_dim3A_79, %broadcast_in_dim3A_80 : vector<200x200xi1>, vector<200x200xf32>
    %slice3A_82 = vector.extract_strided_slice %add3A_61 {offsets = [0, 0], sizes = [200, 64], strides = [1, 1]} : vector<200x768xf32> to vector<200x64xf32>
    %slice3A_83 = vector.extract_strided_slice %add3A_67 {offsets = [0, 0], sizes = [200, 64], strides = [1, 1]} : vector<200x768xf32> to vector<200x64xf32>
    %slice3A_84 = vector.extract_strided_slice %add3A_73 {offsets = [0, 0], sizes = [200, 64], strides = [1, 1]} : vector<200x768xf32> to vector<200x64xf32>
    %dot_general3A_85 = arith.constant dense<0.000000e+00> : vector<200x200xf32>
    %dot_general3A_86 = tpu.matmul %slice3A_82, %slice3A_83, %dot_general3A_85 {dimension_numbers = #tpu.dot_dimension_numbers<[1], [1], [0], [0], [0, 0, 1, 0], [], []>, transpose_lhs_hint = false} : vector<200x64xf32>, vector<200x64xf32>, vector<200x200xf32> -> vector<200x200xf32>
    %mul3A_87 = arith.constant 1.250000e-01 : f32
    %mul3A_88 = vector.broadcast %mul3A_87 : f32 to vector<200x200xf32>
    %mul3A_89 = arith.mulf %dot_general3A_86, %mul3A_88 : vector<200x200xf32>
    %add3A_90 = arith.addf %mul3A_89, %select_n3A_81 : vector<200x200xf32>
    %reduce_max3A = arith.constant dense<0xFF800000> : vector<200xf32>
    %reduce_max3A_91 = vector.multi_reduction <maximumf>, %add3A_90, %reduce_max3A [1] : vector<200x200xf32> to vector<200xf32>
    %broadcast_in_dim3A_92 = vector.shape_cast %reduce_max3A_91 : vector<200xf32> to vector<200x1xf32>
    %sub3A_93 = vector.broadcast %broadcast_in_dim3A_92 : vector<200x1xf32> to vector<200x200xf32>
    %sub3A_94 = arith.subf %add3A_90, %sub3A_93 : vector<200x200xf32>
    %exp3A = math.exp %sub3A_94 : vector<200x200xf32>
    %reduce_sum3A_95 = arith.constant dense<0.000000e+00> : vector<200xf32>
    %reduce_sum3A_96 = vector.multi_reduction <add>, %exp3A, %reduce_sum3A_95 [1] : vector<200x200xf32> to vector<200xf32>
    %broadcast_in_dim3A_97 = vector.shape_cast %reduce_sum3A_96 : vector<200xf32> to vector<200x1xf32>
    %div3A_98 = vector.broadcast %broadcast_in_dim3A_97 : vector<200x1xf32> to vector<200x200xf32>
    %div3A_99 = arith.divf %exp3A, %div3A_98 : vector<200x200xf32>
    %dot_general3A_100 = arith.constant dense<0.000000e+00> : vector<200x64xf32>
    %dot_general3A_101 = tpu.matmul %div3A_99, %slice3A_84, %dot_general3A_100 {dimension_numbers = #tpu.dot_dimension_numbers<[1], [0], [0], [1], [0, 0, 1, 1], [], []>, transpose_lhs_hint = false} : vector<200x200xf32>, vector<200x64xf32>, vector<200x64xf32> -> vector<200x64xf32>
    %slice3A_102 = vector.extract_strided_slice %add3A_61 {offsets = [0, 64], sizes = [200, 64], strides = [1, 1]} : vector<200x768xf32> to vector<200x64xf32>
    %slice3A_103 = vector.extract_strided_slice %add3A_67 {offsets = [0, 64], sizes = [200, 64], strides = [1, 1]} : vector<200x768xf32> to vector<200x64xf32>
    %slice3A_104 = vector.extract_strided_slice %add3A_73 {offsets = [0, 64], sizes = [200, 64], strides = [1, 1]} : vector<200x768xf32> to vector<200x64xf32>
    %dot_general3A_105 = arith.constant dense<0.000000e+00> : vector<200x200xf32>
    %dot_general3A_106 = tpu.matmul %slice3A_102, %slice3A_103, %dot_general3A_105 {dimension_numbers = #tpu.dot_dimension_numbers<[1], [1], [0], [0], [0, 0, 1, 0], [], []>, transpose_lhs_hint = false} : vector<200x64xf32>, vector<200x64xf32>, vector<200x200xf32> -> vector<200x200xf32>
    %mul3A_107 = arith.constant 1.250000e-01 : f32
    %mul3A_108 = vector.broadcast %mul3A_107 : f32 to vector<200x200xf32>
    %mul3A_109 = arith.mulf %dot_general3A_106, %mul3A_108 : vector<200x200xf32>
    %add3A_110 = arith.addf %mul3A_109, %select_n3A_81 : vector<200x200xf32>
    %reduce_max3A_111 = arith.constant dense<0xFF800000> : vector<200xf32>
    %reduce_max3A_112 = vector.multi_reduction <maximumf>, %add3A_110, %reduce_max3A_111 [1] : vector<200x200xf32> to vector<200xf32>
    %broadcast_in_dim3A_113 = vector.shape_cast %reduce_max3A_112 : vector<200xf32> to vector<200x1xf32>
    %sub3A_114 = vector.broadcast %broadcast_in_dim3A_113 : vector<200x1xf32> to vector<200x200xf32>
    %sub3A_115 = arith.subf %add3A_110, %sub3A_114 : vector<200x200xf32>
    %exp3A_116 = math.exp %sub3A_115 : vector<200x200xf32>
    %reduce_sum3A_117 = arith.constant dense<0.000000e+00> : vector<200xf32>
    %reduce_sum3A_118 = vector.multi_reduction <add>, %exp3A_116, %reduce_sum3A_117 [1] : vector<200x200xf32> to vector<200xf32>
    %broadcast_in_dim3A_119 = vector.shape_cast %reduce_sum3A_118 : vector<200xf32> to vector<200x1xf32>
    %div3A_120 = vector.broadcast %broadcast_in_dim3A_119 : vector<200x1xf32> to vector<200x200xf32>
    %div3A_121 = arith.divf %exp3A_116, %div3A_120 : vector<200x200xf32>
    %dot_general3A_122 = arith.constant dense<0.000000e+00> : vector<200x64xf32>
    %dot_general3A_123 = tpu.matmul %div3A_121, %slice3A_104, %dot_general3A_122 {dimension_numbers = #tpu.dot_dimension_numbers<[1], [0], [0], [1], [0, 0, 1, 1], [], []>, transpose_lhs_hint = false} : vector<200x200xf32>, vector<200x64xf32>, vector<200x64xf32> -> vector<200x64xf32>
    %slice3A_124 = vector.extract_strided_slice %add3A_61 {offsets = [0, 128], sizes = [200, 64], strides = [1, 1]} : vector<200x768xf32> to vector<200x64xf32>
    %slice3A_125 = vector.extract_strided_slice %add3A_67 {offsets = [0, 128], sizes = [200, 64], strides = [1, 1]} : vector<200x768xf32> to vector<200x64xf32>
    %slice3A_126 = vector.extract_strided_slice %add3A_73 {offsets = [0, 128], sizes = [200, 64], strides = [1, 1]} : vector<200x768xf32> to vector<200x64xf32>
    %dot_general3A_127 = arith.constant dense<0.000000e+00> : vector<200x200xf32>
    %dot_general3A_128 = tpu.matmul %slice3A_124, %slice3A_125, %dot_general3A_127 {dimension_numbers = #tpu.dot_dimension_numbers<[1], [1], [0], [0], [0, 0, 1, 0], [], []>, transpose_lhs_hint = false} : vector<200x64xf32>, vector<200x64xf32>, vector<200x200xf32> -> vector<200x200xf32>
    %mul3A_129 = arith.constant 1.250000e-01 : f32
    %mul3A_130 = vector.broadcast %mul3A_129 : f32 to vector<200x200xf32>
    %mul3A_131 = arith.mulf %dot_general3A_128, %mul3A_130 : vector<200x200xf32>
    %add3A_132 = arith.addf %mul3A_131, %select_n3A_81 : vector<200x200xf32>
    %reduce_max3A_133 = arith.constant dense<0xFF800000> : vector<200xf32>
    %reduce_max3A_134 = vector.multi_reduction <maximumf>, %add3A_132, %reduce_max3A_133 [1] : vector<200x200xf32> to vector<200xf32>
    %broadcast_in_dim3A_135 = vector.shape_cast %reduce_max3A_134 : vector<200xf32> to vector<200x1xf32>
    %sub3A_136 = vector.broadcast %broadcast_in_dim3A_135 : vector<200x1xf32> to vector<200x200xf32>
    %sub3A_137 = arith.subf %add3A_132, %sub3A_136 : vector<200x200xf32>
    %exp3A_138 = math.exp %sub3A_137 : vector<200x200xf32>
    %reduce_sum3A_139 = arith.constant dense<0.000000e+00> : vector<200xf32>
    %reduce_sum3A_140 = vector.multi_reduction <add>, %exp3A_138, %reduce_sum3A_139 [1] : vector<200x200xf32> to vector<200xf32>
    %broadcast_in_dim3A_141 = vector.shape_cast %reduce_sum3A_140 : vector<200xf32> to vector<200x1xf32>
    %div3A_142 = vector.broadcast %broadcast_in_dim3A_141 : vector<200x1xf32> to vector<200x200xf32>
    %div3A_143 = arith.divf %exp3A_138, %div3A_142 : vector<200x200xf32>
    %dot_general3A_144 = arith.constant dense<0.000000e+00> : vector<200x64xf32>
    %dot_general3A_145 = tpu.matmul %div3A_143, %slice3A_126, %dot_general3A_144 {dimension_numbers = #tpu.dot_dimension_numbers<[1], [0], [0], [1], [0, 0, 1, 1], [], []>, transpose_lhs_hint = false} : vector<200x200xf32>, vector<200x64xf32>, vector<200x64xf32> -> vector<200x64xf32>
    %slice3A_146 = vector.extract_strided_slice %add3A_61 {offsets = [0, 192], sizes = [200, 64], strides = [1, 1]} : vector<200x768xf32> to vector<200x64xf32>
    %slice3A_147 = vector.extract_strided_slice %add3A_67 {offsets = [0, 192], sizes = [200, 64], strides = [1, 1]} : vector<200x768xf32> to vector<200x64xf32>
    %slice3A_148 = vector.extract_strided_slice %add3A_73 {offsets = [0, 192], sizes = [200, 64], strides = [1, 1]} : vector<200x768xf32> to vector<200x64xf32>
    %dot_general3A_149 = arith.constant dense<0.000000e+00> : vector<200x200xf32>
    %dot_general3A_150 = tpu.matmul %slice3A_146, %slice3A_147, %dot_general3A_149 {dimension_numbers = #tpu.dot_dimension_numbers<[1], [1], [0], [0], [0, 0, 1, 0], [], []>, transpose_lhs_hint = false} : vector<200x64xf32>, vector<200x64xf32>, vector<200x200xf32> -> vector<200x200xf32>
    %mul3A_151 = arith.constant 1.250000e-01 : f32
    %mul3A_152 = vector.broadcast %mul3A_151 : f32 to vector<200x200xf32>
    %mul3A_153 = arith.mulf %dot_general3A_150, %mul3A_152 : vector<200x200xf32>
    %add3A_154 = arith.addf %mul3A_153, %select_n3A_81 : vector<200x200xf32>
    %reduce_max3A_155 = arith.constant dense<0xFF800000> : vector<200xf32>
    %reduce_max3A_156 = vector.multi_reduction <maximumf>, %add3A_154, %reduce_max3A_155 [1] : vector<200x200xf32> to vector<200xf32>
    %broadcast_in_dim3A_157 = vector.shape_cast %reduce_max3A_156 : vector<200xf32> to vector<200x1xf32>
    %sub3A_158 = vector.broadcast %broadcast_in_dim3A_157 : vector<200x1xf32> to vector<200x200xf32>
    %sub3A_159 = arith.subf %add3A_154, %sub3A_158 : vector<200x200xf32>
    %exp3A_160 = math.exp %sub3A_159 : vector<200x200xf32>
    %reduce_sum3A_161 = arith.constant dense<0.000000e+00> : vector<200xf32>
    %reduce_sum3A_162 = vector.multi_reduction <add>, %exp3A_160, %reduce_sum3A_161 [1] : vector<200x200xf32> to vector<200xf32>
    %broadcast_in_dim3A_163 = vector.shape_cast %reduce_sum3A_162 : vector<200xf32> to vector<200x1xf32>
    %div3A_164 = vector.broadcast %broadcast_in_dim3A_163 : vector<200x1xf32> to vector<200x200xf32>
    %div3A_165 = arith.divf %exp3A_160, %div3A_164 : vector<200x200xf32>
    %dot_general3A_166 = arith.constant dense<0.000000e+00> : vector<200x64xf32>
    %dot_general3A_167 = tpu.matmul %div3A_165, %slice3A_148, %dot_general3A_166 {dimension_numbers = #tpu.dot_dimension_numbers<[1], [0], [0], [1], [0, 0, 1, 1], [], []>, transpose_lhs_hint = false} : vector<200x200xf32>, vector<200x64xf32>, vector<200x64xf32> -> vector<200x64xf32>
    %slice3A_168 = vector.extract_strided_slice %add3A_61 {offsets = [0, 256], sizes = [200, 64], strides = [1, 1]} : vector<200x768xf32> to vector<200x64xf32>
    %slice3A_169 = vector.extract_strided_slice %add3A_67 {offsets = [0, 256], sizes = [200, 64], strides = [1, 1]} : vector<200x768xf32> to vector<200x64xf32>
    %slice3A_170 = vector.extract_strided_slice %add3A_73 {offsets = [0, 256], sizes = [200, 64], strides = [1, 1]} : vector<200x768xf32> to vector<200x64xf32>
    %dot_general3A_171 = arith.constant dense<0.000000e+00> : vector<200x200xf32>
    %dot_general3A_172 = tpu.matmul %slice3A_168, %slice3A_169, %dot_general3A_171 {dimension_numbers = #tpu.dot_dimension_numbers<[1], [1], [0], [0], [0, 0, 1, 0], [], []>, transpose_lhs_hint = false} : vector<200x64xf32>, vector<200x64xf32>, vector<200x200xf32> -> vector<200x200xf32>
    %mul3A_173 = arith.constant 1.250000e-01 : f32
    %mul3A_174 = vector.broadcast %mul3A_173 : f32 to vector<200x200xf32>
    %mul3A_175 = arith.mulf %dot_general3A_172, %mul3A_174 : vector<200x200xf32>
    %add3A_176 = arith.addf %mul3A_175, %select_n3A_81 : vector<200x200xf32>
    %reduce_max3A_177 = arith.constant dense<0xFF800000> : vector<200xf32>
    %reduce_max3A_178 = vector.multi_reduction <maximumf>, %add3A_176, %reduce_max3A_177 [1] : vector<200x200xf32> to vector<200xf32>
    %broadcast_in_dim3A_179 = vector.shape_cast %reduce_max3A_178 : vector<200xf32> to vector<200x1xf32>
    %sub3A_180 = vector.broadcast %broadcast_in_dim3A_179 : vector<200x1xf32> to vector<200x200xf32>
    %sub3A_181 = arith.subf %add3A_176, %sub3A_180 : vector<200x200xf32>
    %exp3A_182 = math.exp %sub3A_181 : vector<200x200xf32>
    %reduce_sum3A_183 = arith.constant dense<0.000000e+00> : vector<200xf32>
    %reduce_sum3A_184 = vector.multi_reduction <add>, %exp3A_182, %reduce_sum3A_183 [1] : vector<200x200xf32> to vector<200xf32>
    %broadcast_in_dim3A_185 = vector.shape_cast %reduce_sum3A_184 : vector<200xf32> to vector<200x1xf32>
    %div3A_186 = vector.broadcast %broadcast_in_dim3A_185 : vector<200x1xf32> to vector<200x200xf32>
    %div3A_187 = arith.divf %exp3A_182, %div3A_186 : vector<200x200xf32>
    %dot_general3A_188 = arith.constant dense<0.000000e+00> : vector<200x64xf32>
    %dot_general3A_189 = tpu.matmul %div3A_187, %slice3A_170, %dot_general3A_188 {dimension_numbers = #tpu.dot_dimension_numbers<[1], [0], [0], [1], [0, 0, 1, 1], [], []>, transpose_lhs_hint = false} : vector<200x200xf32>, vector<200x64xf32>, vector<200x64xf32> -> vector<200x64xf32>
    %slice3A_190 = vector.extract_strided_slice %add3A_61 {offsets = [0, 320], sizes = [200, 64], strides = [1, 1]} : vector<200x768xf32> to vector<200x64xf32>
    %slice3A_191 = vector.extract_strided_slice %add3A_67 {offsets = [0, 320], sizes = [200, 64], strides = [1, 1]} : vector<200x768xf32> to vector<200x64xf32>
    %slice3A_192 = vector.extract_strided_slice %add3A_73 {offsets = [0, 320], sizes = [200, 64], strides = [1, 1]} : vector<200x768xf32> to vector<200x64xf32>
    %dot_general3A_193 = arith.constant dense<0.000000e+00> : vector<200x200xf32>
    %dot_general3A_194 = tpu.matmul %slice3A_190, %slice3A_191, %dot_general3A_193 {dimension_numbers = #tpu.dot_dimension_numbers<[1], [1], [0], [0], [0, 0, 1, 0], [], []>, transpose_lhs_hint = false} : vector<200x64xf32>, vector<200x64xf32>, vector<200x200xf32> -> vector<200x200xf32>
    %mul3A_195 = arith.constant 1.250000e-01 : f32
    %mul3A_196 = vector.broadcast %mul3A_195 : f32 to vector<200x200xf32>
    %mul3A_197 = arith.mulf %dot_general3A_194, %mul3A_196 : vector<200x200xf32>
    %add3A_198 = arith.addf %mul3A_197, %select_n3A_81 : vector<200x200xf32>
    %reduce_max3A_199 = arith.constant dense<0xFF800000> : vector<200xf32>
    %reduce_max3A_200 = vector.multi_reduction <maximumf>, %add3A_198, %reduce_max3A_199 [1] : vector<200x200xf32> to vector<200xf32>
    %broadcast_in_dim3A_201 = vector.shape_cast %reduce_max3A_200 : vector<200xf32> to vector<200x1xf32>
    %sub3A_202 = vector.broadcast %broadcast_in_dim3A_201 : vector<200x1xf32> to vector<200x200xf32>
    %sub3A_203 = arith.subf %add3A_198, %sub3A_202 : vector<200x200xf32>
    %exp3A_204 = math.exp %sub3A_203 : vector<200x200xf32>
    %reduce_sum3A_205 = arith.constant dense<0.000000e+00> : vector<200xf32>
    %reduce_sum3A_206 = vector.multi_reduction <add>, %exp3A_204, %reduce_sum3A_205 [1] : vector<200x200xf32> to vector<200xf32>
    %broadcast_in_dim3A_207 = vector.shape_cast %reduce_sum3A_206 : vector<200xf32> to vector<200x1xf32>
    %div3A_208 = vector.broadcast %broadcast_in_dim3A_207 : vector<200x1xf32> to vector<200x200xf32>
    %div3A_209 = arith.divf %exp3A_204, %div3A_208 : vector<200x200xf32>
    %dot_general3A_210 = arith.constant dense<0.000000e+00> : vector<200x64xf32>
    %dot_general3A_211 = tpu.matmul %div3A_209, %slice3A_192, %dot_general3A_210 {dimension_numbers = #tpu.dot_dimension_numbers<[1], [0], [0], [1], [0, 0, 1, 1], [], []>, transpose_lhs_hint = false} : vector<200x200xf32>, vector<200x64xf32>, vector<200x64xf32> -> vector<200x64xf32>
    %slice3A_212 = vector.extract_strided_slice %add3A_61 {offsets = [0, 384], sizes = [200, 64], strides = [1, 1]} : vector<200x768xf32> to vector<200x64xf32>
    %slice3A_213 = vector.extract_strided_slice %add3A_67 {offsets = [0, 384], sizes = [200, 64], strides = [1, 1]} : vector<200x768xf32> to vector<200x64xf32>
    %slice3A_214 = vector.extract_strided_slice %add3A_73 {offsets = [0, 384], sizes = [200, 64], strides = [1, 1]} : vector<200x768xf32> to vector<200x64xf32>
    %dot_general3A_215 = arith.constant dense<0.000000e+00> : vector<200x200xf32>
    %dot_general3A_216 = tpu.matmul %slice3A_212, %slice3A_213, %dot_general3A_215 {dimension_numbers = #tpu.dot_dimension_numbers<[1], [1], [0], [0], [0, 0, 1, 0], [], []>, transpose_lhs_hint = false} : vector<200x64xf32>, vector<200x64xf32>, vector<200x200xf32> -> vector<200x200xf32>
    %mul3A_217 = arith.constant 1.250000e-01 : f32
    %mul3A_218 = vector.broadcast %mul3A_217 : f32 to vector<200x200xf32>
    %mul3A_219 = arith.mulf %dot_general3A_216, %mul3A_218 : vector<200x200xf32>
    %add3A_220 = arith.addf %mul3A_219, %select_n3A_81 : vector<200x200xf32>
    %reduce_max3A_221 = arith.constant dense<0xFF800000> : vector<200xf32>
    %reduce_max3A_222 = vector.multi_reduction <maximumf>, %add3A_220, %reduce_max3A_221 [1] : vector<200x200xf32> to vector<200xf32>
    %broadcast_in_dim3A_223 = vector.shape_cast %reduce_max3A_222 : vector<200xf32> to vector<200x1xf32>
    %sub3A_224 = vector.broadcast %broadcast_in_dim3A_223 : vector<200x1xf32> to vector<200x200xf32>
    %sub3A_225 = arith.subf %add3A_220, %sub3A_224 : vector<200x200xf32>
    %exp3A_226 = math.exp %sub3A_225 : vector<200x200xf32>
    %reduce_sum3A_227 = arith.constant dense<0.000000e+00> : vector<200xf32>
    %reduce_sum3A_228 = vector.multi_reduction <add>, %exp3A_226, %reduce_sum3A_227 [1] : vector<200x200xf32> to vector<200xf32>
    %broadcast_in_dim3A_229 = vector.shape_cast %reduce_sum3A_228 : vector<200xf32> to vector<200x1xf32>
    %div3A_230 = vector.broadcast %broadcast_in_dim3A_229 : vector<200x1xf32> to vector<200x200xf32>
    %div3A_231 = arith.divf %exp3A_226, %div3A_230 : vector<200x200xf32>
    %dot_general3A_232 = arith.constant dense<0.000000e+00> : vector<200x64xf32>
    %dot_general3A_233 = tpu.matmul %div3A_231, %slice3A_214, %dot_general3A_232 {dimension_numbers = #tpu.dot_dimension_numbers<[1], [0], [0], [1], [0, 0, 1, 1], [], []>, transpose_lhs_hint = false} : vector<200x200xf32>, vector<200x64xf32>, vector<200x64xf32> -> vector<200x64xf32>
    %slice3A_234 = vector.extract_strided_slice %add3A_61 {offsets = [0, 448], sizes = [200, 64], strides = [1, 1]} : vector<200x768xf32> to vector<200x64xf32>
    %slice3A_235 = vector.extract_strided_slice %add3A_67 {offsets = [0, 448], sizes = [200, 64], strides = [1, 1]} : vector<200x768xf32> to vector<200x64xf32>
    %slice3A_236 = vector.extract_strided_slice %add3A_73 {offsets = [0, 448], sizes = [200, 64], strides = [1, 1]} : vector<200x768xf32> to vector<200x64xf32>
    %dot_general3A_237 = arith.constant dense<0.000000e+00> : vector<200x200xf32>
    %dot_general3A_238 = tpu.matmul %slice3A_234, %slice3A_235, %dot_general3A_237 {dimension_numbers = #tpu.dot_dimension_numbers<[1], [1], [0], [0], [0, 0, 1, 0], [], []>, transpose_lhs_hint = false} : vector<200x64xf32>, vector<200x64xf32>, vector<200x200xf32> -> vector<200x200xf32>
    %mul3A_239 = arith.constant 1.250000e-01 : f32
    %mul3A_240 = vector.broadcast %mul3A_239 : f32 to vector<200x200xf32>
    %mul3A_241 = arith.mulf %dot_general3A_238, %mul3A_240 : vector<200x200xf32>
    %add3A_242 = arith.addf %mul3A_241, %select_n3A_81 : vector<200x200xf32>
    %reduce_max3A_243 = arith.constant dense<0xFF800000> : vector<200xf32>
    %reduce_max3A_244 = vector.multi_reduction <maximumf>, %add3A_242, %reduce_max3A_243 [1] : vector<200x200xf32> to vector<200xf32>
    %broadcast_in_dim3A_245 = vector.shape_cast %reduce_max3A_244 : vector<200xf32> to vector<200x1xf32>
    %sub3A_246 = vector.broadcast %broadcast_in_dim3A_245 : vector<200x1xf32> to vector<200x200xf32>
    %sub3A_247 = arith.subf %add3A_242, %sub3A_246 : vector<200x200xf32>
    %exp3A_248 = math.exp %sub3A_247 : vector<200x200xf32>
    %reduce_sum3A_249 = arith.constant dense<0.000000e+00> : vector<200xf32>
    %reduce_sum3A_250 = vector.multi_reduction <add>, %exp3A_248, %reduce_sum3A_249 [1] : vector<200x200xf32> to vector<200xf32>
    %broadcast_in_dim3A_251 = vector.shape_cast %reduce_sum3A_250 : vector<200xf32> to vector<200x1xf32>
    %div3A_252 = vector.broadcast %broadcast_in_dim3A_251 : vector<200x1xf32> to vector<200x200xf32>
    %div3A_253 = arith.divf %exp3A_248, %div3A_252 : vector<200x200xf32>
    %dot_general3A_254 = arith.constant dense<0.000000e+00> : vector<200x64xf32>
    %dot_general3A_255 = tpu.matmul %div3A_253, %slice3A_236, %dot_general3A_254 {dimension_numbers = #tpu.dot_dimension_numbers<[1], [0], [0], [1], [0, 0, 1, 1], [], []>, transpose_lhs_hint = false} : vector<200x200xf32>, vector<200x64xf32>, vector<200x64xf32> -> vector<200x64xf32>
    %slice3A_256 = vector.extract_strided_slice %add3A_61 {offsets = [0, 512], sizes = [200, 64], strides = [1, 1]} : vector<200x768xf32> to vector<200x64xf32>
    %slice3A_257 = vector.extract_strided_slice %add3A_67 {offsets = [0, 512], sizes = [200, 64], strides = [1, 1]} : vector<200x768xf32> to vector<200x64xf32>
    %slice3A_258 = vector.extract_strided_slice %add3A_73 {offsets = [0, 512], sizes = [200, 64], strides = [1, 1]} : vector<200x768xf32> to vector<200x64xf32>
    %dot_general3A_259 = arith.constant dense<0.000000e+00> : vector<200x200xf32>
    %dot_general3A_260 = tpu.matmul %slice3A_256, %slice3A_257, %dot_general3A_259 {dimension_numbers = #tpu.dot_dimension_numbers<[1], [1], [0], [0], [0, 0, 1, 0], [], []>, transpose_lhs_hint = false} : vector<200x64xf32>, vector<200x64xf32>, vector<200x200xf32> -> vector<200x200xf32>
    %mul3A_261 = arith.constant 1.250000e-01 : f32
    %mul3A_262 = vector.broadcast %mul3A_261 : f32 to vector<200x200xf32>
    %mul3A_263 = arith.mulf %dot_general3A_260, %mul3A_262 : vector<200x200xf32>
    %add3A_264 = arith.addf %mul3A_263, %select_n3A_81 : vector<200x200xf32>
    %reduce_max3A_265 = arith.constant dense<0xFF800000> : vector<200xf32>
    %reduce_max3A_266 = vector.multi_reduction <maximumf>, %add3A_264, %reduce_max3A_265 [1] : vector<200x200xf32> to vector<200xf32>
    %broadcast_in_dim3A_267 = vector.shape_cast %reduce_max3A_266 : vector<200xf32> to vector<200x1xf32>
    %sub3A_268 = vector.broadcast %broadcast_in_dim3A_267 : vector<200x1xf32> to vector<200x200xf32>
    %sub3A_269 = arith.subf %add3A_264, %sub3A_268 : vector<200x200xf32>
    %exp3A_270 = math.exp %sub3A_269 : vector<200x200xf32>
    %reduce_sum3A_271 = arith.constant dense<0.000000e+00> : vector<200xf32>
    %reduce_sum3A_272 = vector.multi_reduction <add>, %exp3A_270, %reduce_sum3A_271 [1] : vector<200x200xf32> to vector<200xf32>
    %broadcast_in_dim3A_273 = vector.shape_cast %reduce_sum3A_272 : vector<200xf32> to vector<200x1xf32>
    %div3A_274 = vector.broadcast %broadcast_in_dim3A_273 : vector<200x1xf32> to vector<200x200xf32>
    %div3A_275 = arith.divf %exp3A_270, %div3A_274 : vector<200x200xf32>
    %dot_general3A_276 = arith.constant dense<0.000000e+00> : vector<200x64xf32>
    %dot_general3A_277 = tpu.matmul %div3A_275, %slice3A_258, %dot_general3A_276 {dimension_numbers = #tpu.dot_dimension_numbers<[1], [0], [0], [1], [0, 0, 1, 1], [], []>, transpose_lhs_hint = false} : vector<200x200xf32>, vector<200x64xf32>, vector<200x64xf32> -> vector<200x64xf32>
    %slice3A_278 = vector.extract_strided_slice %add3A_61 {offsets = [0, 576], sizes = [200, 64], strides = [1, 1]} : vector<200x768xf32> to vector<200x64xf32>
    %slice3A_279 = vector.extract_strided_slice %add3A_67 {offsets = [0, 576], sizes = [200, 64], strides = [1, 1]} : vector<200x768xf32> to vector<200x64xf32>
    %slice3A_280 = vector.extract_strided_slice %add3A_73 {offsets = [0, 576], sizes = [200, 64], strides = [1, 1]} : vector<200x768xf32> to vector<200x64xf32>
    %dot_general3A_281 = arith.constant dense<0.000000e+00> : vector<200x200xf32>
    %dot_general3A_282 = tpu.matmul %slice3A_278, %slice3A_279, %dot_general3A_281 {dimension_numbers = #tpu.dot_dimension_numbers<[1], [1], [0], [0], [0, 0, 1, 0], [], []>, transpose_lhs_hint = false} : vector<200x64xf32>, vector<200x64xf32>, vector<200x200xf32> -> vector<200x200xf32>
    %mul3A_283 = arith.constant 1.250000e-01 : f32
    %mul3A_284 = vector.broadcast %mul3A_283 : f32 to vector<200x200xf32>
    %mul3A_285 = arith.mulf %dot_general3A_282, %mul3A_284 : vector<200x200xf32>
    %add3A_286 = arith.addf %mul3A_285, %select_n3A_81 : vector<200x200xf32>
    %reduce_max3A_287 = arith.constant dense<0xFF800000> : vector<200xf32>
    %reduce_max3A_288 = vector.multi_reduction <maximumf>, %add3A_286, %reduce_max3A_287 [1] : vector<200x200xf32> to vector<200xf32>
    %broadcast_in_dim3A_289 = vector.shape_cast %reduce_max3A_288 : vector<200xf32> to vector<200x1xf32>
    %sub3A_290 = vector.broadcast %broadcast_in_dim3A_289 : vector<200x1xf32> to vector<200x200xf32>
    %sub3A_291 = arith.subf %add3A_286, %sub3A_290 : vector<200x200xf32>
    %exp3A_292 = math.exp %sub3A_291 : vector<200x200xf32>
    %reduce_sum3A_293 = arith.constant dense<0.000000e+00> : vector<200xf32>
    %reduce_sum3A_294 = vector.multi_reduction <add>, %exp3A_292, %reduce_sum3A_293 [1] : vector<200x200xf32> to vector<200xf32>
    %broadcast_in_dim3A_295 = vector.shape_cast %reduce_sum3A_294 : vector<200xf32> to vector<200x1xf32>
    %div3A_296 = vector.broadcast %broadcast_in_dim3A_295 : vector<200x1xf32> to vector<200x200xf32>
    %div3A_297 = arith.divf %exp3A_292, %div3A_296 : vector<200x200xf32>
    %dot_general3A_298 = arith.constant dense<0.000000e+00> : vector<200x64xf32>
    %dot_general3A_299 = tpu.matmul %div3A_297, %slice3A_280, %dot_general3A_298 {dimension_numbers = #tpu.dot_dimension_numbers<[1], [0], [0], [1], [0, 0, 1, 1], [], []>, transpose_lhs_hint = false} : vector<200x200xf32>, vector<200x64xf32>, vector<200x64xf32> -> vector<200x64xf32>
    %slice3A_300 = vector.extract_strided_slice %add3A_61 {offsets = [0, 640], sizes = [200, 64], strides = [1, 1]} : vector<200x768xf32> to vector<200x64xf32>
    %slice3A_301 = vector.extract_strided_slice %add3A_67 {offsets = [0, 640], sizes = [200, 64], strides = [1, 1]} : vector<200x768xf32> to vector<200x64xf32>
    %slice3A_302 = vector.extract_strided_slice %add3A_73 {offsets = [0, 640], sizes = [200, 64], strides = [1, 1]} : vector<200x768xf32> to vector<200x64xf32>
    %dot_general3A_303 = arith.constant dense<0.000000e+00> : vector<200x200xf32>
    %dot_general3A_304 = tpu.matmul %slice3A_300, %slice3A_301, %dot_general3A_303 {dimension_numbers = #tpu.dot_dimension_numbers<[1], [1], [0], [0], [0, 0, 1, 0], [], []>, transpose_lhs_hint = false} : vector<200x64xf32>, vector<200x64xf32>, vector<200x200xf32> -> vector<200x200xf32>
    %mul3A_305 = arith.constant 1.250000e-01 : f32
    %mul3A_306 = vector.broadcast %mul3A_305 : f32 to vector<200x200xf32>
    %mul3A_307 = arith.mulf %dot_general3A_304, %mul3A_306 : vector<200x200xf32>
    %add3A_308 = arith.addf %mul3A_307, %select_n3A_81 : vector<200x200xf32>
    %reduce_max3A_309 = arith.constant dense<0xFF800000> : vector<200xf32>
    %reduce_max3A_310 = vector.multi_reduction <maximumf>, %add3A_308, %reduce_max3A_309 [1] : vector<200x200xf32> to vector<200xf32>
    %broadcast_in_dim3A_311 = vector.shape_cast %reduce_max3A_310 : vector<200xf32> to vector<200x1xf32>
    %sub3A_312 = vector.broadcast %broadcast_in_dim3A_311 : vector<200x1xf32> to vector<200x200xf32>
    %sub3A_313 = arith.subf %add3A_308, %sub3A_312 : vector<200x200xf32>
    %exp3A_314 = math.exp %sub3A_313 : vector<200x200xf32>
    %reduce_sum3A_315 = arith.constant dense<0.000000e+00> : vector<200xf32>
    %reduce_sum3A_316 = vector.multi_reduction <add>, %exp3A_314, %reduce_sum3A_315 [1] : vector<200x200xf32> to vector<200xf32>
    %broadcast_in_dim3A_317 = vector.shape_cast %reduce_sum3A_316 : vector<200xf32> to vector<200x1xf32>
    %div3A_318 = vector.broadcast %broadcast_in_dim3A_317 : vector<200x1xf32> to vector<200x200xf32>
    %div3A_319 = arith.divf %exp3A_314, %div3A_318 : vector<200x200xf32>
    %dot_general3A_320 = arith.constant dense<0.000000e+00> : vector<200x64xf32>
    %dot_general3A_321 = tpu.matmul %div3A_319, %slice3A_302, %dot_general3A_320 {dimension_numbers = #tpu.dot_dimension_numbers<[1], [0], [0], [1], [0, 0, 1, 1], [], []>, transpose_lhs_hint = false} : vector<200x200xf32>, vector<200x64xf32>, vector<200x64xf32> -> vector<200x64xf32>
    %slice3A_322 = vector.extract_strided_slice %add3A_61 {offsets = [0, 704], sizes = [200, 64], strides = [1, 1]} : vector<200x768xf32> to vector<200x64xf32>
    %slice3A_323 = vector.extract_strided_slice %add3A_67 {offsets = [0, 704], sizes = [200, 64], strides = [1, 1]} : vector<200x768xf32> to vector<200x64xf32>
    %slice3A_324 = vector.extract_strided_slice %add3A_73 {offsets = [0, 704], sizes = [200, 64], strides = [1, 1]} : vector<200x768xf32> to vector<200x64xf32>
    %dot_general3A_325 = arith.constant dense<0.000000e+00> : vector<200x200xf32>
    %dot_general3A_326 = tpu.matmul %slice3A_322, %slice3A_323, %dot_general3A_325 {dimension_numbers = #tpu.dot_dimension_numbers<[1], [1], [0], [0], [0, 0, 1, 0], [], []>, transpose_lhs_hint = false} : vector<200x64xf32>, vector<200x64xf32>, vector<200x200xf32> -> vector<200x200xf32>
    %mul3A_327 = arith.constant 1.250000e-01 : f32
    %mul3A_328 = vector.broadcast %mul3A_327 : f32 to vector<200x200xf32>
    %mul3A_329 = arith.mulf %dot_general3A_326, %mul3A_328 : vector<200x200xf32>
    %add3A_330 = arith.addf %mul3A_329, %select_n3A_81 : vector<200x200xf32>
    %reduce_max3A_331 = arith.constant dense<0xFF800000> : vector<200xf32>
    %reduce_max3A_332 = vector.multi_reduction <maximumf>, %add3A_330, %reduce_max3A_331 [1] : vector<200x200xf32> to vector<200xf32>
    %broadcast_in_dim3A_333 = vector.shape_cast %reduce_max3A_332 : vector<200xf32> to vector<200x1xf32>
    %sub3A_334 = vector.broadcast %broadcast_in_dim3A_333 : vector<200x1xf32> to vector<200x200xf32>
    %sub3A_335 = arith.subf %add3A_330, %sub3A_334 : vector<200x200xf32>
    %exp3A_336 = math.exp %sub3A_335 : vector<200x200xf32>
    %reduce_sum3A_337 = arith.constant dense<0.000000e+00> : vector<200xf32>
    %reduce_sum3A_338 = vector.multi_reduction <add>, %exp3A_336, %reduce_sum3A_337 [1] : vector<200x200xf32> to vector<200xf32>
    %broadcast_in_dim3A_339 = vector.shape_cast %reduce_sum3A_338 : vector<200xf32> to vector<200x1xf32>
    %div3A_340 = vector.broadcast %broadcast_in_dim3A_339 : vector<200x1xf32> to vector<200x200xf32>
    %div3A_341 = arith.divf %exp3A_336, %div3A_340 : vector<200x200xf32>
    %dot_general3A_342 = arith.constant dense<0.000000e+00> : vector<200x64xf32>
    %dot_general3A_343 = tpu.matmul %div3A_341, %slice3A_324, %dot_general3A_342 {dimension_numbers = #tpu.dot_dimension_numbers<[1], [0], [0], [1], [0, 0, 1, 1], [], []>, transpose_lhs_hint = false} : vector<200x200xf32>, vector<200x64xf32>, vector<200x64xf32> -> vector<200x64xf32>
    %concatenate3A = tpu.concatenate %dot_general3A_101, %dot_general3A_123, %dot_general3A_145, %dot_general3A_167, %dot_general3A_189, %dot_general3A_211, %dot_general3A_233, %dot_general3A_255, %dot_general3A_277, %dot_general3A_299, %dot_general3A_321, %dot_general3A_343 in 1 : vector<200x64xf32>, vector<200x64xf32>, vector<200x64xf32>, vector<200x64xf32>, vector<200x64xf32>, vector<200x64xf32>, vector<200x64xf32>, vector<200x64xf32>, vector<200x64xf32>, vector<200x64xf32>, vector<200x64xf32>, vector<200x64xf32> -> vector<200x768xf32>
    %get3A_344 = arith.constant 0 : index
    %get3A_345 = arith.constant 0 : index
    %get3A_346 = arith.constant 0 : index
    %get3A_347 = vector.load %arg9[%get3A_344, %get3A_345, %get3A_346] : memref<1x768x768xf32, #tpu.memory_space<vmem>>, vector<1x768x768xf32>
    %get3A_348 = vector.shape_cast %get3A_347 : vector<1x768x768xf32> to vector<768x768xf32>
    %dot_general3A_349 = arith.constant dense<0.000000e+00> : vector<200x768xf32>
    %dot_general3A_350 = tpu.matmul %concatenate3A, %get3A_348, %dot_general3A_349 {dimension_numbers = #tpu.dot_dimension_numbers<[1], [0], [0], [1], [0, 0, 1, 1], [], []>, transpose_lhs_hint = false} : vector<200x768xf32>, vector<768x768xf32>, vector<200x768xf32> -> vector<200x768xf32>
    %get3A_351 = arith.constant 0 : index
    %get3A_352 = arith.constant 0 : index
    %get3A_353 = arith.constant 0 : index
    %get3A_354 = vector.load %arg10[%get3A_351, %get3A_352, %get3A_353] : memref<1x1x768xf32, #tpu.memory_space<vmem>>, vector<1x1x768xf32>
    %get3A_355 = vector.shape_cast %get3A_354 : vector<1x1x768xf32> to vector<1x768xf32>
    %add3A_356 = vector.broadcast %get3A_355 : vector<1x768xf32> to vector<200x768xf32>
    %add3A_357 = arith.addf %dot_general3A_350, %add3A_356 : vector<200x768xf32>
    %iota3A_358 = tpu.iota {dimensions = array<i32: 0>} : vector<200x768xi32>
    %ge3A_359 = arith.constant 197 : i32
    %ge3A_360 = vector.broadcast %ge3A_359 : i32 to vector<200x768xi32>
    %ge3A_361 = arith.cmpi sge, %iota3A_358, %ge3A_360 : vector<200x768xi32>
    %jit3A_362 = arith.constant 0.000000e+00 : f32
    %broadcast_in_dim3A_363 = vector.broadcast %jit3A_362 : f32 to vector<200x768xf32>
    %select_n3A_364 = arith.select %ge3A_361, %broadcast_in_dim3A_363, %add3A_357 : vector<200x768xi1>, vector<200x768xf32>
    %add3A_365 = arith.addf %add3A, %select_n3A_364 : vector<200x768xf32>
    %swap3A = arith.constant 0 : index
    %swap3A_366 = arith.constant 0 : index
    %swap3A_367 = arith.constant 0 : index
    %swap3A_368 = vector.load %arg14[%swap3A, %swap3A_366, %swap3A_367] : memref<1x200x768xf32, #tpu.memory_space<vmem>>, vector<1x200x768xf32>
    %swap3A_369 = vector.shape_cast %swap3A_368 : vector<1x200x768xf32> to vector<200x768xf32>
    %swap3A_370 = vector.shape_cast %add3A_365 : vector<200x768xf32> to vector<1x200x768xf32>
    tpu.vector_store %arg14[%swap3A, %swap3A_366, %swap3A_367], %swap3A_370 {strides = array<i32>} : memref<1x200x768xf32, #tpu.memory_space<vmem>>, vector<1x200x768xf32>,
    %reduce_sum3A_371 = arith.constant dense<0.000000e+00> : vector<200xf32>
    %reduce_sum3A_372 = vector.multi_reduction <add>, %add3A_365, %reduce_sum3A_371 [1] : vector<200x768xf32> to vector<200xf32>
    %broadcast_in_dim3A_373 = vector.shape_cast %reduce_sum3A_372 : vector<200xf32> to vector<200x1xf32>
    %div3A_374 = arith.constant 7.680000e+02 : f32
    %div3A_375 = vector.broadcast %div3A_374 : f32 to vector<200x1xf32>
    %div3A_376 = arith.divf %broadcast_in_dim3A_373, %div3A_375 : vector<200x1xf32>
    %sub3A_377 = vector.broadcast %div3A_376 : vector<200x1xf32> to vector<200x768xf32>
    %sub3A_378 = arith.subf %add3A_365, %sub3A_377 : vector<200x768xf32>
    %integer_pow3A_379 = arith.mulf %sub3A_378, %sub3A_378 : vector<200x768xf32>
    %reduce_sum3A_380 = arith.constant dense<0.000000e+00> : vector<200xf32>
    %reduce_sum3A_381 = vector.multi_reduction <add>, %integer_pow3A_379, %reduce_sum3A_380 [1] : vector<200x768xf32> to vector<200xf32>
    %broadcast_in_dim3A_382 = vector.shape_cast %reduce_sum3A_381 : vector<200xf32> to vector<200x1xf32>
    %div3A_383 = arith.constant 7.680000e+02 : f32
    %div3A_384 = vector.broadcast %div3A_383 : f32 to vector<200x1xf32>
    %div3A_385 = arith.divf %broadcast_in_dim3A_382, %div3A_384 : vector<200x1xf32>
    %sub3A_386 = vector.broadcast %div3A_376 : vector<200x1xf32> to vector<200x768xf32>
    %sub3A_387 = arith.subf %add3A_365, %sub3A_386 : vector<200x768xf32>
    %add3A_388 = arith.constant 9.99999974E-6 : f32
    %add3A_389 = vector.broadcast %add3A_388 : f32 to vector<200x1xf32>
    %add3A_390 = arith.addf %div3A_385, %add3A_389 : vector<200x1xf32>
    %rsqrt3A_391 = math.rsqrt %add3A_390 : vector<200x1xf32>
    %mul3A_392 = vector.broadcast %rsqrt3A_391 : vector<200x1xf32> to vector<200x768xf32>
    %mul3A_393 = arith.mulf %sub3A_387, %mul3A_392 : vector<200x768xf32>
    %get3A_394 = arith.constant 0 : index
    %get3A_395 = arith.constant 0 : index
    %get3A_396 = arith.constant 0 : index
    %get3A_397 = vector.load %arg11[%get3A_394, %get3A_395, %get3A_396] : memref<1x1x768xf32, #tpu.memory_space<vmem>>, vector<1x1x768xf32>
    %get3A_398 = vector.shape_cast %get3A_397 : vector<1x1x768xf32> to vector<1x768xf32>
    %mul3A_399 = vector.broadcast %get3A_398 : vector<1x768xf32> to vector<200x768xf32>
    %mul3A_400 = arith.mulf %mul3A_393, %mul3A_399 : vector<200x768xf32>
    %get3A_401 = arith.constant 0 : index
    %get3A_402 = arith.constant 0 : index
    %get3A_403 = arith.constant 0 : index
    %get3A_404 = vector.load %arg12[%get3A_401, %get3A_402, %get3A_403] : memref<1x1x768xf32, #tpu.memory_space<vmem>>, vector<1x1x768xf32>
    %get3A_405 = vector.shape_cast %get3A_404 : vector<1x1x768xf32> to vector<1x768xf32>
    %add3A_406 = vector.broadcast %get3A_405 : vector<1x768xf32> to vector<200x768xf32>
    %add3A_407 = arith.addf %mul3A_400, %add3A_406 : vector<200x768xf32>
    %mul3A_408 = arith.constant 200 : i32
    %mul3A_409 = arith.muli %arg0, %mul3A_408 : i32
    %swap3A_410 = arith.index_cast %mul3A_409 : i32 to index
    %swap3A_411 = arith.constant 0 : index
    %swap3A_412 = vector.load %arg15[%swap3A_410, %swap3A_411] : memref<800x768xf32, #tpu.memory_space<vmem>>, vector<200x768xf32>
    tpu.vector_store %arg15[%swap3A_410, %swap3A_411], %add3A_407 {strides = array<i32>} : memref<800x768xf32, #tpu.memory_space<vmem>>, vector<200x768xf32>,
    %eq3A_413 = arith.constant 3 : i32
    %eq3A_414 = arith.cmpi eq, %arg0, %eq3A_413 : i32
    %convert_element_type3A_415 = arith.extui %eq3A_414 : i1 to i32
    %cond3A = arith.constant 0 : i32
    %cond3A_416 = arith.cmpi ne, %convert_element_type3A_415, %cond3A : i32
    scf.if %cond3A_416 {
      %get3A_417 = arith.constant 0 : index
      %get3A_418 = arith.constant 0 : index
      %get3A_419 = vector.load %arg15[%get3A_417, %get3A_418] : memref<800x768xf32, #tpu.memory_space<vmem>>, vector<800x768xf32>
      %iota3A_420 = tpu.iota {dimensions = array<i32: 1>} : vector<800x128xi32>
      %lt3A = arith.constant 4 : i32
      %lt3A_421 = vector.broadcast %lt3A : i32 to vector<800x128xi32>
      %lt3A_422 = arith.cmpi slt, %iota3A_420, %lt3A_421 : vector<800x128xi32>
      %jit3A_423 = arith.constant 0.000000e+00 : f32
      %jit3A_424 = arith.constant -1.000000e+30 : f32
      %broadcast_in_dim3A_425 = vector.broadcast %jit3A_423 : f32 to vector<800x128xf32>
      %broadcast_in_dim3A_426 = vector.broadcast %jit3A_424 : f32 to vector<800x128xf32>
      %select_n3A_427 = arith.select %lt3A_422, %broadcast_in_dim3A_425, %broadcast_in_dim3A_426 : vector<800x128xi1>, vector<800x128xf32>
      %get3A_428 = arith.constant 0 : index
      %get3A_429 = arith.constant 0 : index
      %get3A_430 = arith.constant 0 : index
      %get3A_431 = vector.load %arg13[%get3A_428, %get3A_429, %get3A_430] : memref<1x768x128xf32, #tpu.memory_space<vmem>>, vector<1x768x128xf32>
      %get3A_432 = vector.shape_cast %get3A_431 : vector<1x768x128xf32> to vector<768x128xf32>
      %dot_general3A_433 = arith.constant dense<0.000000e+00> : vector<800x128xf32>
      %dot_general3A_434 = tpu.matmul %get3A_419, %get3A_432, %dot_general3A_433 {dimension_numbers = #tpu.dot_dimension_numbers<[1], [0], [0], [1], [0, 0, 1, 1], [], []>, transpose_lhs_hint = false} : vector<800x768xf32>, vector<768x128xf32>, vector<800x128xf32> -> vector<800x128xf32>
      %add3A_435 = arith.addf %dot_general3A_434, %select_n3A_427 : vector<800x128xf32>
      %reduce_max3A_436 = arith.constant dense<0xFF800000> : vector<800xf32>
      %reduce_max3A_437 = vector.multi_reduction <maximumf>, %add3A_435, %reduce_max3A_436 [1] : vector<800x128xf32> to vector<800xf32>
      %broadcast_in_dim3A_438 = vector.shape_cast %reduce_max3A_437 : vector<800xf32> to vector<800x1xf32>
      %sub3A_439 = vector.broadcast %broadcast_in_dim3A_438 : vector<800x1xf32> to vector<800x128xf32>
      %sub3A_440 = arith.subf %add3A_435, %sub3A_439 : vector<800x128xf32>
      %exp3A_441 = math.exp %sub3A_440 : vector<800x128xf32>
      %reduce_sum3A_442 = arith.constant dense<0.000000e+00> : vector<800xf32>
      %reduce_sum3A_443 = vector.multi_reduction <add>, %exp3A_441, %reduce_sum3A_442 [1] : vector<800x128xf32> to vector<800xf32>
      %broadcast_in_dim3A_444 = vector.shape_cast %reduce_sum3A_443 : vector<800xf32> to vector<800x1xf32>
      %reduce_max3A_445 = arith.constant dense<0xFF800000> : vector<800xf32>
      %reduce_max3A_446 = vector.multi_reduction <maximumf>, %exp3A_441, %reduce_max3A_445 [1] : vector<800x128xf32> to vector<800xf32>
      %broadcast_in_dim3A_447 = vector.shape_cast %reduce_max3A_446 : vector<800xf32> to vector<800x1xf32>
      %div3A_448 = arith.divf %broadcast_in_dim3A_447, %broadcast_in_dim3A_444 : vector<800x1xf32>
      %ge3A_449 = vector.broadcast %broadcast_in_dim3A_438 : vector<800x1xf32> to vector<800x128xf32>
      %ge3A_450 = arith.cmpf oge, %add3A_435, %ge3A_449 : vector<800x128xf32>
      %jit3A_451 = arith.constant 128 : i32
      %broadcast_in_dim3A_452 = vector.broadcast %jit3A_451 : i32 to vector<800x128xi32>
      %select_n3A_453 = arith.select %ge3A_450, %iota3A_420, %broadcast_in_dim3A_452 : vector<800x128xi1>, vector<800x128xi32>
      %reduce_min3A = arith.constant dense<2147483647> : vector<800xi32>
      %reduce_min3A_454 = vector.multi_reduction <minsi>, %select_n3A_453, %reduce_min3A [1] : vector<800x128xi32> to vector<800xi32>
      %broadcast_in_dim3A_455 = vector.shape_cast %reduce_min3A_454 : vector<800xi32> to vector<800x1xi32>
      %iota3A_456 = tpu.iota {dimensions = array<i32: 0>} : vector<800x1xi32>
      %jit3A_457 = arith.constant 200 : i32
      %eq3A_458 = arith.constant 0 : i32
      %eq3A_459 = arith.cmpi eq, %jit3A_457, %eq3A_458 : i32
      %jit3A_460 = arith.constant 1 : i32
      %select_n3A_461 = arith.select %eq3A_459, %jit3A_460, %jit3A_457 : i32
      %rem3A = vector.broadcast %select_n3A_461 : i32 to vector<800x1xi32>
      %rem3A_462 = arith.remsi %iota3A_456, %rem3A : vector<800x1xi32>
      %ne3A = arith.constant 0 : i32
      %ne3A_463 = vector.broadcast %ne3A : i32 to vector<800x1xi32>
      %ne3A_464 = arith.cmpi ne, %rem3A_462, %ne3A_463 : vector<800x1xi32>
      %lt3A_465 = arith.constant 0 : i32
      %lt3A_466 = vector.broadcast %lt3A_465 : i32 to vector<800x1xi32>
      %lt3A_467 = arith.cmpi slt, %rem3A_462, %lt3A_466 : vector<800x1xi32>
      %lt3A_468 = arith.constant 0 : i32
      %lt3A_469 = arith.cmpi slt, %select_n3A_461, %lt3A_468 : i32
      %ne3A_470 = vector.broadcast %lt3A_469 : i1 to vector<800x1xi1>
      %ne3A_471 = vector.broadcast %ne3A_470 : vector<800x1xi1> to vector<800x1xi1>
      %ne3A_472 = arith.xori %lt3A_467, %ne3A_471 : vector<800x1xi1>
      %and3A = arith.andi %ne3A_472, %ne3A_464 : vector<800x1xi1>
      %add3A_473 = vector.broadcast %select_n3A_461 : i32 to vector<800x1xi32>
      %add3A_474 = arith.addi %rem3A_462, %add3A_473 : vector<800x1xi32>
      %select_n3A_475 = arith.select %and3A, %add3A_474, %rem3A_462 : vector<800x1xi1>, vector<800x1xi32>
      %lt3A_476 = arith.constant 197 : i32
      %lt3A_477 = vector.broadcast %lt3A_476 : i32 to vector<800x1xi32>
      %lt3A_478 = arith.cmpi slt, %select_n3A_475, %lt3A_477 : vector<800x1xi32>
      %eq3A_479 = vector.broadcast %broadcast_in_dim3A_455 : vector<800x1xi32> to vector<800x128xi32>
      %eq3A_480 = arith.cmpi eq, %iota3A_420, %eq3A_479 : vector<800x128xi32>
      %and3A_481 = vector.broadcast %lt3A_478 : vector<800x1xi1> to vector<800x128xi1>
      %and3A_482 = arith.andi %eq3A_480, %and3A_481 : vector<800x128xi1>
      %jit3A_483 = arith.constant 1.000000e+00 : f32
      %jit3A_484 = arith.constant 0.000000e+00 : f32
      %broadcast_in_dim3A_485 = vector.broadcast %jit3A_483 : f32 to vector<800x128xf32>
      %broadcast_in_dim3A_486 = vector.broadcast %jit3A_484 : f32 to vector<800x128xf32>
      %select_n3A_487 = arith.select %and3A_482, %broadcast_in_dim3A_485, %broadcast_in_dim3A_486 : vector<800x128xi1>, vector<800x128xf32>
      %iota3A_488 = tpu.iota {dimensions = array<i32: 0>} : vector<800x800xi32>
      %iota3A_489 = tpu.iota {dimensions = array<i32: 1>} : vector<800x800xi32>
      %gt3A = arith.cmpi sgt, %iota3A_488, %iota3A_489 : vector<800x800xi32>
      %jit3A_490 = arith.constant 1.000000e+00 : f32
      %jit3A_491 = arith.constant 0.000000e+00 : f32
      %broadcast_in_dim3A_492 = vector.broadcast %jit3A_490 : f32 to vector<800x800xf32>
      %broadcast_in_dim3A_493 = vector.broadcast %jit3A_491 : f32 to vector<800x800xf32>
      %select_n3A_494 = arith.select %gt3A, %broadcast_in_dim3A_492, %broadcast_in_dim3A_493 : vector<800x800xi1>, vector<800x800xf32>
      %dot_general3A_495 = arith.constant dense<0.000000e+00> : vector<800x128xf32>
      %dot_general3A_496 = tpu.matmul %select_n3A_494, %select_n3A_487, %dot_general3A_495 {dimension_numbers = #tpu.dot_dimension_numbers<[1], [0], [0], [1], [0, 0, 1, 1], [], []>, transpose_lhs_hint = false} : vector<800x800xf32>, vector<800x128xf32>, vector<800x128xf32> -> vector<800x128xf32>
      %mul3A_497 = arith.mulf %dot_general3A_496, %select_n3A_487 : vector<800x128xf32>
      %reduce_sum3A_498 = arith.constant dense<0.000000e+00> : vector<800xf32>
      %reduce_sum3A_499 = vector.multi_reduction <add>, %mul3A_497, %reduce_sum3A_498 [1] : vector<800x128xf32> to vector<800xf32>
      %broadcast_in_dim3A_500 = vector.shape_cast %reduce_sum3A_499 : vector<800xf32> to vector<800x1xf32>
      %reduce_sum3A_501 = arith.constant dense<0.000000e+00> : vector<128xf32>
      %reduce_sum3A_502 = vector.multi_reduction <add>, %select_n3A_487, %reduce_sum3A_501 [0] : vector<800x128xf32> to vector<128xf32>
      %broadcast_in_dim3A_503 = vector.shape_cast %reduce_sum3A_502 : vector<128xf32> to vector<1x128xf32>
      %add3A_504 = arith.constant 6.300000e+01 : f32
      %add3A_505 = vector.broadcast %add3A_504 : f32 to vector<1x128xf32>
      %add3A_506 = arith.addf %broadcast_in_dim3A_503, %add3A_505 : vector<1x128xf32>
      %div3A_507 = arith.constant 6.400000e+01 : f32
      %div3A_508 = vector.broadcast %div3A_507 : f32 to vector<1x128xf32>
      %div3A_509 = arith.divf %add3A_506, %div3A_508 : vector<1x128xf32>
      %floor3A = math.floor %div3A_509 : vector<1x128xf32>
      %mul3A_510 = arith.constant 6.400000e+01 : f32
      %mul3A_511 = vector.broadcast %mul3A_510 : f32 to vector<1x128xf32>
      %mul3A_512 = arith.mulf %floor3A, %mul3A_511 : vector<1x128xf32>
      %iota3A_513 = tpu.iota {dimensions = array<i32: 0>} : vector<128x128xi32>
      %iota3A_514 = tpu.iota {dimensions = array<i32: 1>} : vector<128x128xi32>
      %lt3A_515 = arith.cmpi slt, %iota3A_513, %iota3A_514 : vector<128x128xi32>
      %jit3A_516 = arith.constant 1.000000e+00 : f32
      %jit3A_517 = arith.constant 0.000000e+00 : f32
      %broadcast_in_dim3A_518 = vector.broadcast %jit3A_516 : f32 to vector<128x128xf32>
      %broadcast_in_dim3A_519 = vector.broadcast %jit3A_517 : f32 to vector<128x128xf32>
      %select_n3A_520 = arith.select %lt3A_515, %broadcast_in_dim3A_518, %broadcast_in_dim3A_519 : vector<128x128xi1>, vector<128x128xf32>
      %dot_general3A_521 = arith.constant dense<0.000000e+00> : vector<1x128xf32>
      %dot_general3A_522 = tpu.matmul %mul3A_512, %select_n3A_520, %dot_general3A_521 {dimension_numbers = #tpu.dot_dimension_numbers<[1], [0], [0], [1], [0, 0, 1, 1], [], []>, transpose_lhs_hint = false} : vector<1x128xf32>, vector<128x128xf32>, vector<1x128xf32> -> vector<1x128xf32>
      %mul3A_523 = vector.broadcast %dot_general3A_522 : vector<1x128xf32> to vector<800x128xf32>
      %mul3A_524 = arith.mulf %select_n3A_487, %mul3A_523 : vector<800x128xf32>
      %reduce_sum3A_525 = arith.constant dense<0.000000e+00> : vector<800xf32>
      %reduce_sum3A_526 = vector.multi_reduction <add>, %mul3A_524, %reduce_sum3A_525 [1] : vector<800x128xf32> to vector<800xf32>
      %broadcast_in_dim3A_527 = vector.shape_cast %reduce_sum3A_526 : vector<800xf32> to vector<800x1xf32>
      %add3A_528 = arith.addf %broadcast_in_dim3A_527, %broadcast_in_dim3A_500 : vector<800x1xf32>
      %convert_element_type3A_529 = arith.fptosi %add3A_528 : vector<800x1xf32> to vector<800x1xi32>
      %jit3A_530 = arith.constant 0.000000e+00 : f32
      %broadcast_in_dim3A_531 = vector.broadcast %jit3A_530 : f32 to vector<800x1xf32>
      %select_n3A_532 = arith.select %lt3A_478, %div3A_448, %broadcast_in_dim3A_531 : vector<800x1xi1>, vector<800x1xf32>
      %eq3A_533 = arith.constant 0 : i32
      %eq3A_534 = vector.broadcast %eq3A_533 : i32 to vector<800x128xi32>
      %eq3A_535 = arith.cmpi eq, %iota3A_420, %eq3A_534 : vector<800x128xi32>
      %jit3A_536 = arith.constant 0.000000e+00 : f32
      %broadcast_in_dim3A_537 = vector.shape_cast %add3A_528 : vector<800x1xf32> to vector<800x1xf32>
      %broadcast_in_dim3A_538 = vector.broadcast %broadcast_in_dim3A_537 : vector<800x1xf32> to vector<800x128xf32>
      %broadcast_in_dim3A_539 = vector.broadcast %jit3A_536 : f32 to vector<800x128xf32>
      %select_n3A_540 = arith.select %eq3A_535, %broadcast_in_dim3A_538, %broadcast_in_dim3A_539 : vector<800x128xi1>, vector<800x128xf32>
      %eq3A_541 = arith.constant 1 : i32
      %eq3A_542 = vector.broadcast %eq3A_541 : i32 to vector<800x128xi32>
      %eq3A_543 = arith.cmpi eq, %iota3A_420, %eq3A_542 : vector<800x128xi32>
      %jit3A_544 = arith.constant 0.000000e+00 : f32
      %broadcast_in_dim3A_545 = vector.shape_cast %select_n3A_532 : vector<800x1xf32> to vector<800x1xf32>
      %broadcast_in_dim3A_546 = vector.broadcast %broadcast_in_dim3A_545 : vector<800x1xf32> to vector<800x128xf32>
      %broadcast_in_dim3A_547 = vector.broadcast %jit3A_544 : f32 to vector<800x128xf32>
      %select_n3A_548 = arith.select %eq3A_543, %broadcast_in_dim3A_546, %broadcast_in_dim3A_547 : vector<800x128xi1>, vector<800x128xf32>
      %add3A_549 = arith.addf %select_n3A_540, %select_n3A_548 : vector<800x128xf32>
      %swap3A_550 = arith.constant 0 : index
      %swap3A_551 = arith.constant 0 : index
      %swap3A_552 = vector.load %arg17[%swap3A_550, %swap3A_551] : memref<800x128xf32, #tpu.memory_space<vmem>>, vector<800x128xf32>
      tpu.vector_store %arg17[%swap3A_550, %swap3A_551], %add3A_549 {strides = array<i32>} : memref<800x128xf32, #tpu.memory_space<vmem>>, vector<800x128xf32>,
      %iota3A_553 = tpu.iota {dimensions = array<i32: 1>} : vector<800x1024xi32>
      %eq3A_554 = vector.broadcast %convert_element_type3A_529 : vector<800x1xi32> to vector<800x1024xi32>
      %eq3A_555 = arith.cmpi eq, %iota3A_553, %eq3A_554 : vector<800x1024xi32>
      %and3A_556 = vector.broadcast %lt3A_478 : vector<800x1xi1> to vector<800x1024xi1>
      %and3A_557 = arith.andi %eq3A_555, %and3A_556 : vector<800x1024xi1>
      %jit3A_558 = arith.constant 1.000000e+00 : f32
      %jit3A_559 = arith.constant 0.000000e+00 : f32
      %broadcast_in_dim3A_560 = vector.broadcast %jit3A_558 : f32 to vector<800x1024xf32>
      %broadcast_in_dim3A_561 = vector.broadcast %jit3A_559 : f32 to vector<800x1024xf32>
      %select_n3A_562 = arith.select %and3A_557, %broadcast_in_dim3A_560, %broadcast_in_dim3A_561 : vector<800x1024xi1>, vector<800x1024xf32>
      %convert_element_type3A_563 = arith.sitofp %iota3A_456 : vector<800x1xi32> to vector<800x1xf32>
      %mul3A_564 = vector.broadcast %convert_element_type3A_563 : vector<800x1xf32> to vector<800x1024xf32>
      %mul3A_565 = arith.mulf %select_n3A_562, %mul3A_564 : vector<800x1024xf32>
      %reduce_sum3A_566 = arith.constant dense<0.000000e+00> : vector<1024xf32>
      %reduce_sum3A_567 = vector.multi_reduction <add>, %mul3A_565, %reduce_sum3A_566 [0] : vector<800x1024xf32> to vector<1024xf32>
      %broadcast_in_dim3A_568 = vector.shape_cast %reduce_sum3A_567 : vector<1024xf32> to vector<1x1024xf32>
      %reduce_sum3A_569 = arith.constant dense<0.000000e+00> : vector<1024xf32>
      %reduce_sum3A_570 = vector.multi_reduction <add>, %select_n3A_562, %reduce_sum3A_569 [0] : vector<800x1024xf32> to vector<1024xf32>
      %broadcast_in_dim3A_571 = vector.shape_cast %reduce_sum3A_570 : vector<1024xf32> to vector<1x1024xf32>
      %gt3A_572 = arith.constant 5.000000e-01 : f32
      %gt3A_573 = vector.broadcast %gt3A_572 : f32 to vector<1x1024xf32>
      %gt3A_574 = arith.cmpf ogt, %broadcast_in_dim3A_571, %gt3A_573 : vector<1x1024xf32>
      %jit3A_575 = arith.constant 7.990000e+02 : f32
      %broadcast_in_dim3A_576 = vector.broadcast %jit3A_575 : f32 to vector<1x1024xf32>
      %select_n3A_577 = arith.select %gt3A_574, %broadcast_in_dim3A_568, %broadcast_in_dim3A_576 : vector<1x1024xi1>, vector<1x1024xf32>
      %broadcast_in_dim3A_578 = vector.shape_cast %select_n3A_577 : vector<1x1024xf32> to vector<1x1024xf32>
      %broadcast_in_dim3A_579 = vector.broadcast %broadcast_in_dim3A_578 : vector<1x1024xf32> to vector<8x1024xf32>
      %convert_element_type3A_580 = arith.fptosi %broadcast_in_dim3A_579 : vector<8x1024xf32> to vector<8x1024xi32>
      %swap3A_581 = arith.constant 0 : index
      %swap3A_582 = arith.constant 0 : index
      %swap3A_583 = vector.load %arg16[%swap3A_581, %swap3A_582] : memref<8x1024xi32, #tpu.memory_space<vmem>>, vector<8x1024xi32>
      tpu.vector_store %arg16[%swap3A_581, %swap3A_582], %convert_element_type3A_580 {strides = array<i32>} : memref<8x1024xi32, #tpu.memory_space<vmem>>, vector<8x1024xi32>,
      %div3A_584 = arith.constant 6.400000e+01 : f32
      %div3A_585 = vector.broadcast %div3A_584 : f32 to vector<1x128xf32>
      %div3A_586 = arith.divf %dot_general3A_522, %div3A_585 : vector<1x128xf32>
      %broadcast_in_dim3A_587 = vector.shape_cast %div3A_586 : vector<1x128xf32> to vector<1x128xf32>
      %broadcast_in_dim3A_588 = vector.broadcast %broadcast_in_dim3A_587 : vector<1x128xf32> to vector<8x128xf32>
      %convert_element_type3A_589 = arith.fptosi %broadcast_in_dim3A_588 : vector<8x128xf32> to vector<8x128xi32>
      %swap3A_590 = arith.constant 0 : index
      %swap3A_591 = arith.constant 0 : index
      %swap3A_592 = vector.load %arg18[%swap3A_590, %swap3A_591] : memref<8x128xi32, #tpu.memory_space<vmem>>, vector<8x128xi32>
      tpu.vector_store %arg18[%swap3A_590, %swap3A_591], %convert_element_type3A_589 {strides = array<i32>} : memref<8x128xi32, #tpu.memory_space<vmem>>, vector<8x128xi32>,
      %div3A_593 = arith.constant 6.400000e+01 : f32
      %div3A_594 = vector.broadcast %div3A_593 : f32 to vector<1x128xf32>
      %div3A_595 = arith.divf %mul3A_512, %div3A_594 : vector<1x128xf32>
      %broadcast_in_dim3A_596 = vector.shape_cast %div3A_595 : vector<1x128xf32> to vector<1x128xf32>
      %broadcast_in_dim3A_597 = vector.broadcast %broadcast_in_dim3A_596 : vector<1x128xf32> to vector<8x128xf32>
      %convert_element_type3A_598 = arith.fptosi %broadcast_in_dim3A_597 : vector<8x128xf32> to vector<8x128xi32>
      %swap3A_599 = arith.constant 0 : index
      %swap3A_600 = arith.constant 0 : index
      %swap3A_601 = vector.load %arg19[%swap3A_599, %swap3A_600] : memref<8x128xi32, #tpu.memory_space<vmem>>, vector<8x128xi32>
      tpu.vector_store %arg19[%swap3A_599, %swap3A_600], %convert_element_type3A_598 {strides = array<i32>} : memref<8x128xi32, #tpu.memory_space<vmem>>, vector<8x128xi32>,
    } else {
    }
    return
  }
  func.func @transform_0(%arg0: i32, %arg1: memref<1xi32, #tpu.memory_space<smem>>) -> (i32, i32, i32) {
    %c0_i32 = arith.constant 0 : i32
    %c0_i32_0 = arith.constant 0 : i32
    %c0_i32_1 = arith.constant 0 : i32
    return %arg0, %c0_i32, %c0_i32_0 : i32, i32, i32
  }
  func.func @transform_1(%arg0: i32, %arg1: memref<1xi32, #tpu.memory_space<smem>>) -> (i32, i32) {
    %c0_i32 = arith.constant 0 : i32
    %c0_i32_0 = arith.constant 0 : i32
    %c0_i32_1 = arith.constant 0 : i32
    return %c0_i32, %c0_i32_0 : i32, i32
  }
  func.func @transform_2(%arg0: i32, %arg1: memref<1xi32, #tpu.memory_space<smem>>) -> (i32, i32) {
    %c0_i32 = arith.constant 0 : i32
    %c0_i32_0 = arith.constant 0 : i32
    return %arg0, %c0_i32 : i32, i32
  }
  func.func @transform_3(%arg0: i32, %arg1: memref<1xi32, #tpu.memory_space<smem>>) -> (i32, i32, i32) {
    %get3A = arith.constant 0 : index
    %get3A_0 = memref.load %arg1[%get3A] : memref<1xi32, #tpu.memory_space<smem>>
    %c0_i32 = arith.constant 0 : i32
    %c0_i32_1 = arith.constant 0 : i32
    %c0_i32_2 = arith.constant 0 : i32
    return %get3A_0, %c0_i32, %c0_i32_1 : i32, i32, i32
  }
  func.func @transform_4(%arg0: i32, %arg1: memref<1xi32, #tpu.memory_space<smem>>) -> (i32, i32, i32) {
    %get3A = arith.constant 0 : index
    %get3A_0 = memref.load %arg1[%get3A] : memref<1xi32, #tpu.memory_space<smem>>
    %c0_i32 = arith.constant 0 : i32
    %c0_i32_1 = arith.constant 0 : i32
    %c0_i32_2 = arith.constant 0 : i32
    return %get3A_0, %c0_i32, %c0_i32_1 : i32, i32, i32
  }
  func.func @transform_5(%arg0: i32, %arg1: memref<1xi32, #tpu.memory_space<smem>>) -> (i32, i32, i32) {
    %get3A = arith.constant 0 : index
    %get3A_0 = memref.load %arg1[%get3A] : memref<1xi32, #tpu.memory_space<smem>>
    %c0_i32 = arith.constant 0 : i32
    %c0_i32_1 = arith.constant 0 : i32
    %c0_i32_2 = arith.constant 0 : i32
    return %get3A_0, %c0_i32, %c0_i32_1 : i32, i32, i32
  }
  func.func @transform_6(%arg0: i32, %arg1: memref<1xi32, #tpu.memory_space<smem>>) -> (i32, i32, i32) {
    %get3A = arith.constant 0 : index
    %get3A_0 = memref.load %arg1[%get3A] : memref<1xi32, #tpu.memory_space<smem>>
    %c0_i32 = arith.constant 0 : i32
    %c0_i32_1 = arith.constant 0 : i32
    %c0_i32_2 = arith.constant 0 : i32
    return %get3A_0, %c0_i32, %c0_i32_1 : i32, i32, i32
  }
  func.func @transform_7(%arg0: i32, %arg1: memref<1xi32, #tpu.memory_space<smem>>) -> (i32, i32, i32) {
    %get3A = arith.constant 0 : index
    %get3A_0 = memref.load %arg1[%get3A] : memref<1xi32, #tpu.memory_space<smem>>
    %c0_i32 = arith.constant 0 : i32
    %c0_i32_1 = arith.constant 0 : i32
    %c0_i32_2 = arith.constant 0 : i32
    return %get3A_0, %c0_i32, %c0_i32_1 : i32, i32, i32
  }
  func.func @transform_8(%arg0: i32, %arg1: memref<1xi32, #tpu.memory_space<smem>>) -> (i32, i32, i32) {
    %get3A = arith.constant 0 : index
    %get3A_0 = memref.load %arg1[%get3A] : memref<1xi32, #tpu.memory_space<smem>>
    %c0_i32 = arith.constant 0 : i32
    %c0_i32_1 = arith.constant 0 : i32
    %c0_i32_2 = arith.constant 0 : i32
    return %get3A_0, %c0_i32, %c0_i32_1 : i32, i32, i32
  }
  func.func @transform_9(%arg0: i32, %arg1: memref<1xi32, #tpu.memory_space<smem>>) -> (i32, i32, i32) {
    %get3A = arith.constant 0 : index
    %get3A_0 = memref.load %arg1[%get3A] : memref<1xi32, #tpu.memory_space<smem>>
    %c0_i32 = arith.constant 0 : i32
    %c0_i32_1 = arith.constant 0 : i32
    %c0_i32_2 = arith.constant 0 : i32
    return %get3A_0, %c0_i32, %c0_i32_1 : i32, i32, i32
  }
  func.func @transform_10(%arg0: i32, %arg1: memref<1xi32, #tpu.memory_space<smem>>) -> (i32, i32, i32) {
    %get3A = arith.constant 0 : index
    %get3A_0 = memref.load %arg1[%get3A] : memref<1xi32, #tpu.memory_space<smem>>
    %c0_i32 = arith.constant 0 : i32
    %c0_i32_1 = arith.constant 0 : i32
    %c0_i32_2 = arith.constant 0 : i32
    return %get3A_0, %c0_i32, %c0_i32_1 : i32, i32, i32
  }
  func.func @transform_11(%arg0: i32, %arg1: memref<1xi32, #tpu.memory_space<smem>>) -> (i32, i32, i32) {
    %get3A = arith.constant 0 : index
    %get3A_0 = memref.load %arg1[%get3A] : memref<1xi32, #tpu.memory_space<smem>>
    %c0_i32 = arith.constant 0 : i32
    %c0_i32_1 = arith.constant 0 : i32
    %c0_i32_2 = arith.constant 0 : i32
    return %get3A_0, %c0_i32, %c0_i32_1 : i32, i32, i32
  }
  func.func @transform_12(%arg0: i32, %arg1: memref<1xi32, #tpu.memory_space<smem>>) -> (i32, i32, i32) {
    %c0_i32 = arith.constant 0 : i32
    %c0_i32_0 = arith.constant 0 : i32
    %c0_i32_1 = arith.constant 0 : i32
    return %arg0, %c0_i32, %c0_i32_0 : i32, i32, i32
  }
  func.func @transform_13(%arg0: i32, %arg1: memref<1xi32, #tpu.memory_space<smem>>) -> (i32, i32) {
    %c0_i32 = arith.constant 0 : i32
    %c0_i32_0 = arith.constant 0 : i32
    %c0_i32_1 = arith.constant 0 : i32
    return %c0_i32, %c0_i32_0 : i32, i32
  }
  func.func @transform_14(%arg0: i32, %arg1: memref<1xi32, #tpu.memory_space<smem>>) -> (i32, i32) {
    %c0_i32 = arith.constant 0 : i32
    %c0_i32_0 = arith.constant 0 : i32
    %c0_i32_1 = arith.constant 0 : i32
    return %c0_i32, %c0_i32_0 : i32, i32
  }
  func.func @transform_15(%arg0: i32, %arg1: memref<1xi32, #tpu.memory_space<smem>>) -> (i32, i32) {
    %c0_i32 = arith.constant 0 : i32
    %c0_i32_0 = arith.constant 0 : i32
    %c0_i32_1 = arith.constant 0 : i32
    return %c0_i32, %c0_i32_0 : i32, i32
  }
  func.func @transform_16(%arg0: i32, %arg1: memref<1xi32, #tpu.memory_space<smem>>) -> (i32, i32) {
    %c0_i32 = arith.constant 0 : i32
    %c0_i32_0 = arith.constant 0 : i32
    %c0_i32_1 = arith.constant 0 : i32
    return %c0_i32, %c0_i32_0 : i32, i32
  }
  func.func @transform_17(%arg0: i32, %arg1: memref<1xi32, #tpu.memory_space<smem>>) -> (i32, i32) {
    %c0_i32 = arith.constant 0 : i32
    %c0_i32_0 = arith.constant 0 : i32
    %c0_i32_1 = arith.constant 0 : i32
    return %c0_i32, %c0_i32_0 : i32, i32
  }
}

module attributes {stable_mosaic.version = 14 : i64} {
  func.func @_ffn_body(%arg0: i32, %arg1: memref<1xi32, #tpu.memory_space<smem>>, %arg2: memref<8xi32, #tpu.memory_space<smem>>, %arg3: memref<8xi32, #tpu.memory_space<smem>>, %arg4: memref<1024x768xf32, #tpu.memory_space<vmem>>, %arg5: memref<12x4x768x3072xf32, #tpu.memory_space<hbm>>, %arg6: memref<1x4x1x3072xf32, #tpu.memory_space<vmem>>, %arg7: memref<12x4x3072x768xf32, #tpu.memory_space<hbm>>, %arg8: memref<1x4x1x768xf32, #tpu.memory_space<vmem>>, %arg9: memref<1024x768xf32, #tpu.memory_space<vmem>>, %arg10: memref<768x3072xf32, #tpu.memory_space<vmem>>, %arg11: memref<768x3072xf32, #tpu.memory_space<vmem>>, %arg12: memref<3072x768xf32, #tpu.memory_space<vmem>>, %arg13: memref<3072x768xf32, #tpu.memory_space<vmem>>, %arg14: memref<!tpu.dma_semaphore, #tpu.memory_space<semaphore_mem>>, %arg15: memref<!tpu.dma_semaphore, #tpu.memory_space<semaphore_mem>>, %arg16: memref<!tpu.dma_semaphore, #tpu.memory_space<semaphore_mem>>, %arg17: memref<!tpu.dma_semaphore, #tpu.memory_space<semaphore_mem>>) attributes {dimension_semantics = [#tpu.dimension_semantics<arbitrary>], iteration_bounds = array<i64: 1>, scalar_prefetch = 3 : i64, scratch_operands = 8 : i64, tpu.core_type = #tpu.core_type<tc>, window_params = [{pipeline_mode = #tpu.pipeline_mode<synchronous>, transform_indices = @transform_0, window_bounds = array<i64: 1024, 768>}, {}, {transform_indices = @transform_2, window_bounds = array<i64: 1, 4, 1, 3072>}, {}, {transform_indices = @transform_4, window_bounds = array<i64: 1, 4, 1, 768>}, {pipeline_mode = #tpu.pipeline_mode<synchronous>, transform_indices = @transform_5, window_bounds = array<i64: 1024, 768>}]} {
    %get3A = arith.constant 0 : index
    %get3A_0 = memref.load %arg1[%get3A] : memref<1xi32, #tpu.memory_space<smem>>
    %broadcast_in_dim3A = arith.constant 0.000000e+00 : f32
    %broadcast_in_dim3A_1 = vector.broadcast %broadcast_in_dim3A : f32 to vector<1024x768xf32>
    %swap3A = arith.constant 0 : index
    %swap3A_2 = arith.constant 0 : index
    %swap3A_3 = vector.load %arg9[%swap3A, %swap3A_2] : memref<1024x768xf32, #tpu.memory_space<vmem>>, vector<1024x768xf32>
    tpu.vector_store %arg9[%swap3A, %swap3A_2], %broadcast_in_dim3A_1 {strides = array<i32>} : memref<1024x768xf32, #tpu.memory_space<vmem>>, vector<1024x768xf32>,
    %dma_start3A = arith.constant 0 : i32
    %dma_start3A_4 = arith.constant 0 : i32
    %dma_start3A_5 = arith.constant 0 : i32
    %dma_start3A_6 = tpu.memref_slice %arg5[%get3A_0, %dma_start3A, %dma_start3A_4, %dma_start3A_5] : memref<12x4x768x3072xf32, #tpu.memory_space<hbm>> -> memref<1x1x768x3072xf32, #tpu.memory_space<hbm>>
    %dma_start3A_7 = tpu.memref_squeeze %dma_start3A_6 : memref<1x1x768x3072xf32, #tpu.memory_space<hbm>> -> memref<768x3072xf32, #tpu.memory_space<hbm>>
    tpu.enqueue_dma source(%dma_start3A_7 : memref<768x3072xf32, #tpu.memory_space<hbm>>) target(%arg10 : memref<768x3072xf32, #tpu.memory_space<vmem>>) target_semaphore(%arg14 : memref<!tpu.dma_semaphore, #tpu.memory_space<semaphore_mem>>)
    %dma_start3A_8 = arith.constant 0 : i32
    %dma_start3A_9 = arith.constant 0 : i32
    %dma_start3A_10 = arith.constant 0 : i32
    %dma_start3A_11 = tpu.memref_slice %arg7[%get3A_0, %dma_start3A_8, %dma_start3A_9, %dma_start3A_10] : memref<12x4x3072x768xf32, #tpu.memory_space<hbm>> -> memref<1x1x3072x768xf32, #tpu.memory_space<hbm>>
    %dma_start3A_12 = tpu.memref_squeeze %dma_start3A_11 : memref<1x1x3072x768xf32, #tpu.memory_space<hbm>> -> memref<3072x768xf32, #tpu.memory_space<hbm>>
    tpu.enqueue_dma source(%dma_start3A_12 : memref<3072x768xf32, #tpu.memory_space<hbm>>) target(%arg12 : memref<3072x768xf32, #tpu.memory_space<vmem>>) target_semaphore(%arg16 : memref<!tpu.dma_semaphore, #tpu.memory_space<semaphore_mem>>)
    %dma_start3A_13 = arith.constant 1 : i32
    %dma_start3A_14 = arith.constant 0 : i32
    %dma_start3A_15 = arith.constant 0 : i32
    %dma_start3A_16 = tpu.memref_slice %arg5[%get3A_0, %dma_start3A_13, %dma_start3A_14, %dma_start3A_15] : memref<12x4x768x3072xf32, #tpu.memory_space<hbm>> -> memref<1x1x768x3072xf32, #tpu.memory_space<hbm>>
    %dma_start3A_17 = tpu.memref_squeeze %dma_start3A_16 : memref<1x1x768x3072xf32, #tpu.memory_space<hbm>> -> memref<768x3072xf32, #tpu.memory_space<hbm>>
    tpu.enqueue_dma source(%dma_start3A_17 : memref<768x3072xf32, #tpu.memory_space<hbm>>) target(%arg11 : memref<768x3072xf32, #tpu.memory_space<vmem>>) target_semaphore(%arg15 : memref<!tpu.dma_semaphore, #tpu.memory_space<semaphore_mem>>)
    %dma_start3A_18 = arith.constant 1 : i32
    %dma_start3A_19 = arith.constant 0 : i32
    %dma_start3A_20 = arith.constant 0 : i32
    %dma_start3A_21 = tpu.memref_slice %arg7[%get3A_0, %dma_start3A_18, %dma_start3A_19, %dma_start3A_20] : memref<12x4x3072x768xf32, #tpu.memory_space<hbm>> -> memref<1x1x3072x768xf32, #tpu.memory_space<hbm>>
    %dma_start3A_22 = tpu.memref_squeeze %dma_start3A_21 : memref<1x1x3072x768xf32, #tpu.memory_space<hbm>> -> memref<3072x768xf32, #tpu.memory_space<hbm>>
    tpu.enqueue_dma source(%dma_start3A_22 : memref<3072x768xf32, #tpu.memory_space<hbm>>) target(%arg13 : memref<3072x768xf32, #tpu.memory_space<vmem>>) target_semaphore(%arg17 : memref<!tpu.dma_semaphore, #tpu.memory_space<semaphore_mem>>)
    %dma_wait3A = arith.constant 0 : i32
    %dma_wait3A_23 = arith.constant 0 : i32
    %dma_wait3A_24 = arith.constant 0 : i32
    %dma_wait3A_25 = tpu.memref_slice %arg5[%get3A_0, %dma_wait3A, %dma_wait3A_23, %dma_wait3A_24] : memref<12x4x768x3072xf32, #tpu.memory_space<hbm>> -> memref<1x1x768x3072xf32, #tpu.memory_space<hbm>>
    %dma_wait3A_26 = tpu.memref_squeeze %dma_wait3A_25 : memref<1x1x768x3072xf32, #tpu.memory_space<hbm>> -> memref<768x3072xf32, #tpu.memory_space<hbm>>
    tpu.wait_dma2 semaphore(%arg14 : memref<!tpu.dma_semaphore, #tpu.memory_space<semaphore_mem>>) src(%dma_wait3A_26 : memref<768x3072xf32, #tpu.memory_space<hbm>>) dst(%arg10 : memref<768x3072xf32, #tpu.memory_space<vmem>>)
    %dma_wait3A_27 = arith.constant 0 : i32
    %dma_wait3A_28 = arith.constant 0 : i32
    %dma_wait3A_29 = arith.constant 0 : i32
    %dma_wait3A_30 = tpu.memref_slice %arg7[%get3A_0, %dma_wait3A_27, %dma_wait3A_28, %dma_wait3A_29] : memref<12x4x3072x768xf32, #tpu.memory_space<hbm>> -> memref<1x1x3072x768xf32, #tpu.memory_space<hbm>>
    %dma_wait3A_31 = tpu.memref_squeeze %dma_wait3A_30 : memref<1x1x3072x768xf32, #tpu.memory_space<hbm>> -> memref<3072x768xf32, #tpu.memory_space<hbm>>
    tpu.wait_dma2 semaphore(%arg16 : memref<!tpu.dma_semaphore, #tpu.memory_space<semaphore_mem>>) src(%dma_wait3A_31 : memref<3072x768xf32, #tpu.memory_space<hbm>>) dst(%arg12 : memref<3072x768xf32, #tpu.memory_space<vmem>>)
    %get3A_32 = arith.constant 0 : index
    %get3A_33 = arith.constant 0 : index
    %get3A_34 = vector.load %arg10[%get3A_32, %get3A_33] : memref<768x3072xf32, #tpu.memory_space<vmem>>, vector<768x3072xf32>
    %get3A_35 = arith.constant 0 : index
    %get3A_36 = arith.constant 0 : index
    %get3A_37 = vector.load %arg12[%get3A_35, %get3A_36] : memref<3072x768xf32, #tpu.memory_space<vmem>>, vector<3072x768xf32>
    %get3A_38 = arith.constant 0 : index
    %get3A_39 = arith.constant 0 : index
    %get3A_40 = arith.constant 0 : index
    %get3A_41 = arith.constant 0 : index
    %get3A_42 = vector.load %arg6[%get3A_38, %get3A_39, %get3A_40, %get3A_41] : memref<1x4x1x3072xf32, #tpu.memory_space<vmem>>, vector<1x1x1x3072xf32>
    %get3A_43 = vector.shape_cast %get3A_42 : vector<1x1x1x3072xf32> to vector<1x3072xf32>
    %get3A_44 = arith.constant 0 : index
    %get3A_45 = arith.constant 0 : index
    %get3A_46 = arith.constant 0 : index
    %get3A_47 = arith.constant 0 : index
    %get3A_48 = vector.load %arg8[%get3A_44, %get3A_45, %get3A_46, %get3A_47] : memref<1x4x1x768xf32, #tpu.memory_space<vmem>>, vector<1x1x1x768xf32>
    %get3A_49 = vector.shape_cast %get3A_48 : vector<1x1x1x768xf32> to vector<1x768xf32>
    %get3A_50 = arith.constant 0 : index
    %get3A_51 = memref.load %arg2[%get3A_50] : memref<8xi32, #tpu.memory_space<smem>>
    %get3A_52 = arith.constant 0 : index
    %get3A_53 = memref.load %arg3[%get3A_52] : memref<8xi32, #tpu.memory_space<smem>>
    %while3A = arith.constant 0 : i32
    %while3A_54 = arith.constant 0 : i32
    %while3A_55 = arith.subi %get3A_53, %while3A : i32
    %while3A_56 = arith.addi %while3A, %while3A_55 : i32
    %while3A_57 = arith.constant 1 : i32
    %while3A_58 = arith.divsi %while3A_55, %while3A_57 : i32
    %while3A_59 = arith.muli %while3A_58, %while3A_57 : i32
    %while3A_60 = arith.addi %while3A, %while3A_59 : i32
    %while3A_61 = arith.constant 1 : i32
    %while3A_62 = scf.for %while3A_217 = %while3A to %while3A_60 step %while3A_61 iter_args(%while3A_218 = %while3A_54) -> (i32)  : i32 {
      %add3A = arith.addi %get3A_51, %while3A_217 : i32
      %mul3A = arith.constant 64 : i32
      %mul3A_219 = arith.muli %add3A, %mul3A : i32
      %multiple_of3A = tpu.assume_multiple %mul3A_219, 64 : i32
      %get3A_220 = arith.index_cast %multiple_of3A : i32 to index
      %get3A_221 = arith.constant 0 : index
      %get3A_222 = vector.load %arg4[%get3A_220, %get3A_221] : memref<1024x768xf32, #tpu.memory_space<vmem>>, vector<64x768xf32>
      %dot_general3A = arith.constant dense<0.000000e+00> : vector<64x3072xf32>
      %dot_general3A_223 = tpu.matmul %get3A_222, %get3A_34, %dot_general3A {dimension_numbers = #tpu.dot_dimension_numbers<[1], [0], [0], [1], [0, 0, 1, 1], [], []>, transpose_lhs_hint = false} : vector<64x768xf32>, vector<768x3072xf32>, vector<64x3072xf32> -> vector<64x3072xf32>
      %add3A_224 = vector.broadcast %get3A_43 : vector<1x3072xf32> to vector<64x3072xf32>
      %add3A_225 = arith.addf %dot_general3A_223, %add3A_224 : vector<64x3072xf32>
      %integer_pow3A = arith.mulf %add3A_225, %add3A_225 : vector<64x3072xf32>
      %integer_pow3A_226 = arith.mulf %add3A_225, %integer_pow3A : vector<64x3072xf32>
      %mul3A_227 = arith.constant 4.471500e-02 : f32
      %mul3A_228 = vector.broadcast %mul3A_227 : f32 to vector<64x3072xf32>
      %mul3A_229 = arith.mulf %mul3A_228, %integer_pow3A_226 : vector<64x3072xf32>
      %add3A_230 = arith.addf %add3A_225, %mul3A_229 : vector<64x3072xf32>
      %mul3A_231 = arith.constant 0.797884583 : f32
      %mul3A_232 = vector.broadcast %mul3A_231 : f32 to vector<64x3072xf32>
      %mul3A_233 = arith.mulf %mul3A_232, %add3A_230 : vector<64x3072xf32>
      %tanh3A = math.tanh %mul3A_233 : vector<64x3072xf32>
      %add3A_234 = arith.constant 1.000000e+00 : f32
      %add3A_235 = vector.broadcast %add3A_234 : f32 to vector<64x3072xf32>
      %add3A_236 = arith.addf %add3A_235, %tanh3A : vector<64x3072xf32>
      %mul3A_237 = arith.constant 5.000000e-01 : f32
      %mul3A_238 = vector.broadcast %mul3A_237 : f32 to vector<64x3072xf32>
      %mul3A_239 = arith.mulf %mul3A_238, %add3A_236 : vector<64x3072xf32>
      %mul3A_240 = arith.mulf %add3A_225, %mul3A_239 : vector<64x3072xf32>
      %dot_general3A_241 = arith.constant dense<0.000000e+00> : vector<64x768xf32>
      %dot_general3A_242 = tpu.matmul %mul3A_240, %get3A_37, %dot_general3A_241 {dimension_numbers = #tpu.dot_dimension_numbers<[1], [0], [0], [1], [0, 0, 1, 1], [], []>, transpose_lhs_hint = false} : vector<64x3072xf32>, vector<3072x768xf32>, vector<64x768xf32> -> vector<64x768xf32>
      %add3A_243 = vector.broadcast %get3A_49 : vector<1x768xf32> to vector<64x768xf32>
      %add3A_244 = arith.addf %dot_general3A_242, %add3A_243 : vector<64x768xf32>
      %swap3A_245 = arith.index_cast %multiple_of3A : i32 to index
      %swap3A_246 = arith.constant 0 : index
      %swap3A_247 = vector.load %arg9[%swap3A_245, %swap3A_246] : memref<1024x768xf32, #tpu.memory_space<vmem>>, vector<64x768xf32>
      tpu.vector_store %arg9[%swap3A_245, %swap3A_246], %add3A_244 {strides = array<i32>} : memref<1024x768xf32, #tpu.memory_space<vmem>>, vector<64x768xf32>,
      %while3A_248 = arith.constant 0 : i32
      scf.yield %while3A_248 : i32
    }
    %while3A_63 = arith.constant 1 : i32
    %while3A_64 = scf.for %while3A_217 = %while3A_60 to %while3A_56 step %while3A_63 iter_args(%while3A_218 = %while3A_62) -> (i32)  : i32 {
      %add3A = arith.addi %get3A_51, %while3A_217 : i32
      %mul3A = arith.constant 64 : i32
      %mul3A_219 = arith.muli %add3A, %mul3A : i32
      %multiple_of3A = tpu.assume_multiple %mul3A_219, 64 : i32
      %get3A_220 = arith.index_cast %multiple_of3A : i32 to index
      %get3A_221 = arith.constant 0 : index
      %get3A_222 = vector.load %arg4[%get3A_220, %get3A_221] : memref<1024x768xf32, #tpu.memory_space<vmem>>, vector<64x768xf32>
      %dot_general3A = arith.constant dense<0.000000e+00> : vector<64x3072xf32>
      %dot_general3A_223 = tpu.matmul %get3A_222, %get3A_34, %dot_general3A {dimension_numbers = #tpu.dot_dimension_numbers<[1], [0], [0], [1], [0, 0, 1, 1], [], []>, transpose_lhs_hint = false} : vector<64x768xf32>, vector<768x3072xf32>, vector<64x3072xf32> -> vector<64x3072xf32>
      %add3A_224 = vector.broadcast %get3A_43 : vector<1x3072xf32> to vector<64x3072xf32>
      %add3A_225 = arith.addf %dot_general3A_223, %add3A_224 : vector<64x3072xf32>
      %integer_pow3A = arith.mulf %add3A_225, %add3A_225 : vector<64x3072xf32>
      %integer_pow3A_226 = arith.mulf %add3A_225, %integer_pow3A : vector<64x3072xf32>
      %mul3A_227 = arith.constant 4.471500e-02 : f32
      %mul3A_228 = vector.broadcast %mul3A_227 : f32 to vector<64x3072xf32>
      %mul3A_229 = arith.mulf %mul3A_228, %integer_pow3A_226 : vector<64x3072xf32>
      %add3A_230 = arith.addf %add3A_225, %mul3A_229 : vector<64x3072xf32>
      %mul3A_231 = arith.constant 0.797884583 : f32
      %mul3A_232 = vector.broadcast %mul3A_231 : f32 to vector<64x3072xf32>
      %mul3A_233 = arith.mulf %mul3A_232, %add3A_230 : vector<64x3072xf32>
      %tanh3A = math.tanh %mul3A_233 : vector<64x3072xf32>
      %add3A_234 = arith.constant 1.000000e+00 : f32
      %add3A_235 = vector.broadcast %add3A_234 : f32 to vector<64x3072xf32>
      %add3A_236 = arith.addf %add3A_235, %tanh3A : vector<64x3072xf32>
      %mul3A_237 = arith.constant 5.000000e-01 : f32
      %mul3A_238 = vector.broadcast %mul3A_237 : f32 to vector<64x3072xf32>
      %mul3A_239 = arith.mulf %mul3A_238, %add3A_236 : vector<64x3072xf32>
      %mul3A_240 = arith.mulf %add3A_225, %mul3A_239 : vector<64x3072xf32>
      %dot_general3A_241 = arith.constant dense<0.000000e+00> : vector<64x768xf32>
      %dot_general3A_242 = tpu.matmul %mul3A_240, %get3A_37, %dot_general3A_241 {dimension_numbers = #tpu.dot_dimension_numbers<[1], [0], [0], [1], [0, 0, 1, 1], [], []>, transpose_lhs_hint = false} : vector<64x3072xf32>, vector<3072x768xf32>, vector<64x768xf32> -> vector<64x768xf32>
      %add3A_243 = vector.broadcast %get3A_49 : vector<1x768xf32> to vector<64x768xf32>
      %add3A_244 = arith.addf %dot_general3A_242, %add3A_243 : vector<64x768xf32>
      %swap3A_245 = arith.index_cast %multiple_of3A : i32 to index
      %swap3A_246 = arith.constant 0 : index
      %swap3A_247 = vector.load %arg9[%swap3A_245, %swap3A_246] : memref<1024x768xf32, #tpu.memory_space<vmem>>, vector<64x768xf32>
      tpu.vector_store %arg9[%swap3A_245, %swap3A_246], %add3A_244 {strides = array<i32>} : memref<1024x768xf32, #tpu.memory_space<vmem>>, vector<64x768xf32>,
      %while3A_248 = arith.constant 0 : i32
      scf.yield %while3A_248 : i32
    }
    %dma_start3A_65 = arith.constant 2 : i32
    %dma_start3A_66 = arith.constant 0 : i32
    %dma_start3A_67 = arith.constant 0 : i32
    %dma_start3A_68 = tpu.memref_slice %arg5[%get3A_0, %dma_start3A_65, %dma_start3A_66, %dma_start3A_67] : memref<12x4x768x3072xf32, #tpu.memory_space<hbm>> -> memref<1x1x768x3072xf32, #tpu.memory_space<hbm>>
    %dma_start3A_69 = tpu.memref_squeeze %dma_start3A_68 : memref<1x1x768x3072xf32, #tpu.memory_space<hbm>> -> memref<768x3072xf32, #tpu.memory_space<hbm>>
    tpu.enqueue_dma source(%dma_start3A_69 : memref<768x3072xf32, #tpu.memory_space<hbm>>) target(%arg10 : memref<768x3072xf32, #tpu.memory_space<vmem>>) target_semaphore(%arg14 : memref<!tpu.dma_semaphore, #tpu.memory_space<semaphore_mem>>)
    %dma_start3A_70 = arith.constant 2 : i32
    %dma_start3A_71 = arith.constant 0 : i32
    %dma_start3A_72 = arith.constant 0 : i32
    %dma_start3A_73 = tpu.memref_slice %arg7[%get3A_0, %dma_start3A_70, %dma_start3A_71, %dma_start3A_72] : memref<12x4x3072x768xf32, #tpu.memory_space<hbm>> -> memref<1x1x3072x768xf32, #tpu.memory_space<hbm>>
    %dma_start3A_74 = tpu.memref_squeeze %dma_start3A_73 : memref<1x1x3072x768xf32, #tpu.memory_space<hbm>> -> memref<3072x768xf32, #tpu.memory_space<hbm>>
    tpu.enqueue_dma source(%dma_start3A_74 : memref<3072x768xf32, #tpu.memory_space<hbm>>) target(%arg12 : memref<3072x768xf32, #tpu.memory_space<vmem>>) target_semaphore(%arg16 : memref<!tpu.dma_semaphore, #tpu.memory_space<semaphore_mem>>)
    %dma_wait3A_75 = arith.constant 1 : i32
    %dma_wait3A_76 = arith.constant 0 : i32
    %dma_wait3A_77 = arith.constant 0 : i32
    %dma_wait3A_78 = tpu.memref_slice %arg5[%get3A_0, %dma_wait3A_75, %dma_wait3A_76, %dma_wait3A_77] : memref<12x4x768x3072xf32, #tpu.memory_space<hbm>> -> memref<1x1x768x3072xf32, #tpu.memory_space<hbm>>
    %dma_wait3A_79 = tpu.memref_squeeze %dma_wait3A_78 : memref<1x1x768x3072xf32, #tpu.memory_space<hbm>> -> memref<768x3072xf32, #tpu.memory_space<hbm>>
    tpu.wait_dma2 semaphore(%arg15 : memref<!tpu.dma_semaphore, #tpu.memory_space<semaphore_mem>>) src(%dma_wait3A_79 : memref<768x3072xf32, #tpu.memory_space<hbm>>) dst(%arg11 : memref<768x3072xf32, #tpu.memory_space<vmem>>)
    %dma_wait3A_80 = arith.constant 1 : i32
    %dma_wait3A_81 = arith.constant 0 : i32
    %dma_wait3A_82 = arith.constant 0 : i32
    %dma_wait3A_83 = tpu.memref_slice %arg7[%get3A_0, %dma_wait3A_80, %dma_wait3A_81, %dma_wait3A_82] : memref<12x4x3072x768xf32, #tpu.memory_space<hbm>> -> memref<1x1x3072x768xf32, #tpu.memory_space<hbm>>
    %dma_wait3A_84 = tpu.memref_squeeze %dma_wait3A_83 : memref<1x1x3072x768xf32, #tpu.memory_space<hbm>> -> memref<3072x768xf32, #tpu.memory_space<hbm>>
    tpu.wait_dma2 semaphore(%arg17 : memref<!tpu.dma_semaphore, #tpu.memory_space<semaphore_mem>>) src(%dma_wait3A_84 : memref<3072x768xf32, #tpu.memory_space<hbm>>) dst(%arg13 : memref<3072x768xf32, #tpu.memory_space<vmem>>)
    %get3A_85 = arith.constant 0 : index
    %get3A_86 = arith.constant 0 : index
    %get3A_87 = vector.load %arg11[%get3A_85, %get3A_86] : memref<768x3072xf32, #tpu.memory_space<vmem>>, vector<768x3072xf32>
    %get3A_88 = arith.constant 0 : index
    %get3A_89 = arith.constant 0 : index
    %get3A_90 = vector.load %arg13[%get3A_88, %get3A_89] : memref<3072x768xf32, #tpu.memory_space<vmem>>, vector<3072x768xf32>
    %get3A_91 = arith.constant 0 : index
    %get3A_92 = arith.constant 1 : index
    %get3A_93 = arith.constant 0 : index
    %get3A_94 = arith.constant 0 : index
    %get3A_95 = vector.load %arg6[%get3A_91, %get3A_92, %get3A_93, %get3A_94] : memref<1x4x1x3072xf32, #tpu.memory_space<vmem>>, vector<1x1x1x3072xf32>
    %get3A_96 = vector.shape_cast %get3A_95 : vector<1x1x1x3072xf32> to vector<1x3072xf32>
    %get3A_97 = arith.constant 0 : index
    %get3A_98 = arith.constant 1 : index
    %get3A_99 = arith.constant 0 : index
    %get3A_100 = arith.constant 0 : index
    %get3A_101 = vector.load %arg8[%get3A_97, %get3A_98, %get3A_99, %get3A_100] : memref<1x4x1x768xf32, #tpu.memory_space<vmem>>, vector<1x1x1x768xf32>
    %get3A_102 = vector.shape_cast %get3A_101 : vector<1x1x1x768xf32> to vector<1x768xf32>
    %get3A_103 = arith.constant 1 : index
    %get3A_104 = memref.load %arg2[%get3A_103] : memref<8xi32, #tpu.memory_space<smem>>
    %get3A_105 = arith.constant 1 : index
    %get3A_106 = memref.load %arg3[%get3A_105] : memref<8xi32, #tpu.memory_space<smem>>
    %while3A_107 = arith.constant 0 : i32
    %while3A_108 = arith.constant 0 : i32
    %while3A_109 = arith.subi %get3A_106, %while3A_107 : i32
    %while3A_110 = arith.addi %while3A_107, %while3A_109 : i32
    %while3A_111 = arith.constant 1 : i32
    %while3A_112 = arith.divsi %while3A_109, %while3A_111 : i32
    %while3A_113 = arith.muli %while3A_112, %while3A_111 : i32
    %while3A_114 = arith.addi %while3A_107, %while3A_113 : i32
    %while3A_115 = arith.constant 1 : i32
    %while3A_116 = scf.for %while3A_217 = %while3A_107 to %while3A_114 step %while3A_115 iter_args(%while3A_218 = %while3A_108) -> (i32)  : i32 {
      %add3A = arith.addi %get3A_104, %while3A_217 : i32
      %mul3A = arith.constant 64 : i32
      %mul3A_219 = arith.muli %add3A, %mul3A : i32
      %multiple_of3A = tpu.assume_multiple %mul3A_219, 64 : i32
      %get3A_220 = arith.index_cast %multiple_of3A : i32 to index
      %get3A_221 = arith.constant 0 : index
      %get3A_222 = vector.load %arg4[%get3A_220, %get3A_221] : memref<1024x768xf32, #tpu.memory_space<vmem>>, vector<64x768xf32>
      %dot_general3A = arith.constant dense<0.000000e+00> : vector<64x3072xf32>
      %dot_general3A_223 = tpu.matmul %get3A_222, %get3A_87, %dot_general3A {dimension_numbers = #tpu.dot_dimension_numbers<[1], [0], [0], [1], [0, 0, 1, 1], [], []>, transpose_lhs_hint = false} : vector<64x768xf32>, vector<768x3072xf32>, vector<64x3072xf32> -> vector<64x3072xf32>
      %add3A_224 = vector.broadcast %get3A_96 : vector<1x3072xf32> to vector<64x3072xf32>
      %add3A_225 = arith.addf %dot_general3A_223, %add3A_224 : vector<64x3072xf32>
      %integer_pow3A = arith.mulf %add3A_225, %add3A_225 : vector<64x3072xf32>
      %integer_pow3A_226 = arith.mulf %add3A_225, %integer_pow3A : vector<64x3072xf32>
      %mul3A_227 = arith.constant 4.471500e-02 : f32
      %mul3A_228 = vector.broadcast %mul3A_227 : f32 to vector<64x3072xf32>
      %mul3A_229 = arith.mulf %mul3A_228, %integer_pow3A_226 : vector<64x3072xf32>
      %add3A_230 = arith.addf %add3A_225, %mul3A_229 : vector<64x3072xf32>
      %mul3A_231 = arith.constant 0.797884583 : f32
      %mul3A_232 = vector.broadcast %mul3A_231 : f32 to vector<64x3072xf32>
      %mul3A_233 = arith.mulf %mul3A_232, %add3A_230 : vector<64x3072xf32>
      %tanh3A = math.tanh %mul3A_233 : vector<64x3072xf32>
      %add3A_234 = arith.constant 1.000000e+00 : f32
      %add3A_235 = vector.broadcast %add3A_234 : f32 to vector<64x3072xf32>
      %add3A_236 = arith.addf %add3A_235, %tanh3A : vector<64x3072xf32>
      %mul3A_237 = arith.constant 5.000000e-01 : f32
      %mul3A_238 = vector.broadcast %mul3A_237 : f32 to vector<64x3072xf32>
      %mul3A_239 = arith.mulf %mul3A_238, %add3A_236 : vector<64x3072xf32>
      %mul3A_240 = arith.mulf %add3A_225, %mul3A_239 : vector<64x3072xf32>
      %dot_general3A_241 = arith.constant dense<0.000000e+00> : vector<64x768xf32>
      %dot_general3A_242 = tpu.matmul %mul3A_240, %get3A_90, %dot_general3A_241 {dimension_numbers = #tpu.dot_dimension_numbers<[1], [0], [0], [1], [0, 0, 1, 1], [], []>, transpose_lhs_hint = false} : vector<64x3072xf32>, vector<3072x768xf32>, vector<64x768xf32> -> vector<64x768xf32>
      %add3A_243 = vector.broadcast %get3A_102 : vector<1x768xf32> to vector<64x768xf32>
      %add3A_244 = arith.addf %dot_general3A_242, %add3A_243 : vector<64x768xf32>
      %swap3A_245 = arith.index_cast %multiple_of3A : i32 to index
      %swap3A_246 = arith.constant 0 : index
      %swap3A_247 = vector.load %arg9[%swap3A_245, %swap3A_246] : memref<1024x768xf32, #tpu.memory_space<vmem>>, vector<64x768xf32>
      tpu.vector_store %arg9[%swap3A_245, %swap3A_246], %add3A_244 {strides = array<i32>} : memref<1024x768xf32, #tpu.memory_space<vmem>>, vector<64x768xf32>,
      %while3A_248 = arith.constant 0 : i32
      scf.yield %while3A_248 : i32
    }
    %while3A_117 = arith.constant 1 : i32
    %while3A_118 = scf.for %while3A_217 = %while3A_114 to %while3A_110 step %while3A_117 iter_args(%while3A_218 = %while3A_116) -> (i32)  : i32 {
      %add3A = arith.addi %get3A_104, %while3A_217 : i32
      %mul3A = arith.constant 64 : i32
      %mul3A_219 = arith.muli %add3A, %mul3A : i32
      %multiple_of3A = tpu.assume_multiple %mul3A_219, 64 : i32
      %get3A_220 = arith.index_cast %multiple_of3A : i32 to index
      %get3A_221 = arith.constant 0 : index
      %get3A_222 = vector.load %arg4[%get3A_220, %get3A_221] : memref<1024x768xf32, #tpu.memory_space<vmem>>, vector<64x768xf32>
      %dot_general3A = arith.constant dense<0.000000e+00> : vector<64x3072xf32>
      %dot_general3A_223 = tpu.matmul %get3A_222, %get3A_87, %dot_general3A {dimension_numbers = #tpu.dot_dimension_numbers<[1], [0], [0], [1], [0, 0, 1, 1], [], []>, transpose_lhs_hint = false} : vector<64x768xf32>, vector<768x3072xf32>, vector<64x3072xf32> -> vector<64x3072xf32>
      %add3A_224 = vector.broadcast %get3A_96 : vector<1x3072xf32> to vector<64x3072xf32>
      %add3A_225 = arith.addf %dot_general3A_223, %add3A_224 : vector<64x3072xf32>
      %integer_pow3A = arith.mulf %add3A_225, %add3A_225 : vector<64x3072xf32>
      %integer_pow3A_226 = arith.mulf %add3A_225, %integer_pow3A : vector<64x3072xf32>
      %mul3A_227 = arith.constant 4.471500e-02 : f32
      %mul3A_228 = vector.broadcast %mul3A_227 : f32 to vector<64x3072xf32>
      %mul3A_229 = arith.mulf %mul3A_228, %integer_pow3A_226 : vector<64x3072xf32>
      %add3A_230 = arith.addf %add3A_225, %mul3A_229 : vector<64x3072xf32>
      %mul3A_231 = arith.constant 0.797884583 : f32
      %mul3A_232 = vector.broadcast %mul3A_231 : f32 to vector<64x3072xf32>
      %mul3A_233 = arith.mulf %mul3A_232, %add3A_230 : vector<64x3072xf32>
      %tanh3A = math.tanh %mul3A_233 : vector<64x3072xf32>
      %add3A_234 = arith.constant 1.000000e+00 : f32
      %add3A_235 = vector.broadcast %add3A_234 : f32 to vector<64x3072xf32>
      %add3A_236 = arith.addf %add3A_235, %tanh3A : vector<64x3072xf32>
      %mul3A_237 = arith.constant 5.000000e-01 : f32
      %mul3A_238 = vector.broadcast %mul3A_237 : f32 to vector<64x3072xf32>
      %mul3A_239 = arith.mulf %mul3A_238, %add3A_236 : vector<64x3072xf32>
      %mul3A_240 = arith.mulf %add3A_225, %mul3A_239 : vector<64x3072xf32>
      %dot_general3A_241 = arith.constant dense<0.000000e+00> : vector<64x768xf32>
      %dot_general3A_242 = tpu.matmul %mul3A_240, %get3A_90, %dot_general3A_241 {dimension_numbers = #tpu.dot_dimension_numbers<[1], [0], [0], [1], [0, 0, 1, 1], [], []>, transpose_lhs_hint = false} : vector<64x3072xf32>, vector<3072x768xf32>, vector<64x768xf32> -> vector<64x768xf32>
      %add3A_243 = vector.broadcast %get3A_102 : vector<1x768xf32> to vector<64x768xf32>
      %add3A_244 = arith.addf %dot_general3A_242, %add3A_243 : vector<64x768xf32>
      %swap3A_245 = arith.index_cast %multiple_of3A : i32 to index
      %swap3A_246 = arith.constant 0 : index
      %swap3A_247 = vector.load %arg9[%swap3A_245, %swap3A_246] : memref<1024x768xf32, #tpu.memory_space<vmem>>, vector<64x768xf32>
      tpu.vector_store %arg9[%swap3A_245, %swap3A_246], %add3A_244 {strides = array<i32>} : memref<1024x768xf32, #tpu.memory_space<vmem>>, vector<64x768xf32>,
      %while3A_248 = arith.constant 0 : i32
      scf.yield %while3A_248 : i32
    }
    %dma_start3A_119 = arith.constant 3 : i32
    %dma_start3A_120 = arith.constant 0 : i32
    %dma_start3A_121 = arith.constant 0 : i32
    %dma_start3A_122 = tpu.memref_slice %arg5[%get3A_0, %dma_start3A_119, %dma_start3A_120, %dma_start3A_121] : memref<12x4x768x3072xf32, #tpu.memory_space<hbm>> -> memref<1x1x768x3072xf32, #tpu.memory_space<hbm>>
    %dma_start3A_123 = tpu.memref_squeeze %dma_start3A_122 : memref<1x1x768x3072xf32, #tpu.memory_space<hbm>> -> memref<768x3072xf32, #tpu.memory_space<hbm>>
    tpu.enqueue_dma source(%dma_start3A_123 : memref<768x3072xf32, #tpu.memory_space<hbm>>) target(%arg11 : memref<768x3072xf32, #tpu.memory_space<vmem>>) target_semaphore(%arg15 : memref<!tpu.dma_semaphore, #tpu.memory_space<semaphore_mem>>)
    %dma_start3A_124 = arith.constant 3 : i32
    %dma_start3A_125 = arith.constant 0 : i32
    %dma_start3A_126 = arith.constant 0 : i32
    %dma_start3A_127 = tpu.memref_slice %arg7[%get3A_0, %dma_start3A_124, %dma_start3A_125, %dma_start3A_126] : memref<12x4x3072x768xf32, #tpu.memory_space<hbm>> -> memref<1x1x3072x768xf32, #tpu.memory_space<hbm>>
    %dma_start3A_128 = tpu.memref_squeeze %dma_start3A_127 : memref<1x1x3072x768xf32, #tpu.memory_space<hbm>> -> memref<3072x768xf32, #tpu.memory_space<hbm>>
    tpu.enqueue_dma source(%dma_start3A_128 : memref<3072x768xf32, #tpu.memory_space<hbm>>) target(%arg13 : memref<3072x768xf32, #tpu.memory_space<vmem>>) target_semaphore(%arg17 : memref<!tpu.dma_semaphore, #tpu.memory_space<semaphore_mem>>)
    %dma_wait3A_129 = arith.constant 2 : i32
    %dma_wait3A_130 = arith.constant 0 : i32
    %dma_wait3A_131 = arith.constant 0 : i32
    %dma_wait3A_132 = tpu.memref_slice %arg5[%get3A_0, %dma_wait3A_129, %dma_wait3A_130, %dma_wait3A_131] : memref<12x4x768x3072xf32, #tpu.memory_space<hbm>> -> memref<1x1x768x3072xf32, #tpu.memory_space<hbm>>
    %dma_wait3A_133 = tpu.memref_squeeze %dma_wait3A_132 : memref<1x1x768x3072xf32, #tpu.memory_space<hbm>> -> memref<768x3072xf32, #tpu.memory_space<hbm>>
    tpu.wait_dma2 semaphore(%arg14 : memref<!tpu.dma_semaphore, #tpu.memory_space<semaphore_mem>>) src(%dma_wait3A_133 : memref<768x3072xf32, #tpu.memory_space<hbm>>) dst(%arg10 : memref<768x3072xf32, #tpu.memory_space<vmem>>)
    %dma_wait3A_134 = arith.constant 2 : i32
    %dma_wait3A_135 = arith.constant 0 : i32
    %dma_wait3A_136 = arith.constant 0 : i32
    %dma_wait3A_137 = tpu.memref_slice %arg7[%get3A_0, %dma_wait3A_134, %dma_wait3A_135, %dma_wait3A_136] : memref<12x4x3072x768xf32, #tpu.memory_space<hbm>> -> memref<1x1x3072x768xf32, #tpu.memory_space<hbm>>
    %dma_wait3A_138 = tpu.memref_squeeze %dma_wait3A_137 : memref<1x1x3072x768xf32, #tpu.memory_space<hbm>> -> memref<3072x768xf32, #tpu.memory_space<hbm>>
    tpu.wait_dma2 semaphore(%arg16 : memref<!tpu.dma_semaphore, #tpu.memory_space<semaphore_mem>>) src(%dma_wait3A_138 : memref<3072x768xf32, #tpu.memory_space<hbm>>) dst(%arg12 : memref<3072x768xf32, #tpu.memory_space<vmem>>)
    %get3A_139 = arith.constant 0 : index
    %get3A_140 = arith.constant 0 : index
    %get3A_141 = vector.load %arg10[%get3A_139, %get3A_140] : memref<768x3072xf32, #tpu.memory_space<vmem>>, vector<768x3072xf32>
    %get3A_142 = arith.constant 0 : index
    %get3A_143 = arith.constant 0 : index
    %get3A_144 = vector.load %arg12[%get3A_142, %get3A_143] : memref<3072x768xf32, #tpu.memory_space<vmem>>, vector<3072x768xf32>
    %get3A_145 = arith.constant 0 : index
    %get3A_146 = arith.constant 2 : index
    %get3A_147 = arith.constant 0 : index
    %get3A_148 = arith.constant 0 : index
    %get3A_149 = vector.load %arg6[%get3A_145, %get3A_146, %get3A_147, %get3A_148] : memref<1x4x1x3072xf32, #tpu.memory_space<vmem>>, vector<1x1x1x3072xf32>
    %get3A_150 = vector.shape_cast %get3A_149 : vector<1x1x1x3072xf32> to vector<1x3072xf32>
    %get3A_151 = arith.constant 0 : index
    %get3A_152 = arith.constant 2 : index
    %get3A_153 = arith.constant 0 : index
    %get3A_154 = arith.constant 0 : index
    %get3A_155 = vector.load %arg8[%get3A_151, %get3A_152, %get3A_153, %get3A_154] : memref<1x4x1x768xf32, #tpu.memory_space<vmem>>, vector<1x1x1x768xf32>
    %get3A_156 = vector.shape_cast %get3A_155 : vector<1x1x1x768xf32> to vector<1x768xf32>
    %get3A_157 = arith.constant 2 : index
    %get3A_158 = memref.load %arg2[%get3A_157] : memref<8xi32, #tpu.memory_space<smem>>
    %get3A_159 = arith.constant 2 : index
    %get3A_160 = memref.load %arg3[%get3A_159] : memref<8xi32, #tpu.memory_space<smem>>
    %while3A_161 = arith.constant 0 : i32
    %while3A_162 = arith.constant 0 : i32
    %while3A_163 = arith.subi %get3A_160, %while3A_161 : i32
    %while3A_164 = arith.addi %while3A_161, %while3A_163 : i32
    %while3A_165 = arith.constant 1 : i32
    %while3A_166 = arith.divsi %while3A_163, %while3A_165 : i32
    %while3A_167 = arith.muli %while3A_166, %while3A_165 : i32
    %while3A_168 = arith.addi %while3A_161, %while3A_167 : i32
    %while3A_169 = arith.constant 1 : i32
    %while3A_170 = scf.for %while3A_217 = %while3A_161 to %while3A_168 step %while3A_169 iter_args(%while3A_218 = %while3A_162) -> (i32)  : i32 {
      %add3A = arith.addi %get3A_158, %while3A_217 : i32
      %mul3A = arith.constant 64 : i32
      %mul3A_219 = arith.muli %add3A, %mul3A : i32
      %multiple_of3A = tpu.assume_multiple %mul3A_219, 64 : i32
      %get3A_220 = arith.index_cast %multiple_of3A : i32 to index
      %get3A_221 = arith.constant 0 : index
      %get3A_222 = vector.load %arg4[%get3A_220, %get3A_221] : memref<1024x768xf32, #tpu.memory_space<vmem>>, vector<64x768xf32>
      %dot_general3A = arith.constant dense<0.000000e+00> : vector<64x3072xf32>
      %dot_general3A_223 = tpu.matmul %get3A_222, %get3A_141, %dot_general3A {dimension_numbers = #tpu.dot_dimension_numbers<[1], [0], [0], [1], [0, 0, 1, 1], [], []>, transpose_lhs_hint = false} : vector<64x768xf32>, vector<768x3072xf32>, vector<64x3072xf32> -> vector<64x3072xf32>
      %add3A_224 = vector.broadcast %get3A_150 : vector<1x3072xf32> to vector<64x3072xf32>
      %add3A_225 = arith.addf %dot_general3A_223, %add3A_224 : vector<64x3072xf32>
      %integer_pow3A = arith.mulf %add3A_225, %add3A_225 : vector<64x3072xf32>
      %integer_pow3A_226 = arith.mulf %add3A_225, %integer_pow3A : vector<64x3072xf32>
      %mul3A_227 = arith.constant 4.471500e-02 : f32
      %mul3A_228 = vector.broadcast %mul3A_227 : f32 to vector<64x3072xf32>
      %mul3A_229 = arith.mulf %mul3A_228, %integer_pow3A_226 : vector<64x3072xf32>
      %add3A_230 = arith.addf %add3A_225, %mul3A_229 : vector<64x3072xf32>
      %mul3A_231 = arith.constant 0.797884583 : f32
      %mul3A_232 = vector.broadcast %mul3A_231 : f32 to vector<64x3072xf32>
      %mul3A_233 = arith.mulf %mul3A_232, %add3A_230 : vector<64x3072xf32>
      %tanh3A = math.tanh %mul3A_233 : vector<64x3072xf32>
      %add3A_234 = arith.constant 1.000000e+00 : f32
      %add3A_235 = vector.broadcast %add3A_234 : f32 to vector<64x3072xf32>
      %add3A_236 = arith.addf %add3A_235, %tanh3A : vector<64x3072xf32>
      %mul3A_237 = arith.constant 5.000000e-01 : f32
      %mul3A_238 = vector.broadcast %mul3A_237 : f32 to vector<64x3072xf32>
      %mul3A_239 = arith.mulf %mul3A_238, %add3A_236 : vector<64x3072xf32>
      %mul3A_240 = arith.mulf %add3A_225, %mul3A_239 : vector<64x3072xf32>
      %dot_general3A_241 = arith.constant dense<0.000000e+00> : vector<64x768xf32>
      %dot_general3A_242 = tpu.matmul %mul3A_240, %get3A_144, %dot_general3A_241 {dimension_numbers = #tpu.dot_dimension_numbers<[1], [0], [0], [1], [0, 0, 1, 1], [], []>, transpose_lhs_hint = false} : vector<64x3072xf32>, vector<3072x768xf32>, vector<64x768xf32> -> vector<64x768xf32>
      %add3A_243 = vector.broadcast %get3A_156 : vector<1x768xf32> to vector<64x768xf32>
      %add3A_244 = arith.addf %dot_general3A_242, %add3A_243 : vector<64x768xf32>
      %swap3A_245 = arith.index_cast %multiple_of3A : i32 to index
      %swap3A_246 = arith.constant 0 : index
      %swap3A_247 = vector.load %arg9[%swap3A_245, %swap3A_246] : memref<1024x768xf32, #tpu.memory_space<vmem>>, vector<64x768xf32>
      tpu.vector_store %arg9[%swap3A_245, %swap3A_246], %add3A_244 {strides = array<i32>} : memref<1024x768xf32, #tpu.memory_space<vmem>>, vector<64x768xf32>,
      %while3A_248 = arith.constant 0 : i32
      scf.yield %while3A_248 : i32
    }
    %while3A_171 = arith.constant 1 : i32
    %while3A_172 = scf.for %while3A_217 = %while3A_168 to %while3A_164 step %while3A_171 iter_args(%while3A_218 = %while3A_170) -> (i32)  : i32 {
      %add3A = arith.addi %get3A_158, %while3A_217 : i32
      %mul3A = arith.constant 64 : i32
      %mul3A_219 = arith.muli %add3A, %mul3A : i32
      %multiple_of3A = tpu.assume_multiple %mul3A_219, 64 : i32
      %get3A_220 = arith.index_cast %multiple_of3A : i32 to index
      %get3A_221 = arith.constant 0 : index
      %get3A_222 = vector.load %arg4[%get3A_220, %get3A_221] : memref<1024x768xf32, #tpu.memory_space<vmem>>, vector<64x768xf32>
      %dot_general3A = arith.constant dense<0.000000e+00> : vector<64x3072xf32>
      %dot_general3A_223 = tpu.matmul %get3A_222, %get3A_141, %dot_general3A {dimension_numbers = #tpu.dot_dimension_numbers<[1], [0], [0], [1], [0, 0, 1, 1], [], []>, transpose_lhs_hint = false} : vector<64x768xf32>, vector<768x3072xf32>, vector<64x3072xf32> -> vector<64x3072xf32>
      %add3A_224 = vector.broadcast %get3A_150 : vector<1x3072xf32> to vector<64x3072xf32>
      %add3A_225 = arith.addf %dot_general3A_223, %add3A_224 : vector<64x3072xf32>
      %integer_pow3A = arith.mulf %add3A_225, %add3A_225 : vector<64x3072xf32>
      %integer_pow3A_226 = arith.mulf %add3A_225, %integer_pow3A : vector<64x3072xf32>
      %mul3A_227 = arith.constant 4.471500e-02 : f32
      %mul3A_228 = vector.broadcast %mul3A_227 : f32 to vector<64x3072xf32>
      %mul3A_229 = arith.mulf %mul3A_228, %integer_pow3A_226 : vector<64x3072xf32>
      %add3A_230 = arith.addf %add3A_225, %mul3A_229 : vector<64x3072xf32>
      %mul3A_231 = arith.constant 0.797884583 : f32
      %mul3A_232 = vector.broadcast %mul3A_231 : f32 to vector<64x3072xf32>
      %mul3A_233 = arith.mulf %mul3A_232, %add3A_230 : vector<64x3072xf32>
      %tanh3A = math.tanh %mul3A_233 : vector<64x3072xf32>
      %add3A_234 = arith.constant 1.000000e+00 : f32
      %add3A_235 = vector.broadcast %add3A_234 : f32 to vector<64x3072xf32>
      %add3A_236 = arith.addf %add3A_235, %tanh3A : vector<64x3072xf32>
      %mul3A_237 = arith.constant 5.000000e-01 : f32
      %mul3A_238 = vector.broadcast %mul3A_237 : f32 to vector<64x3072xf32>
      %mul3A_239 = arith.mulf %mul3A_238, %add3A_236 : vector<64x3072xf32>
      %mul3A_240 = arith.mulf %add3A_225, %mul3A_239 : vector<64x3072xf32>
      %dot_general3A_241 = arith.constant dense<0.000000e+00> : vector<64x768xf32>
      %dot_general3A_242 = tpu.matmul %mul3A_240, %get3A_144, %dot_general3A_241 {dimension_numbers = #tpu.dot_dimension_numbers<[1], [0], [0], [1], [0, 0, 1, 1], [], []>, transpose_lhs_hint = false} : vector<64x3072xf32>, vector<3072x768xf32>, vector<64x768xf32> -> vector<64x768xf32>
      %add3A_243 = vector.broadcast %get3A_156 : vector<1x768xf32> to vector<64x768xf32>
      %add3A_244 = arith.addf %dot_general3A_242, %add3A_243 : vector<64x768xf32>
      %swap3A_245 = arith.index_cast %multiple_of3A : i32 to index
      %swap3A_246 = arith.constant 0 : index
      %swap3A_247 = vector.load %arg9[%swap3A_245, %swap3A_246] : memref<1024x768xf32, #tpu.memory_space<vmem>>, vector<64x768xf32>
      tpu.vector_store %arg9[%swap3A_245, %swap3A_246], %add3A_244 {strides = array<i32>} : memref<1024x768xf32, #tpu.memory_space<vmem>>, vector<64x768xf32>,
      %while3A_248 = arith.constant 0 : i32
      scf.yield %while3A_248 : i32
    }
    %dma_wait3A_173 = arith.constant 3 : i32
    %dma_wait3A_174 = arith.constant 0 : i32
    %dma_wait3A_175 = arith.constant 0 : i32
    %dma_wait3A_176 = tpu.memref_slice %arg5[%get3A_0, %dma_wait3A_173, %dma_wait3A_174, %dma_wait3A_175] : memref<12x4x768x3072xf32, #tpu.memory_space<hbm>> -> memref<1x1x768x3072xf32, #tpu.memory_space<hbm>>
    %dma_wait3A_177 = tpu.memref_squeeze %dma_wait3A_176 : memref<1x1x768x3072xf32, #tpu.memory_space<hbm>> -> memref<768x3072xf32, #tpu.memory_space<hbm>>
    tpu.wait_dma2 semaphore(%arg15 : memref<!tpu.dma_semaphore, #tpu.memory_space<semaphore_mem>>) src(%dma_wait3A_177 : memref<768x3072xf32, #tpu.memory_space<hbm>>) dst(%arg11 : memref<768x3072xf32, #tpu.memory_space<vmem>>)
    %dma_wait3A_178 = arith.constant 3 : i32
    %dma_wait3A_179 = arith.constant 0 : i32
    %dma_wait3A_180 = arith.constant 0 : i32
    %dma_wait3A_181 = tpu.memref_slice %arg7[%get3A_0, %dma_wait3A_178, %dma_wait3A_179, %dma_wait3A_180] : memref<12x4x3072x768xf32, #tpu.memory_space<hbm>> -> memref<1x1x3072x768xf32, #tpu.memory_space<hbm>>
    %dma_wait3A_182 = tpu.memref_squeeze %dma_wait3A_181 : memref<1x1x3072x768xf32, #tpu.memory_space<hbm>> -> memref<3072x768xf32, #tpu.memory_space<hbm>>
    tpu.wait_dma2 semaphore(%arg17 : memref<!tpu.dma_semaphore, #tpu.memory_space<semaphore_mem>>) src(%dma_wait3A_182 : memref<3072x768xf32, #tpu.memory_space<hbm>>) dst(%arg13 : memref<3072x768xf32, #tpu.memory_space<vmem>>)
    %get3A_183 = arith.constant 0 : index
    %get3A_184 = arith.constant 0 : index
    %get3A_185 = vector.load %arg11[%get3A_183, %get3A_184] : memref<768x3072xf32, #tpu.memory_space<vmem>>, vector<768x3072xf32>
    %get3A_186 = arith.constant 0 : index
    %get3A_187 = arith.constant 0 : index
    %get3A_188 = vector.load %arg13[%get3A_186, %get3A_187] : memref<3072x768xf32, #tpu.memory_space<vmem>>, vector<3072x768xf32>
    %get3A_189 = arith.constant 0 : index
    %get3A_190 = arith.constant 3 : index
    %get3A_191 = arith.constant 0 : index
    %get3A_192 = arith.constant 0 : index
    %get3A_193 = vector.load %arg6[%get3A_189, %get3A_190, %get3A_191, %get3A_192] : memref<1x4x1x3072xf32, #tpu.memory_space<vmem>>, vector<1x1x1x3072xf32>
    %get3A_194 = vector.shape_cast %get3A_193 : vector<1x1x1x3072xf32> to vector<1x3072xf32>
    %get3A_195 = arith.constant 0 : index
    %get3A_196 = arith.constant 3 : index
    %get3A_197 = arith.constant 0 : index
    %get3A_198 = arith.constant 0 : index
    %get3A_199 = vector.load %arg8[%get3A_195, %get3A_196, %get3A_197, %get3A_198] : memref<1x4x1x768xf32, #tpu.memory_space<vmem>>, vector<1x1x1x768xf32>
    %get3A_200 = vector.shape_cast %get3A_199 : vector<1x1x1x768xf32> to vector<1x768xf32>
    %get3A_201 = arith.constant 3 : index
    %get3A_202 = memref.load %arg2[%get3A_201] : memref<8xi32, #tpu.memory_space<smem>>
    %get3A_203 = arith.constant 3 : index
    %get3A_204 = memref.load %arg3[%get3A_203] : memref<8xi32, #tpu.memory_space<smem>>
    %while3A_205 = arith.constant 0 : i32
    %while3A_206 = arith.constant 0 : i32
    %while3A_207 = arith.subi %get3A_204, %while3A_205 : i32
    %while3A_208 = arith.addi %while3A_205, %while3A_207 : i32
    %while3A_209 = arith.constant 1 : i32
    %while3A_210 = arith.divsi %while3A_207, %while3A_209 : i32
    %while3A_211 = arith.muli %while3A_210, %while3A_209 : i32
    %while3A_212 = arith.addi %while3A_205, %while3A_211 : i32
    %while3A_213 = arith.constant 1 : i32
    %while3A_214 = scf.for %while3A_217 = %while3A_205 to %while3A_212 step %while3A_213 iter_args(%while3A_218 = %while3A_206) -> (i32)  : i32 {
      %add3A = arith.addi %get3A_202, %while3A_217 : i32
      %mul3A = arith.constant 64 : i32
      %mul3A_219 = arith.muli %add3A, %mul3A : i32
      %multiple_of3A = tpu.assume_multiple %mul3A_219, 64 : i32
      %get3A_220 = arith.index_cast %multiple_of3A : i32 to index
      %get3A_221 = arith.constant 0 : index
      %get3A_222 = vector.load %arg4[%get3A_220, %get3A_221] : memref<1024x768xf32, #tpu.memory_space<vmem>>, vector<64x768xf32>
      %dot_general3A = arith.constant dense<0.000000e+00> : vector<64x3072xf32>
      %dot_general3A_223 = tpu.matmul %get3A_222, %get3A_185, %dot_general3A {dimension_numbers = #tpu.dot_dimension_numbers<[1], [0], [0], [1], [0, 0, 1, 1], [], []>, transpose_lhs_hint = false} : vector<64x768xf32>, vector<768x3072xf32>, vector<64x3072xf32> -> vector<64x3072xf32>
      %add3A_224 = vector.broadcast %get3A_194 : vector<1x3072xf32> to vector<64x3072xf32>
      %add3A_225 = arith.addf %dot_general3A_223, %add3A_224 : vector<64x3072xf32>
      %integer_pow3A = arith.mulf %add3A_225, %add3A_225 : vector<64x3072xf32>
      %integer_pow3A_226 = arith.mulf %add3A_225, %integer_pow3A : vector<64x3072xf32>
      %mul3A_227 = arith.constant 4.471500e-02 : f32
      %mul3A_228 = vector.broadcast %mul3A_227 : f32 to vector<64x3072xf32>
      %mul3A_229 = arith.mulf %mul3A_228, %integer_pow3A_226 : vector<64x3072xf32>
      %add3A_230 = arith.addf %add3A_225, %mul3A_229 : vector<64x3072xf32>
      %mul3A_231 = arith.constant 0.797884583 : f32
      %mul3A_232 = vector.broadcast %mul3A_231 : f32 to vector<64x3072xf32>
      %mul3A_233 = arith.mulf %mul3A_232, %add3A_230 : vector<64x3072xf32>
      %tanh3A = math.tanh %mul3A_233 : vector<64x3072xf32>
      %add3A_234 = arith.constant 1.000000e+00 : f32
      %add3A_235 = vector.broadcast %add3A_234 : f32 to vector<64x3072xf32>
      %add3A_236 = arith.addf %add3A_235, %tanh3A : vector<64x3072xf32>
      %mul3A_237 = arith.constant 5.000000e-01 : f32
      %mul3A_238 = vector.broadcast %mul3A_237 : f32 to vector<64x3072xf32>
      %mul3A_239 = arith.mulf %mul3A_238, %add3A_236 : vector<64x3072xf32>
      %mul3A_240 = arith.mulf %add3A_225, %mul3A_239 : vector<64x3072xf32>
      %dot_general3A_241 = arith.constant dense<0.000000e+00> : vector<64x768xf32>
      %dot_general3A_242 = tpu.matmul %mul3A_240, %get3A_188, %dot_general3A_241 {dimension_numbers = #tpu.dot_dimension_numbers<[1], [0], [0], [1], [0, 0, 1, 1], [], []>, transpose_lhs_hint = false} : vector<64x3072xf32>, vector<3072x768xf32>, vector<64x768xf32> -> vector<64x768xf32>
      %add3A_243 = vector.broadcast %get3A_200 : vector<1x768xf32> to vector<64x768xf32>
      %add3A_244 = arith.addf %dot_general3A_242, %add3A_243 : vector<64x768xf32>
      %swap3A_245 = arith.index_cast %multiple_of3A : i32 to index
      %swap3A_246 = arith.constant 0 : index
      %swap3A_247 = vector.load %arg9[%swap3A_245, %swap3A_246] : memref<1024x768xf32, #tpu.memory_space<vmem>>, vector<64x768xf32>
      tpu.vector_store %arg9[%swap3A_245, %swap3A_246], %add3A_244 {strides = array<i32>} : memref<1024x768xf32, #tpu.memory_space<vmem>>, vector<64x768xf32>,
      %while3A_248 = arith.constant 0 : i32
      scf.yield %while3A_248 : i32
    }
    %while3A_215 = arith.constant 1 : i32
    %while3A_216 = scf.for %while3A_217 = %while3A_212 to %while3A_208 step %while3A_215 iter_args(%while3A_218 = %while3A_214) -> (i32)  : i32 {
      %add3A = arith.addi %get3A_202, %while3A_217 : i32
      %mul3A = arith.constant 64 : i32
      %mul3A_219 = arith.muli %add3A, %mul3A : i32
      %multiple_of3A = tpu.assume_multiple %mul3A_219, 64 : i32
      %get3A_220 = arith.index_cast %multiple_of3A : i32 to index
      %get3A_221 = arith.constant 0 : index
      %get3A_222 = vector.load %arg4[%get3A_220, %get3A_221] : memref<1024x768xf32, #tpu.memory_space<vmem>>, vector<64x768xf32>
      %dot_general3A = arith.constant dense<0.000000e+00> : vector<64x3072xf32>
      %dot_general3A_223 = tpu.matmul %get3A_222, %get3A_185, %dot_general3A {dimension_numbers = #tpu.dot_dimension_numbers<[1], [0], [0], [1], [0, 0, 1, 1], [], []>, transpose_lhs_hint = false} : vector<64x768xf32>, vector<768x3072xf32>, vector<64x3072xf32> -> vector<64x3072xf32>
      %add3A_224 = vector.broadcast %get3A_194 : vector<1x3072xf32> to vector<64x3072xf32>
      %add3A_225 = arith.addf %dot_general3A_223, %add3A_224 : vector<64x3072xf32>
      %integer_pow3A = arith.mulf %add3A_225, %add3A_225 : vector<64x3072xf32>
      %integer_pow3A_226 = arith.mulf %add3A_225, %integer_pow3A : vector<64x3072xf32>
      %mul3A_227 = arith.constant 4.471500e-02 : f32
      %mul3A_228 = vector.broadcast %mul3A_227 : f32 to vector<64x3072xf32>
      %mul3A_229 = arith.mulf %mul3A_228, %integer_pow3A_226 : vector<64x3072xf32>
      %add3A_230 = arith.addf %add3A_225, %mul3A_229 : vector<64x3072xf32>
      %mul3A_231 = arith.constant 0.797884583 : f32
      %mul3A_232 = vector.broadcast %mul3A_231 : f32 to vector<64x3072xf32>
      %mul3A_233 = arith.mulf %mul3A_232, %add3A_230 : vector<64x3072xf32>
      %tanh3A = math.tanh %mul3A_233 : vector<64x3072xf32>
      %add3A_234 = arith.constant 1.000000e+00 : f32
      %add3A_235 = vector.broadcast %add3A_234 : f32 to vector<64x3072xf32>
      %add3A_236 = arith.addf %add3A_235, %tanh3A : vector<64x3072xf32>
      %mul3A_237 = arith.constant 5.000000e-01 : f32
      %mul3A_238 = vector.broadcast %mul3A_237 : f32 to vector<64x3072xf32>
      %mul3A_239 = arith.mulf %mul3A_238, %add3A_236 : vector<64x3072xf32>
      %mul3A_240 = arith.mulf %add3A_225, %mul3A_239 : vector<64x3072xf32>
      %dot_general3A_241 = arith.constant dense<0.000000e+00> : vector<64x768xf32>
      %dot_general3A_242 = tpu.matmul %mul3A_240, %get3A_188, %dot_general3A_241 {dimension_numbers = #tpu.dot_dimension_numbers<[1], [0], [0], [1], [0, 0, 1, 1], [], []>, transpose_lhs_hint = false} : vector<64x3072xf32>, vector<3072x768xf32>, vector<64x768xf32> -> vector<64x768xf32>
      %add3A_243 = vector.broadcast %get3A_200 : vector<1x768xf32> to vector<64x768xf32>
      %add3A_244 = arith.addf %dot_general3A_242, %add3A_243 : vector<64x768xf32>
      %swap3A_245 = arith.index_cast %multiple_of3A : i32 to index
      %swap3A_246 = arith.constant 0 : index
      %swap3A_247 = vector.load %arg9[%swap3A_245, %swap3A_246] : memref<1024x768xf32, #tpu.memory_space<vmem>>, vector<64x768xf32>
      tpu.vector_store %arg9[%swap3A_245, %swap3A_246], %add3A_244 {strides = array<i32>} : memref<1024x768xf32, #tpu.memory_space<vmem>>, vector<64x768xf32>,
      %while3A_248 = arith.constant 0 : i32
      scf.yield %while3A_248 : i32
    }
    return
  }
  func.func @transform_0(%arg0: i32, %arg1: memref<1xi32, #tpu.memory_space<smem>>, %arg2: memref<8xi32, #tpu.memory_space<smem>>, %arg3: memref<8xi32, #tpu.memory_space<smem>>) -> (i32, i32) {
    %c0_i32 = arith.constant 0 : i32
    %c0_i32_0 = arith.constant 0 : i32
    %c0_i32_1 = arith.constant 0 : i32
    return %c0_i32, %c0_i32_0 : i32, i32
  }
  func.func @transform_2(%arg0: i32, %arg1: memref<1xi32, #tpu.memory_space<smem>>, %arg2: memref<8xi32, #tpu.memory_space<smem>>, %arg3: memref<8xi32, #tpu.memory_space<smem>>) -> (i32, i32, i32, i32) {
    %get3A = arith.constant 0 : index
    %get3A_0 = memref.load %arg1[%get3A] : memref<1xi32, #tpu.memory_space<smem>>
    %c0_i32 = arith.constant 0 : i32
    %c0_i32_1 = arith.constant 0 : i32
    %c0_i32_2 = arith.constant 0 : i32
    %c0_i32_3 = arith.constant 0 : i32
    return %get3A_0, %c0_i32, %c0_i32_1, %c0_i32_2 : i32, i32, i32, i32
  }
  func.func @transform_4(%arg0: i32, %arg1: memref<1xi32, #tpu.memory_space<smem>>, %arg2: memref<8xi32, #tpu.memory_space<smem>>, %arg3: memref<8xi32, #tpu.memory_space<smem>>) -> (i32, i32, i32, i32) {
    %get3A = arith.constant 0 : index
    %get3A_0 = memref.load %arg1[%get3A] : memref<1xi32, #tpu.memory_space<smem>>
    %c0_i32 = arith.constant 0 : i32
    %c0_i32_1 = arith.constant 0 : i32
    %c0_i32_2 = arith.constant 0 : i32
    %c0_i32_3 = arith.constant 0 : i32
    return %get3A_0, %c0_i32, %c0_i32_1, %c0_i32_2 : i32, i32, i32, i32
  }
  func.func @transform_5(%arg0: i32, %arg1: memref<1xi32, #tpu.memory_space<smem>>, %arg2: memref<8xi32, #tpu.memory_space<smem>>, %arg3: memref<8xi32, #tpu.memory_space<smem>>) -> (i32, i32) {
    %c0_i32 = arith.constant 0 : i32
    %c0_i32_0 = arith.constant 0 : i32
    %c0_i32_1 = arith.constant 0 : i32
    return %c0_i32, %c0_i32_0 : i32, i32
  }
}

module attributes {stable_mosaic.version = 14 : i64} {
  func.func @_head_body(%arg0: memref<8x768xf32, #tpu.memory_space<vmem>>, %arg1: memref<8x128xf32, #tpu.memory_space<vmem>>, %arg2: memref<1024x768xf32, #tpu.memory_space<vmem>>, %arg3: memref<768x1024xf32, #tpu.memory_space<vmem>>, %arg4: memref<1x1024xf32, #tpu.memory_space<vmem>>, %arg5: memref<8x1024xf32, #tpu.memory_space<vmem>>) attributes {dimension_semantics = [], scalar_prefetch = 0 : i64, scratch_operands = 0 : i64, tpu.core_type = #tpu.core_type<tc>} {
    %get3A = arith.constant 0 : index
    %get3A_0 = arith.constant 0 : index
    %get3A_1 = vector.load %arg1[%get3A, %get3A_0] : memref<8x128xf32, #tpu.memory_space<vmem>>, vector<8x128xf32>
    %slice3A = vector.extract_strided_slice %get3A_1 {offsets = [0, 0], sizes = [8, 1], strides = [1, 1]} : vector<8x128xf32> to vector<8x1xf32>
    %convert_element_type3A = arith.fptosi %slice3A : vector<8x1xf32> to vector<8x1xi32>
    %slice3A_2 = vector.extract_strided_slice %get3A_1 {offsets = [0, 1], sizes = [8, 1], strides = [1, 1]} : vector<8x128xf32> to vector<8x1xf32>
    %iota3A = tpu.iota {dimensions = array<i32: 1>} : vector<8x1024xi32>
    %eq3A = vector.broadcast %convert_element_type3A : vector<8x1xi32> to vector<8x1024xi32>
    %eq3A_3 = arith.cmpi eq, %iota3A, %eq3A : vector<8x1024xi32>
    %jit3A = arith.constant 0.000000e+00 : f32
    %broadcast_in_dim3A = vector.shape_cast %slice3A_2 : vector<8x1xf32> to vector<8x1xf32>
    %broadcast_in_dim3A_4 = vector.broadcast %broadcast_in_dim3A : vector<8x1xf32> to vector<8x1024xf32>
    %broadcast_in_dim3A_5 = vector.broadcast %jit3A : f32 to vector<8x1024xf32>
    %select_n3A = arith.select %eq3A_3, %broadcast_in_dim3A_4, %broadcast_in_dim3A_5 : vector<8x1024xi1>, vector<8x1024xf32>
    %get3A_6 = arith.constant 0 : index
    %get3A_7 = arith.constant 0 : index
    %get3A_8 = vector.load %arg0[%get3A_6, %get3A_7] : memref<8x768xf32, #tpu.memory_space<vmem>>, vector<8x768xf32>
    %get3A_9 = arith.constant 0 : index
    %get3A_10 = arith.constant 0 : index
    %get3A_11 = vector.load %arg2[%get3A_9, %get3A_10] : memref<1024x768xf32, #tpu.memory_space<vmem>>, vector<1024x768xf32>
    %dot_general3A = arith.constant dense<0.000000e+00> : vector<8x768xf32>
    %dot_general3A_12 = tpu.matmul %select_n3A, %get3A_11, %dot_general3A {dimension_numbers = #tpu.dot_dimension_numbers<[1], [0], [0], [1], [0, 0, 1, 1], [], []>, transpose_lhs_hint = false} : vector<8x1024xf32>, vector<1024x768xf32>, vector<8x768xf32> -> vector<8x768xf32>
    %add3A = arith.addf %get3A_8, %dot_general3A_12 : vector<8x768xf32>
    %get3A_13 = arith.constant 0 : index
    %get3A_14 = arith.constant 0 : index
    %get3A_15 = vector.load %arg3[%get3A_13, %get3A_14] : memref<768x1024xf32, #tpu.memory_space<vmem>>, vector<768x1024xf32>
    %dot_general3A_16 = arith.constant dense<0.000000e+00> : vector<8x1024xf32>
    %dot_general3A_17 = tpu.matmul %add3A, %get3A_15, %dot_general3A_16 {dimension_numbers = #tpu.dot_dimension_numbers<[1], [0], [0], [1], [0, 0, 1, 1], [], []>, transpose_lhs_hint = false} : vector<8x768xf32>, vector<768x1024xf32>, vector<8x1024xf32> -> vector<8x1024xf32>
    %get3A_18 = arith.constant 0 : index
    %get3A_19 = arith.constant 0 : index
    %get3A_20 = vector.load %arg4[%get3A_18, %get3A_19] : memref<1x1024xf32, #tpu.memory_space<vmem>>, vector<1x1024xf32>
    %add3A_21 = vector.broadcast %get3A_20 : vector<1x1024xf32> to vector<8x1024xf32>
    %add3A_22 = arith.addf %dot_general3A_17, %add3A_21 : vector<8x1024xf32>
    %swap3A = arith.constant 0 : index
    %swap3A_23 = arith.constant 0 : index
    %swap3A_24 = vector.load %arg5[%swap3A, %swap3A_23] : memref<8x1024xf32, #tpu.memory_space<vmem>>, vector<8x1024xf32>
    tpu.vector_store %arg5[%swap3A, %swap3A_23], %add3A_22 {strides = array<i32>} : memref<8x1024xf32, #tpu.memory_space<vmem>>, vector<8x1024xf32>,
    return
  }
}

</mosaic_0001>

<sc_bundles>
// kernel: kernel.40.cloned.1.call-start
scs
__scs_entry_jumppad:
0x0: {  	(pc) =	sbr.rel $0x88, $3  }
0x1: {  	(tag) =	ssettag $0x0;
	lr =	simm.s32 $0x1  }
0x2: {  	[smem:$0x3F8D] =	sst lr;
	_ =	strace $0xD0000000  }
0x3: {  	_ = 	snop  }
0x4: {  	_ = 	snop  }
0x5: {  	_ = 	snop  }
0x6: {  	_ = 	snop  }
0x7: {  	_ = 	snop  }
__scs_overlays_trampoline_lowered:
0x8: {  	[smem:$0x3F9C] =	sst s0  }
0x9: {  	[smem:$0x3F9D] =	sst s1  }
0xa: {  	[smem:$0x3F9E] =	sst s2  }
0xb: {  	[smem:$0x3F9F] =	sst s3  }
0xc: {  	[smem:$0x3FA0] =	sst s4  }
0xd: {  	[smem:$0x3FA1] =	sst s5  }
0xe: {  	[smem:$0x3FA2] =	sst s6  }
0xf: {  	[smem:$0x3FA3] =	sst s7  }
0x10: {  	[smem:$0x3FA4] =	sst s8  }
0x11: {  	[smem:$0x3FA5] =	sst s9;
	s0 =	simm.s32 @!p0 $0x0  }
0x12: {  	s1 =	sld [smem:$0x3F8B];
	s0 =	simm.s32 @p0 $0x1  }
0x13: {  	[smem:$0x3FA6] =	sst s0;
	s0 =	simm.s32 @!p1 $0x0  }
0x14: {  	s2 =	sld [smem:$0x3F8A];
	s0 =	simm.s32 @p1 $0x1  }
0x15: {  	[smem:$0x3FA7] =	sst s0;
	s0 =	simm.s32 @!p2 $0x0  }
0x16: {  	s3 =	sld [smem:$0x3FDB];
	s0 =	simm.s32 @p2 $0x1  }
0x17: {  	s4 =	simm.s32 $0x1BF5;
	[smem:$0x3FA9] =	sst s0  }
0x18: {  	s0 =	sld [smem:$0x3F8C];
	_ =	swait.ge [sflag:s4], $0x0  }
0x19: {  	s7 =	sld [smem:$0x3F8D]  }
0x1a: {  	s8 =	sadd.s32 $0xFFFFE003, lr  }
0x1b: {  	s9 =	sadd.s32 $0xFFFFFEF7, lr;
	s5 =	simm.s32 $0xFFFFFFFF;
	p2 =	slt.u32 s8, $0xFFFFF086  }
0x1c: {  	p1 =	slt.u32 s9, $0xF7A;
	s5 =	simm.s32 @!p2 $0x0  }
0x1d: {  	s5 =	simm.s32 @p1 $0x1;
	p0 =	seq.s32 s7, s2  }
0x1e: {  	s7 =	smul.u32 @!p0 $0xF7A, s2;
	p2 =	seq.s32 @!p0 s5, $0x0  }
0x1f: {  	s9 =	smul.u32 $0xF7A, s1;
	s8 =	simm.s32 @!p0 $0x1BF5;
	p2 =	por !p2, p0  }
0x20: {  	[sflag:s8] =	ssyncset.s32 @!p0 $0xFFFFF086;
	s6 =	sadd.s32 @!p0 s3, s7;
	s7 =	simm.s32 @!p0 $0x108  }
0x21: {  	s3 =	sadd.s32 s3, s9;
	s6 =	sadd.s32 @!p0 $0x88, s6;
	s7 =	simm.s32 @p2 $0x1082  }
0x22: {  	[simem:s7], [sflag:s8] =	dma.local @!p0 [hbm:s6], $0xF7A  }
0x23: {  	s9 =	sor.u32 $0xD0000000, s2;
	s6 =	simm.s32 $0x108;
	_ =	swait.ge @!p0 [sflag:s8], $0x0  }
0x24: {  	s3 =	sadd.s32 $0x88, s3;
	s6 =	simm.s32 @!p1 $0x1082;
	[sflag:s4] =	ssyncset.s32 $0xFFFFF086  }
0x25: {  	[simem:s6], [sflag:s4] =	dma.local [hbm:s3], $0xF7A  }
0x26: {  	[smem:$0x3F8D] =	sst s1;
	(tag) =	ssettag s2;
	_ =	strace s9  }
0x27: {  	s1 =	sld [smem:$0x3F9D]  }
0x28: {  	s2 =	sld [smem:$0x3F9E]  }
0x29: {  	s4 =	sld [smem:$0x3FA0]  }
0x2a: {  	p0 =	seq.s32 s5, $0x0;
	s5 =	sld [smem:$0x3FA1]  }
0x2b: {  	s6 =	sld [smem:$0x3FA2]  }
0x2c: {  	s7 =	sld [smem:$0x3FA3]  }
0x2d: {  	s3 =	simm.s32 $0x108;
	s8 =	sld [smem:$0x3FA4]  }
0x2e: {  	s3 =	simm.s32 @!p0 $0x1082;
	s9 =	sld [smem:$0x3FA5]  }
0x2f: {  	lr =	sadd.s32 s0, s3;
	s0 =	sld [smem:$0x3F9C]  }
0x30: {  	s3 =	sld [smem:$0x3F9F]  }
0x31: {  	[smem:$0x3FA8] =	sst s10  }
0x32: {  	s10 =	sld [smem:$0x3FA6];
	_ =	sdelay $0x3  }
0x33: {  	p0 =	seq.s32 s10, $0x1;
	s10 =	sld [smem:$0x3FA8];
	_ =	sdelay $0x3  }
0x34: {  	[smem:$0x3FA8] =	sst s10  }
0x35: {  	s10 =	sld [smem:$0x3FA7];
	_ =	sdelay $0x3  }
0x36: {  	p1 =	seq.s32 s10, $0x1;
	s10 =	sld [smem:$0x3FA8];
	_ =	sdelay $0x3  }
0x37: {  	[smem:$0x3FA8] =	sst s10  }
0x38: {  	s10 =	sld [smem:$0x3FA9]  }
0x39: {  	_ = 	snop;
	(pc) =	sbr.ind lr, $3  }
0x3a: {  	_ = 	snop  }
0x3b: {  	_ = 	snop  }
0x3c: {  	p2 =	seq.s32 s10, $0x1;
	s10 =	sld [smem:$0x3FA8]  }
0x3d: {  	_ =	shalt  }
0x3e: {  	_ =	shalt  }
0x3f: {  	_ =	shalt  }
0x40: {  	_ =	shalt  }
0x41: {  	_ =	shalt  }
0x42: {  	_ =	shalt  }
0x43: {  	_ =	shalt  }
0x44: {  	_ =	shalt  }
0x45: {  	_ =	shalt  }
0x46: {  	_ =	shalt  }
0x47: {  	_ =	shalt  }
0x48: {  	_ =	shalt  }
0x49: {  	_ =	shalt  }
0x4a: {  	_ =	shalt  }
0x4b: {  	_ =	shalt  }
0x4c: {  	_ =	shalt  }
0x4d: {  	_ =	shalt  }
0x4e: {  	_ =	shalt  }
0x4f: {  	_ =	shalt  }
0x50: {  	_ =	shalt  }
0x51: {  	_ =	shalt  }
0x52: {  	_ =	shalt  }
0x53: {  	_ =	shalt  }
0x54: {  	_ =	shalt  }
0x55: {  	_ =	shalt  }
0x56: {  	_ =	shalt  }
0x57: {  	_ =	shalt  }
0x58: {  	_ =	shalt  }
0x59: {  	_ =	shalt  }
0x5a: {  	_ =	shalt  }
0x5b: {  	_ =	shalt  }
0x5c: {  	_ =	shalt  }
0x5d: {  	_ =	shalt  }
0x5e: {  	_ =	shalt  }
0x5f: {  	_ =	shalt  }
0x60: {  	_ =	shalt  }
0x61: {  	_ =	shalt  }
0x62: {  	_ =	shalt  }
0x63: {  	_ =	shalt  }
0x64: {  	_ =	shalt  }
0x65: {  	_ =	shalt  }
0x66: {  	_ =	shalt  }
0x67: {  	_ =	shalt  }
0x68: {  	_ =	shalt  }
0x69: {  	_ =	shalt  }
0x6a: {  	_ =	shalt  }
0x6b: {  	_ =	shalt  }
0x6c: {  	_ =	shalt  }
0x6d: {  	_ =	shalt  }
0x6e: {  	_ =	shalt  }
0x6f: {  	_ =	shalt  }
0x70: {  	_ =	shalt  }
0x71: {  	_ =	shalt  }
0x72: {  	_ =	shalt  }
0x73: {  	_ =	shalt  }
0x74: {  	_ =	shalt  }
0x75: {  	_ =	shalt  }
0x76: {  	_ =	shalt  }
0x77: {  	_ =	shalt  }
0x78: {  	_ =	shalt  }
0x79: {  	_ =	shalt  }
0x7a: {  	_ =	shalt  }
0x7b: {  	_ =	shalt  }
0x7c: {  	_ =	shalt  }
0x7d: {  	_ =	shalt  }
0x7e: {  	_ =	shalt  }
0x7f: {  	_ =	shalt  }
0x80: {  	_ =	shalt  }
0x81: {  	_ =	shalt  }
0x82: {  	_ =	shalt  }
0x83: {  	_ =	shalt  }
0x84: {  	_ =	shalt  }
0x85: {  	_ =	shalt  }
0x86: {  	_ =	shalt  }
0x87: {  	_ =	shalt  }
.Lfunc_end0:
.L_simem_size_0:
called_computation_lowered:
.L_overlay_start_0:
0x88: {  	s2 =	sld [smem:$0x3FD9]  }
0x89: {  	s3 =	sld [smem:$0x3FFE];
	_ =	sdelay $0x1  }
0x8a: {  	s1 =	srdreg.scid  }
0x8b: {  	s0 =	sand.u32 $0x1, s1  }
0x8c: {  	s17 =	sshll.u32 s0, $0xA;
	s2 =	sadd.s32 s3, s2  }
0x8d: {  	s2 =	sadd.s32 s2, s17  }
0x8e: {  	[smem:$0x3FB4] =	sst s2  }
0x8f: {  	_ = 	snop  }
0x90: {  	s2 =	sld [smem:$0x3FD0];
	(tm) =	ssettm $0x1  }
0x91: {  	s18 =	sld [smem:$0x3FFB];
	_ =	sdelay $0x3  }
0x92: {  	_ =	strace s18  }
0x93: {  	s3 =	sld [smem:$0x3FFC];
	_ =	sdelay $0x3  }
0x94: {  	_ =	strace s3  }
0x95: {  	s3 =	sld [smem:$0x3FFD];
	_ =	sdelay $0x3  }
0x96: {  	_ =	strace s3  }
0x97: {  	_ =	strace $0x8FFFFFFF  }
0x98: {  	s19 =	sld [smem:$0x3FDB];
	_ =	sdelay $0x1  }
0x99: {  	s4 =	simm.s32 $_scs_section_size  }
0x9a: {  	s5 =	simm.s32 $_size__tile_overlayer_lowered;
	s6 =	simm.s32 $_tile_overlayer_lowered  }
0x9b: {  	s22 =	simm.s32 $0x1BFF;
	s21 =	sshll.u32 s6, $0x1;
	s3 =	sadd.s32 s4, s19  }
0x9c: {  	s7 =	simm.s32 $0x0;
	s20 =	sshll.u32 s5, $0x1;
	s5 =	sadd.s32 s21, s3  }
0x9d: {  	[timem:s7], [sflag:s22] =	dma.local [hbm:s5], s20  }
0x9e: {  	_ =	swait.ge [sflag:s22], s20  }
0x9f: {  	s4 =	ssub.s32 $0x0, s20;
	[sflag:s22] =	ssyncset.done $0x0  }
0xa0: {  	[sflag:s22] =	ssyncadd.s32 s4;
	_ =	sdelay $0x1  }
0xa1: {  	s23 =	simm.s32 $0x1B8B  }
0xa2: {  	_ =	swait.ge [sflag:s23], $0x1  }
0xa3: {  	[sflag:s23] =	ssyncset.done $0x0  }
0xa4: {  	s25 =	simm.s32 $0x1B8E;
	s24 =	sld [smem:$0x3FFE];
	[sflag:s23] =	ssyncadd.s32 $0xFFFFFFFF  }
0xa5: {  	s26 =	simm.s32 $execute0_lowered;
	[smem:$0x3FD2] =	sst s25  }
0xa6: {  	s5 =	sshll.u32 s26, $0x1;
	_ =	strace $0x80000046;
	[dreg:$0x1] =	wrdreg $0xFFFFFFFF  }
0xa7: {  	s28 =	simm.s32 $_size_execute0_lowered;
	s3 =	sadd.s32 s3, s5;
	[dreg:$0x0] =	wrdreg $0x0  }
0xa8: {  	s5 =	sshll.u32 s28, $0x1;
	[dreg:$0x2] =	wrdreg s3  }
0xa9: {  	[dreg:$0x3] =	wrdreg s5  }
0xaa: {  	[dreg:$0x4] =	wrdreg $0xC0  }
0xab: {  	_ =	task [dreg:s7], $0x5FFFF  }
0xac: {  	[dreg:$0x1] =	wrdreg $0xFFFFFFFF  }
0xad: {  	[dreg:$0x0] =	wrdreg $0x60  }
0xae: {  	[dreg:$0x2] =	wrdreg s24  }
0xaf: {  	[dreg:$0x3] =	wrdreg s2  }
0xb0: {  	[dreg:$0x4] =	wrdreg $0x9  }
0xb1: {  	_ =	task.clear_ibuf [dreg:s7], $0x5FFFF;
	_ =	strace $0x90000046  }
0xb2: {  	s29 =	simm.s32 $0x9;
	_ =	strace $0x80000048  }
0xb3: {  	_ =	swait.ge [sflag:s29], $0x1  }
0xb4: {  	[sflag:s29] =	ssyncadd.s32 $0xFFFFFFFF  }
0xb5: {  	_ =	strace $0x90000048  }
0xb6: {  	_ =	sfence  }
0xb7: {  	s30 =	sld [smem:$0x0];
	_ =	sdelay $0x2  }
0xb8: {  	s31 =	sshll.u32 s1, $0xD;
	s1 =	sshrl.u32 s1, $0x2  }
0xb9: {  	s3 =	sand.u32 $0x4000, s31;
	s1 =	sadd.s32 s1, s30  }
0xba: {  	s0 =	sor.u32 s3, s0;
	s1 =	sshll.u32 s1, $0x11  }
0xbb: {  	s0 =	sor.u32 s1, s0  }
0xbc: {  	s0 =	sadd.s32 $0x8F2B, s0  }
0xbd: {  	[sflag:s0] =	ssyncadd.remote.s32 $0x1  }
0xbe: {  	_ =	sfence.sel $0xFFFF  }
0xbf: {  	[dreg:$0x0] =	wrdreg $0xFFFFFFFF;
	(pc) =	sbr.abs _section_cstart, $3  }
0xc0: {  	[dreg:$0x1] =	wrdreg $0xFFFFFFFF  }
0xc1: {  	_ =	task.clear_ibuf [dreg:s7], $0x2FFFF;
	_ =	strace $0x9FFFFFFF  }
0xc2: {  	(tm) =	ssettm $0x7FFFFFFF  }
0xc3: {  	_ =	shalt  }
tec
execute0_lowered:
.L_overlay_start_1:
0x0: {  	(tag) =	ssettag $0x1  }
0x1: {  	s1 =	srdreg.scid;
	s6 =	rddreg [dreg:$0x0]  }
0x2: {  	s0 =	stileid.u32;
	s4 =	rddreg [dreg:$0x1]  }
0x3: {  	s2 =	simm.s32 $0x0;
	s10 =	simm.s32 $0x80;
	s11 =	simm.s32 $0x880  }
0x4: {  	s12 =	simm.s32 $0x1080;
	s13 =	simm.s32 $0x1880;
	s14 =	simm.s32 $0x2080  }
0x5: {  	s15 =	simm.s32 $0x2880;
	s16 =	simm.s32 $0x3080;
	s17 =	simm.s32 $0x3880  }
0x6: {  	s18 =	simm.s32 $0x4080;
	s19 =	simm.s32 $0x4880;
	s20 =	simm.s32 $0x5080  }
0x7: {  	s21 =	simm.s32 $0x5880;
	s22 =	simm.s32 $0x1;
	s3 =	sand.u32 $0x1, s1  }
0x8: {  	s5 =	sshll.u32 s0, $0x3;
	s1 =	rddreg [dreg:$0x2];
	s7 =	sshll.u32 s3, $0x2  }
0x9: {  	[smem:$0x7FF] =	sst s2;
	s8 =	ssub.s32 $0x2, s3;
	s5 =	sor.u32 s7, s5  }
0xa: {  	_ =	strace $0x80000047;
	s9 =	sshrl.u32 s8, $0x1;
	s7 =	smul.u32 $0x300, s5  }
0xb: {  	v2 =	vlaneseq.u32;
	s3 =	sadd.s32 $0x40C00, s6;
	s8 =	ssub.s32 s8, s9;
	s4 =	sadd.s32 s4, s5  }
0xc: {  	vm0 =	vmmov $0xffff;
	v1 =	vshrl.u32 v2, $0x3;
	s5 =	sadd.s32 $0x40D00, s6;
	s9 =	simm.s32 $0x2;
	s7 =	sadd.s32 s7, s6  }
0xd: {  	v0 =	vand.u32 $0x7, v2;
	v2 =	vor.u32 $0x8, v2;
	v1 =	vmul.u32 $0x8, v1;
	s8 =	smax.u32 s8, $0x1;
	s6 =	sadd.s32 $0x40E00, s6;
	s7 =	sadd.s32 $0x69600, s7  }
.LBB2_1:
0xe: {  	[tilespmem:s2], [sflag:$0x2] =	stream.linear.gather [hbm4b:s4+s2], $0x20, $0x38;
	[tilespmem:$0x6080] =	vst v63  }
0xf: {  	_ =	swait.ge [sflag:s9], $0x20  }
0x10: {  	[sflag:s9] =	ssyncset.done $0x0  }
0x11: {  	[sflag:s9] =	ssyncadd.s32 $0xFFFFFFE0  }
0x12: {  	v3 =	vld [tilespmem:$0x0];
	_ =	sdelay $0x4  }
0x13: {  	v4 =	vshrl.u32 v3, $0x3  }
0x14: {  	v4 =	vmul.u32 $0x30, v4  }
0x15: {  	v3 =	vand.u32 $0x7, v3  }
0x16: {  	v3 =	vor.u32 v3, v4  }
0x17: {  	v4 =	vperm.xlane v3, v0;
	_ =	sdelay $0x1  }
0x18: {  	v4 =	vadd.s32 v1, v4;
	_ =	sdelay $0x3  }
0x19: {  	v3 =	vperm.xlane v3, v2  }
0x1a: {  	[tilespmem:s10], [sflag:$0x1] =	stream.indirect_vreg.gather [hbm4b:s3+s2], $0x80, v4, vm0, $0xb8;
	[tilespmem:$0x6080] =	vst v63  }
0x1b: {  	v3 =	vadd.s32 v1, v3  }
0x1c: {  	[tilespmem:s11], [sflag:$0x1] =	stream.indirect_vreg.gather [hbm4b:s5+s2], $0x80, v4, vm0, $0xb8;
	[tilespmem:$0x6080] =	vst v63  }
0x1d: {  	_ = 	snop  }
0x1e: {  	[tilespmem:s12], [sflag:$0x1] =	stream.indirect_vreg.gather [hbm4b:s6+s2], $0x80, v4, vm0, $0xb8;
	[tilespmem:$0x6080] =	vst v63  }
0x1f: {  	_ = 	snop  }
0x20: {  	[tilespmem:s13], [sflag:$0x1] =	stream.indirect_vreg.gather [hbm4b:s3+s2], $0x80, v3, vm0, $0xb8;
	[tilespmem:$0x6080] =	vst v63  }
0x21: {  	_ = 	snop  }
0x22: {  	[tilespmem:s14], [sflag:$0x1] =	stream.indirect_vreg.gather [hbm4b:s5+s2], $0x80, v3, vm0, $0xb8;
	[tilespmem:$0x6080] =	vst v63  }
0x23: {  	_ = 	snop  }
0x24: {  	[tilespmem:s15], [sflag:$0x1] =	stream.indirect_vreg.gather [hbm4b:s6+s2], $0x80, v3, vm0, $0xb8;
	[tilespmem:$0x6080] =	vst v63  }
0x25: {  	v3 =	vld [tilespmem:$0x10];
	_ =	sdelay $0x4  }
0x26: {  	v63 =	vshrl.u32 v3, $0x3  }
0x27: {  	v4 =	vmul.u32 $0x30, v63  }
0x28: {  	v3 =	vand.u32 $0x7, v3  }
0x29: {  	v3 =	vor.u32 v3, v4  }
0x2a: {  	v4 =	vperm.xlane v3, v0;
	_ =	sdelay $0x1  }
0x2b: {  	v4 =	vadd.s32 v1, v4;
	_ =	sdelay $0x3  }
0x2c: {  	v3 =	vperm.xlane v3, v2  }
0x2d: {  	[tilespmem:s16], [sflag:$0x1] =	stream.indirect_vreg.gather [hbm4b:s3+s2], $0x80, v4, vm0, $0xb8;
	[tilespmem:$0x6080] =	vst v63  }
0x2e: {  	v3 =	vadd.s32 v1, v3  }
0x2f: {  	[tilespmem:s17], [sflag:$0x1] =	stream.indirect_vreg.gather [hbm4b:s5+s2], $0x80, v4, vm0, $0xb8;
	[tilespmem:$0x6080] =	vst v63  }
0x30: {  	_ = 	snop  }
0x31: {  	[tilespmem:s18], [sflag:$0x1] =	stream.indirect_vreg.gather [hbm4b:s6+s2], $0x80, v4, vm0, $0xb8;
	[tilespmem:$0x6080] =	vst v63  }
0x32: {  	_ = 	snop  }
0x33: {  	[tilespmem:s19], [sflag:$0x1] =	stream.indirect_vreg.gather [hbm4b:s3+s2], $0x80, v3, vm0, $0xb8;
	[tilespmem:$0x6080] =	vst v63  }
0x34: {  	_ = 	snop  }
0x35: {  	[tilespmem:s20], [sflag:$0x1] =	stream.indirect_vreg.gather [hbm4b:s5+s2], $0x80, v3, vm0, $0xb8;
	[tilespmem:$0x6080] =	vst v63  }
0x36: {  	_ = 	snop  }
0x37: {  	[tilespmem:s21], [sflag:$0x1] =	stream.indirect_vreg.gather [hbm4b:s6+s2], $0x80, v3, vm0, $0xb8;
	[tilespmem:$0x6080] =	vst v63  }
0x38: {  	_ =	swait.ge [sflag:s22], $0x6000  }
0x39: {  	p0 =	sne.s32 s8, $0x1;
	[sflag:s22] =	ssyncset.done $0x0  }
.Ltmp0:
0x3a: {  	[sflag:s22] =	ssyncadd.s32 $0xFFFFA000;
	(pc) =	sbr.rel @p0 .LBB2_1-.Ltmp0, $4  }
0x3b: {  	[hbm4b:s7+s2] =	stream.linear.scatter [tilespmem:s10], [sflag:$0x2], $0x6000, $0x38;
	[tilespmem:$0x6080] =	vst v63  }
0x3c: {  	_ =	swait.ge [sflag:s9], $0x6000  }
0x3d: {  	[sflag:s9] =	ssyncset.done $0x0  }
0x3e: {  	s8 =	sadd.s32 $0xFFFFFFFF, s8;
	[sflag:s9] =	ssyncadd.s32 $0xFFFFA000  }
0x3f: {  	_ =	sfence.sel $0x180000  }
0x40: {  	[bflag:$0x0] =	sbarrier.arrive $0xFFFF  }
0x41: {  	p0 =	sne.s32 s0, $0x0;
	_ =	strace $0x90000047  }
0x42: {  	s0 =	sadd.s32 @!p0 $0x100000, s1;
	[bflag:$0x2] =	sbarrier.arrive $0xFFFF  }
0x43: {  	[sflag:s0] =	ssyncadd.tile.s32 @!p0 $0x1;
	_ =	shalt  }
.Lfunc_end2:
_tile_overlayer_lowered:
.L_overlay_start_2:
0x44: {  	(tag) =	ssettag $0x2  }
0x45: {  	s0 =	rddreg [dreg:$0x0];
	s2 =	stileid.u32  }
0x46: {  	s1 =	rddreg [dreg:$0x1];
	p0 =	sne.s32 s2, $0x0  }
0x47: {  	s3 =	rddreg [dreg:$0x2];
	[bflag:$0x3] =	sbarrier.arrive $0xFFFF;
	s2 =	simm.s32 @!p0 $0x1C02  }
0x48: {  	[timem:s3], [sflag:s2] =	dma.local @!p0 [hbm:s0], s1  }
0x49: {  	s0 =	simm.s32 @!p0 $0x2  }
0x4a: {  	_ =	swait.ge @!p0 [sflag:s0], s1  }
0x4b: {  	s1 =	ssub.s32 @!p0 $0x0, s1;
	[sflag:s0] =	ssyncset.done @!p0 $0x0  }
0x4c: {  	[sflag:s0] =	ssyncadd.s32 @!p0 s1  }
0x4d: {  	[bflag:$0x3] =	sbarrier.arrive $0xFFFF  }
0x4e: {  	_ =	shalt  }

// kernel: kernel.43.cloned.1.call-start
scs
__scs_entry_jumppad:
0x0: {  	(pc) =	sbr.rel $0x88, $3  }
0x1: {  	(tag) =	ssettag $0x0;
	lr =	simm.s32 $0x1  }
0x2: {  	[smem:$0x3F8D] =	sst lr;
	_ =	strace $0xD0000000  }
0x3: {  	_ = 	snop  }
0x4: {  	_ = 	snop  }
0x5: {  	_ = 	snop  }
0x6: {  	_ = 	snop  }
0x7: {  	_ = 	snop  }
__scs_overlays_trampoline_lowered:
0x8: {  	[smem:$0x3F9C] =	sst s0  }
0x9: {  	[smem:$0x3F9D] =	sst s1  }
0xa: {  	[smem:$0x3F9E] =	sst s2  }
0xb: {  	[smem:$0x3F9F] =	sst s3  }
0xc: {  	[smem:$0x3FA0] =	sst s4  }
0xd: {  	[smem:$0x3FA1] =	sst s5  }
0xe: {  	[smem:$0x3FA2] =	sst s6  }
0xf: {  	[smem:$0x3FA3] =	sst s7  }
0x10: {  	[smem:$0x3FA4] =	sst s8  }
0x11: {  	[smem:$0x3FA5] =	sst s9;
	s0 =	simm.s32 @!p0 $0x0  }
0x12: {  	s1 =	sld [smem:$0x3F8B];
	s0 =	simm.s32 @p0 $0x1  }
0x13: {  	[smem:$0x3FA6] =	sst s0;
	s0 =	simm.s32 @!p1 $0x0  }
0x14: {  	s2 =	sld [smem:$0x3F8A];
	s0 =	simm.s32 @p1 $0x1  }
0x15: {  	[smem:$0x3FA7] =	sst s0;
	s0 =	simm.s32 @!p2 $0x0  }
0x16: {  	s3 =	sld [smem:$0x3FDB];
	s0 =	simm.s32 @p2 $0x1  }
0x17: {  	s4 =	simm.s32 $0x1BF5;
	[smem:$0x3FA9] =	sst s0  }
0x18: {  	s0 =	sld [smem:$0x3F8C];
	_ =	swait.ge [sflag:s4], $0x0  }
0x19: {  	s7 =	sld [smem:$0x3F8D]  }
0x1a: {  	s8 =	sadd.s32 $0xFFFFE003, lr  }
0x1b: {  	s9 =	sadd.s32 $0xFFFFFEF7, lr;
	s5 =	simm.s32 $0xFFFFFFFF;
	p2 =	slt.u32 s8, $0xFFFFF086  }
0x1c: {  	p1 =	slt.u32 s9, $0xF7A;
	s5 =	simm.s32 @!p2 $0x0  }
0x1d: {  	s5 =	simm.s32 @p1 $0x1;
	p0 =	seq.s32 s7, s2  }
0x1e: {  	s7 =	smul.u32 @!p0 $0xF7A, s2;
	p2 =	seq.s32 @!p0 s5, $0x0  }
0x1f: {  	s9 =	smul.u32 $0xF7A, s1;
	s8 =	simm.s32 @!p0 $0x1BF5;
	p2 =	por !p2, p0  }
0x20: {  	[sflag:s8] =	ssyncset.s32 @!p0 $0xFFFFF086;
	s6 =	sadd.s32 @!p0 s3, s7;
	s7 =	simm.s32 @!p0 $0x108  }
0x21: {  	s3 =	sadd.s32 s3, s9;
	s6 =	sadd.s32 @!p0 $0x88, s6;
	s7 =	simm.s32 @p2 $0x1082  }
0x22: {  	[simem:s7], [sflag:s8] =	dma.local @!p0 [hbm:s6], $0xF7A  }
0x23: {  	s9 =	sor.u32 $0xD0000000, s2;
	s6 =	simm.s32 $0x108;
	_ =	swait.ge @!p0 [sflag:s8], $0x0  }
0x24: {  	s3 =	sadd.s32 $0x88, s3;
	s6 =	simm.s32 @!p1 $0x1082;
	[sflag:s4] =	ssyncset.s32 $0xFFFFF086  }
0x25: {  	[simem:s6], [sflag:s4] =	dma.local [hbm:s3], $0xF7A  }
0x26: {  	[smem:$0x3F8D] =	sst s1;
	(tag) =	ssettag s2;
	_ =	strace s9  }
0x27: {  	s1 =	sld [smem:$0x3F9D]  }
0x28: {  	s2 =	sld [smem:$0x3F9E]  }
0x29: {  	s4 =	sld [smem:$0x3FA0]  }
0x2a: {  	p0 =	seq.s32 s5, $0x0;
	s5 =	sld [smem:$0x3FA1]  }
0x2b: {  	s6 =	sld [smem:$0x3FA2]  }
0x2c: {  	s7 =	sld [smem:$0x3FA3]  }
0x2d: {  	s3 =	simm.s32 $0x108;
	s8 =	sld [smem:$0x3FA4]  }
0x2e: {  	s3 =	simm.s32 @!p0 $0x1082;
	s9 =	sld [smem:$0x3FA5]  }
0x2f: {  	lr =	sadd.s32 s0, s3;
	s0 =	sld [smem:$0x3F9C]  }
0x30: {  	s3 =	sld [smem:$0x3F9F]  }
0x31: {  	[smem:$0x3FA8] =	sst s10  }
0x32: {  	s10 =	sld [smem:$0x3FA6];
	_ =	sdelay $0x3  }
0x33: {  	p0 =	seq.s32 s10, $0x1;
	s10 =	sld [smem:$0x3FA8];
	_ =	sdelay $0x3  }
0x34: {  	[smem:$0x3FA8] =	sst s10  }
0x35: {  	s10 =	sld [smem:$0x3FA7];
	_ =	sdelay $0x3  }
0x36: {  	p1 =	seq.s32 s10, $0x1;
	s10 =	sld [smem:$0x3FA8];
	_ =	sdelay $0x3  }
0x37: {  	[smem:$0x3FA8] =	sst s10  }
0x38: {  	s10 =	sld [smem:$0x3FA9]  }
0x39: {  	_ = 	snop;
	(pc) =	sbr.ind lr, $3  }
0x3a: {  	_ = 	snop  }
0x3b: {  	_ = 	snop  }
0x3c: {  	p2 =	seq.s32 s10, $0x1;
	s10 =	sld [smem:$0x3FA8]  }
0x3d: {  	_ =	shalt  }
0x3e: {  	_ =	shalt  }
0x3f: {  	_ =	shalt  }
0x40: {  	_ =	shalt  }
0x41: {  	_ =	shalt  }
0x42: {  	_ =	shalt  }
0x43: {  	_ =	shalt  }
0x44: {  	_ =	shalt  }
0x45: {  	_ =	shalt  }
0x46: {  	_ =	shalt  }
0x47: {  	_ =	shalt  }
0x48: {  	_ =	shalt  }
0x49: {  	_ =	shalt  }
0x4a: {  	_ =	shalt  }
0x4b: {  	_ =	shalt  }
0x4c: {  	_ =	shalt  }
0x4d: {  	_ =	shalt  }
0x4e: {  	_ =	shalt  }
0x4f: {  	_ =	shalt  }
0x50: {  	_ =	shalt  }
0x51: {  	_ =	shalt  }
0x52: {  	_ =	shalt  }
0x53: {  	_ =	shalt  }
0x54: {  	_ =	shalt  }
0x55: {  	_ =	shalt  }
0x56: {  	_ =	shalt  }
0x57: {  	_ =	shalt  }
0x58: {  	_ =	shalt  }
0x59: {  	_ =	shalt  }
0x5a: {  	_ =	shalt  }
0x5b: {  	_ =	shalt  }
0x5c: {  	_ =	shalt  }
0x5d: {  	_ =	shalt  }
0x5e: {  	_ =	shalt  }
0x5f: {  	_ =	shalt  }
0x60: {  	_ =	shalt  }
0x61: {  	_ =	shalt  }
0x62: {  	_ =	shalt  }
0x63: {  	_ =	shalt  }
0x64: {  	_ =	shalt  }
0x65: {  	_ =	shalt  }
0x66: {  	_ =	shalt  }
0x67: {  	_ =	shalt  }
0x68: {  	_ =	shalt  }
0x69: {  	_ =	shalt  }
0x6a: {  	_ =	shalt  }
0x6b: {  	_ =	shalt  }
0x6c: {  	_ =	shalt  }
0x6d: {  	_ =	shalt  }
0x6e: {  	_ =	shalt  }
0x6f: {  	_ =	shalt  }
0x70: {  	_ =	shalt  }
0x71: {  	_ =	shalt  }
0x72: {  	_ =	shalt  }
0x73: {  	_ =	shalt  }
0x74: {  	_ =	shalt  }
0x75: {  	_ =	shalt  }
0x76: {  	_ =	shalt  }
0x77: {  	_ =	shalt  }
0x78: {  	_ =	shalt  }
0x79: {  	_ =	shalt  }
0x7a: {  	_ =	shalt  }
0x7b: {  	_ =	shalt  }
0x7c: {  	_ =	shalt  }
0x7d: {  	_ =	shalt  }
0x7e: {  	_ =	shalt  }
0x7f: {  	_ =	shalt  }
0x80: {  	_ =	shalt  }
0x81: {  	_ =	shalt  }
0x82: {  	_ =	shalt  }
0x83: {  	_ =	shalt  }
0x84: {  	_ =	shalt  }
0x85: {  	_ =	shalt  }
0x86: {  	_ =	shalt  }
0x87: {  	_ =	shalt  }
.Lfunc_end0:
.L_simem_size_0:
called_computation.1_lowered:
.L_overlay_start_0:
0x88: {  	s2 =	sld [smem:$0x3FD9]  }
0x89: {  	s3 =	sld [smem:$0x3FFE];
	_ =	sdelay $0x1  }
0x8a: {  	s1 =	srdreg.scid  }
0x8b: {  	s0 =	sand.u32 $0x1, s1  }
0x8c: {  	s17 =	sshll.u32 s0, $0xA;
	s2 =	sadd.s32 s3, s2  }
0x8d: {  	s2 =	sadd.s32 s2, s17  }
0x8e: {  	[smem:$0x3FB4] =	sst s2  }
0x8f: {  	_ = 	snop  }
0x90: {  	s2 =	sld [smem:$0x3FD0];
	(tm) =	ssettm $0x1  }
0x91: {  	s18 =	sld [smem:$0x3FFB];
	_ =	sdelay $0x3  }
0x92: {  	_ =	strace s18  }
0x93: {  	s3 =	sld [smem:$0x3FFC];
	_ =	sdelay $0x3  }
0x94: {  	_ =	strace s3  }
0x95: {  	s3 =	sld [smem:$0x3FFD];
	_ =	sdelay $0x3  }
0x96: {  	_ =	strace s3  }
0x97: {  	_ =	strace $0x8FFFFFFF  }
0x98: {  	s19 =	sld [smem:$0x3FDB];
	_ =	sdelay $0x1  }
0x99: {  	s4 =	simm.s32 $_scs_section_size  }
0x9a: {  	s5 =	simm.s32 $_size__tile_overlayer_lowered;
	s6 =	simm.s32 $_tile_overlayer_lowered  }
0x9b: {  	s22 =	simm.s32 $0x1BFF;
	s21 =	sshll.u32 s6, $0x1;
	s3 =	sadd.s32 s4, s19  }
0x9c: {  	s7 =	simm.s32 $0x0;
	s20 =	sshll.u32 s5, $0x1;
	s5 =	sadd.s32 s21, s3  }
0x9d: {  	[timem:s7], [sflag:s22] =	dma.local [hbm:s5], s20  }
0x9e: {  	_ =	swait.ge [sflag:s22], s20  }
0x9f: {  	s4 =	ssub.s32 $0x0, s20;
	[sflag:s22] =	ssyncset.done $0x0  }
0xa0: {  	[sflag:s22] =	ssyncadd.s32 s4;
	_ =	sdelay $0x1  }
0xa1: {  	s23 =	simm.s32 $0x1B8B  }
0xa2: {  	_ =	swait.ge [sflag:s23], $0x1  }
0xa3: {  	[sflag:s23] =	ssyncset.done $0x0  }
0xa4: {  	s25 =	simm.s32 $0x1B8E;
	s24 =	sld [smem:$0x3FFE];
	[sflag:s23] =	ssyncadd.s32 $0xFFFFFFFF  }
0xa5: {  	s26 =	simm.s32 $execute0_lowered;
	[smem:$0x3FD2] =	sst s25  }
0xa6: {  	s5 =	sshll.u32 s26, $0x1;
	_ =	strace $0x80000049;
	[dreg:$0x1] =	wrdreg $0xFFFFFFFF  }
0xa7: {  	s28 =	simm.s32 $_size_execute0_lowered;
	s3 =	sadd.s32 s3, s5;
	[dreg:$0x0] =	wrdreg $0x0  }
0xa8: {  	s5 =	sshll.u32 s28, $0x1;
	[dreg:$0x2] =	wrdreg s3  }
0xa9: {  	[dreg:$0x3] =	wrdreg s5  }
0xaa: {  	[dreg:$0x4] =	wrdreg $0xC0  }
0xab: {  	_ =	task [dreg:s7], $0x5FFFF  }
0xac: {  	[dreg:$0x1] =	wrdreg $0xFFFFFFFF  }
0xad: {  	[dreg:$0x0] =	wrdreg $0x60  }
0xae: {  	[dreg:$0x2] =	wrdreg s24  }
0xaf: {  	[dreg:$0x3] =	wrdreg s2  }
0xb0: {  	[dreg:$0x4] =	wrdreg $0x9  }
0xb1: {  	_ =	task.clear_ibuf [dreg:s7], $0x5FFFF;
	_ =	strace $0x90000049  }
0xb2: {  	s29 =	simm.s32 $0x9;
	_ =	strace $0x8000004B  }
0xb3: {  	_ =	swait.ge [sflag:s29], $0x1  }
0xb4: {  	[sflag:s29] =	ssyncadd.s32 $0xFFFFFFFF  }
0xb5: {  	_ =	strace $0x9000004B  }
0xb6: {  	_ =	sfence  }
0xb7: {  	s30 =	sld [smem:$0x0];
	_ =	sdelay $0x2  }
0xb8: {  	s31 =	sshll.u32 s1, $0xD;
	s1 =	sshrl.u32 s1, $0x2  }
0xb9: {  	s3 =	sand.u32 $0x4000, s31;
	s1 =	sadd.s32 s1, s30  }
0xba: {  	s0 =	sor.u32 s3, s0;
	s1 =	sshll.u32 s1, $0x11  }
0xbb: {  	s0 =	sor.u32 s1, s0  }
0xbc: {  	s0 =	sadd.s32 $0x8F2B, s0  }
0xbd: {  	[sflag:s0] =	ssyncadd.remote.s32 $0x1  }
0xbe: {  	_ =	sfence.sel $0xFFFF  }
0xbf: {  	[dreg:$0x0] =	wrdreg $0xFFFFFFFF;
	(pc) =	sbr.abs _section_cstart, $3  }
0xc0: {  	[dreg:$0x1] =	wrdreg $0xFFFFFFFF  }
0xc1: {  	_ =	task.clear_ibuf [dreg:s7], $0x2FFFF;
	_ =	strace $0x9FFFFFFF  }
0xc2: {  	(tm) =	ssettm $0x7FFFFFFF  }
0xc3: {  	_ =	shalt  }
tec
execute0_lowered:
.L_overlay_start_1:
0x0: {  	(tag) =	ssettag $0x1  }
0x1: {  	s1 =	srdreg.scid;
	s6 =	rddreg [dreg:$0x0]  }
0x2: {  	s0 =	stileid.u32;
	s4 =	rddreg [dreg:$0x1]  }
0x3: {  	s2 =	simm.s32 $0x0;
	s10 =	simm.s32 $0x80;
	s11 =	simm.s32 $0x880  }
0x4: {  	s12 =	simm.s32 $0x1080;
	s13 =	simm.s32 $0x1880;
	s14 =	simm.s32 $0x2080  }
0x5: {  	s15 =	simm.s32 $0x2880;
	s16 =	simm.s32 $0x3080;
	s17 =	simm.s32 $0x3880  }
0x6: {  	s18 =	simm.s32 $0x4080;
	s19 =	simm.s32 $0x4880;
	s20 =	simm.s32 $0x5080  }
0x7: {  	s21 =	simm.s32 $0x5880;
	s22 =	simm.s32 $0x1;
	s3 =	sand.u32 $0x1, s1  }
0x8: {  	s5 =	sshll.u32 s0, $0x3;
	s1 =	rddreg [dreg:$0x2];
	s7 =	sshll.u32 s3, $0x2  }
0x9: {  	[smem:$0x7FF] =	sst s2;
	s8 =	ssub.s32 $0x2, s3;
	s5 =	sor.u32 s7, s5  }
0xa: {  	_ =	strace $0x8000004A;
	s9 =	sshrl.u32 s8, $0x1;
	s7 =	smul.u32 $0x300, s5  }
0xb: {  	v2 =	vlaneseq.u32;
	s3 =	sadd.s32 $0x40C00, s6;
	s8 =	ssub.s32 s8, s9;
	s4 =	sadd.s32 s4, s5  }
0xc: {  	vm0 =	vmmov $0xffff;
	v1 =	vshrl.u32 v2, $0x3;
	s5 =	sadd.s32 $0x40D00, s6;
	s9 =	simm.s32 $0x2;
	s7 =	sadd.s32 s7, s6  }
0xd: {  	v0 =	vand.u32 $0x7, v2;
	v2 =	vor.u32 $0x8, v2;
	v1 =	vmul.u32 $0x8, v1;
	s8 =	smax.u32 s8, $0x1;
	s6 =	sadd.s32 $0x40E00, s6;
	s7 =	sadd.s32 $0x69600, s7  }
.LBB2_1:
0xe: {  	[tilespmem:s2], [sflag:$0x2] =	stream.linear.gather [hbm4b:s4+s2], $0x20, $0x38;
	[tilespmem:$0x6080] =	vst v63  }
0xf: {  	_ =	swait.ge [sflag:s9], $0x20  }
0x10: {  	[sflag:s9] =	ssyncset.done $0x0  }
0x11: {  	[sflag:s9] =	ssyncadd.s32 $0xFFFFFFE0  }
0x12: {  	v3 =	vld [tilespmem:$0x0];
	_ =	sdelay $0x4  }
0x13: {  	v4 =	vshrl.u32 v3, $0x3  }
0x14: {  	v4 =	vmul.u32 $0x30, v4  }
0x15: {  	v3 =	vand.u32 $0x7, v3  }
0x16: {  	v3 =	vor.u32 v3, v4  }
0x17: {  	v4 =	vperm.xlane v3, v0;
	_ =	sdelay $0x1  }
0x18: {  	v4 =	vadd.s32 v1, v4;
	_ =	sdelay $0x3  }
0x19: {  	v3 =	vperm.xlane v3, v2  }
0x1a: {  	[tilespmem:s10], [sflag:$0x1] =	stream.indirect_vreg.gather [hbm4b:s3+s2], $0x80, v4, vm0, $0xb8;
	[tilespmem:$0x6080] =	vst v63  }
0x1b: {  	v3 =	vadd.s32 v1, v3  }
0x1c: {  	[tilespmem:s11], [sflag:$0x1] =	stream.indirect_vreg.gather [hbm4b:s5+s2], $0x80, v4, vm0, $0xb8;
	[tilespmem:$0x6080] =	vst v63  }
0x1d: {  	_ = 	snop  }
0x1e: {  	[tilespmem:s12], [sflag:$0x1] =	stream.indirect_vreg.gather [hbm4b:s6+s2], $0x80, v4, vm0, $0xb8;
	[tilespmem:$0x6080] =	vst v63  }
0x1f: {  	_ = 	snop  }
0x20: {  	[tilespmem:s13], [sflag:$0x1] =	stream.indirect_vreg.gather [hbm4b:s3+s2], $0x80, v3, vm0, $0xb8;
	[tilespmem:$0x6080] =	vst v63  }
0x21: {  	_ = 	snop  }
0x22: {  	[tilespmem:s14], [sflag:$0x1] =	stream.indirect_vreg.gather [hbm4b:s5+s2], $0x80, v3, vm0, $0xb8;
	[tilespmem:$0x6080] =	vst v63  }
0x23: {  	_ = 	snop  }
0x24: {  	[tilespmem:s15], [sflag:$0x1] =	stream.indirect_vreg.gather [hbm4b:s6+s2], $0x80, v3, vm0, $0xb8;
	[tilespmem:$0x6080] =	vst v63  }
0x25: {  	v3 =	vld [tilespmem:$0x10];
	_ =	sdelay $0x4  }
0x26: {  	v63 =	vshrl.u32 v3, $0x3  }
0x27: {  	v4 =	vmul.u32 $0x30, v63  }
0x28: {  	v3 =	vand.u32 $0x7, v3  }
0x29: {  	v3 =	vor.u32 v3, v4  }
0x2a: {  	v4 =	vperm.xlane v3, v0;
	_ =	sdelay $0x1  }
0x2b: {  	v4 =	vadd.s32 v1, v4;
	_ =	sdelay $0x3  }
0x2c: {  	v3 =	vperm.xlane v3, v2  }
0x2d: {  	[tilespmem:s16], [sflag:$0x1] =	stream.indirect_vreg.gather [hbm4b:s3+s2], $0x80, v4, vm0, $0xb8;
	[tilespmem:$0x6080] =	vst v63  }
0x2e: {  	v3 =	vadd.s32 v1, v3  }
0x2f: {  	[tilespmem:s17], [sflag:$0x1] =	stream.indirect_vreg.gather [hbm4b:s5+s2], $0x80, v4, vm0, $0xb8;
	[tilespmem:$0x6080] =	vst v63  }
0x30: {  	_ = 	snop  }
0x31: {  	[tilespmem:s18], [sflag:$0x1] =	stream.indirect_vreg.gather [hbm4b:s6+s2], $0x80, v4, vm0, $0xb8;
	[tilespmem:$0x6080] =	vst v63  }
0x32: {  	_ = 	snop  }
0x33: {  	[tilespmem:s19], [sflag:$0x1] =	stream.indirect_vreg.gather [hbm4b:s3+s2], $0x80, v3, vm0, $0xb8;
	[tilespmem:$0x6080] =	vst v63  }
0x34: {  	_ = 	snop  }
0x35: {  	[tilespmem:s20], [sflag:$0x1] =	stream.indirect_vreg.gather [hbm4b:s5+s2], $0x80, v3, vm0, $0xb8;
	[tilespmem:$0x6080] =	vst v63  }
0x36: {  	_ = 	snop  }
0x37: {  	[tilespmem:s21], [sflag:$0x1] =	stream.indirect_vreg.gather [hbm4b:s6+s2], $0x80, v3, vm0, $0xb8;
	[tilespmem:$0x6080] =	vst v63  }
0x38: {  	_ =	swait.ge [sflag:s22], $0x6000  }
0x39: {  	p0 =	sne.s32 s8, $0x1;
	[sflag:s22] =	ssyncset.done $0x0  }
.Ltmp0:
0x3a: {  	[sflag:s22] =	ssyncadd.s32 $0xFFFFA000;
	(pc) =	sbr.rel @p0 .LBB2_1-.Ltmp0, $4  }
0x3b: {  	[hbm4b:s7+s2] =	stream.linear.scatter [tilespmem:s10], [sflag:$0x2], $0x6000, $0x38;
	[tilespmem:$0x6080] =	vst v63  }
0x3c: {  	_ =	swait.ge [sflag:s9], $0x6000  }
0x3d: {  	[sflag:s9] =	ssyncset.done $0x0  }
0x3e: {  	s8 =	sadd.s32 $0xFFFFFFFF, s8;
	[sflag:s9] =	ssyncadd.s32 $0xFFFFA000  }
0x3f: {  	_ =	sfence.sel $0x180000  }
0x40: {  	[bflag:$0x0] =	sbarrier.arrive $0xFFFF  }
0x41: {  	p0 =	sne.s32 s0, $0x0;
	_ =	strace $0x9000004A  }
0x42: {  	s0 =	sadd.s32 @!p0 $0x100000, s1;
	[bflag:$0x2] =	sbarrier.arrive $0xFFFF  }
0x43: {  	[sflag:s0] =	ssyncadd.tile.s32 @!p0 $0x1;
	_ =	shalt  }
.Lfunc_end2:
_tile_overlayer_lowered:
.L_overlay_start_2:
0x44: {  	(tag) =	ssettag $0x2  }
0x45: {  	s0 =	rddreg [dreg:$0x0];
	s2 =	stileid.u32  }
0x46: {  	s1 =	rddreg [dreg:$0x1];
	p0 =	sne.s32 s2, $0x0  }
0x47: {  	s3 =	rddreg [dreg:$0x2];
	[bflag:$0x3] =	sbarrier.arrive $0xFFFF;
	s2 =	simm.s32 @!p0 $0x1C02  }
0x48: {  	[timem:s3], [sflag:s2] =	dma.local @!p0 [hbm:s0], s1  }
0x49: {  	s0 =	simm.s32 @!p0 $0x2  }
0x4a: {  	_ =	swait.ge @!p0 [sflag:s0], s1  }
0x4b: {  	s1 =	ssub.s32 @!p0 $0x0, s1;
	[sflag:s0] =	ssyncset.done @!p0 $0x0  }
0x4c: {  	[sflag:s0] =	ssyncadd.s32 @!p0 s1  }
0x4d: {  	[bflag:$0x3] =	sbarrier.arrive $0xFFFF  }
0x4e: {  	_ =	shalt  }

// kernel: kernel.46.cloned.1.call-start
scs
__scs_entry_jumppad:
0x0: {  	(pc) =	sbr.rel $0x88, $3  }
0x1: {  	(tag) =	ssettag $0x0;
	lr =	simm.s32 $0x1  }
0x2: {  	[smem:$0x3F8D] =	sst lr;
	_ =	strace $0xD0000000  }
0x3: {  	_ = 	snop  }
0x4: {  	_ = 	snop  }
0x5: {  	_ = 	snop  }
0x6: {  	_ = 	snop  }
0x7: {  	_ = 	snop  }
__scs_overlays_trampoline_lowered:
0x8: {  	[smem:$0x3F9C] =	sst s0  }
0x9: {  	[smem:$0x3F9D] =	sst s1  }
0xa: {  	[smem:$0x3F9E] =	sst s2  }
0xb: {  	[smem:$0x3F9F] =	sst s3  }
0xc: {  	[smem:$0x3FA0] =	sst s4  }
0xd: {  	[smem:$0x3FA1] =	sst s5  }
0xe: {  	[smem:$0x3FA2] =	sst s6  }
0xf: {  	[smem:$0x3FA3] =	sst s7  }
0x10: {  	[smem:$0x3FA4] =	sst s8  }
0x11: {  	[smem:$0x3FA5] =	sst s9;
	s0 =	simm.s32 @!p0 $0x0  }
0x12: {  	s1 =	sld [smem:$0x3F8B];
	s0 =	simm.s32 @p0 $0x1  }
0x13: {  	[smem:$0x3FA6] =	sst s0;
	s0 =	simm.s32 @!p1 $0x0  }
0x14: {  	s2 =	sld [smem:$0x3F8A];
	s0 =	simm.s32 @p1 $0x1  }
0x15: {  	[smem:$0x3FA7] =	sst s0;
	s0 =	simm.s32 @!p2 $0x0  }
0x16: {  	s3 =	sld [smem:$0x3FDB];
	s0 =	simm.s32 @p2 $0x1  }
0x17: {  	s4 =	simm.s32 $0x1BF5;
	[smem:$0x3FA9] =	sst s0  }
0x18: {  	s0 =	sld [smem:$0x3F8C];
	_ =	swait.ge [sflag:s4], $0x0  }
0x19: {  	s7 =	sld [smem:$0x3F8D]  }
0x1a: {  	s8 =	sadd.s32 $0xFFFFE003, lr  }
0x1b: {  	s9 =	sadd.s32 $0xFFFFFEF7, lr;
	s5 =	simm.s32 $0xFFFFFFFF;
	p2 =	slt.u32 s8, $0xFFFFF086  }
0x1c: {  	p1 =	slt.u32 s9, $0xF7A;
	s5 =	simm.s32 @!p2 $0x0  }
0x1d: {  	s5 =	simm.s32 @p1 $0x1;
	p0 =	seq.s32 s7, s2  }
0x1e: {  	s7 =	smul.u32 @!p0 $0xF7A, s2;
	p2 =	seq.s32 @!p0 s5, $0x0  }
0x1f: {  	s9 =	smul.u32 $0xF7A, s1;
	s8 =	simm.s32 @!p0 $0x1BF5;
	p2 =	por !p2, p0  }
0x20: {  	[sflag:s8] =	ssyncset.s32 @!p0 $0xFFFFF086;
	s6 =	sadd.s32 @!p0 s3, s7;
	s7 =	simm.s32 @!p0 $0x108  }
0x21: {  	s3 =	sadd.s32 s3, s9;
	s6 =	sadd.s32 @!p0 $0x88, s6;
	s7 =	simm.s32 @p2 $0x1082  }
0x22: {  	[simem:s7], [sflag:s8] =	dma.local @!p0 [hbm:s6], $0xF7A  }
0x23: {  	s9 =	sor.u32 $0xD0000000, s2;
	s6 =	simm.s32 $0x108;
	_ =	swait.ge @!p0 [sflag:s8], $0x0  }
0x24: {  	s3 =	sadd.s32 $0x88, s3;
	s6 =	simm.s32 @!p1 $0x1082;
	[sflag:s4] =	ssyncset.s32 $0xFFFFF086  }
0x25: {  	[simem:s6], [sflag:s4] =	dma.local [hbm:s3], $0xF7A  }
0x26: {  	[smem:$0x3F8D] =	sst s1;
	(tag) =	ssettag s2;
	_ =	strace s9  }
0x27: {  	s1 =	sld [smem:$0x3F9D]  }
0x28: {  	s2 =	sld [smem:$0x3F9E]  }
0x29: {  	s4 =	sld [smem:$0x3FA0]  }
0x2a: {  	p0 =	seq.s32 s5, $0x0;
	s5 =	sld [smem:$0x3FA1]  }
0x2b: {  	s6 =	sld [smem:$0x3FA2]  }
0x2c: {  	s7 =	sld [smem:$0x3FA3]  }
0x2d: {  	s3 =	simm.s32 $0x108;
	s8 =	sld [smem:$0x3FA4]  }
0x2e: {  	s3 =	simm.s32 @!p0 $0x1082;
	s9 =	sld [smem:$0x3FA5]  }
0x2f: {  	lr =	sadd.s32 s0, s3;
	s0 =	sld [smem:$0x3F9C]  }
0x30: {  	s3 =	sld [smem:$0x3F9F]  }
0x31: {  	[smem:$0x3FA8] =	sst s10  }
0x32: {  	s10 =	sld [smem:$0x3FA6];
	_ =	sdelay $0x3  }
0x33: {  	p0 =	seq.s32 s10, $0x1;
	s10 =	sld [smem:$0x3FA8];
	_ =	sdelay $0x3  }
0x34: {  	[smem:$0x3FA8] =	sst s10  }
0x35: {  	s10 =	sld [smem:$0x3FA7];
	_ =	sdelay $0x3  }
0x36: {  	p1 =	seq.s32 s10, $0x1;
	s10 =	sld [smem:$0x3FA8];
	_ =	sdelay $0x3  }
0x37: {  	[smem:$0x3FA8] =	sst s10  }
0x38: {  	s10 =	sld [smem:$0x3FA9]  }
0x39: {  	_ = 	snop;
	(pc) =	sbr.ind lr, $3  }
0x3a: {  	_ = 	snop  }
0x3b: {  	_ = 	snop  }
0x3c: {  	p2 =	seq.s32 s10, $0x1;
	s10 =	sld [smem:$0x3FA8]  }
0x3d: {  	_ =	shalt  }
0x3e: {  	_ =	shalt  }
0x3f: {  	_ =	shalt  }
0x40: {  	_ =	shalt  }
0x41: {  	_ =	shalt  }
0x42: {  	_ =	shalt  }
0x43: {  	_ =	shalt  }
0x44: {  	_ =	shalt  }
0x45: {  	_ =	shalt  }
0x46: {  	_ =	shalt  }
0x47: {  	_ =	shalt  }
0x48: {  	_ =	shalt  }
0x49: {  	_ =	shalt  }
0x4a: {  	_ =	shalt  }
0x4b: {  	_ =	shalt  }
0x4c: {  	_ =	shalt  }
0x4d: {  	_ =	shalt  }
0x4e: {  	_ =	shalt  }
0x4f: {  	_ =	shalt  }
0x50: {  	_ =	shalt  }
0x51: {  	_ =	shalt  }
0x52: {  	_ =	shalt  }
0x53: {  	_ =	shalt  }
0x54: {  	_ =	shalt  }
0x55: {  	_ =	shalt  }
0x56: {  	_ =	shalt  }
0x57: {  	_ =	shalt  }
0x58: {  	_ =	shalt  }
0x59: {  	_ =	shalt  }
0x5a: {  	_ =	shalt  }
0x5b: {  	_ =	shalt  }
0x5c: {  	_ =	shalt  }
0x5d: {  	_ =	shalt  }
0x5e: {  	_ =	shalt  }
0x5f: {  	_ =	shalt  }
0x60: {  	_ =	shalt  }
0x61: {  	_ =	shalt  }
0x62: {  	_ =	shalt  }
0x63: {  	_ =	shalt  }
0x64: {  	_ =	shalt  }
0x65: {  	_ =	shalt  }
0x66: {  	_ =	shalt  }
0x67: {  	_ =	shalt  }
0x68: {  	_ =	shalt  }
0x69: {  	_ =	shalt  }
0x6a: {  	_ =	shalt  }
0x6b: {  	_ =	shalt  }
0x6c: {  	_ =	shalt  }
0x6d: {  	_ =	shalt  }
0x6e: {  	_ =	shalt  }
0x6f: {  	_ =	shalt  }
0x70: {  	_ =	shalt  }
0x71: {  	_ =	shalt  }
0x72: {  	_ =	shalt  }
0x73: {  	_ =	shalt  }
0x74: {  	_ =	shalt  }
0x75: {  	_ =	shalt  }
0x76: {  	_ =	shalt  }
0x77: {  	_ =	shalt  }
0x78: {  	_ =	shalt  }
0x79: {  	_ =	shalt  }
0x7a: {  	_ =	shalt  }
0x7b: {  	_ =	shalt  }
0x7c: {  	_ =	shalt  }
0x7d: {  	_ =	shalt  }
0x7e: {  	_ =	shalt  }
0x7f: {  	_ =	shalt  }
0x80: {  	_ =	shalt  }
0x81: {  	_ =	shalt  }
0x82: {  	_ =	shalt  }
0x83: {  	_ =	shalt  }
0x84: {  	_ =	shalt  }
0x85: {  	_ =	shalt  }
0x86: {  	_ =	shalt  }
0x87: {  	_ =	shalt  }
.Lfunc_end0:
.L_simem_size_0:
called_computation.2_lowered:
.L_overlay_start_0:
0x88: {  	s2 =	sld [smem:$0x3FD9]  }
0x89: {  	s3 =	sld [smem:$0x3FFE];
	_ =	sdelay $0x1  }
0x8a: {  	s1 =	srdreg.scid  }
0x8b: {  	s0 =	sand.u32 $0x1, s1  }
0x8c: {  	s17 =	sshll.u32 s0, $0xA;
	s2 =	sadd.s32 s3, s2  }
0x8d: {  	s2 =	sadd.s32 s2, s17  }
0x8e: {  	[smem:$0x3FB4] =	sst s2  }
0x8f: {  	_ = 	snop  }
0x90: {  	s2 =	sld [smem:$0x3FD0];
	(tm) =	ssettm $0x1  }
0x91: {  	s18 =	sld [smem:$0x3FFB];
	_ =	sdelay $0x3  }
0x92: {  	_ =	strace s18  }
0x93: {  	s3 =	sld [smem:$0x3FFC];
	_ =	sdelay $0x3  }
0x94: {  	_ =	strace s3  }
0x95: {  	s3 =	sld [smem:$0x3FFD];
	_ =	sdelay $0x3  }
0x96: {  	_ =	strace s3  }
0x97: {  	_ =	strace $0x8FFFFFFF  }
0x98: {  	s19 =	sld [smem:$0x3FDB];
	_ =	sdelay $0x1  }
0x99: {  	s4 =	simm.s32 $_scs_section_size  }
0x9a: {  	s5 =	simm.s32 $_size__tile_overlayer_lowered;
	s6 =	simm.s32 $_tile_overlayer_lowered  }
0x9b: {  	s22 =	simm.s32 $0x1BFF;
	s21 =	sshll.u32 s6, $0x1;
	s3 =	sadd.s32 s4, s19  }
0x9c: {  	s7 =	simm.s32 $0x0;
	s20 =	sshll.u32 s5, $0x1;
	s5 =	sadd.s32 s21, s3  }
0x9d: {  	[timem:s7], [sflag:s22] =	dma.local [hbm:s5], s20  }
0x9e: {  	_ =	swait.ge [sflag:s22], s20  }
0x9f: {  	s4 =	ssub.s32 $0x0, s20;
	[sflag:s22] =	ssyncset.done $0x0  }
0xa0: {  	[sflag:s22] =	ssyncadd.s32 s4;
	_ =	sdelay $0x1  }
0xa1: {  	s23 =	simm.s32 $0x1B8B  }
0xa2: {  	_ =	swait.ge [sflag:s23], $0x1  }
0xa3: {  	[sflag:s23] =	ssyncset.done $0x0  }
0xa4: {  	s25 =	simm.s32 $0x1B8E;
	s24 =	sld [smem:$0x3FFE];
	[sflag:s23] =	ssyncadd.s32 $0xFFFFFFFF  }
0xa5: {  	s26 =	simm.s32 $execute0_lowered;
	[smem:$0x3FD2] =	sst s25  }
0xa6: {  	s5 =	sshll.u32 s26, $0x1;
	_ =	strace $0x8000004C;
	[dreg:$0x1] =	wrdreg $0xFFFFFFFF  }
0xa7: {  	s28 =	simm.s32 $_size_execute0_lowered;
	s3 =	sadd.s32 s3, s5;
	[dreg:$0x0] =	wrdreg $0x0  }
0xa8: {  	s5 =	sshll.u32 s28, $0x1;
	[dreg:$0x2] =	wrdreg s3  }
0xa9: {  	[dreg:$0x3] =	wrdreg s5  }
0xaa: {  	[dreg:$0x4] =	wrdreg $0xC0  }
0xab: {  	_ =	task [dreg:s7], $0x5FFFF  }
0xac: {  	[dreg:$0x1] =	wrdreg $0xFFFFFFFF  }
0xad: {  	[dreg:$0x0] =	wrdreg $0x60  }
0xae: {  	[dreg:$0x2] =	wrdreg s24  }
0xaf: {  	[dreg:$0x3] =	wrdreg s2  }
0xb0: {  	[dreg:$0x4] =	wrdreg $0x9  }
0xb1: {  	_ =	task.clear_ibuf [dreg:s7], $0x5FFFF;
	_ =	strace $0x9000004C  }
0xb2: {  	s29 =	simm.s32 $0x9;
	_ =	strace $0x8000004E  }
0xb3: {  	_ =	swait.ge [sflag:s29], $0x1  }
0xb4: {  	[sflag:s29] =	ssyncadd.s32 $0xFFFFFFFF  }
0xb5: {  	_ =	strace $0x9000004E  }
0xb6: {  	_ =	sfence  }
0xb7: {  	s30 =	sld [smem:$0x0];
	_ =	sdelay $0x2  }
0xb8: {  	s31 =	sshll.u32 s1, $0xD;
	s1 =	sshrl.u32 s1, $0x2  }
0xb9: {  	s3 =	sand.u32 $0x4000, s31;
	s1 =	sadd.s32 s1, s30  }
0xba: {  	s0 =	sor.u32 s3, s0;
	s1 =	sshll.u32 s1, $0x11  }
0xbb: {  	s0 =	sor.u32 s1, s0  }
0xbc: {  	s0 =	sadd.s32 $0x8F2B, s0  }
0xbd: {  	[sflag:s0] =	ssyncadd.remote.s32 $0x1  }
0xbe: {  	_ =	sfence.sel $0xFFFF  }
0xbf: {  	[dreg:$0x0] =	wrdreg $0xFFFFFFFF;
	(pc) =	sbr.abs _section_cstart, $3  }
0xc0: {  	[dreg:$0x1] =	wrdreg $0xFFFFFFFF  }
0xc1: {  	_ =	task.clear_ibuf [dreg:s7], $0x2FFFF;
	_ =	strace $0x9FFFFFFF  }
0xc2: {  	(tm) =	ssettm $0x7FFFFFFF  }
0xc3: {  	_ =	shalt  }
tec
execute0_lowered:
.L_overlay_start_1:
0x0: {  	(tag) =	ssettag $0x1  }
0x1: {  	s1 =	srdreg.scid;
	s6 =	rddreg [dreg:$0x0]  }
0x2: {  	s0 =	stileid.u32;
	s4 =	rddreg [dreg:$0x1]  }
0x3: {  	s2 =	simm.s32 $0x0;
	s10 =	simm.s32 $0x80;
	s11 =	simm.s32 $0x880  }
0x4: {  	s12 =	simm.s32 $0x1080;
	s13 =	simm.s32 $0x1880;
	s14 =	simm.s32 $0x2080  }
0x5: {  	s15 =	simm.s32 $0x2880;
	s16 =	simm.s32 $0x3080;
	s17 =	simm.s32 $0x3880  }
0x6: {  	s18 =	simm.s32 $0x4080;
	s19 =	simm.s32 $0x4880;
	s20 =	simm.s32 $0x5080  }
0x7: {  	s21 =	simm.s32 $0x5880;
	s22 =	simm.s32 $0x1;
	s3 =	sand.u32 $0x1, s1  }
0x8: {  	s5 =	sshll.u32 s0, $0x3;
	s1 =	rddreg [dreg:$0x2];
	s7 =	sshll.u32 s3, $0x2  }
0x9: {  	[smem:$0x7FF] =	sst s2;
	s8 =	ssub.s32 $0x2, s3;
	s5 =	sor.u32 s7, s5  }
0xa: {  	_ =	strace $0x8000004D;
	s9 =	sshrl.u32 s8, $0x1;
	s7 =	smul.u32 $0x300, s5  }
0xb: {  	v2 =	vlaneseq.u32;
	s3 =	sadd.s32 $0x40C00, s6;
	s8 =	ssub.s32 s8, s9;
	s4 =	sadd.s32 s4, s5  }
0xc: {  	vm0 =	vmmov $0xffff;
	v1 =	vshrl.u32 v2, $0x3;
	s5 =	sadd.s32 $0x40D00, s6;
	s9 =	simm.s32 $0x2;
	s7 =	sadd.s32 s7, s6  }
0xd: {  	v0 =	vand.u32 $0x7, v2;
	v2 =	vor.u32 $0x8, v2;
	v1 =	vmul.u32 $0x8, v1;
	s8 =	smax.u32 s8, $0x1;
	s6 =	sadd.s32 $0x40E00, s6;
	s7 =	sadd.s32 $0x69600, s7  }
.LBB2_1:
0xe: {  	[tilespmem:s2], [sflag:$0x2] =	stream.linear.gather [hbm4b:s4+s2], $0x20, $0x38;
	[tilespmem:$0x6080] =	vst v63  }
0xf: {  	_ =	swait.ge [sflag:s9], $0x20  }
0x10: {  	[sflag:s9] =	ssyncset.done $0x0  }
0x11: {  	[sflag:s9] =	ssyncadd.s32 $0xFFFFFFE0  }
0x12: {  	v3 =	vld [tilespmem:$0x0];
	_ =	sdelay $0x4  }
0x13: {  	v4 =	vshrl.u32 v3, $0x3  }
0x14: {  	v4 =	vmul.u32 $0x30, v4  }
0x15: {  	v3 =	vand.u32 $0x7, v3  }
0x16: {  	v3 =	vor.u32 v3, v4  }
0x17: {  	v4 =	vperm.xlane v3, v0;
	_ =	sdelay $0x1  }
0x18: {  	v4 =	vadd.s32 v1, v4;
	_ =	sdelay $0x3  }
0x19: {  	v3 =	vperm.xlane v3, v2  }
0x1a: {  	[tilespmem:s10], [sflag:$0x1] =	stream.indirect_vreg.gather [hbm4b:s3+s2], $0x80, v4, vm0, $0xb8;
	[tilespmem:$0x6080] =	vst v63  }
0x1b: {  	v3 =	vadd.s32 v1, v3  }
0x1c: {  	[tilespmem:s11], [sflag:$0x1] =	stream.indirect_vreg.gather [hbm4b:s5+s2], $0x80, v4, vm0, $0xb8;
	[tilespmem:$0x6080] =	vst v63  }
0x1d: {  	_ = 	snop  }
0x1e: {  	[tilespmem:s12], [sflag:$0x1] =	stream.indirect_vreg.gather [hbm4b:s6+s2], $0x80, v4, vm0, $0xb8;
	[tilespmem:$0x6080] =	vst v63  }
0x1f: {  	_ = 	snop  }
0x20: {  	[tilespmem:s13], [sflag:$0x1] =	stream.indirect_vreg.gather [hbm4b:s3+s2], $0x80, v3, vm0, $0xb8;
	[tilespmem:$0x6080] =	vst v63  }
0x21: {  	_ = 	snop  }
0x22: {  	[tilespmem:s14], [sflag:$0x1] =	stream.indirect_vreg.gather [hbm4b:s5+s2], $0x80, v3, vm0, $0xb8;
	[tilespmem:$0x6080] =	vst v63  }
0x23: {  	_ = 	snop  }
0x24: {  	[tilespmem:s15], [sflag:$0x1] =	stream.indirect_vreg.gather [hbm4b:s6+s2], $0x80, v3, vm0, $0xb8;
	[tilespmem:$0x6080] =	vst v63  }
0x25: {  	v3 =	vld [tilespmem:$0x10];
	_ =	sdelay $0x4  }
0x26: {  	v63 =	vshrl.u32 v3, $0x3  }
0x27: {  	v4 =	vmul.u32 $0x30, v63  }
0x28: {  	v3 =	vand.u32 $0x7, v3  }
0x29: {  	v3 =	vor.u32 v3, v4  }
0x2a: {  	v4 =	vperm.xlane v3, v0;
	_ =	sdelay $0x1  }
0x2b: {  	v4 =	vadd.s32 v1, v4;
	_ =	sdelay $0x3  }
0x2c: {  	v3 =	vperm.xlane v3, v2  }
0x2d: {  	[tilespmem:s16], [sflag:$0x1] =	stream.indirect_vreg.gather [hbm4b:s3+s2], $0x80, v4, vm0, $0xb8;
	[tilespmem:$0x6080] =	vst v63  }
0x2e: {  	v3 =	vadd.s32 v1, v3  }
0x2f: {  	[tilespmem:s17], [sflag:$0x1] =	stream.indirect_vreg.gather [hbm4b:s5+s2], $0x80, v4, vm0, $0xb8;
	[tilespmem:$0x6080] =	vst v63  }
0x30: {  	_ = 	snop  }
0x31: {  	[tilespmem:s18], [sflag:$0x1] =	stream.indirect_vreg.gather [hbm4b:s6+s2], $0x80, v4, vm0, $0xb8;
	[tilespmem:$0x6080] =	vst v63  }
0x32: {  	_ = 	snop  }
0x33: {  	[tilespmem:s19], [sflag:$0x1] =	stream.indirect_vreg.gather [hbm4b:s3+s2], $0x80, v3, vm0, $0xb8;
	[tilespmem:$0x6080] =	vst v63  }
0x34: {  	_ = 	snop  }
0x35: {  	[tilespmem:s20], [sflag:$0x1] =	stream.indirect_vreg.gather [hbm4b:s5+s2], $0x80, v3, vm0, $0xb8;
	[tilespmem:$0x6080] =	vst v63  }
0x36: {  	_ = 	snop  }
0x37: {  	[tilespmem:s21], [sflag:$0x1] =	stream.indirect_vreg.gather [hbm4b:s6+s2], $0x80, v3, vm0, $0xb8;
	[tilespmem:$0x6080] =	vst v63  }
0x38: {  	_ =	swait.ge [sflag:s22], $0x6000  }
0x39: {  	p0 =	sne.s32 s8, $0x1;
	[sflag:s22] =	ssyncset.done $0x0  }
.Ltmp0:
0x3a: {  	[sflag:s22] =	ssyncadd.s32 $0xFFFFA000;
	(pc) =	sbr.rel @p0 .LBB2_1-.Ltmp0, $4  }
0x3b: {  	[hbm4b:s7+s2] =	stream.linear.scatter [tilespmem:s10], [sflag:$0x2], $0x6000, $0x38;
	[tilespmem:$0x6080] =	vst v63  }
0x3c: {  	_ =	swait.ge [sflag:s9], $0x6000  }
0x3d: {  	[sflag:s9] =	ssyncset.done $0x0  }
0x3e: {  	s8 =	sadd.s32 $0xFFFFFFFF, s8;
	[sflag:s9] =	ssyncadd.s32 $0xFFFFA000  }
0x3f: {  	_ =	sfence.sel $0x180000  }
0x40: {  	[bflag:$0x0] =	sbarrier.arrive $0xFFFF  }
0x41: {  	p0 =	sne.s32 s0, $0x0;
	_ =	strace $0x9000004D  }
0x42: {  	s0 =	sadd.s32 @!p0 $0x100000, s1;
	[bflag:$0x2] =	sbarrier.arrive $0xFFFF  }
0x43: {  	[sflag:s0] =	ssyncadd.tile.s32 @!p0 $0x1;
	_ =	shalt  }
.Lfunc_end2:
_tile_overlayer_lowered:
.L_overlay_start_2:
0x44: {  	(tag) =	ssettag $0x2  }
0x45: {  	s0 =	rddreg [dreg:$0x0];
	s2 =	stileid.u32  }
0x46: {  	s1 =	rddreg [dreg:$0x1];
	p0 =	sne.s32 s2, $0x0  }
0x47: {  	s3 =	rddreg [dreg:$0x2];
	[bflag:$0x3] =	sbarrier.arrive $0xFFFF;
	s2 =	simm.s32 @!p0 $0x1C02  }
0x48: {  	[timem:s3], [sflag:s2] =	dma.local @!p0 [hbm:s0], s1  }
0x49: {  	s0 =	simm.s32 @!p0 $0x2  }
0x4a: {  	_ =	swait.ge @!p0 [sflag:s0], s1  }
0x4b: {  	s1 =	ssub.s32 @!p0 $0x0, s1;
	[sflag:s0] =	ssyncset.done @!p0 $0x0  }
0x4c: {  	[sflag:s0] =	ssyncadd.s32 @!p0 s1  }
0x4d: {  	[bflag:$0x3] =	sbarrier.arrive $0xFFFF  }
0x4e: {  	_ =	shalt  }

// kernel: kernel.49.cloned.1.call-start
scs
__scs_entry_jumppad:
0x0: {  	(pc) =	sbr.rel $0x88, $3  }
0x1: {  	(tag) =	ssettag $0x0;
	lr =	simm.s32 $0x1  }
0x2: {  	[smem:$0x3F8D] =	sst lr;
	_ =	strace $0xD0000000  }
0x3: {  	_ = 	snop  }
0x4: {  	_ = 	snop  }
0x5: {  	_ = 	snop  }
0x6: {  	_ = 	snop  }
0x7: {  	_ = 	snop  }
__scs_overlays_trampoline_lowered:
0x8: {  	[smem:$0x3F9C] =	sst s0  }
0x9: {  	[smem:$0x3F9D] =	sst s1  }
0xa: {  	[smem:$0x3F9E] =	sst s2  }
0xb: {  	[smem:$0x3F9F] =	sst s3  }
0xc: {  	[smem:$0x3FA0] =	sst s4  }
0xd: {  	[smem:$0x3FA1] =	sst s5  }
0xe: {  	[smem:$0x3FA2] =	sst s6  }
0xf: {  	[smem:$0x3FA3] =	sst s7  }
0x10: {  	[smem:$0x3FA4] =	sst s8  }
0x11: {  	[smem:$0x3FA5] =	sst s9;
	s0 =	simm.s32 @!p0 $0x0  }
0x12: {  	s1 =	sld [smem:$0x3F8B];
	s0 =	simm.s32 @p0 $0x1  }
0x13: {  	[smem:$0x3FA6] =	sst s0;
	s0 =	simm.s32 @!p1 $0x0  }
0x14: {  	s2 =	sld [smem:$0x3F8A];
	s0 =	simm.s32 @p1 $0x1  }
0x15: {  	[smem:$0x3FA7] =	sst s0;
	s0 =	simm.s32 @!p2 $0x0  }
0x16: {  	s3 =	sld [smem:$0x3FDB];
	s0 =	simm.s32 @p2 $0x1  }
0x17: {  	s4 =	simm.s32 $0x1BF5;
	[smem:$0x3FA9] =	sst s0  }
0x18: {  	s0 =	sld [smem:$0x3F8C];
	_ =	swait.ge [sflag:s4], $0x0  }
0x19: {  	s7 =	sld [smem:$0x3F8D]  }
0x1a: {  	s8 =	sadd.s32 $0xFFFFE003, lr  }
0x1b: {  	s9 =	sadd.s32 $0xFFFFFEF7, lr;
	s5 =	simm.s32 $0xFFFFFFFF;
	p2 =	slt.u32 s8, $0xFFFFF086  }
0x1c: {  	p1 =	slt.u32 s9, $0xF7A;
	s5 =	simm.s32 @!p2 $0x0  }
0x1d: {  	s5 =	simm.s32 @p1 $0x1;
	p0 =	seq.s32 s7, s2  }
0x1e: {  	s7 =	smul.u32 @!p0 $0xF7A, s2;
	p2 =	seq.s32 @!p0 s5, $0x0  }
0x1f: {  	s9 =	smul.u32 $0xF7A, s1;
	s8 =	simm.s32 @!p0 $0x1BF5;
	p2 =	por !p2, p0  }
0x20: {  	[sflag:s8] =	ssyncset.s32 @!p0 $0xFFFFF086;
	s6 =	sadd.s32 @!p0 s3, s7;
	s7 =	simm.s32 @!p0 $0x108  }
0x21: {  	s3 =	sadd.s32 s3, s9;
	s6 =	sadd.s32 @!p0 $0x88, s6;
	s7 =	simm.s32 @p2 $0x1082  }
0x22: {  	[simem:s7], [sflag:s8] =	dma.local @!p0 [hbm:s6], $0xF7A  }
0x23: {  	s9 =	sor.u32 $0xD0000000, s2;
	s6 =	simm.s32 $0x108;
	_ =	swait.ge @!p0 [sflag:s8], $0x0  }
0x24: {  	s3 =	sadd.s32 $0x88, s3;
	s6 =	simm.s32 @!p1 $0x1082;
	[sflag:s4] =	ssyncset.s32 $0xFFFFF086  }
0x25: {  	[simem:s6], [sflag:s4] =	dma.local [hbm:s3], $0xF7A  }
0x26: {  	[smem:$0x3F8D] =	sst s1;
	(tag) =	ssettag s2;
	_ =	strace s9  }
0x27: {  	s1 =	sld [smem:$0x3F9D]  }
0x28: {  	s2 =	sld [smem:$0x3F9E]  }
0x29: {  	s4 =	sld [smem:$0x3FA0]  }
0x2a: {  	p0 =	seq.s32 s5, $0x0;
	s5 =	sld [smem:$0x3FA1]  }
0x2b: {  	s6 =	sld [smem:$0x3FA2]  }
0x2c: {  	s7 =	sld [smem:$0x3FA3]  }
0x2d: {  	s3 =	simm.s32 $0x108;
	s8 =	sld [smem:$0x3FA4]  }
0x2e: {  	s3 =	simm.s32 @!p0 $0x1082;
	s9 =	sld [smem:$0x3FA5]  }
0x2f: {  	lr =	sadd.s32 s0, s3;
	s0 =	sld [smem:$0x3F9C]  }
0x30: {  	s3 =	sld [smem:$0x3F9F]  }
0x31: {  	[smem:$0x3FA8] =	sst s10  }
0x32: {  	s10 =	sld [smem:$0x3FA6];
	_ =	sdelay $0x3  }
0x33: {  	p0 =	seq.s32 s10, $0x1;
	s10 =	sld [smem:$0x3FA8];
	_ =	sdelay $0x3  }
0x34: {  	[smem:$0x3FA8] =	sst s10  }
0x35: {  	s10 =	sld [smem:$0x3FA7];
	_ =	sdelay $0x3  }
0x36: {  	p1 =	seq.s32 s10, $0x1;
	s10 =	sld [smem:$0x3FA8];
	_ =	sdelay $0x3  }
0x37: {  	[smem:$0x3FA8] =	sst s10  }
0x38: {  	s10 =	sld [smem:$0x3FA9]  }
0x39: {  	_ = 	snop;
	(pc) =	sbr.ind lr, $3  }
0x3a: {  	_ = 	snop  }
0x3b: {  	_ = 	snop  }
0x3c: {  	p2 =	seq.s32 s10, $0x1;
	s10 =	sld [smem:$0x3FA8]  }
0x3d: {  	_ =	shalt  }
0x3e: {  	_ =	shalt  }
0x3f: {  	_ =	shalt  }
0x40: {  	_ =	shalt  }
0x41: {  	_ =	shalt  }
0x42: {  	_ =	shalt  }
0x43: {  	_ =	shalt  }
0x44: {  	_ =	shalt  }
0x45: {  	_ =	shalt  }
0x46: {  	_ =	shalt  }
0x47: {  	_ =	shalt  }
0x48: {  	_ =	shalt  }
0x49: {  	_ =	shalt  }
0x4a: {  	_ =	shalt  }
0x4b: {  	_ =	shalt  }
0x4c: {  	_ =	shalt  }
0x4d: {  	_ =	shalt  }
0x4e: {  	_ =	shalt  }
0x4f: {  	_ =	shalt  }
0x50: {  	_ =	shalt  }
0x51: {  	_ =	shalt  }
0x52: {  	_ =	shalt  }
0x53: {  	_ =	shalt  }
0x54: {  	_ =	shalt  }
0x55: {  	_ =	shalt  }
0x56: {  	_ =	shalt  }
0x57: {  	_ =	shalt  }
0x58: {  	_ =	shalt  }
0x59: {  	_ =	shalt  }
0x5a: {  	_ =	shalt  }
0x5b: {  	_ =	shalt  }
0x5c: {  	_ =	shalt  }
0x5d: {  	_ =	shalt  }
0x5e: {  	_ =	shalt  }
0x5f: {  	_ =	shalt  }
0x60: {  	_ =	shalt  }
0x61: {  	_ =	shalt  }
0x62: {  	_ =	shalt  }
0x63: {  	_ =	shalt  }
0x64: {  	_ =	shalt  }
0x65: {  	_ =	shalt  }
0x66: {  	_ =	shalt  }
0x67: {  	_ =	shalt  }
0x68: {  	_ =	shalt  }
0x69: {  	_ =	shalt  }
0x6a: {  	_ =	shalt  }
0x6b: {  	_ =	shalt  }
0x6c: {  	_ =	shalt  }
0x6d: {  	_ =	shalt  }
0x6e: {  	_ =	shalt  }
0x6f: {  	_ =	shalt  }
0x70: {  	_ =	shalt  }
0x71: {  	_ =	shalt  }
0x72: {  	_ =	shalt  }
0x73: {  	_ =	shalt  }
0x74: {  	_ =	shalt  }
0x75: {  	_ =	shalt  }
0x76: {  	_ =	shalt  }
0x77: {  	_ =	shalt  }
0x78: {  	_ =	shalt  }
0x79: {  	_ =	shalt  }
0x7a: {  	_ =	shalt  }
0x7b: {  	_ =	shalt  }
0x7c: {  	_ =	shalt  }
0x7d: {  	_ =	shalt  }
0x7e: {  	_ =	shalt  }
0x7f: {  	_ =	shalt  }
0x80: {  	_ =	shalt  }
0x81: {  	_ =	shalt  }
0x82: {  	_ =	shalt  }
0x83: {  	_ =	shalt  }
0x84: {  	_ =	shalt  }
0x85: {  	_ =	shalt  }
0x86: {  	_ =	shalt  }
0x87: {  	_ =	shalt  }
.Lfunc_end0:
.L_simem_size_0:
called_computation.3_lowered:
.L_overlay_start_0:
0x88: {  	s2 =	sld [smem:$0x3FD9]  }
0x89: {  	s3 =	sld [smem:$0x3FFE];
	_ =	sdelay $0x1  }
0x8a: {  	s1 =	srdreg.scid  }
0x8b: {  	s0 =	sand.u32 $0x1, s1  }
0x8c: {  	s17 =	sshll.u32 s0, $0xA;
	s2 =	sadd.s32 s3, s2  }
0x8d: {  	s2 =	sadd.s32 s2, s17  }
0x8e: {  	[smem:$0x3FB4] =	sst s2  }
0x8f: {  	_ = 	snop  }
0x90: {  	s2 =	sld [smem:$0x3FD0];
	(tm) =	ssettm $0x1  }
0x91: {  	s18 =	sld [smem:$0x3FFB];
	_ =	sdelay $0x3  }
0x92: {  	_ =	strace s18  }
0x93: {  	s3 =	sld [smem:$0x3FFC];
	_ =	sdelay $0x3  }
0x94: {  	_ =	strace s3  }
0x95: {  	s3 =	sld [smem:$0x3FFD];
	_ =	sdelay $0x3  }
0x96: {  	_ =	strace s3  }
0x97: {  	_ =	strace $0x8FFFFFFF  }
0x98: {  	s19 =	sld [smem:$0x3FDB];
	_ =	sdelay $0x1  }
0x99: {  	s4 =	simm.s32 $_scs_section_size  }
0x9a: {  	s5 =	simm.s32 $_size__tile_overlayer_lowered;
	s6 =	simm.s32 $_tile_overlayer_lowered  }
0x9b: {  	s22 =	simm.s32 $0x1BFF;
	s21 =	sshll.u32 s6, $0x1;
	s3 =	sadd.s32 s4, s19  }
0x9c: {  	s7 =	simm.s32 $0x0;
	s20 =	sshll.u32 s5, $0x1;
	s5 =	sadd.s32 s21, s3  }
0x9d: {  	[timem:s7], [sflag:s22] =	dma.local [hbm:s5], s20  }
0x9e: {  	_ =	swait.ge [sflag:s22], s20  }
0x9f: {  	s4 =	ssub.s32 $0x0, s20;
	[sflag:s22] =	ssyncset.done $0x0  }
0xa0: {  	[sflag:s22] =	ssyncadd.s32 s4;
	_ =	sdelay $0x1  }
0xa1: {  	s23 =	simm.s32 $0x1B8B  }
0xa2: {  	_ =	swait.ge [sflag:s23], $0x1  }
0xa3: {  	[sflag:s23] =	ssyncset.done $0x0  }
0xa4: {  	s25 =	simm.s32 $0x1B8E;
	s24 =	sld [smem:$0x3FFE];
	[sflag:s23] =	ssyncadd.s32 $0xFFFFFFFF  }
0xa5: {  	s26 =	simm.s32 $execute0_lowered;
	[smem:$0x3FD2] =	sst s25  }
0xa6: {  	s5 =	sshll.u32 s26, $0x1;
	_ =	strace $0x8000004F;
	[dreg:$0x1] =	wrdreg $0xFFFFFFFF  }
0xa7: {  	s28 =	simm.s32 $_size_execute0_lowered;
	s3 =	sadd.s32 s3, s5;
	[dreg:$0x0] =	wrdreg $0x0  }
0xa8: {  	s5 =	sshll.u32 s28, $0x1;
	[dreg:$0x2] =	wrdreg s3  }
0xa9: {  	[dreg:$0x3] =	wrdreg s5  }
0xaa: {  	[dreg:$0x4] =	wrdreg $0xC0  }
0xab: {  	_ =	task [dreg:s7], $0x5FFFF  }
0xac: {  	[dreg:$0x1] =	wrdreg $0xFFFFFFFF  }
0xad: {  	[dreg:$0x0] =	wrdreg $0x60  }
0xae: {  	[dreg:$0x2] =	wrdreg s24  }
0xaf: {  	[dreg:$0x3] =	wrdreg s2  }
0xb0: {  	[dreg:$0x4] =	wrdreg $0x9  }
0xb1: {  	_ =	task.clear_ibuf [dreg:s7], $0x5FFFF;
	_ =	strace $0x9000004F  }
0xb2: {  	s29 =	simm.s32 $0x9;
	_ =	strace $0x80000051  }
0xb3: {  	_ =	swait.ge [sflag:s29], $0x1  }
0xb4: {  	[sflag:s29] =	ssyncadd.s32 $0xFFFFFFFF  }
0xb5: {  	_ =	strace $0x90000051  }
0xb6: {  	_ =	sfence  }
0xb7: {  	s30 =	sld [smem:$0x0];
	_ =	sdelay $0x2  }
0xb8: {  	s31 =	sshll.u32 s1, $0xD;
	s1 =	sshrl.u32 s1, $0x2  }
0xb9: {  	s3 =	sand.u32 $0x4000, s31;
	s1 =	sadd.s32 s1, s30  }
0xba: {  	s0 =	sor.u32 s3, s0;
	s1 =	sshll.u32 s1, $0x11  }
0xbb: {  	s0 =	sor.u32 s1, s0  }
0xbc: {  	s0 =	sadd.s32 $0x8F2B, s0  }
0xbd: {  	[sflag:s0] =	ssyncadd.remote.s32 $0x1  }
0xbe: {  	_ =	sfence.sel $0xFFFF  }
0xbf: {  	[dreg:$0x0] =	wrdreg $0xFFFFFFFF;
	(pc) =	sbr.abs _section_cstart, $3  }
0xc0: {  	[dreg:$0x1] =	wrdreg $0xFFFFFFFF  }
0xc1: {  	_ =	task.clear_ibuf [dreg:s7], $0x2FFFF;
	_ =	strace $0x9FFFFFFF  }
0xc2: {  	(tm) =	ssettm $0x7FFFFFFF  }
0xc3: {  	_ =	shalt  }
tec
execute0_lowered:
.L_overlay_start_1:
0x0: {  	(tag) =	ssettag $0x1  }
0x1: {  	s1 =	srdreg.scid;
	s6 =	rddreg [dreg:$0x0]  }
0x2: {  	s0 =	stileid.u32;
	s4 =	rddreg [dreg:$0x1]  }
0x3: {  	s2 =	simm.s32 $0x0;
	s10 =	simm.s32 $0x80;
	s11 =	simm.s32 $0x880  }
0x4: {  	s12 =	simm.s32 $0x1080;
	s13 =	simm.s32 $0x1880;
	s14 =	simm.s32 $0x2080  }
0x5: {  	s15 =	simm.s32 $0x2880;
	s16 =	simm.s32 $0x3080;
	s17 =	simm.s32 $0x3880  }
0x6: {  	s18 =	simm.s32 $0x4080;
	s19 =	simm.s32 $0x4880;
	s20 =	simm.s32 $0x5080  }
0x7: {  	s21 =	simm.s32 $0x5880;
	s22 =	simm.s32 $0x1;
	s3 =	sand.u32 $0x1, s1  }
0x8: {  	s5 =	sshll.u32 s0, $0x3;
	s1 =	rddreg [dreg:$0x2];
	s7 =	sshll.u32 s3, $0x2  }
0x9: {  	[smem:$0x7FF] =	sst s2;
	s8 =	ssub.s32 $0x2, s3;
	s5 =	sor.u32 s7, s5  }
0xa: {  	_ =	strace $0x80000050;
	s9 =	sshrl.u32 s8, $0x1;
	s7 =	smul.u32 $0x300, s5  }
0xb: {  	v2 =	vlaneseq.u32;
	s3 =	sadd.s32 $0x40C00, s6;
	s8 =	ssub.s32 s8, s9;
	s4 =	sadd.s32 s4, s5  }
0xc: {  	vm0 =	vmmov $0xffff;
	v1 =	vshrl.u32 v2, $0x3;
	s5 =	sadd.s32 $0x40D00, s6;
	s9 =	simm.s32 $0x2;
	s7 =	sadd.s32 s7, s6  }
0xd: {  	v0 =	vand.u32 $0x7, v2;
	v2 =	vor.u32 $0x8, v2;
	v1 =	vmul.u32 $0x8, v1;
	s8 =	smax.u32 s8, $0x1;
	s6 =	sadd.s32 $0x40E00, s6;
	s7 =	sadd.s32 $0x69600, s7  }
.LBB2_1:
0xe: {  	[tilespmem:s2], [sflag:$0x2] =	stream.linear.gather [hbm4b:s4+s2], $0x20, $0x38;
	[tilespmem:$0x6080] =	vst v63  }
0xf: {  	_ =	swait.ge [sflag:s9], $0x20  }
0x10: {  	[sflag:s9] =	ssyncset.done $0x0  }
0x11: {  	[sflag:s9] =	ssyncadd.s32 $0xFFFFFFE0  }
0x12: {  	v3 =	vld [tilespmem:$0x0];
	_ =	sdelay $0x4  }
0x13: {  	v4 =	vshrl.u32 v3, $0x3  }
0x14: {  	v4 =	vmul.u32 $0x30, v4  }
0x15: {  	v3 =	vand.u32 $0x7, v3  }
0x16: {  	v3 =	vor.u32 v3, v4  }
0x17: {  	v4 =	vperm.xlane v3, v0;
	_ =	sdelay $0x1  }
0x18: {  	v4 =	vadd.s32 v1, v4;
	_ =	sdelay $0x3  }
0x19: {  	v3 =	vperm.xlane v3, v2  }
0x1a: {  	[tilespmem:s10], [sflag:$0x1] =	stream.indirect_vreg.gather [hbm4b:s3+s2], $0x80, v4, vm0, $0xb8;
	[tilespmem:$0x6080] =	vst v63  }
0x1b: {  	v3 =	vadd.s32 v1, v3  }
0x1c: {  	[tilespmem:s11], [sflag:$0x1] =	stream.indirect_vreg.gather [hbm4b:s5+s2], $0x80, v4, vm0, $0xb8;
	[tilespmem:$0x6080] =	vst v63  }
0x1d: {  	_ = 	snop  }
0x1e: {  	[tilespmem:s12], [sflag:$0x1] =	stream.indirect_vreg.gather [hbm4b:s6+s2], $0x80, v4, vm0, $0xb8;
	[tilespmem:$0x6080] =	vst v63  }
0x1f: {  	_ = 	snop  }
0x20: {  	[tilespmem:s13], [sflag:$0x1] =	stream.indirect_vreg.gather [hbm4b:s3+s2], $0x80, v3, vm0, $0xb8;
	[tilespmem:$0x6080] =	vst v63  }
0x21: {  	_ = 	snop  }
0x22: {  	[tilespmem:s14], [sflag:$0x1] =	stream.indirect_vreg.gather [hbm4b:s5+s2], $0x80, v3, vm0, $0xb8;
	[tilespmem:$0x6080] =	vst v63  }
0x23: {  	_ = 	snop  }
0x24: {  	[tilespmem:s15], [sflag:$0x1] =	stream.indirect_vreg.gather [hbm4b:s6+s2], $0x80, v3, vm0, $0xb8;
	[tilespmem:$0x6080] =	vst v63  }
0x25: {  	v3 =	vld [tilespmem:$0x10];
	_ =	sdelay $0x4  }
0x26: {  	v63 =	vshrl.u32 v3, $0x3  }
0x27: {  	v4 =	vmul.u32 $0x30, v63  }
0x28: {  	v3 =	vand.u32 $0x7, v3  }
0x29: {  	v3 =	vor.u32 v3, v4  }
0x2a: {  	v4 =	vperm.xlane v3, v0;
	_ =	sdelay $0x1  }
0x2b: {  	v4 =	vadd.s32 v1, v4;
	_ =	sdelay $0x3  }
0x2c: {  	v3 =	vperm.xlane v3, v2  }
0x2d: {  	[tilespmem:s16], [sflag:$0x1] =	stream.indirect_vreg.gather [hbm4b:s3+s2], $0x80, v4, vm0, $0xb8;
	[tilespmem:$0x6080] =	vst v63  }
0x2e: {  	v3 =	vadd.s32 v1, v3  }
0x2f: {  	[tilespmem:s17], [sflag:$0x1] =	stream.indirect_vreg.gather [hbm4b:s5+s2], $0x80, v4, vm0, $0xb8;
	[tilespmem:$0x6080] =	vst v63  }
0x30: {  	_ = 	snop  }
0x31: {  	[tilespmem:s18], [sflag:$0x1] =	stream.indirect_vreg.gather [hbm4b:s6+s2], $0x80, v4, vm0, $0xb8;
	[tilespmem:$0x6080] =	vst v63  }
0x32: {  	_ = 	snop  }
0x33: {  	[tilespmem:s19], [sflag:$0x1] =	stream.indirect_vreg.gather [hbm4b:s3+s2], $0x80, v3, vm0, $0xb8;
	[tilespmem:$0x6080] =	vst v63  }
0x34: {  	_ = 	snop  }
0x35: {  	[tilespmem:s20], [sflag:$0x1] =	stream.indirect_vreg.gather [hbm4b:s5+s2], $0x80, v3, vm0, $0xb8;
	[tilespmem:$0x6080] =	vst v63  }
0x36: {  	_ = 	snop  }
0x37: {  	[tilespmem:s21], [sflag:$0x1] =	stream.indirect_vreg.gather [hbm4b:s6+s2], $0x80, v3, vm0, $0xb8;
	[tilespmem:$0x6080] =	vst v63  }
0x38: {  	_ =	swait.ge [sflag:s22], $0x6000  }
0x39: {  	p0 =	sne.s32 s8, $0x1;
	[sflag:s22] =	ssyncset.done $0x0  }
.Ltmp0:
0x3a: {  	[sflag:s22] =	ssyncadd.s32 $0xFFFFA000;
	(pc) =	sbr.rel @p0 .LBB2_1-.Ltmp0, $4  }
0x3b: {  	[hbm4b:s7+s2] =	stream.linear.scatter [tilespmem:s10], [sflag:$0x2], $0x6000, $0x38;
	[tilespmem:$0x6080] =	vst v63  }
0x3c: {  	_ =	swait.ge [sflag:s9], $0x6000  }
0x3d: {  	[sflag:s9] =	ssyncset.done $0x0  }
0x3e: {  	s8 =	sadd.s32 $0xFFFFFFFF, s8;
	[sflag:s9] =	ssyncadd.s32 $0xFFFFA000  }
0x3f: {  	_ =	sfence.sel $0x180000  }
0x40: {  	[bflag:$0x0] =	sbarrier.arrive $0xFFFF  }
0x41: {  	p0 =	sne.s32 s0, $0x0;
	_ =	strace $0x90000050  }
0x42: {  	s0 =	sadd.s32 @!p0 $0x100000, s1;
	[bflag:$0x2] =	sbarrier.arrive $0xFFFF  }
0x43: {  	[sflag:s0] =	ssyncadd.tile.s32 @!p0 $0x1;
	_ =	shalt  }
.Lfunc_end2:
_tile_overlayer_lowered:
.L_overlay_start_2:
0x44: {  	(tag) =	ssettag $0x2  }
0x45: {  	s0 =	rddreg [dreg:$0x0];
	s2 =	stileid.u32  }
0x46: {  	s1 =	rddreg [dreg:$0x1];
	p0 =	sne.s32 s2, $0x0  }
0x47: {  	s3 =	rddreg [dreg:$0x2];
	[bflag:$0x3] =	sbarrier.arrive $0xFFFF;
	s2 =	simm.s32 @!p0 $0x1C02  }
0x48: {  	[timem:s3], [sflag:s2] =	dma.local @!p0 [hbm:s0], s1  }
0x49: {  	s0 =	simm.s32 @!p0 $0x2  }
0x4a: {  	_ =	swait.ge @!p0 [sflag:s0], s1  }
0x4b: {  	s1 =	ssub.s32 @!p0 $0x0, s1;
	[sflag:s0] =	ssyncset.done @!p0 $0x0  }
0x4c: {  	[sflag:s0] =	ssyncadd.s32 @!p0 s1  }
0x4d: {  	[bflag:$0x3] =	sbarrier.arrive $0xFFFF  }
0x4e: {  	_ =	shalt  }

// kernel: kernel.52.cloned.1.call-start
scs
__scs_entry_jumppad:
0x0: {  	(pc) =	sbr.rel $0x88, $3  }
0x1: {  	(tag) =	ssettag $0x0;
	lr =	simm.s32 $0x1  }
0x2: {  	[smem:$0x3F8D] =	sst lr;
	_ =	strace $0xD0000000  }
0x3: {  	_ = 	snop  }
0x4: {  	_ = 	snop  }
0x5: {  	_ = 	snop  }
0x6: {  	_ = 	snop  }
0x7: {  	_ = 	snop  }
__scs_overlays_trampoline_lowered:
0x8: {  	[smem:$0x3F9C] =	sst s0  }
0x9: {  	[smem:$0x3F9D] =	sst s1  }
0xa: {  	[smem:$0x3F9E] =	sst s2  }
0xb: {  	[smem:$0x3F9F] =	sst s3  }
0xc: {  	[smem:$0x3FA0] =	sst s4  }
0xd: {  	[smem:$0x3FA1] =	sst s5  }
0xe: {  	[smem:$0x3FA2] =	sst s6  }
0xf: {  	[smem:$0x3FA3] =	sst s7  }
0x10: {  	[smem:$0x3FA4] =	sst s8  }
0x11: {  	[smem:$0x3FA5] =	sst s9;
	s0 =	simm.s32 @!p0 $0x0  }
0x12: {  	s1 =	sld [smem:$0x3F8B];
	s0 =	simm.s32 @p0 $0x1  }
0x13: {  	[smem:$0x3FA6] =	sst s0;
	s0 =	simm.s32 @!p1 $0x0  }
0x14: {  	s2 =	sld [smem:$0x3F8A];
	s0 =	simm.s32 @p1 $0x1  }
0x15: {  	[smem:$0x3FA7] =	sst s0;
	s0 =	simm.s32 @!p2 $0x0  }
0x16: {  	s3 =	sld [smem:$0x3FDB];
	s0 =	simm.s32 @p2 $0x1  }
0x17: {  	s4 =	simm.s32 $0x1BF5;
	[smem:$0x3FA9] =	sst s0  }
0x18: {  	s0 =	sld [smem:$0x3F8C];
	_ =	swait.ge [sflag:s4], $0x0  }
0x19: {  	s7 =	sld [smem:$0x3F8D]  }
0x1a: {  	s8 =	sadd.s32 $0xFFFFE003, lr  }
0x1b: {  	s9 =	sadd.s32 $0xFFFFFEF7, lr;
	s5 =	simm.s32 $0xFFFFFFFF;
	p2 =	slt.u32 s8, $0xFFFFF086  }
0x1c: {  	p1 =	slt.u32 s9, $0xF7A;
	s5 =	simm.s32 @!p2 $0x0  }
0x1d: {  	s5 =	simm.s32 @p1 $0x1;
	p0 =	seq.s32 s7, s2  }
0x1e: {  	s7 =	smul.u32 @!p0 $0xF7A, s2;
	p2 =	seq.s32 @!p0 s5, $0x0  }
0x1f: {  	s9 =	smul.u32 $0xF7A, s1;
	s8 =	simm.s32 @!p0 $0x1BF5;
	p2 =	por !p2, p0  }
0x20: {  	[sflag:s8] =	ssyncset.s32 @!p0 $0xFFFFF086;
	s6 =	sadd.s32 @!p0 s3, s7;
	s7 =	simm.s32 @!p0 $0x108  }
0x21: {  	s3 =	sadd.s32 s3, s9;
	s6 =	sadd.s32 @!p0 $0x88, s6;
	s7 =	simm.s32 @p2 $0x1082  }
0x22: {  	[simem:s7], [sflag:s8] =	dma.local @!p0 [hbm:s6], $0xF7A  }
0x23: {  	s9 =	sor.u32 $0xD0000000, s2;
	s6 =	simm.s32 $0x108;
	_ =	swait.ge @!p0 [sflag:s8], $0x0  }
0x24: {  	s3 =	sadd.s32 $0x88, s3;
	s6 =	simm.s32 @!p1 $0x1082;
	[sflag:s4] =	ssyncset.s32 $0xFFFFF086  }
0x25: {  	[simem:s6], [sflag:s4] =	dma.local [hbm:s3], $0xF7A  }
0x26: {  	[smem:$0x3F8D] =	sst s1;
	(tag) =	ssettag s2;
	_ =	strace s9  }
0x27: {  	s1 =	sld [smem:$0x3F9D]  }
0x28: {  	s2 =	sld [smem:$0x3F9E]  }
0x29: {  	s4 =	sld [smem:$0x3FA0]  }
0x2a: {  	p0 =	seq.s32 s5, $0x0;
	s5 =	sld [smem:$0x3FA1]  }
0x2b: {  	s6 =	sld [smem:$0x3FA2]  }
0x2c: {  	s7 =	sld [smem:$0x3FA3]  }
0x2d: {  	s3 =	simm.s32 $0x108;
	s8 =	sld [smem:$0x3FA4]  }
0x2e: {  	s3 =	simm.s32 @!p0 $0x1082;
	s9 =	sld [smem:$0x3FA5]  }
0x2f: {  	lr =	sadd.s32 s0, s3;
	s0 =	sld [smem:$0x3F9C]  }
0x30: {  	s3 =	sld [smem:$0x3F9F]  }
0x31: {  	[smem:$0x3FA8] =	sst s10  }
0x32: {  	s10 =	sld [smem:$0x3FA6];
	_ =	sdelay $0x3  }
0x33: {  	p0 =	seq.s32 s10, $0x1;
	s10 =	sld [smem:$0x3FA8];
	_ =	sdelay $0x3  }
0x34: {  	[smem:$0x3FA8] =	sst s10  }
0x35: {  	s10 =	sld [smem:$0x3FA7];
	_ =	sdelay $0x3  }
0x36: {  	p1 =	seq.s32 s10, $0x1;
	s10 =	sld [smem:$0x3FA8];
	_ =	sdelay $0x3  }
0x37: {  	[smem:$0x3FA8] =	sst s10  }
0x38: {  	s10 =	sld [smem:$0x3FA9]  }
0x39: {  	_ = 	snop;
	(pc) =	sbr.ind lr, $3  }
0x3a: {  	_ = 	snop  }
0x3b: {  	_ = 	snop  }
0x3c: {  	p2 =	seq.s32 s10, $0x1;
	s10 =	sld [smem:$0x3FA8]  }
0x3d: {  	_ =	shalt  }
0x3e: {  	_ =	shalt  }
0x3f: {  	_ =	shalt  }
0x40: {  	_ =	shalt  }
0x41: {  	_ =	shalt  }
0x42: {  	_ =	shalt  }
0x43: {  	_ =	shalt  }
0x44: {  	_ =	shalt  }
0x45: {  	_ =	shalt  }
0x46: {  	_ =	shalt  }
0x47: {  	_ =	shalt  }
0x48: {  	_ =	shalt  }
0x49: {  	_ =	shalt  }
0x4a: {  	_ =	shalt  }
0x4b: {  	_ =	shalt  }
0x4c: {  	_ =	shalt  }
0x4d: {  	_ =	shalt  }
0x4e: {  	_ =	shalt  }
0x4f: {  	_ =	shalt  }
0x50: {  	_ =	shalt  }
0x51: {  	_ =	shalt  }
0x52: {  	_ =	shalt  }
0x53: {  	_ =	shalt  }
0x54: {  	_ =	shalt  }
0x55: {  	_ =	shalt  }
0x56: {  	_ =	shalt  }
0x57: {  	_ =	shalt  }
0x58: {  	_ =	shalt  }
0x59: {  	_ =	shalt  }
0x5a: {  	_ =	shalt  }
0x5b: {  	_ =	shalt  }
0x5c: {  	_ =	shalt  }
0x5d: {  	_ =	shalt  }
0x5e: {  	_ =	shalt  }
0x5f: {  	_ =	shalt  }
0x60: {  	_ =	shalt  }
0x61: {  	_ =	shalt  }
0x62: {  	_ =	shalt  }
0x63: {  	_ =	shalt  }
0x64: {  	_ =	shalt  }
0x65: {  	_ =	shalt  }
0x66: {  	_ =	shalt  }
0x67: {  	_ =	shalt  }
0x68: {  	_ =	shalt  }
0x69: {  	_ =	shalt  }
0x6a: {  	_ =	shalt  }
0x6b: {  	_ =	shalt  }
0x6c: {  	_ =	shalt  }
0x6d: {  	_ =	shalt  }
0x6e: {  	_ =	shalt  }
0x6f: {  	_ =	shalt  }
0x70: {  	_ =	shalt  }
0x71: {  	_ =	shalt  }
0x72: {  	_ =	shalt  }
0x73: {  	_ =	shalt  }
0x74: {  	_ =	shalt  }
0x75: {  	_ =	shalt  }
0x76: {  	_ =	shalt  }
0x77: {  	_ =	shalt  }
0x78: {  	_ =	shalt  }
0x79: {  	_ =	shalt  }
0x7a: {  	_ =	shalt  }
0x7b: {  	_ =	shalt  }
0x7c: {  	_ =	shalt  }
0x7d: {  	_ =	shalt  }
0x7e: {  	_ =	shalt  }
0x7f: {  	_ =	shalt  }
0x80: {  	_ =	shalt  }
0x81: {  	_ =	shalt  }
0x82: {  	_ =	shalt  }
0x83: {  	_ =	shalt  }
0x84: {  	_ =	shalt  }
0x85: {  	_ =	shalt  }
0x86: {  	_ =	shalt  }
0x87: {  	_ =	shalt  }
.Lfunc_end0:
.L_simem_size_0:
called_computation.4_lowered:
.L_overlay_start_0:
0x88: {  	s2 =	sld [smem:$0x3FD9]  }
0x89: {  	s3 =	sld [smem:$0x3FFE];
	_ =	sdelay $0x1  }
0x8a: {  	s1 =	srdreg.scid  }
0x8b: {  	s0 =	sand.u32 $0x1, s1  }
0x8c: {  	s17 =	sshll.u32 s0, $0xA;
	s2 =	sadd.s32 s3, s2  }
0x8d: {  	s2 =	sadd.s32 s2, s17  }
0x8e: {  	[smem:$0x3FB4] =	sst s2  }
0x8f: {  	_ = 	snop  }
0x90: {  	s2 =	sld [smem:$0x3FD0];
	(tm) =	ssettm $0x1  }
0x91: {  	s18 =	sld [smem:$0x3FFB];
	_ =	sdelay $0x3  }
0x92: {  	_ =	strace s18  }
0x93: {  	s3 =	sld [smem:$0x3FFC];
	_ =	sdelay $0x3  }
0x94: {  	_ =	strace s3  }
0x95: {  	s3 =	sld [smem:$0x3FFD];
	_ =	sdelay $0x3  }
0x96: {  	_ =	strace s3  }
0x97: {  	_ =	strace $0x8FFFFFFF  }
0x98: {  	s19 =	sld [smem:$0x3FDB];
	_ =	sdelay $0x1  }
0x99: {  	s4 =	simm.s32 $_scs_section_size  }
0x9a: {  	s5 =	simm.s32 $_size__tile_overlayer_lowered;
	s6 =	simm.s32 $_tile_overlayer_lowered  }
0x9b: {  	s22 =	simm.s32 $0x1BFF;
	s21 =	sshll.u32 s6, $0x1;
	s3 =	sadd.s32 s4, s19  }
0x9c: {  	s7 =	simm.s32 $0x0;
	s20 =	sshll.u32 s5, $0x1;
	s5 =	sadd.s32 s21, s3  }
0x9d: {  	[timem:s7], [sflag:s22] =	dma.local [hbm:s5], s20  }
0x9e: {  	_ =	swait.ge [sflag:s22], s20  }
0x9f: {  	s4 =	ssub.s32 $0x0, s20;
	[sflag:s22] =	ssyncset.done $0x0  }
0xa0: {  	[sflag:s22] =	ssyncadd.s32 s4;
	_ =	sdelay $0x1  }
0xa1: {  	s23 =	simm.s32 $0x1B8B  }
0xa2: {  	_ =	swait.ge [sflag:s23], $0x1  }
0xa3: {  	[sflag:s23] =	ssyncset.done $0x0  }
0xa4: {  	s25 =	simm.s32 $0x1B8E;
	s24 =	sld [smem:$0x3FFE];
	[sflag:s23] =	ssyncadd.s32 $0xFFFFFFFF  }
0xa5: {  	s26 =	simm.s32 $execute0_lowered;
	[smem:$0x3FD2] =	sst s25  }
0xa6: {  	s5 =	sshll.u32 s26, $0x1;
	_ =	strace $0x80000052;
	[dreg:$0x1] =	wrdreg $0xFFFFFFFF  }
0xa7: {  	s28 =	simm.s32 $_size_execute0_lowered;
	s3 =	sadd.s32 s3, s5;
	[dreg:$0x0] =	wrdreg $0x0  }
0xa8: {  	s5 =	sshll.u32 s28, $0x1;
	[dreg:$0x2] =	wrdreg s3  }
0xa9: {  	[dreg:$0x3] =	wrdreg s5  }
0xaa: {  	[dreg:$0x4] =	wrdreg $0xC0  }
0xab: {  	_ =	task [dreg:s7], $0x5FFFF  }
0xac: {  	[dreg:$0x1] =	wrdreg $0xFFFFFFFF  }
0xad: {  	[dreg:$0x0] =	wrdreg $0x60  }
0xae: {  	[dreg:$0x2] =	wrdreg s24  }
0xaf: {  	[dreg:$0x3] =	wrdreg s2  }
0xb0: {  	[dreg:$0x4] =	wrdreg $0x9  }
0xb1: {  	_ =	task.clear_ibuf [dreg:s7], $0x5FFFF;
	_ =	strace $0x90000052  }
0xb2: {  	s29 =	simm.s32 $0x9;
	_ =	strace $0x80000054  }
0xb3: {  	_ =	swait.ge [sflag:s29], $0x1  }
0xb4: {  	[sflag:s29] =	ssyncadd.s32 $0xFFFFFFFF  }
0xb5: {  	_ =	strace $0x90000054  }
0xb6: {  	_ =	sfence  }
0xb7: {  	s30 =	sld [smem:$0x0];
	_ =	sdelay $0x2  }
0xb8: {  	s31 =	sshll.u32 s1, $0xD;
	s1 =	sshrl.u32 s1, $0x2  }
0xb9: {  	s3 =	sand.u32 $0x4000, s31;
	s1 =	sadd.s32 s1, s30  }
0xba: {  	s0 =	sor.u32 s3, s0;
	s1 =	sshll.u32 s1, $0x11  }
0xbb: {  	s0 =	sor.u32 s1, s0  }
0xbc: {  	s0 =	sadd.s32 $0x8F2B, s0  }
0xbd: {  	[sflag:s0] =	ssyncadd.remote.s32 $0x1  }
0xbe: {  	_ =	sfence.sel $0xFFFF  }
0xbf: {  	[dreg:$0x0] =	wrdreg $0xFFFFFFFF;
	(pc) =	sbr.abs _section_cstart, $3  }
0xc0: {  	[dreg:$0x1] =	wrdreg $0xFFFFFFFF  }
0xc1: {  	_ =	task.clear_ibuf [dreg:s7], $0x2FFFF;
	_ =	strace $0x9FFFFFFF  }
0xc2: {  	(tm) =	ssettm $0x7FFFFFFF  }
0xc3: {  	_ =	shalt  }
tec
execute0_lowered:
.L_overlay_start_1:
0x0: {  	(tag) =	ssettag $0x1  }
0x1: {  	s1 =	srdreg.scid;
	s6 =	rddreg [dreg:$0x0]  }
0x2: {  	s0 =	stileid.u32;
	s4 =	rddreg [dreg:$0x1]  }
0x3: {  	s2 =	simm.s32 $0x0;
	s10 =	simm.s32 $0x80;
	s11 =	simm.s32 $0x880  }
0x4: {  	s12 =	simm.s32 $0x1080;
	s13 =	simm.s32 $0x1880;
	s14 =	simm.s32 $0x2080  }
0x5: {  	s15 =	simm.s32 $0x2880;
	s16 =	simm.s32 $0x3080;
	s17 =	simm.s32 $0x3880  }
0x6: {  	s18 =	simm.s32 $0x4080;
	s19 =	simm.s32 $0x4880;
	s20 =	simm.s32 $0x5080  }
0x7: {  	s21 =	simm.s32 $0x5880;
	s22 =	simm.s32 $0x1;
	s3 =	sand.u32 $0x1, s1  }
0x8: {  	s5 =	sshll.u32 s0, $0x3;
	s1 =	rddreg [dreg:$0x2];
	s7 =	sshll.u32 s3, $0x2  }
0x9: {  	[smem:$0x7FF] =	sst s2;
	s8 =	ssub.s32 $0x2, s3;
	s5 =	sor.u32 s7, s5  }
0xa: {  	_ =	strace $0x80000053;
	s9 =	sshrl.u32 s8, $0x1;
	s7 =	smul.u32 $0x300, s5  }
0xb: {  	v2 =	vlaneseq.u32;
	s3 =	sadd.s32 $0x40C00, s6;
	s8 =	ssub.s32 s8, s9;
	s4 =	sadd.s32 s4, s5  }
0xc: {  	vm0 =	vmmov $0xffff;
	v1 =	vshrl.u32 v2, $0x3;
	s5 =	sadd.s32 $0x40D00, s6;
	s9 =	simm.s32 $0x2;
	s7 =	sadd.s32 s7, s6  }
0xd: {  	v0 =	vand.u32 $0x7, v2;
	v2 =	vor.u32 $0x8, v2;
	v1 =	vmul.u32 $0x8, v1;
	s8 =	smax.u32 s8, $0x1;
	s6 =	sadd.s32 $0x40E00, s6;
	s7 =	sadd.s32 $0x69600, s7  }
.LBB2_1:
0xe: {  	[tilespmem:s2], [sflag:$0x2] =	stream.linear.gather [hbm4b:s4+s2], $0x20, $0x38;
	[tilespmem:$0x6080] =	vst v63  }
0xf: {  	_ =	swait.ge [sflag:s9], $0x20  }
0x10: {  	[sflag:s9] =	ssyncset.done $0x0  }
0x11: {  	[sflag:s9] =	ssyncadd.s32 $0xFFFFFFE0  }
0x12: {  	v3 =	vld [tilespmem:$0x0];
	_ =	sdelay $0x4  }
0x13: {  	v4 =	vshrl.u32 v3, $0x3  }
0x14: {  	v4 =	vmul.u32 $0x30, v4  }
0x15: {  	v3 =	vand.u32 $0x7, v3  }
0x16: {  	v3 =	vor.u32 v3, v4  }
0x17: {  	v4 =	vperm.xlane v3, v0;
	_ =	sdelay $0x1  }
0x18: {  	v4 =	vadd.s32 v1, v4;
	_ =	sdelay $0x3  }
0x19: {  	v3 =	vperm.xlane v3, v2  }
0x1a: {  	[tilespmem:s10], [sflag:$0x1] =	stream.indirect_vreg.gather [hbm4b:s3+s2], $0x80, v4, vm0, $0xb8;
	[tilespmem:$0x6080] =	vst v63  }
0x1b: {  	v3 =	vadd.s32 v1, v3  }
0x1c: {  	[tilespmem:s11], [sflag:$0x1] =	stream.indirect_vreg.gather [hbm4b:s5+s2], $0x80, v4, vm0, $0xb8;
	[tilespmem:$0x6080] =	vst v63  }
0x1d: {  	_ = 	snop  }
0x1e: {  	[tilespmem:s12], [sflag:$0x1] =	stream.indirect_vreg.gather [hbm4b:s6+s2], $0x80, v4, vm0, $0xb8;
	[tilespmem:$0x6080] =	vst v63  }
0x1f: {  	_ = 	snop  }
0x20: {  	[tilespmem:s13], [sflag:$0x1] =	stream.indirect_vreg.gather [hbm4b:s3+s2], $0x80, v3, vm0, $0xb8;
	[tilespmem:$0x6080] =	vst v63  }
0x21: {  	_ = 	snop  }
0x22: {  	[tilespmem:s14], [sflag:$0x1] =	stream.indirect_vreg.gather [hbm4b:s5+s2], $0x80, v3, vm0, $0xb8;
	[tilespmem:$0x6080] =	vst v63  }
0x23: {  	_ = 	snop  }
0x24: {  	[tilespmem:s15], [sflag:$0x1] =	stream.indirect_vreg.gather [hbm4b:s6+s2], $0x80, v3, vm0, $0xb8;
	[tilespmem:$0x6080] =	vst v63  }
0x25: {  	v3 =	vld [tilespmem:$0x10];
	_ =	sdelay $0x4  }
0x26: {  	v63 =	vshrl.u32 v3, $0x3  }
0x27: {  	v4 =	vmul.u32 $0x30, v63  }
0x28: {  	v3 =	vand.u32 $0x7, v3  }
0x29: {  	v3 =	vor.u32 v3, v4  }
0x2a: {  	v4 =	vperm.xlane v3, v0;
	_ =	sdelay $0x1  }
0x2b: {  	v4 =	vadd.s32 v1, v4;
	_ =	sdelay $0x3  }
0x2c: {  	v3 =	vperm.xlane v3, v2  }
0x2d: {  	[tilespmem:s16], [sflag:$0x1] =	stream.indirect_vreg.gather [hbm4b:s3+s2], $0x80, v4, vm0, $0xb8;
	[tilespmem:$0x6080] =	vst v63  }
0x2e: {  	v3 =	vadd.s32 v1, v3  }
0x2f: {  	[tilespmem:s17], [sflag:$0x1] =	stream.indirect_vreg.gather [hbm4b:s5+s2], $0x80, v4, vm0, $0xb8;
	[tilespmem:$0x6080] =	vst v63  }
0x30: {  	_ = 	snop  }
0x31: {  	[tilespmem:s18], [sflag:$0x1] =	stream.indirect_vreg.gather [hbm4b:s6+s2], $0x80, v4, vm0, $0xb8;
	[tilespmem:$0x6080] =	vst v63  }
0x32: {  	_ = 	snop  }
0x33: {  	[tilespmem:s19], [sflag:$0x1] =	stream.indirect_vreg.gather [hbm4b:s3+s2], $0x80, v3, vm0, $0xb8;
	[tilespmem:$0x6080] =	vst v63  }
0x34: {  	_ = 	snop  }
0x35: {  	[tilespmem:s20], [sflag:$0x1] =	stream.indirect_vreg.gather [hbm4b:s5+s2], $0x80, v3, vm0, $0xb8;
	[tilespmem:$0x6080] =	vst v63  }
0x36: {  	_ = 	snop  }
0x37: {  	[tilespmem:s21], [sflag:$0x1] =	stream.indirect_vreg.gather [hbm4b:s6+s2], $0x80, v3, vm0, $0xb8;
	[tilespmem:$0x6080] =	vst v63  }
0x38: {  	_ =	swait.ge [sflag:s22], $0x6000  }
0x39: {  	p0 =	sne.s32 s8, $0x1;
	[sflag:s22] =	ssyncset.done $0x0  }
.Ltmp0:
0x3a: {  	[sflag:s22] =	ssyncadd.s32 $0xFFFFA000;
	(pc) =	sbr.rel @p0 .LBB2_1-.Ltmp0, $4  }
0x3b: {  	[hbm4b:s7+s2] =	stream.linear.scatter [tilespmem:s10], [sflag:$0x2], $0x6000, $0x38;
	[tilespmem:$0x6080] =	vst v63  }
0x3c: {  	_ =	swait.ge [sflag:s9], $0x6000  }
0x3d: {  	[sflag:s9] =	ssyncset.done $0x0  }
0x3e: {  	s8 =	sadd.s32 $0xFFFFFFFF, s8;
	[sflag:s9] =	ssyncadd.s32 $0xFFFFA000  }
0x3f: {  	_ =	sfence.sel $0x180000  }
0x40: {  	[bflag:$0x0] =	sbarrier.arrive $0xFFFF  }
0x41: {  	p0 =	sne.s32 s0, $0x0;
	_ =	strace $0x90000053  }
0x42: {  	s0 =	sadd.s32 @!p0 $0x100000, s1;
	[bflag:$0x2] =	sbarrier.arrive $0xFFFF  }
0x43: {  	[sflag:s0] =	ssyncadd.tile.s32 @!p0 $0x1;
	_ =	shalt  }
.Lfunc_end2:
_tile_overlayer_lowered:
.L_overlay_start_2:
0x44: {  	(tag) =	ssettag $0x2  }
0x45: {  	s0 =	rddreg [dreg:$0x0];
	s2 =	stileid.u32  }
0x46: {  	s1 =	rddreg [dreg:$0x1];
	p0 =	sne.s32 s2, $0x0  }
0x47: {  	s3 =	rddreg [dreg:$0x2];
	[bflag:$0x3] =	sbarrier.arrive $0xFFFF;
	s2 =	simm.s32 @!p0 $0x1C02  }
0x48: {  	[timem:s3], [sflag:s2] =	dma.local @!p0 [hbm:s0], s1  }
0x49: {  	s0 =	simm.s32 @!p0 $0x2  }
0x4a: {  	_ =	swait.ge @!p0 [sflag:s0], s1  }
0x4b: {  	s1 =	ssub.s32 @!p0 $0x0, s1;
	[sflag:s0] =	ssyncset.done @!p0 $0x0  }
0x4c: {  	[sflag:s0] =	ssyncadd.s32 @!p0 s1  }
0x4d: {  	[bflag:$0x3] =	sbarrier.arrive $0xFFFF  }
0x4e: {  	_ =	shalt  }

// kernel: kernel.55.cloned.1.call-start
scs
__scs_entry_jumppad:
0x0: {  	(pc) =	sbr.rel $0x88, $3  }
0x1: {  	(tag) =	ssettag $0x0;
	lr =	simm.s32 $0x1  }
0x2: {  	[smem:$0x3F8D] =	sst lr;
	_ =	strace $0xD0000000  }
0x3: {  	_ = 	snop  }
0x4: {  	_ = 	snop  }
0x5: {  	_ = 	snop  }
0x6: {  	_ = 	snop  }
0x7: {  	_ = 	snop  }
__scs_overlays_trampoline_lowered:
0x8: {  	[smem:$0x3F9C] =	sst s0  }
0x9: {  	[smem:$0x3F9D] =	sst s1  }
0xa: {  	[smem:$0x3F9E] =	sst s2  }
0xb: {  	[smem:$0x3F9F] =	sst s3  }
0xc: {  	[smem:$0x3FA0] =	sst s4  }
0xd: {  	[smem:$0x3FA1] =	sst s5  }
0xe: {  	[smem:$0x3FA2] =	sst s6  }
0xf: {  	[smem:$0x3FA3] =	sst s7  }
0x10: {  	[smem:$0x3FA4] =	sst s8  }
0x11: {  	[smem:$0x3FA5] =	sst s9;
	s0 =	simm.s32 @!p0 $0x0  }
0x12: {  	s1 =	sld [smem:$0x3F8B];
	s0 =	simm.s32 @p0 $0x1  }
0x13: {  	[smem:$0x3FA6] =	sst s0;
	s0 =	simm.s32 @!p1 $0x0  }
0x14: {  	s2 =	sld [smem:$0x3F8A];
	s0 =	simm.s32 @p1 $0x1  }
0x15: {  	[smem:$0x3FA7] =	sst s0;
	s0 =	simm.s32 @!p2 $0x0  }
0x16: {  	s3 =	sld [smem:$0x3FDB];
	s0 =	simm.s32 @p2 $0x1  }
0x17: {  	s4 =	simm.s32 $0x1BF5;
	[smem:$0x3FA9] =	sst s0  }
0x18: {  	s0 =	sld [smem:$0x3F8C];
	_ =	swait.ge [sflag:s4], $0x0  }
0x19: {  	s7 =	sld [smem:$0x3F8D]  }
0x1a: {  	s8 =	sadd.s32 $0xFFFFE003, lr  }
0x1b: {  	s9 =	sadd.s32 $0xFFFFFEF7, lr;
	s5 =	simm.s32 $0xFFFFFFFF;
	p2 =	slt.u32 s8, $0xFFFFF086  }
0x1c: {  	p1 =	slt.u32 s9, $0xF7A;
	s5 =	simm.s32 @!p2 $0x0  }
0x1d: {  	s5 =	simm.s32 @p1 $0x1;
	p0 =	seq.s32 s7, s2  }
0x1e: {  	s7 =	smul.u32 @!p0 $0xF7A, s2;
	p2 =	seq.s32 @!p0 s5, $0x0  }
0x1f: {  	s9 =	smul.u32 $0xF7A, s1;
	s8 =	simm.s32 @!p0 $0x1BF5;
	p2 =	por !p2, p0  }
0x20: {  	[sflag:s8] =	ssyncset.s32 @!p0 $0xFFFFF086;
	s6 =	sadd.s32 @!p0 s3, s7;
	s7 =	simm.s32 @!p0 $0x108  }
0x21: {  	s3 =	sadd.s32 s3, s9;
	s6 =	sadd.s32 @!p0 $0x88, s6;
	s7 =	simm.s32 @p2 $0x1082  }
0x22: {  	[simem:s7], [sflag:s8] =	dma.local @!p0 [hbm:s6], $0xF7A  }
0x23: {  	s9 =	sor.u32 $0xD0000000, s2;
	s6 =	simm.s32 $0x108;
	_ =	swait.ge @!p0 [sflag:s8], $0x0  }
0x24: {  	s3 =	sadd.s32 $0x88, s3;
	s6 =	simm.s32 @!p1 $0x1082;
	[sflag:s4] =	ssyncset.s32 $0xFFFFF086  }
0x25: {  	[simem:s6], [sflag:s4] =	dma.local [hbm:s3], $0xF7A  }
0x26: {  	[smem:$0x3F8D] =	sst s1;
	(tag) =	ssettag s2;
	_ =	strace s9  }
0x27: {  	s1 =	sld [smem:$0x3F9D]  }
0x28: {  	s2 =	sld [smem:$0x3F9E]  }
0x29: {  	s4 =	sld [smem:$0x3FA0]  }
0x2a: {  	p0 =	seq.s32 s5, $0x0;
	s5 =	sld [smem:$0x3FA1]  }
0x2b: {  	s6 =	sld [smem:$0x3FA2]  }
0x2c: {  	s7 =	sld [smem:$0x3FA3]  }
0x2d: {  	s3 =	simm.s32 $0x108;
	s8 =	sld [smem:$0x3FA4]  }
0x2e: {  	s3 =	simm.s32 @!p0 $0x1082;
	s9 =	sld [smem:$0x3FA5]  }
0x2f: {  	lr =	sadd.s32 s0, s3;
	s0 =	sld [smem:$0x3F9C]  }
0x30: {  	s3 =	sld [smem:$0x3F9F]  }
0x31: {  	[smem:$0x3FA8] =	sst s10  }
0x32: {  	s10 =	sld [smem:$0x3FA6];
	_ =	sdelay $0x3  }
0x33: {  	p0 =	seq.s32 s10, $0x1;
	s10 =	sld [smem:$0x3FA8];
	_ =	sdelay $0x3  }
0x34: {  	[smem:$0x3FA8] =	sst s10  }
0x35: {  	s10 =	sld [smem:$0x3FA7];
	_ =	sdelay $0x3  }
0x36: {  	p1 =	seq.s32 s10, $0x1;
	s10 =	sld [smem:$0x3FA8];
	_ =	sdelay $0x3  }
0x37: {  	[smem:$0x3FA8] =	sst s10  }
0x38: {  	s10 =	sld [smem:$0x3FA9]  }
0x39: {  	_ = 	snop;
	(pc) =	sbr.ind lr, $3  }
0x3a: {  	_ = 	snop  }
0x3b: {  	_ = 	snop  }
0x3c: {  	p2 =	seq.s32 s10, $0x1;
	s10 =	sld [smem:$0x3FA8]  }
0x3d: {  	_ =	shalt  }
0x3e: {  	_ =	shalt  }
0x3f: {  	_ =	shalt  }
0x40: {  	_ =	shalt  }
0x41: {  	_ =	shalt  }
0x42: {  	_ =	shalt  }
0x43: {  	_ =	shalt  }
0x44: {  	_ =	shalt  }
0x45: {  	_ =	shalt  }
0x46: {  	_ =	shalt  }
0x47: {  	_ =	shalt  }
0x48: {  	_ =	shalt  }
0x49: {  	_ =	shalt  }
0x4a: {  	_ =	shalt  }
0x4b: {  	_ =	shalt  }
0x4c: {  	_ =	shalt  }
0x4d: {  	_ =	shalt  }
0x4e: {  	_ =	shalt  }
0x4f: {  	_ =	shalt  }
0x50: {  	_ =	shalt  }
0x51: {  	_ =	shalt  }
0x52: {  	_ =	shalt  }
0x53: {  	_ =	shalt  }
0x54: {  	_ =	shalt  }
0x55: {  	_ =	shalt  }
0x56: {  	_ =	shalt  }
0x57: {  	_ =	shalt  }
0x58: {  	_ =	shalt  }
0x59: {  	_ =	shalt  }
0x5a: {  	_ =	shalt  }
0x5b: {  	_ =	shalt  }
0x5c: {  	_ =	shalt  }
0x5d: {  	_ =	shalt  }
0x5e: {  	_ =	shalt  }
0x5f: {  	_ =	shalt  }
0x60: {  	_ =	shalt  }
0x61: {  	_ =	shalt  }
0x62: {  	_ =	shalt  }
0x63: {  	_ =	shalt  }
0x64: {  	_ =	shalt  }
0x65: {  	_ =	shalt  }
0x66: {  	_ =	shalt  }
0x67: {  	_ =	shalt  }
0x68: {  	_ =	shalt  }
0x69: {  	_ =	shalt  }
0x6a: {  	_ =	shalt  }
0x6b: {  	_ =	shalt  }
0x6c: {  	_ =	shalt  }
0x6d: {  	_ =	shalt  }
0x6e: {  	_ =	shalt  }
0x6f: {  	_ =	shalt  }
0x70: {  	_ =	shalt  }
0x71: {  	_ =	shalt  }
0x72: {  	_ =	shalt  }
0x73: {  	_ =	shalt  }
0x74: {  	_ =	shalt  }
0x75: {  	_ =	shalt  }
0x76: {  	_ =	shalt  }
0x77: {  	_ =	shalt  }
0x78: {  	_ =	shalt  }
0x79: {  	_ =	shalt  }
0x7a: {  	_ =	shalt  }
0x7b: {  	_ =	shalt  }
0x7c: {  	_ =	shalt  }
0x7d: {  	_ =	shalt  }
0x7e: {  	_ =	shalt  }
0x7f: {  	_ =	shalt  }
0x80: {  	_ =	shalt  }
0x81: {  	_ =	shalt  }
0x82: {  	_ =	shalt  }
0x83: {  	_ =	shalt  }
0x84: {  	_ =	shalt  }
0x85: {  	_ =	shalt  }
0x86: {  	_ =	shalt  }
0x87: {  	_ =	shalt  }
.Lfunc_end0:
.L_simem_size_0:
called_computation.5_lowered:
.L_overlay_start_0:
0x88: {  	s2 =	sld [smem:$0x3FD9]  }
0x89: {  	s3 =	sld [smem:$0x3FFE];
	_ =	sdelay $0x1  }
0x8a: {  	s1 =	srdreg.scid  }
0x8b: {  	s0 =	sand.u32 $0x1, s1  }
0x8c: {  	s17 =	sshll.u32 s0, $0xA;
	s2 =	sadd.s32 s3, s2  }
0x8d: {  	s2 =	sadd.s32 s2, s17  }
0x8e: {  	[smem:$0x3FB4] =	sst s2  }
0x8f: {  	_ = 	snop  }
0x90: {  	s2 =	sld [smem:$0x3FD0];
	(tm) =	ssettm $0x1  }
0x91: {  	s18 =	sld [smem:$0x3FFB];
	_ =	sdelay $0x3  }
0x92: {  	_ =	strace s18  }
0x93: {  	s3 =	sld [smem:$0x3FFC];
	_ =	sdelay $0x3  }
0x94: {  	_ =	strace s3  }
0x95: {  	s3 =	sld [smem:$0x3FFD];
	_ =	sdelay $0x3  }
0x96: {  	_ =	strace s3  }
0x97: {  	_ =	strace $0x8FFFFFFF  }
0x98: {  	s19 =	sld [smem:$0x3FDB];
	_ =	sdelay $0x1  }
0x99: {  	s4 =	simm.s32 $_scs_section_size  }
0x9a: {  	s5 =	simm.s32 $_size__tile_overlayer_lowered;
	s6 =	simm.s32 $_tile_overlayer_lowered  }
0x9b: {  	s22 =	simm.s32 $0x1BFF;
	s21 =	sshll.u32 s6, $0x1;
	s3 =	sadd.s32 s4, s19  }
0x9c: {  	s7 =	simm.s32 $0x0;
	s20 =	sshll.u32 s5, $0x1;
	s5 =	sadd.s32 s21, s3  }
0x9d: {  	[timem:s7], [sflag:s22] =	dma.local [hbm:s5], s20  }
0x9e: {  	_ =	swait.ge [sflag:s22], s20  }
0x9f: {  	s4 =	ssub.s32 $0x0, s20;
	[sflag:s22] =	ssyncset.done $0x0  }
0xa0: {  	[sflag:s22] =	ssyncadd.s32 s4;
	_ =	sdelay $0x1  }
0xa1: {  	s23 =	simm.s32 $0x1B8B  }
0xa2: {  	_ =	swait.ge [sflag:s23], $0x1  }
0xa3: {  	[sflag:s23] =	ssyncset.done $0x0  }
0xa4: {  	s25 =	simm.s32 $0x1B8E;
	s24 =	sld [smem:$0x3FFE];
	[sflag:s23] =	ssyncadd.s32 $0xFFFFFFFF  }
0xa5: {  	s26 =	simm.s32 $execute0_lowered;
	[smem:$0x3FD2] =	sst s25  }
0xa6: {  	s5 =	sshll.u32 s26, $0x1;
	_ =	strace $0x80000055;
	[dreg:$0x1] =	wrdreg $0xFFFFFFFF  }
0xa7: {  	s28 =	simm.s32 $_size_execute0_lowered;
	s3 =	sadd.s32 s3, s5;
	[dreg:$0x0] =	wrdreg $0x0  }
0xa8: {  	s5 =	sshll.u32 s28, $0x1;
	[dreg:$0x2] =	wrdreg s3  }
0xa9: {  	[dreg:$0x3] =	wrdreg s5  }
0xaa: {  	[dreg:$0x4] =	wrdreg $0xC0  }
0xab: {  	_ =	task [dreg:s7], $0x5FFFF  }
0xac: {  	[dreg:$0x1] =	wrdreg $0xFFFFFFFF  }
0xad: {  	[dreg:$0x0] =	wrdreg $0x60  }
0xae: {  	[dreg:$0x2] =	wrdreg s24  }
0xaf: {  	[dreg:$0x3] =	wrdreg s2  }
0xb0: {  	[dreg:$0x4] =	wrdreg $0x9  }
0xb1: {  	_ =	task.clear_ibuf [dreg:s7], $0x5FFFF;
	_ =	strace $0x90000055  }
0xb2: {  	s29 =	simm.s32 $0x9;
	_ =	strace $0x80000057  }
0xb3: {  	_ =	swait.ge [sflag:s29], $0x1  }
0xb4: {  	[sflag:s29] =	ssyncadd.s32 $0xFFFFFFFF  }
0xb5: {  	_ =	strace $0x90000057  }
0xb6: {  	_ =	sfence  }
0xb7: {  	s30 =	sld [smem:$0x0];
	_ =	sdelay $0x2  }
0xb8: {  	s31 =	sshll.u32 s1, $0xD;
	s1 =	sshrl.u32 s1, $0x2  }
0xb9: {  	s3 =	sand.u32 $0x4000, s31;
	s1 =	sadd.s32 s1, s30  }
0xba: {  	s0 =	sor.u32 s3, s0;
	s1 =	sshll.u32 s1, $0x11  }
0xbb: {  	s0 =	sor.u32 s1, s0  }
0xbc: {  	s0 =	sadd.s32 $0x8F2B, s0  }
0xbd: {  	[sflag:s0] =	ssyncadd.remote.s32 $0x1  }
0xbe: {  	_ =	sfence.sel $0xFFFF  }
0xbf: {  	[dreg:$0x0] =	wrdreg $0xFFFFFFFF;
	(pc) =	sbr.abs _section_cstart, $3  }
0xc0: {  	[dreg:$0x1] =	wrdreg $0xFFFFFFFF  }
0xc1: {  	_ =	task.clear_ibuf [dreg:s7], $0x2FFFF;
	_ =	strace $0x9FFFFFFF  }
0xc2: {  	(tm) =	ssettm $0x7FFFFFFF  }
0xc3: {  	_ =	shalt  }
tec
execute0_lowered:
.L_overlay_start_1:
0x0: {  	(tag) =	ssettag $0x1  }
0x1: {  	s1 =	srdreg.scid;
	s6 =	rddreg [dreg:$0x0]  }
0x2: {  	s0 =	stileid.u32;
	s4 =	rddreg [dreg:$0x1]  }
0x3: {  	s2 =	simm.s32 $0x0;
	s10 =	simm.s32 $0x80;
	s11 =	simm.s32 $0x880  }
0x4: {  	s12 =	simm.s32 $0x1080;
	s13 =	simm.s32 $0x1880;
	s14 =	simm.s32 $0x2080  }
0x5: {  	s15 =	simm.s32 $0x2880;
	s16 =	simm.s32 $0x3080;
	s17 =	simm.s32 $0x3880  }
0x6: {  	s18 =	simm.s32 $0x4080;
	s19 =	simm.s32 $0x4880;
	s20 =	simm.s32 $0x5080  }
0x7: {  	s21 =	simm.s32 $0x5880;
	s22 =	simm.s32 $0x1;
	s3 =	sand.u32 $0x1, s1  }
0x8: {  	s5 =	sshll.u32 s0, $0x3;
	s1 =	rddreg [dreg:$0x2];
	s7 =	sshll.u32 s3, $0x2  }
0x9: {  	[smem:$0x7FF] =	sst s2;
	s8 =	ssub.s32 $0x2, s3;
	s5 =	sor.u32 s7, s5  }
0xa: {  	_ =	strace $0x80000056;
	s9 =	sshrl.u32 s8, $0x1;
	s7 =	smul.u32 $0x300, s5  }
0xb: {  	v2 =	vlaneseq.u32;
	s3 =	sadd.s32 $0x40C00, s6;
	s8 =	ssub.s32 s8, s9;
	s4 =	sadd.s32 s4, s5  }
0xc: {  	vm0 =	vmmov $0xffff;
	v1 =	vshrl.u32 v2, $0x3;
	s5 =	sadd.s32 $0x40D00, s6;
	s9 =	simm.s32 $0x2;
	s7 =	sadd.s32 s7, s6  }
0xd: {  	v0 =	vand.u32 $0x7, v2;
	v2 =	vor.u32 $0x8, v2;
	v1 =	vmul.u32 $0x8, v1;
	s8 =	smax.u32 s8, $0x1;
	s6 =	sadd.s32 $0x40E00, s6;
	s7 =	sadd.s32 $0x69600, s7  }
.LBB2_1:
0xe: {  	[tilespmem:s2], [sflag:$0x2] =	stream.linear.gather [hbm4b:s4+s2], $0x20, $0x38;
	[tilespmem:$0x6080] =	vst v63  }
0xf: {  	_ =	swait.ge [sflag:s9], $0x20  }
0x10: {  	[sflag:s9] =	ssyncset.done $0x0  }
0x11: {  	[sflag:s9] =	ssyncadd.s32 $0xFFFFFFE0  }
0x12: {  	v3 =	vld [tilespmem:$0x0];
	_ =	sdelay $0x4  }
0x13: {  	v4 =	vshrl.u32 v3, $0x3  }
0x14: {  	v4 =	vmul.u32 $0x30, v4  }
0x15: {  	v3 =	vand.u32 $0x7, v3  }
0x16: {  	v3 =	vor.u32 v3, v4  }
0x17: {  	v4 =	vperm.xlane v3, v0;
	_ =	sdelay $0x1  }
0x18: {  	v4 =	vadd.s32 v1, v4;
	_ =	sdelay $0x3  }
0x19: {  	v3 =	vperm.xlane v3, v2  }
0x1a: {  	[tilespmem:s10], [sflag:$0x1] =	stream.indirect_vreg.gather [hbm4b:s3+s2], $0x80, v4, vm0, $0xb8;
	[tilespmem:$0x6080] =	vst v63  }
0x1b: {  	v3 =	vadd.s32 v1, v3  }
0x1c: {  	[tilespmem:s11], [sflag:$0x1] =	stream.indirect_vreg.gather [hbm4b:s5+s2], $0x80, v4, vm0, $0xb8;
	[tilespmem:$0x6080] =	vst v63  }
0x1d: {  	_ = 	snop  }
0x1e: {  	[tilespmem:s12], [sflag:$0x1] =	stream.indirect_vreg.gather [hbm4b:s6+s2], $0x80, v4, vm0, $0xb8;
	[tilespmem:$0x6080] =	vst v63  }
0x1f: {  	_ = 	snop  }
0x20: {  	[tilespmem:s13], [sflag:$0x1] =	stream.indirect_vreg.gather [hbm4b:s3+s2], $0x80, v3, vm0, $0xb8;
	[tilespmem:$0x6080] =	vst v63  }
0x21: {  	_ = 	snop  }
0x22: {  	[tilespmem:s14], [sflag:$0x1] =	stream.indirect_vreg.gather [hbm4b:s5+s2], $0x80, v3, vm0, $0xb8;
	[tilespmem:$0x6080] =	vst v63  }
0x23: {  	_ = 	snop  }
0x24: {  	[tilespmem:s15], [sflag:$0x1] =	stream.indirect_vreg.gather [hbm4b:s6+s2], $0x80, v3, vm0, $0xb8;
	[tilespmem:$0x6080] =	vst v63  }
0x25: {  	v3 =	vld [tilespmem:$0x10];
	_ =	sdelay $0x4  }
0x26: {  	v63 =	vshrl.u32 v3, $0x3  }
0x27: {  	v4 =	vmul.u32 $0x30, v63  }
0x28: {  	v3 =	vand.u32 $0x7, v3  }
0x29: {  	v3 =	vor.u32 v3, v4  }
0x2a: {  	v4 =	vperm.xlane v3, v0;
	_ =	sdelay $0x1  }
0x2b: {  	v4 =	vadd.s32 v1, v4;
	_ =	sdelay $0x3  }
0x2c: {  	v3 =	vperm.xlane v3, v2  }
0x2d: {  	[tilespmem:s16], [sflag:$0x1] =	stream.indirect_vreg.gather [hbm4b:s3+s2], $0x80, v4, vm0, $0xb8;
	[tilespmem:$0x6080] =	vst v63  }
0x2e: {  	v3 =	vadd.s32 v1, v3  }
0x2f: {  	[tilespmem:s17], [sflag:$0x1] =	stream.indirect_vreg.gather [hbm4b:s5+s2], $0x80, v4, vm0, $0xb8;
	[tilespmem:$0x6080] =	vst v63  }
0x30: {  	_ = 	snop  }
0x31: {  	[tilespmem:s18], [sflag:$0x1] =	stream.indirect_vreg.gather [hbm4b:s6+s2], $0x80, v4, vm0, $0xb8;
	[tilespmem:$0x6080] =	vst v63  }
0x32: {  	_ = 	snop  }
0x33: {  	[tilespmem:s19], [sflag:$0x1] =	stream.indirect_vreg.gather [hbm4b:s3+s2], $0x80, v3, vm0, $0xb8;
	[tilespmem:$0x6080] =	vst v63  }
0x34: {  	_ = 	snop  }
0x35: {  	[tilespmem:s20], [sflag:$0x1] =	stream.indirect_vreg.gather [hbm4b:s5+s2], $0x80, v3, vm0, $0xb8;
	[tilespmem:$0x6080] =	vst v63  }
0x36: {  	_ = 	snop  }
0x37: {  	[tilespmem:s21], [sflag:$0x1] =	stream.indirect_vreg.gather [hbm4b:s6+s2], $0x80, v3, vm0, $0xb8;
	[tilespmem:$0x6080] =	vst v63  }
0x38: {  	_ =	swait.ge [sflag:s22], $0x6000  }
0x39: {  	p0 =	sne.s32 s8, $0x1;
	[sflag:s22] =	ssyncset.done $0x0  }
.Ltmp0:
0x3a: {  	[sflag:s22] =	ssyncadd.s32 $0xFFFFA000;
	(pc) =	sbr.rel @p0 .LBB2_1-.Ltmp0, $4  }
0x3b: {  	[hbm4b:s7+s2] =	stream.linear.scatter [tilespmem:s10], [sflag:$0x2], $0x6000, $0x38;
	[tilespmem:$0x6080] =	vst v63  }
0x3c: {  	_ =	swait.ge [sflag:s9], $0x6000  }
0x3d: {  	[sflag:s9] =	ssyncset.done $0x0  }
0x3e: {  	s8 =	sadd.s32 $0xFFFFFFFF, s8;
	[sflag:s9] =	ssyncadd.s32 $0xFFFFA000  }
0x3f: {  	_ =	sfence.sel $0x180000  }
0x40: {  	[bflag:$0x0] =	sbarrier.arrive $0xFFFF  }
0x41: {  	p0 =	sne.s32 s0, $0x0;
	_ =	strace $0x90000056  }
0x42: {  	s0 =	sadd.s32 @!p0 $0x100000, s1;
	[bflag:$0x2] =	sbarrier.arrive $0xFFFF  }
0x43: {  	[sflag:s0] =	ssyncadd.tile.s32 @!p0 $0x1;
	_ =	shalt  }
.Lfunc_end2:
_tile_overlayer_lowered:
.L_overlay_start_2:
0x44: {  	(tag) =	ssettag $0x2  }
0x45: {  	s0 =	rddreg [dreg:$0x0];
	s2 =	stileid.u32  }
0x46: {  	s1 =	rddreg [dreg:$0x1];
	p0 =	sne.s32 s2, $0x0  }
0x47: {  	s3 =	rddreg [dreg:$0x2];
	[bflag:$0x3] =	sbarrier.arrive $0xFFFF;
	s2 =	simm.s32 @!p0 $0x1C02  }
0x48: {  	[timem:s3], [sflag:s2] =	dma.local @!p0 [hbm:s0], s1  }
0x49: {  	s0 =	simm.s32 @!p0 $0x2  }
0x4a: {  	_ =	swait.ge @!p0 [sflag:s0], s1  }
0x4b: {  	s1 =	ssub.s32 @!p0 $0x0, s1;
	[sflag:s0] =	ssyncset.done @!p0 $0x0  }
0x4c: {  	[sflag:s0] =	ssyncadd.s32 @!p0 s1  }
0x4d: {  	[bflag:$0x3] =	sbarrier.arrive $0xFFFF  }
0x4e: {  	_ =	shalt  }

// kernel: kernel.58.cloned.1.call-start
scs
__scs_entry_jumppad:
0x0: {  	(pc) =	sbr.rel $0x88, $3  }
0x1: {  	(tag) =	ssettag $0x0;
	lr =	simm.s32 $0x1  }
0x2: {  	[smem:$0x3F8D] =	sst lr;
	_ =	strace $0xD0000000  }
0x3: {  	_ = 	snop  }
0x4: {  	_ = 	snop  }
0x5: {  	_ = 	snop  }
0x6: {  	_ = 	snop  }
0x7: {  	_ = 	snop  }
__scs_overlays_trampoline_lowered:
0x8: {  	[smem:$0x3F9C] =	sst s0  }
0x9: {  	[smem:$0x3F9D] =	sst s1  }
0xa: {  	[smem:$0x3F9E] =	sst s2  }
0xb: {  	[smem:$0x3F9F] =	sst s3  }
0xc: {  	[smem:$0x3FA0] =	sst s4  }
0xd: {  	[smem:$0x3FA1] =	sst s5  }
0xe: {  	[smem:$0x3FA2] =	sst s6  }
0xf: {  	[smem:$0x3FA3] =	sst s7  }
0x10: {  	[smem:$0x3FA4] =	sst s8  }
0x11: {  	[smem:$0x3FA5] =	sst s9;
	s0 =	simm.s32 @!p0 $0x0  }
0x12: {  	s1 =	sld [smem:$0x3F8B];
	s0 =	simm.s32 @p0 $0x1  }
0x13: {  	[smem:$0x3FA6] =	sst s0;
	s0 =	simm.s32 @!p1 $0x0  }
0x14: {  	s2 =	sld [smem:$0x3F8A];
	s0 =	simm.s32 @p1 $0x1  }
0x15: {  	[smem:$0x3FA7] =	sst s0;
	s0 =	simm.s32 @!p2 $0x0  }
0x16: {  	s3 =	sld [smem:$0x3FDB];
	s0 =	simm.s32 @p2 $0x1  }
0x17: {  	s4 =	simm.s32 $0x1BF5;
	[smem:$0x3FA9] =	sst s0  }
0x18: {  	s0 =	sld [smem:$0x3F8C];
	_ =	swait.ge [sflag:s4], $0x0  }
0x19: {  	s7 =	sld [smem:$0x3F8D]  }
0x1a: {  	s8 =	sadd.s32 $0xFFFFE003, lr  }
0x1b: {  	s9 =	sadd.s32 $0xFFFFFEF7, lr;
	s5 =	simm.s32 $0xFFFFFFFF;
	p2 =	slt.u32 s8, $0xFFFFF086  }
0x1c: {  	p1 =	slt.u32 s9, $0xF7A;
	s5 =	simm.s32 @!p2 $0x0  }
0x1d: {  	s5 =	simm.s32 @p1 $0x1;
	p0 =	seq.s32 s7, s2  }
0x1e: {  	s7 =	smul.u32 @!p0 $0xF7A, s2;
	p2 =	seq.s32 @!p0 s5, $0x0  }
0x1f: {  	s9 =	smul.u32 $0xF7A, s1;
	s8 =	simm.s32 @!p0 $0x1BF5;
	p2 =	por !p2, p0  }
0x20: {  	[sflag:s8] =	ssyncset.s32 @!p0 $0xFFFFF086;
	s6 =	sadd.s32 @!p0 s3, s7;
	s7 =	simm.s32 @!p0 $0x108  }
0x21: {  	s3 =	sadd.s32 s3, s9;
	s6 =	sadd.s32 @!p0 $0x88, s6;
	s7 =	simm.s32 @p2 $0x1082  }
0x22: {  	[simem:s7], [sflag:s8] =	dma.local @!p0 [hbm:s6], $0xF7A  }
0x23: {  	s9 =	sor.u32 $0xD0000000, s2;
	s6 =	simm.s32 $0x108;
	_ =	swait.ge @!p0 [sflag:s8], $0x0  }
0x24: {  	s3 =	sadd.s32 $0x88, s3;
	s6 =	simm.s32 @!p1 $0x1082;
	[sflag:s4] =	ssyncset.s32 $0xFFFFF086  }
0x25: {  	[simem:s6], [sflag:s4] =	dma.local [hbm:s3], $0xF7A  }
0x26: {  	[smem:$0x3F8D] =	sst s1;
	(tag) =	ssettag s2;
	_ =	strace s9  }
0x27: {  	s1 =	sld [smem:$0x3F9D]  }
0x28: {  	s2 =	sld [smem:$0x3F9E]  }
0x29: {  	s4 =	sld [smem:$0x3FA0]  }
0x2a: {  	p0 =	seq.s32 s5, $0x0;
	s5 =	sld [smem:$0x3FA1]  }
0x2b: {  	s6 =	sld [smem:$0x3FA2]  }
0x2c: {  	s7 =	sld [smem:$0x3FA3]  }
0x2d: {  	s3 =	simm.s32 $0x108;
	s8 =	sld [smem:$0x3FA4]  }
0x2e: {  	s3 =	simm.s32 @!p0 $0x1082;
	s9 =	sld [smem:$0x3FA5]  }
0x2f: {  	lr =	sadd.s32 s0, s3;
	s0 =	sld [smem:$0x3F9C]  }
0x30: {  	s3 =	sld [smem:$0x3F9F]  }
0x31: {  	[smem:$0x3FA8] =	sst s10  }
0x32: {  	s10 =	sld [smem:$0x3FA6];
	_ =	sdelay $0x3  }
0x33: {  	p0 =	seq.s32 s10, $0x1;
	s10 =	sld [smem:$0x3FA8];
	_ =	sdelay $0x3  }
0x34: {  	[smem:$0x3FA8] =	sst s10  }
0x35: {  	s10 =	sld [smem:$0x3FA7];
	_ =	sdelay $0x3  }
0x36: {  	p1 =	seq.s32 s10, $0x1;
	s10 =	sld [smem:$0x3FA8];
	_ =	sdelay $0x3  }
0x37: {  	[smem:$0x3FA8] =	sst s10  }
0x38: {  	s10 =	sld [smem:$0x3FA9]  }
0x39: {  	_ = 	snop;
	(pc) =	sbr.ind lr, $3  }
0x3a: {  	_ = 	snop  }
0x3b: {  	_ = 	snop  }
0x3c: {  	p2 =	seq.s32 s10, $0x1;
	s10 =	sld [smem:$0x3FA8]  }
0x3d: {  	_ =	shalt  }
0x3e: {  	_ =	shalt  }
0x3f: {  	_ =	shalt  }
0x40: {  	_ =	shalt  }
0x41: {  	_ =	shalt  }
0x42: {  	_ =	shalt  }
0x43: {  	_ =	shalt  }
0x44: {  	_ =	shalt  }
0x45: {  	_ =	shalt  }
0x46: {  	_ =	shalt  }
0x47: {  	_ =	shalt  }
0x48: {  	_ =	shalt  }
0x49: {  	_ =	shalt  }
0x4a: {  	_ =	shalt  }
0x4b: {  	_ =	shalt  }
0x4c: {  	_ =	shalt  }
0x4d: {  	_ =	shalt  }
0x4e: {  	_ =	shalt  }
0x4f: {  	_ =	shalt  }
0x50: {  	_ =	shalt  }
0x51: {  	_ =	shalt  }
0x52: {  	_ =	shalt  }
0x53: {  	_ =	shalt  }
0x54: {  	_ =	shalt  }
0x55: {  	_ =	shalt  }
0x56: {  	_ =	shalt  }
0x57: {  	_ =	shalt  }
0x58: {  	_ =	shalt  }
0x59: {  	_ =	shalt  }
0x5a: {  	_ =	shalt  }
0x5b: {  	_ =	shalt  }
0x5c: {  	_ =	shalt  }
0x5d: {  	_ =	shalt  }
0x5e: {  	_ =	shalt  }
0x5f: {  	_ =	shalt  }
0x60: {  	_ =	shalt  }
0x61: {  	_ =	shalt  }
0x62: {  	_ =	shalt  }
0x63: {  	_ =	shalt  }
0x64: {  	_ =	shalt  }
0x65: {  	_ =	shalt  }
0x66: {  	_ =	shalt  }
0x67: {  	_ =	shalt  }
0x68: {  	_ =	shalt  }
0x69: {  	_ =	shalt  }
0x6a: {  	_ =	shalt  }
0x6b: {  	_ =	shalt  }
0x6c: {  	_ =	shalt  }
0x6d: {  	_ =	shalt  }
0x6e: {  	_ =	shalt  }
0x6f: {  	_ =	shalt  }
0x70: {  	_ =	shalt  }
0x71: {  	_ =	shalt  }
0x72: {  	_ =	shalt  }
0x73: {  	_ =	shalt  }
0x74: {  	_ =	shalt  }
0x75: {  	_ =	shalt  }
0x76: {  	_ =	shalt  }
0x77: {  	_ =	shalt  }
0x78: {  	_ =	shalt  }
0x79: {  	_ =	shalt  }
0x7a: {  	_ =	shalt  }
0x7b: {  	_ =	shalt  }
0x7c: {  	_ =	shalt  }
0x7d: {  	_ =	shalt  }
0x7e: {  	_ =	shalt  }
0x7f: {  	_ =	shalt  }
0x80: {  	_ =	shalt  }
0x81: {  	_ =	shalt  }
0x82: {  	_ =	shalt  }
0x83: {  	_ =	shalt  }
0x84: {  	_ =	shalt  }
0x85: {  	_ =	shalt  }
0x86: {  	_ =	shalt  }
0x87: {  	_ =	shalt  }
.Lfunc_end0:
.L_simem_size_0:
called_computation.6_lowered:
.L_overlay_start_0:
0x88: {  	s2 =	sld [smem:$0x3FD9]  }
0x89: {  	s3 =	sld [smem:$0x3FFE];
	_ =	sdelay $0x1  }
0x8a: {  	s1 =	srdreg.scid  }
0x8b: {  	s0 =	sand.u32 $0x1, s1  }
0x8c: {  	s17 =	sshll.u32 s0, $0xA;
	s2 =	sadd.s32 s3, s2  }
0x8d: {  	s2 =	sadd.s32 s2, s17  }
0x8e: {  	[smem:$0x3FB4] =	sst s2  }
0x8f: {  	_ = 	snop  }
0x90: {  	s2 =	sld [smem:$0x3FD0];
	(tm) =	ssettm $0x1  }
0x91: {  	s18 =	sld [smem:$0x3FFB];
	_ =	sdelay $0x3  }
0x92: {  	_ =	strace s18  }
0x93: {  	s3 =	sld [smem:$0x3FFC];
	_ =	sdelay $0x3  }
0x94: {  	_ =	strace s3  }
0x95: {  	s3 =	sld [smem:$0x3FFD];
	_ =	sdelay $0x3  }
0x96: {  	_ =	strace s3  }
0x97: {  	_ =	strace $0x8FFFFFFF  }
0x98: {  	s19 =	sld [smem:$0x3FDB];
	_ =	sdelay $0x1  }
0x99: {  	s4 =	simm.s32 $_scs_section_size  }
0x9a: {  	s5 =	simm.s32 $_size__tile_overlayer_lowered;
	s6 =	simm.s32 $_tile_overlayer_lowered  }
0x9b: {  	s22 =	simm.s32 $0x1BFF;
	s21 =	sshll.u32 s6, $0x1;
	s3 =	sadd.s32 s4, s19  }
0x9c: {  	s7 =	simm.s32 $0x0;
	s20 =	sshll.u32 s5, $0x1;
	s5 =	sadd.s32 s21, s3  }
0x9d: {  	[timem:s7], [sflag:s22] =	dma.local [hbm:s5], s20  }
0x9e: {  	_ =	swait.ge [sflag:s22], s20  }
0x9f: {  	s4 =	ssub.s32 $0x0, s20;
	[sflag:s22] =	ssyncset.done $0x0  }
0xa0: {  	[sflag:s22] =	ssyncadd.s32 s4;
	_ =	sdelay $0x1  }
0xa1: {  	s23 =	simm.s32 $0x1B8B  }
0xa2: {  	_ =	swait.ge [sflag:s23], $0x1  }
0xa3: {  	[sflag:s23] =	ssyncset.done $0x0  }
0xa4: {  	s25 =	simm.s32 $0x1B8E;
	s24 =	sld [smem:$0x3FFE];
	[sflag:s23] =	ssyncadd.s32 $0xFFFFFFFF  }
0xa5: {  	s26 =	simm.s32 $execute0_lowered;
	[smem:$0x3FD2] =	sst s25  }
0xa6: {  	s5 =	sshll.u32 s26, $0x1;
	_ =	strace $0x80000058;
	[dreg:$0x1] =	wrdreg $0xFFFFFFFF  }
0xa7: {  	s28 =	simm.s32 $_size_execute0_lowered;
	s3 =	sadd.s32 s3, s5;
	[dreg:$0x0] =	wrdreg $0x0  }
0xa8: {  	s5 =	sshll.u32 s28, $0x1;
	[dreg:$0x2] =	wrdreg s3  }
0xa9: {  	[dreg:$0x3] =	wrdreg s5  }
0xaa: {  	[dreg:$0x4] =	wrdreg $0xC0  }
0xab: {  	_ =	task [dreg:s7], $0x5FFFF  }
0xac: {  	[dreg:$0x1] =	wrdreg $0xFFFFFFFF  }
0xad: {  	[dreg:$0x0] =	wrdreg $0x60  }
0xae: {  	[dreg:$0x2] =	wrdreg s24  }
0xaf: {  	[dreg:$0x3] =	wrdreg s2  }
0xb0: {  	[dreg:$0x4] =	wrdreg $0x9  }
0xb1: {  	_ =	task.clear_ibuf [dreg:s7], $0x5FFFF;
	_ =	strace $0x90000058  }
0xb2: {  	s29 =	simm.s32 $0x9;
	_ =	strace $0x8000005A  }
0xb3: {  	_ =	swait.ge [sflag:s29], $0x1  }
0xb4: {  	[sflag:s29] =	ssyncadd.s32 $0xFFFFFFFF  }
0xb5: {  	_ =	strace $0x9000005A  }
0xb6: {  	_ =	sfence  }
0xb7: {  	s30 =	sld [smem:$0x0];
	_ =	sdelay $0x2  }
0xb8: {  	s31 =	sshll.u32 s1, $0xD;
	s1 =	sshrl.u32 s1, $0x2  }
0xb9: {  	s3 =	sand.u32 $0x4000, s31;
	s1 =	sadd.s32 s1, s30  }
0xba: {  	s0 =	sor.u32 s3, s0;
	s1 =	sshll.u32 s1, $0x11  }
0xbb: {  	s0 =	sor.u32 s1, s0  }
0xbc: {  	s0 =	sadd.s32 $0x8F2B, s0  }
0xbd: {  	[sflag:s0] =	ssyncadd.remote.s32 $0x1  }
0xbe: {  	_ =	sfence.sel $0xFFFF  }
0xbf: {  	[dreg:$0x0] =	wrdreg $0xFFFFFFFF;
	(pc) =	sbr.abs _section_cstart, $3  }
0xc0: {  	[dreg:$0x1] =	wrdreg $0xFFFFFFFF  }
0xc1: {  	_ =	task.clear_ibuf [dreg:s7], $0x2FFFF;
	_ =	strace $0x9FFFFFFF  }
0xc2: {  	(tm) =	ssettm $0x7FFFFFFF  }
0xc3: {  	_ =	shalt  }
tec
execute0_lowered:
.L_overlay_start_1:
0x0: {  	(tag) =	ssettag $0x1  }
0x1: {  	s1 =	srdreg.scid;
	s6 =	rddreg [dreg:$0x0]  }
0x2: {  	s0 =	stileid.u32;
	s4 =	rddreg [dreg:$0x1]  }
0x3: {  	s2 =	simm.s32 $0x0;
	s10 =	simm.s32 $0x80;
	s11 =	simm.s32 $0x880  }
0x4: {  	s12 =	simm.s32 $0x1080;
	s13 =	simm.s32 $0x1880;
	s14 =	simm.s32 $0x2080  }
0x5: {  	s15 =	simm.s32 $0x2880;
	s16 =	simm.s32 $0x3080;
	s17 =	simm.s32 $0x3880  }
0x6: {  	s18 =	simm.s32 $0x4080;
	s19 =	simm.s32 $0x4880;
	s20 =	simm.s32 $0x5080  }
0x7: {  	s21 =	simm.s32 $0x5880;
	s22 =	simm.s32 $0x1;
	s3 =	sand.u32 $0x1, s1  }
0x8: {  	s5 =	sshll.u32 s0, $0x3;
	s1 =	rddreg [dreg:$0x2];
	s7 =	sshll.u32 s3, $0x2  }
0x9: {  	[smem:$0x7FF] =	sst s2;
	s8 =	ssub.s32 $0x2, s3;
	s5 =	sor.u32 s7, s5  }
0xa: {  	_ =	strace $0x80000059;
	s9 =	sshrl.u32 s8, $0x1;
	s7 =	smul.u32 $0x300, s5  }
0xb: {  	v2 =	vlaneseq.u32;
	s3 =	sadd.s32 $0x40C00, s6;
	s8 =	ssub.s32 s8, s9;
	s4 =	sadd.s32 s4, s5  }
0xc: {  	vm0 =	vmmov $0xffff;
	v1 =	vshrl.u32 v2, $0x3;
	s5 =	sadd.s32 $0x40D00, s6;
	s9 =	simm.s32 $0x2;
	s7 =	sadd.s32 s7, s6  }
0xd: {  	v0 =	vand.u32 $0x7, v2;
	v2 =	vor.u32 $0x8, v2;
	v1 =	vmul.u32 $0x8, v1;
	s8 =	smax.u32 s8, $0x1;
	s6 =	sadd.s32 $0x40E00, s6;
	s7 =	sadd.s32 $0x69600, s7  }
.LBB2_1:
0xe: {  	[tilespmem:s2], [sflag:$0x2] =	stream.linear.gather [hbm4b:s4+s2], $0x20, $0x38;
	[tilespmem:$0x6080] =	vst v63  }
0xf: {  	_ =	swait.ge [sflag:s9], $0x20  }
0x10: {  	[sflag:s9] =	ssyncset.done $0x0  }
0x11: {  	[sflag:s9] =	ssyncadd.s32 $0xFFFFFFE0  }
0x12: {  	v3 =	vld [tilespmem:$0x0];
	_ =	sdelay $0x4  }
0x13: {  	v4 =	vshrl.u32 v3, $0x3  }
0x14: {  	v4 =	vmul.u32 $0x30, v4  }
0x15: {  	v3 =	vand.u32 $0x7, v3  }
0x16: {  	v3 =	vor.u32 v3, v4  }
0x17: {  	v4 =	vperm.xlane v3, v0;
	_ =	sdelay $0x1  }
0x18: {  	v4 =	vadd.s32 v1, v4;
	_ =	sdelay $0x3  }
0x19: {  	v3 =	vperm.xlane v3, v2  }
0x1a: {  	[tilespmem:s10], [sflag:$0x1] =	stream.indirect_vreg.gather [hbm4b:s3+s2], $0x80, v4, vm0, $0xb8;
	[tilespmem:$0x6080] =	vst v63  }
0x1b: {  	v3 =	vadd.s32 v1, v3  }
0x1c: {  	[tilespmem:s11], [sflag:$0x1] =	stream.indirect_vreg.gather [hbm4b:s5+s2], $0x80, v4, vm0, $0xb8;
	[tilespmem:$0x6080] =	vst v63  }
0x1d: {  	_ = 	snop  }
0x1e: {  	[tilespmem:s12], [sflag:$0x1] =	stream.indirect_vreg.gather [hbm4b:s6+s2], $0x80, v4, vm0, $0xb8;
	[tilespmem:$0x6080] =	vst v63  }
0x1f: {  	_ = 	snop  }
0x20: {  	[tilespmem:s13], [sflag:$0x1] =	stream.indirect_vreg.gather [hbm4b:s3+s2], $0x80, v3, vm0, $0xb8;
	[tilespmem:$0x6080] =	vst v63  }
0x21: {  	_ = 	snop  }
0x22: {  	[tilespmem:s14], [sflag:$0x1] =	stream.indirect_vreg.gather [hbm4b:s5+s2], $0x80, v3, vm0, $0xb8;
	[tilespmem:$0x6080] =	vst v63  }
0x23: {  	_ = 	snop  }
0x24: {  	[tilespmem:s15], [sflag:$0x1] =	stream.indirect_vreg.gather [hbm4b:s6+s2], $0x80, v3, vm0, $0xb8;
	[tilespmem:$0x6080] =	vst v63  }
0x25: {  	v3 =	vld [tilespmem:$0x10];
	_ =	sdelay $0x4  }
0x26: {  	v63 =	vshrl.u32 v3, $0x3  }
0x27: {  	v4 =	vmul.u32 $0x30, v63  }
0x28: {  	v3 =	vand.u32 $0x7, v3  }
0x29: {  	v3 =	vor.u32 v3, v4  }
0x2a: {  	v4 =	vperm.xlane v3, v0;
	_ =	sdelay $0x1  }
0x2b: {  	v4 =	vadd.s32 v1, v4;
	_ =	sdelay $0x3  }
0x2c: {  	v3 =	vperm.xlane v3, v2  }
0x2d: {  	[tilespmem:s16], [sflag:$0x1] =	stream.indirect_vreg.gather [hbm4b:s3+s2], $0x80, v4, vm0, $0xb8;
	[tilespmem:$0x6080] =	vst v63  }
0x2e: {  	v3 =	vadd.s32 v1, v3  }
0x2f: {  	[tilespmem:s17], [sflag:$0x1] =	stream.indirect_vreg.gather [hbm4b:s5+s2], $0x80, v4, vm0, $0xb8;
	[tilespmem:$0x6080] =	vst v63  }
0x30: {  	_ = 	snop  }
0x31: {  	[tilespmem:s18], [sflag:$0x1] =	stream.indirect_vreg.gather [hbm4b:s6+s2], $0x80, v4, vm0, $0xb8;
	[tilespmem:$0x6080] =	vst v63  }
0x32: {  	_ = 	snop  }
0x33: {  	[tilespmem:s19], [sflag:$0x1] =	stream.indirect_vreg.gather [hbm4b:s3+s2], $0x80, v3, vm0, $0xb8;
	[tilespmem:$0x6080] =	vst v63  }
0x34: {  	_ = 	snop  }
0x35: {  	[tilespmem:s20], [sflag:$0x1] =	stream.indirect_vreg.gather [hbm4b:s5+s2], $0x80, v3, vm0, $0xb8;
	[tilespmem:$0x6080] =	vst v63  }
0x36: {  	_ = 	snop  }
0x37: {  	[tilespmem:s21], [sflag:$0x1] =	stream.indirect_vreg.gather [hbm4b:s6+s2], $0x80, v3, vm0, $0xb8;
	[tilespmem:$0x6080] =	vst v63  }
0x38: {  	_ =	swait.ge [sflag:s22], $0x6000  }
0x39: {  	p0 =	sne.s32 s8, $0x1;
	[sflag:s22] =	ssyncset.done $0x0  }
.Ltmp0:
0x3a: {  	[sflag:s22] =	ssyncadd.s32 $0xFFFFA000;
	(pc) =	sbr.rel @p0 .LBB2_1-.Ltmp0, $4  }
0x3b: {  	[hbm4b:s7+s2] =	stream.linear.scatter [tilespmem:s10], [sflag:$0x2], $0x6000, $0x38;
	[tilespmem:$0x6080] =	vst v63  }
0x3c: {  	_ =	swait.ge [sflag:s9], $0x6000  }
0x3d: {  	[sflag:s9] =	ssyncset.done $0x0  }
0x3e: {  	s8 =	sadd.s32 $0xFFFFFFFF, s8;
	[sflag:s9] =	ssyncadd.s32 $0xFFFFA000  }
0x3f: {  	_ =	sfence.sel $0x180000  }
0x40: {  	[bflag:$0x0] =	sbarrier.arrive $0xFFFF  }
0x41: {  	p0 =	sne.s32 s0, $0x0;
	_ =	strace $0x90000059  }
0x42: {  	s0 =	sadd.s32 @!p0 $0x100000, s1;
	[bflag:$0x2] =	sbarrier.arrive $0xFFFF  }
0x43: {  	[sflag:s0] =	ssyncadd.tile.s32 @!p0 $0x1;
	_ =	shalt  }
.Lfunc_end2:
_tile_overlayer_lowered:
.L_overlay_start_2:
0x44: {  	(tag) =	ssettag $0x2  }
0x45: {  	s0 =	rddreg [dreg:$0x0];
	s2 =	stileid.u32  }
0x46: {  	s1 =	rddreg [dreg:$0x1];
	p0 =	sne.s32 s2, $0x0  }
0x47: {  	s3 =	rddreg [dreg:$0x2];
	[bflag:$0x3] =	sbarrier.arrive $0xFFFF;
	s2 =	simm.s32 @!p0 $0x1C02  }
0x48: {  	[timem:s3], [sflag:s2] =	dma.local @!p0 [hbm:s0], s1  }
0x49: {  	s0 =	simm.s32 @!p0 $0x2  }
0x4a: {  	_ =	swait.ge @!p0 [sflag:s0], s1  }
0x4b: {  	s1 =	ssub.s32 @!p0 $0x0, s1;
	[sflag:s0] =	ssyncset.done @!p0 $0x0  }
0x4c: {  	[sflag:s0] =	ssyncadd.s32 @!p0 s1  }
0x4d: {  	[bflag:$0x3] =	sbarrier.arrive $0xFFFF  }
0x4e: {  	_ =	shalt  }

// kernel: kernel.61.cloned.1.call-start
scs
__scs_entry_jumppad:
0x0: {  	(pc) =	sbr.rel $0x88, $3  }
0x1: {  	(tag) =	ssettag $0x0;
	lr =	simm.s32 $0x1  }
0x2: {  	[smem:$0x3F8D] =	sst lr;
	_ =	strace $0xD0000000  }
0x3: {  	_ = 	snop  }
0x4: {  	_ = 	snop  }
0x5: {  	_ = 	snop  }
0x6: {  	_ = 	snop  }
0x7: {  	_ = 	snop  }
__scs_overlays_trampoline_lowered:
0x8: {  	[smem:$0x3F9C] =	sst s0  }
0x9: {  	[smem:$0x3F9D] =	sst s1  }
0xa: {  	[smem:$0x3F9E] =	sst s2  }
0xb: {  	[smem:$0x3F9F] =	sst s3  }
0xc: {  	[smem:$0x3FA0] =	sst s4  }
0xd: {  	[smem:$0x3FA1] =	sst s5  }
0xe: {  	[smem:$0x3FA2] =	sst s6  }
0xf: {  	[smem:$0x3FA3] =	sst s7  }
0x10: {  	[smem:$0x3FA4] =	sst s8  }
0x11: {  	[smem:$0x3FA5] =	sst s9;
	s0 =	simm.s32 @!p0 $0x0  }
0x12: {  	s1 =	sld [smem:$0x3F8B];
	s0 =	simm.s32 @p0 $0x1  }
0x13: {  	[smem:$0x3FA6] =	sst s0;
	s0 =	simm.s32 @!p1 $0x0  }
0x14: {  	s2 =	sld [smem:$0x3F8A];
	s0 =	simm.s32 @p1 $0x1  }
0x15: {  	[smem:$0x3FA7] =	sst s0;
	s0 =	simm.s32 @!p2 $0x0  }
0x16: {  	s3 =	sld [smem:$0x3FDB];
	s0 =	simm.s32 @p2 $0x1  }
0x17: {  	s4 =	simm.s32 $0x1BF5;
	[smem:$0x3FA9] =	sst s0  }
0x18: {  	s0 =	sld [smem:$0x3F8C];
	_ =	swait.ge [sflag:s4], $0x0  }
0x19: {  	s7 =	sld [smem:$0x3F8D]  }
0x1a: {  	s8 =	sadd.s32 $0xFFFFE003, lr  }
0x1b: {  	s9 =	sadd.s32 $0xFFFFFEF7, lr;
	s5 =	simm.s32 $0xFFFFFFFF;
	p2 =	slt.u32 s8, $0xFFFFF086  }
0x1c: {  	p1 =	slt.u32 s9, $0xF7A;
	s5 =	simm.s32 @!p2 $0x0  }
0x1d: {  	s5 =	simm.s32 @p1 $0x1;
	p0 =	seq.s32 s7, s2  }
0x1e: {  	s7 =	smul.u32 @!p0 $0xF7A, s2;
	p2 =	seq.s32 @!p0 s5, $0x0  }
0x1f: {  	s9 =	smul.u32 $0xF7A, s1;
	s8 =	simm.s32 @!p0 $0x1BF5;
	p2 =	por !p2, p0  }
0x20: {  	[sflag:s8] =	ssyncset.s32 @!p0 $0xFFFFF086;
	s6 =	sadd.s32 @!p0 s3, s7;
	s7 =	simm.s32 @!p0 $0x108  }
0x21: {  	s3 =	sadd.s32 s3, s9;
	s6 =	sadd.s32 @!p0 $0x88, s6;
	s7 =	simm.s32 @p2 $0x1082  }
0x22: {  	[simem:s7], [sflag:s8] =	dma.local @!p0 [hbm:s6], $0xF7A  }
0x23: {  	s9 =	sor.u32 $0xD0000000, s2;
	s6 =	simm.s32 $0x108;
	_ =	swait.ge @!p0 [sflag:s8], $0x0  }
0x24: {  	s3 =	sadd.s32 $0x88, s3;
	s6 =	simm.s32 @!p1 $0x1082;
	[sflag:s4] =	ssyncset.s32 $0xFFFFF086  }
0x25: {  	[simem:s6], [sflag:s4] =	dma.local [hbm:s3], $0xF7A  }
0x26: {  	[smem:$0x3F8D] =	sst s1;
	(tag) =	ssettag s2;
	_ =	strace s9  }
0x27: {  	s1 =	sld [smem:$0x3F9D]  }
0x28: {  	s2 =	sld [smem:$0x3F9E]  }
0x29: {  	s4 =	sld [smem:$0x3FA0]  }
0x2a: {  	p0 =	seq.s32 s5, $0x0;
	s5 =	sld [smem:$0x3FA1]  }
0x2b: {  	s6 =	sld [smem:$0x3FA2]  }
0x2c: {  	s7 =	sld [smem:$0x3FA3]  }
0x2d: {  	s3 =	simm.s32 $0x108;
	s8 =	sld [smem:$0x3FA4]  }
0x2e: {  	s3 =	simm.s32 @!p0 $0x1082;
	s9 =	sld [smem:$0x3FA5]  }
0x2f: {  	lr =	sadd.s32 s0, s3;
	s0 =	sld [smem:$0x3F9C]  }
0x30: {  	s3 =	sld [smem:$0x3F9F]  }
0x31: {  	[smem:$0x3FA8] =	sst s10  }
0x32: {  	s10 =	sld [smem:$0x3FA6];
	_ =	sdelay $0x3  }
0x33: {  	p0 =	seq.s32 s10, $0x1;
	s10 =	sld [smem:$0x3FA8];
	_ =	sdelay $0x3  }
0x34: {  	[smem:$0x3FA8] =	sst s10  }
0x35: {  	s10 =	sld [smem:$0x3FA7];
	_ =	sdelay $0x3  }
0x36: {  	p1 =	seq.s32 s10, $0x1;
	s10 =	sld [smem:$0x3FA8];
	_ =	sdelay $0x3  }
0x37: {  	[smem:$0x3FA8] =	sst s10  }
0x38: {  	s10 =	sld [smem:$0x3FA9]  }
0x39: {  	_ = 	snop;
	(pc) =	sbr.ind lr, $3  }
0x3a: {  	_ = 	snop  }
0x3b: {  	_ = 	snop  }
0x3c: {  	p2 =	seq.s32 s10, $0x1;
	s10 =	sld [smem:$0x3FA8]  }
0x3d: {  	_ =	shalt  }
0x3e: {  	_ =	shalt  }
0x3f: {  	_ =	shalt  }
0x40: {  	_ =	shalt  }
0x41: {  	_ =	shalt  }
0x42: {  	_ =	shalt  }
0x43: {  	_ =	shalt  }
0x44: {  	_ =	shalt  }
0x45: {  	_ =	shalt  }
0x46: {  	_ =	shalt  }
0x47: {  	_ =	shalt  }
0x48: {  	_ =	shalt  }
0x49: {  	_ =	shalt  }
0x4a: {  	_ =	shalt  }
0x4b: {  	_ =	shalt  }
0x4c: {  	_ =	shalt  }
0x4d: {  	_ =	shalt  }
0x4e: {  	_ =	shalt  }
0x4f: {  	_ =	shalt  }
0x50: {  	_ =	shalt  }
0x51: {  	_ =	shalt  }
0x52: {  	_ =	shalt  }
0x53: {  	_ =	shalt  }
0x54: {  	_ =	shalt  }
0x55: {  	_ =	shalt  }
0x56: {  	_ =	shalt  }
0x57: {  	_ =	shalt  }
0x58: {  	_ =	shalt  }
0x59: {  	_ =	shalt  }
0x5a: {  	_ =	shalt  }
0x5b: {  	_ =	shalt  }
0x5c: {  	_ =	shalt  }
0x5d: {  	_ =	shalt  }
0x5e: {  	_ =	shalt  }
0x5f: {  	_ =	shalt  }
0x60: {  	_ =	shalt  }
0x61: {  	_ =	shalt  }
0x62: {  	_ =	shalt  }
0x63: {  	_ =	shalt  }
0x64: {  	_ =	shalt  }
0x65: {  	_ =	shalt  }
0x66: {  	_ =	shalt  }
0x67: {  	_ =	shalt  }
0x68: {  	_ =	shalt  }
0x69: {  	_ =	shalt  }
0x6a: {  	_ =	shalt  }
0x6b: {  	_ =	shalt  }
0x6c: {  	_ =	shalt  }
0x6d: {  	_ =	shalt  }
0x6e: {  	_ =	shalt  }
0x6f: {  	_ =	shalt  }
0x70: {  	_ =	shalt  }
0x71: {  	_ =	shalt  }
0x72: {  	_ =	shalt  }
0x73: {  	_ =	shalt  }
0x74: {  	_ =	shalt  }
0x75: {  	_ =	shalt  }
0x76: {  	_ =	shalt  }
0x77: {  	_ =	shalt  }
0x78: {  	_ =	shalt  }
0x79: {  	_ =	shalt  }
0x7a: {  	_ =	shalt  }
0x7b: {  	_ =	shalt  }
0x7c: {  	_ =	shalt  }
0x7d: {  	_ =	shalt  }
0x7e: {  	_ =	shalt  }
0x7f: {  	_ =	shalt  }
0x80: {  	_ =	shalt  }
0x81: {  	_ =	shalt  }
0x82: {  	_ =	shalt  }
0x83: {  	_ =	shalt  }
0x84: {  	_ =	shalt  }
0x85: {  	_ =	shalt  }
0x86: {  	_ =	shalt  }
0x87: {  	_ =	shalt  }
.Lfunc_end0:
.L_simem_size_0:
called_computation.7_lowered:
.L_overlay_start_0:
0x88: {  	s2 =	sld [smem:$0x3FD9]  }
0x89: {  	s3 =	sld [smem:$0x3FFE];
	_ =	sdelay $0x1  }
0x8a: {  	s1 =	srdreg.scid  }
0x8b: {  	s0 =	sand.u32 $0x1, s1  }
0x8c: {  	s17 =	sshll.u32 s0, $0xA;
	s2 =	sadd.s32 s3, s2  }
0x8d: {  	s2 =	sadd.s32 s2, s17  }
0x8e: {  	[smem:$0x3FB4] =	sst s2  }
0x8f: {  	_ = 	snop  }
0x90: {  	s2 =	sld [smem:$0x3FD0];
	(tm) =	ssettm $0x1  }
0x91: {  	s18 =	sld [smem:$0x3FFB];
	_ =	sdelay $0x3  }
0x92: {  	_ =	strace s18  }
0x93: {  	s3 =	sld [smem:$0x3FFC];
	_ =	sdelay $0x3  }
0x94: {  	_ =	strace s3  }
0x95: {  	s3 =	sld [smem:$0x3FFD];
	_ =	sdelay $0x3  }
0x96: {  	_ =	strace s3  }
0x97: {  	_ =	strace $0x8FFFFFFF  }
0x98: {  	s19 =	sld [smem:$0x3FDB];
	_ =	sdelay $0x1  }
0x99: {  	s4 =	simm.s32 $_scs_section_size  }
0x9a: {  	s5 =	simm.s32 $_size__tile_overlayer_lowered;
	s6 =	simm.s32 $_tile_overlayer_lowered  }
0x9b: {  	s22 =	simm.s32 $0x1BFF;
	s21 =	sshll.u32 s6, $0x1;
	s3 =	sadd.s32 s4, s19  }
0x9c: {  	s7 =	simm.s32 $0x0;
	s20 =	sshll.u32 s5, $0x1;
	s5 =	sadd.s32 s21, s3  }
0x9d: {  	[timem:s7], [sflag:s22] =	dma.local [hbm:s5], s20  }
0x9e: {  	_ =	swait.ge [sflag:s22], s20  }
0x9f: {  	s4 =	ssub.s32 $0x0, s20;
	[sflag:s22] =	ssyncset.done $0x0  }
0xa0: {  	[sflag:s22] =	ssyncadd.s32 s4;
	_ =	sdelay $0x1  }
0xa1: {  	s23 =	simm.s32 $0x1B8B  }
0xa2: {  	_ =	swait.ge [sflag:s23], $0x1  }
0xa3: {  	[sflag:s23] =	ssyncset.done $0x0  }
0xa4: {  	s25 =	simm.s32 $0x1B8E;
	s24 =	sld [smem:$0x3FFE];
	[sflag:s23] =	ssyncadd.s32 $0xFFFFFFFF  }
0xa5: {  	s26 =	simm.s32 $execute0_lowered;
	[smem:$0x3FD2] =	sst s25  }
0xa6: {  	s5 =	sshll.u32 s26, $0x1;
	_ =	strace $0x8000005B;
	[dreg:$0x1] =	wrdreg $0xFFFFFFFF  }
0xa7: {  	s28 =	simm.s32 $_size_execute0_lowered;
	s3 =	sadd.s32 s3, s5;
	[dreg:$0x0] =	wrdreg $0x0  }
0xa8: {  	s5 =	sshll.u32 s28, $0x1;
	[dreg:$0x2] =	wrdreg s3  }
0xa9: {  	[dreg:$0x3] =	wrdreg s5  }
0xaa: {  	[dreg:$0x4] =	wrdreg $0xC0  }
0xab: {  	_ =	task [dreg:s7], $0x5FFFF  }
0xac: {  	[dreg:$0x1] =	wrdreg $0xFFFFFFFF  }
0xad: {  	[dreg:$0x0] =	wrdreg $0x60  }
0xae: {  	[dreg:$0x2] =	wrdreg s24  }
0xaf: {  	[dreg:$0x3] =	wrdreg s2  }
0xb0: {  	[dreg:$0x4] =	wrdreg $0x9  }
0xb1: {  	_ =	task.clear_ibuf [dreg:s7], $0x5FFFF;
	_ =	strace $0x9000005B  }
0xb2: {  	s29 =	simm.s32 $0x9;
	_ =	strace $0x8000005D  }
0xb3: {  	_ =	swait.ge [sflag:s29], $0x1  }
0xb4: {  	[sflag:s29] =	ssyncadd.s32 $0xFFFFFFFF  }
0xb5: {  	_ =	strace $0x9000005D  }
0xb6: {  	_ =	sfence  }
0xb7: {  	s30 =	sld [smem:$0x0];
	_ =	sdelay $0x2  }
0xb8: {  	s31 =	sshll.u32 s1, $0xD;
	s1 =	sshrl.u32 s1, $0x2  }
0xb9: {  	s3 =	sand.u32 $0x4000, s31;
	s1 =	sadd.s32 s1, s30  }
0xba: {  	s0 =	sor.u32 s3, s0;
	s1 =	sshll.u32 s1, $0x11  }
0xbb: {  	s0 =	sor.u32 s1, s0  }
0xbc: {  	s0 =	sadd.s32 $0x8F2B, s0  }
0xbd: {  	[sflag:s0] =	ssyncadd.remote.s32 $0x1  }
0xbe: {  	_ =	sfence.sel $0xFFFF  }
0xbf: {  	[dreg:$0x0] =	wrdreg $0xFFFFFFFF;
	(pc) =	sbr.abs _section_cstart, $3  }
0xc0: {  	[dreg:$0x1] =	wrdreg $0xFFFFFFFF  }
0xc1: {  	_ =	task.clear_ibuf [dreg:s7], $0x2FFFF;
	_ =	strace $0x9FFFFFFF  }
0xc2: {  	(tm) =	ssettm $0x7FFFFFFF  }
0xc3: {  	_ =	shalt  }
tec
execute0_lowered:
.L_overlay_start_1:
0x0: {  	(tag) =	ssettag $0x1  }
0x1: {  	s1 =	srdreg.scid;
	s6 =	rddreg [dreg:$0x0]  }
0x2: {  	s0 =	stileid.u32;
	s4 =	rddreg [dreg:$0x1]  }
0x3: {  	s2 =	simm.s32 $0x0;
	s10 =	simm.s32 $0x80;
	s11 =	simm.s32 $0x880  }
0x4: {  	s12 =	simm.s32 $0x1080;
	s13 =	simm.s32 $0x1880;
	s14 =	simm.s32 $0x2080  }
0x5: {  	s15 =	simm.s32 $0x2880;
	s16 =	simm.s32 $0x3080;
	s17 =	simm.s32 $0x3880  }
0x6: {  	s18 =	simm.s32 $0x4080;
	s19 =	simm.s32 $0x4880;
	s20 =	simm.s32 $0x5080  }
0x7: {  	s21 =	simm.s32 $0x5880;
	s22 =	simm.s32 $0x1;
	s3 =	sand.u32 $0x1, s1  }
0x8: {  	s5 =	sshll.u32 s0, $0x3;
	s1 =	rddreg [dreg:$0x2];
	s7 =	sshll.u32 s3, $0x2  }
0x9: {  	[smem:$0x7FF] =	sst s2;
	s8 =	ssub.s32 $0x2, s3;
	s5 =	sor.u32 s7, s5  }
0xa: {  	_ =	strace $0x8000005C;
	s9 =	sshrl.u32 s8, $0x1;
	s7 =	smul.u32 $0x300, s5  }
0xb: {  	v2 =	vlaneseq.u32;
	s3 =	sadd.s32 $0x40C00, s6;
	s8 =	ssub.s32 s8, s9;
	s4 =	sadd.s32 s4, s5  }
0xc: {  	vm0 =	vmmov $0xffff;
	v1 =	vshrl.u32 v2, $0x3;
	s5 =	sadd.s32 $0x40D00, s6;
	s9 =	simm.s32 $0x2;
	s7 =	sadd.s32 s7, s6  }
0xd: {  	v0 =	vand.u32 $0x7, v2;
	v2 =	vor.u32 $0x8, v2;
	v1 =	vmul.u32 $0x8, v1;
	s8 =	smax.u32 s8, $0x1;
	s6 =	sadd.s32 $0x40E00, s6;
	s7 =	sadd.s32 $0x69600, s7  }
.LBB2_1:
0xe: {  	[tilespmem:s2], [sflag:$0x2] =	stream.linear.gather [hbm4b:s4+s2], $0x20, $0x38;
	[tilespmem:$0x6080] =	vst v63  }
0xf: {  	_ =	swait.ge [sflag:s9], $0x20  }
0x10: {  	[sflag:s9] =	ssyncset.done $0x0  }
0x11: {  	[sflag:s9] =	ssyncadd.s32 $0xFFFFFFE0  }
0x12: {  	v3 =	vld [tilespmem:$0x0];
	_ =	sdelay $0x4  }
0x13: {  	v4 =	vshrl.u32 v3, $0x3  }
0x14: {  	v4 =	vmul.u32 $0x30, v4  }
0x15: {  	v3 =	vand.u32 $0x7, v3  }
0x16: {  	v3 =	vor.u32 v3, v4  }
0x17: {  	v4 =	vperm.xlane v3, v0;
	_ =	sdelay $0x1  }
0x18: {  	v4 =	vadd.s32 v1, v4;
	_ =	sdelay $0x3  }
0x19: {  	v3 =	vperm.xlane v3, v2  }
0x1a: {  	[tilespmem:s10], [sflag:$0x1] =	stream.indirect_vreg.gather [hbm4b:s3+s2], $0x80, v4, vm0, $0xb8;
	[tilespmem:$0x6080] =	vst v63  }
0x1b: {  	v3 =	vadd.s32 v1, v3  }
0x1c: {  	[tilespmem:s11], [sflag:$0x1] =	stream.indirect_vreg.gather [hbm4b:s5+s2], $0x80, v4, vm0, $0xb8;
	[tilespmem:$0x6080] =	vst v63  }
0x1d: {  	_ = 	snop  }
0x1e: {  	[tilespmem:s12], [sflag:$0x1] =	stream.indirect_vreg.gather [hbm4b:s6+s2], $0x80, v4, vm0, $0xb8;
	[tilespmem:$0x6080] =	vst v63  }
0x1f: {  	_ = 	snop  }
0x20: {  	[tilespmem:s13], [sflag:$0x1] =	stream.indirect_vreg.gather [hbm4b:s3+s2], $0x80, v3, vm0, $0xb8;
	[tilespmem:$0x6080] =	vst v63  }
0x21: {  	_ = 	snop  }
0x22: {  	[tilespmem:s14], [sflag:$0x1] =	stream.indirect_vreg.gather [hbm4b:s5+s2], $0x80, v3, vm0, $0xb8;
	[tilespmem:$0x6080] =	vst v63  }
0x23: {  	_ = 	snop  }
0x24: {  	[tilespmem:s15], [sflag:$0x1] =	stream.indirect_vreg.gather [hbm4b:s6+s2], $0x80, v3, vm0, $0xb8;
	[tilespmem:$0x6080] =	vst v63  }
0x25: {  	v3 =	vld [tilespmem:$0x10];
	_ =	sdelay $0x4  }
0x26: {  	v63 =	vshrl.u32 v3, $0x3  }
0x27: {  	v4 =	vmul.u32 $0x30, v63  }
0x28: {  	v3 =	vand.u32 $0x7, v3  }
0x29: {  	v3 =	vor.u32 v3, v4  }
0x2a: {  	v4 =	vperm.xlane v3, v0;
	_ =	sdelay $0x1  }
0x2b: {  	v4 =	vadd.s32 v1, v4;
	_ =	sdelay $0x3  }
0x2c: {  	v3 =	vperm.xlane v3, v2  }
0x2d: {  	[tilespmem:s16], [sflag:$0x1] =	stream.indirect_vreg.gather [hbm4b:s3+s2], $0x80, v4, vm0, $0xb8;
	[tilespmem:$0x6080] =	vst v63  }
0x2e: {  	v3 =	vadd.s32 v1, v3  }
0x2f: {  	[tilespmem:s17], [sflag:$0x1] =	stream.indirect_vreg.gather [hbm4b:s5+s2], $0x80, v4, vm0, $0xb8;
	[tilespmem:$0x6080] =	vst v63  }
0x30: {  	_ = 	snop  }
0x31: {  	[tilespmem:s18], [sflag:$0x1] =	stream.indirect_vreg.gather [hbm4b:s6+s2], $0x80, v4, vm0, $0xb8;
	[tilespmem:$0x6080] =	vst v63  }
0x32: {  	_ = 	snop  }
0x33: {  	[tilespmem:s19], [sflag:$0x1] =	stream.indirect_vreg.gather [hbm4b:s3+s2], $0x80, v3, vm0, $0xb8;
	[tilespmem:$0x6080] =	vst v63  }
0x34: {  	_ = 	snop  }
0x35: {  	[tilespmem:s20], [sflag:$0x1] =	stream.indirect_vreg.gather [hbm4b:s5+s2], $0x80, v3, vm0, $0xb8;
	[tilespmem:$0x6080] =	vst v63  }
0x36: {  	_ = 	snop  }
0x37: {  	[tilespmem:s21], [sflag:$0x1] =	stream.indirect_vreg.gather [hbm4b:s6+s2], $0x80, v3, vm0, $0xb8;
	[tilespmem:$0x6080] =	vst v63  }
0x38: {  	_ =	swait.ge [sflag:s22], $0x6000  }
0x39: {  	p0 =	sne.s32 s8, $0x1;
	[sflag:s22] =	ssyncset.done $0x0  }
.Ltmp0:
0x3a: {  	[sflag:s22] =	ssyncadd.s32 $0xFFFFA000;
	(pc) =	sbr.rel @p0 .LBB2_1-.Ltmp0, $4  }
0x3b: {  	[hbm4b:s7+s2] =	stream.linear.scatter [tilespmem:s10], [sflag:$0x2], $0x6000, $0x38;
	[tilespmem:$0x6080] =	vst v63  }
0x3c: {  	_ =	swait.ge [sflag:s9], $0x6000  }
0x3d: {  	[sflag:s9] =	ssyncset.done $0x0  }
0x3e: {  	s8 =	sadd.s32 $0xFFFFFFFF, s8;
	[sflag:s9] =	ssyncadd.s32 $0xFFFFA000  }
0x3f: {  	_ =	sfence.sel $0x180000  }
0x40: {  	[bflag:$0x0] =	sbarrier.arrive $0xFFFF  }
0x41: {  	p0 =	sne.s32 s0, $0x0;
	_ =	strace $0x9000005C  }
0x42: {  	s0 =	sadd.s32 @!p0 $0x100000, s1;
	[bflag:$0x2] =	sbarrier.arrive $0xFFFF  }
0x43: {  	[sflag:s0] =	ssyncadd.tile.s32 @!p0 $0x1;
	_ =	shalt  }
.Lfunc_end2:
_tile_overlayer_lowered:
.L_overlay_start_2:
0x44: {  	(tag) =	ssettag $0x2  }
0x45: {  	s0 =	rddreg [dreg:$0x0];
	s2 =	stileid.u32  }
0x46: {  	s1 =	rddreg [dreg:$0x1];
	p0 =	sne.s32 s2, $0x0  }
0x47: {  	s3 =	rddreg [dreg:$0x2];
	[bflag:$0x3] =	sbarrier.arrive $0xFFFF;
	s2 =	simm.s32 @!p0 $0x1C02  }
0x48: {  	[timem:s3], [sflag:s2] =	dma.local @!p0 [hbm:s0], s1  }
0x49: {  	s0 =	simm.s32 @!p0 $0x2  }
0x4a: {  	_ =	swait.ge @!p0 [sflag:s0], s1  }
0x4b: {  	s1 =	ssub.s32 @!p0 $0x0, s1;
	[sflag:s0] =	ssyncset.done @!p0 $0x0  }
0x4c: {  	[sflag:s0] =	ssyncadd.s32 @!p0 s1  }
0x4d: {  	[bflag:$0x3] =	sbarrier.arrive $0xFFFF  }
0x4e: {  	_ =	shalt  }

// kernel: kernel.64.cloned.1.call-start
scs
__scs_entry_jumppad:
0x0: {  	(pc) =	sbr.rel $0x88, $3  }
0x1: {  	(tag) =	ssettag $0x0;
	lr =	simm.s32 $0x1  }
0x2: {  	[smem:$0x3F8D] =	sst lr;
	_ =	strace $0xD0000000  }
0x3: {  	_ = 	snop  }
0x4: {  	_ = 	snop  }
0x5: {  	_ = 	snop  }
0x6: {  	_ = 	snop  }
0x7: {  	_ = 	snop  }
__scs_overlays_trampoline_lowered:
0x8: {  	[smem:$0x3F9C] =	sst s0  }
0x9: {  	[smem:$0x3F9D] =	sst s1  }
0xa: {  	[smem:$0x3F9E] =	sst s2  }
0xb: {  	[smem:$0x3F9F] =	sst s3  }
0xc: {  	[smem:$0x3FA0] =	sst s4  }
0xd: {  	[smem:$0x3FA1] =	sst s5  }
0xe: {  	[smem:$0x3FA2] =	sst s6  }
0xf: {  	[smem:$0x3FA3] =	sst s7  }
0x10: {  	[smem:$0x3FA4] =	sst s8  }
0x11: {  	[smem:$0x3FA5] =	sst s9;
	s0 =	simm.s32 @!p0 $0x0  }
0x12: {  	s1 =	sld [smem:$0x3F8B];
	s0 =	simm.s32 @p0 $0x1  }
0x13: {  	[smem:$0x3FA6] =	sst s0;
	s0 =	simm.s32 @!p1 $0x0  }
0x14: {  	s2 =	sld [smem:$0x3F8A];
	s0 =	simm.s32 @p1 $0x1  }
0x15: {  	[smem:$0x3FA7] =	sst s0;
	s0 =	simm.s32 @!p2 $0x0  }
0x16: {  	s3 =	sld [smem:$0x3FDB];
	s0 =	simm.s32 @p2 $0x1  }
0x17: {  	s4 =	simm.s32 $0x1BF5;
	[smem:$0x3FA9] =	sst s0  }
0x18: {  	s0 =	sld [smem:$0x3F8C];
	_ =	swait.ge [sflag:s4], $0x0  }
0x19: {  	s7 =	sld [smem:$0x3F8D]  }
0x1a: {  	s8 =	sadd.s32 $0xFFFFE003, lr  }
0x1b: {  	s9 =	sadd.s32 $0xFFFFFEF7, lr;
	s5 =	simm.s32 $0xFFFFFFFF;
	p2 =	slt.u32 s8, $0xFFFFF086  }
0x1c: {  	p1 =	slt.u32 s9, $0xF7A;
	s5 =	simm.s32 @!p2 $0x0  }
0x1d: {  	s5 =	simm.s32 @p1 $0x1;
	p0 =	seq.s32 s7, s2  }
0x1e: {  	s7 =	smul.u32 @!p0 $0xF7A, s2;
	p2 =	seq.s32 @!p0 s5, $0x0  }
0x1f: {  	s9 =	smul.u32 $0xF7A, s1;
	s8 =	simm.s32 @!p0 $0x1BF5;
	p2 =	por !p2, p0  }
0x20: {  	[sflag:s8] =	ssyncset.s32 @!p0 $0xFFFFF086;
	s6 =	sadd.s32 @!p0 s3, s7;
	s7 =	simm.s32 @!p0 $0x108  }
0x21: {  	s3 =	sadd.s32 s3, s9;
	s6 =	sadd.s32 @!p0 $0x88, s6;
	s7 =	simm.s32 @p2 $0x1082  }
0x22: {  	[simem:s7], [sflag:s8] =	dma.local @!p0 [hbm:s6], $0xF7A  }
0x23: {  	s9 =	sor.u32 $0xD0000000, s2;
	s6 =	simm.s32 $0x108;
	_ =	swait.ge @!p0 [sflag:s8], $0x0  }
0x24: {  	s3 =	sadd.s32 $0x88, s3;
	s6 =	simm.s32 @!p1 $0x1082;
	[sflag:s4] =	ssyncset.s32 $0xFFFFF086  }
0x25: {  	[simem:s6], [sflag:s4] =	dma.local [hbm:s3], $0xF7A  }
0x26: {  	[smem:$0x3F8D] =	sst s1;
	(tag) =	ssettag s2;
	_ =	strace s9  }
0x27: {  	s1 =	sld [smem:$0x3F9D]  }
0x28: {  	s2 =	sld [smem:$0x3F9E]  }
0x29: {  	s4 =	sld [smem:$0x3FA0]  }
0x2a: {  	p0 =	seq.s32 s5, $0x0;
	s5 =	sld [smem:$0x3FA1]  }
0x2b: {  	s6 =	sld [smem:$0x3FA2]  }
0x2c: {  	s7 =	sld [smem:$0x3FA3]  }
0x2d: {  	s3 =	simm.s32 $0x108;
	s8 =	sld [smem:$0x3FA4]  }
0x2e: {  	s3 =	simm.s32 @!p0 $0x1082;
	s9 =	sld [smem:$0x3FA5]  }
0x2f: {  	lr =	sadd.s32 s0, s3;
	s0 =	sld [smem:$0x3F9C]  }
0x30: {  	s3 =	sld [smem:$0x3F9F]  }
0x31: {  	[smem:$0x3FA8] =	sst s10  }
0x32: {  	s10 =	sld [smem:$0x3FA6];
	_ =	sdelay $0x3  }
0x33: {  	p0 =	seq.s32 s10, $0x1;
	s10 =	sld [smem:$0x3FA8];
	_ =	sdelay $0x3  }
0x34: {  	[smem:$0x3FA8] =	sst s10  }
0x35: {  	s10 =	sld [smem:$0x3FA7];
	_ =	sdelay $0x3  }
0x36: {  	p1 =	seq.s32 s10, $0x1;
	s10 =	sld [smem:$0x3FA8];
	_ =	sdelay $0x3  }
0x37: {  	[smem:$0x3FA8] =	sst s10  }
0x38: {  	s10 =	sld [smem:$0x3FA9]  }
0x39: {  	_ = 	snop;
	(pc) =	sbr.ind lr, $3  }
0x3a: {  	_ = 	snop  }
0x3b: {  	_ = 	snop  }
0x3c: {  	p2 =	seq.s32 s10, $0x1;
	s10 =	sld [smem:$0x3FA8]  }
0x3d: {  	_ =	shalt  }
0x3e: {  	_ =	shalt  }
0x3f: {  	_ =	shalt  }
0x40: {  	_ =	shalt  }
0x41: {  	_ =	shalt  }
0x42: {  	_ =	shalt  }
0x43: {  	_ =	shalt  }
0x44: {  	_ =	shalt  }
0x45: {  	_ =	shalt  }
0x46: {  	_ =	shalt  }
0x47: {  	_ =	shalt  }
0x48: {  	_ =	shalt  }
0x49: {  	_ =	shalt  }
0x4a: {  	_ =	shalt  }
0x4b: {  	_ =	shalt  }
0x4c: {  	_ =	shalt  }
0x4d: {  	_ =	shalt  }
0x4e: {  	_ =	shalt  }
0x4f: {  	_ =	shalt  }
0x50: {  	_ =	shalt  }
0x51: {  	_ =	shalt  }
0x52: {  	_ =	shalt  }
0x53: {  	_ =	shalt  }
0x54: {  	_ =	shalt  }
0x55: {  	_ =	shalt  }
0x56: {  	_ =	shalt  }
0x57: {  	_ =	shalt  }
0x58: {  	_ =	shalt  }
0x59: {  	_ =	shalt  }
0x5a: {  	_ =	shalt  }
0x5b: {  	_ =	shalt  }
0x5c: {  	_ =	shalt  }
0x5d: {  	_ =	shalt  }
0x5e: {  	_ =	shalt  }
0x5f: {  	_ =	shalt  }
0x60: {  	_ =	shalt  }
0x61: {  	_ =	shalt  }
0x62: {  	_ =	shalt  }
0x63: {  	_ =	shalt  }
0x64: {  	_ =	shalt  }
0x65: {  	_ =	shalt  }
0x66: {  	_ =	shalt  }
0x67: {  	_ =	shalt  }
0x68: {  	_ =	shalt  }
0x69: {  	_ =	shalt  }
0x6a: {  	_ =	shalt  }
0x6b: {  	_ =	shalt  }
0x6c: {  	_ =	shalt  }
0x6d: {  	_ =	shalt  }
0x6e: {  	_ =	shalt  }
0x6f: {  	_ =	shalt  }
0x70: {  	_ =	shalt  }
0x71: {  	_ =	shalt  }
0x72: {  	_ =	shalt  }
0x73: {  	_ =	shalt  }
0x74: {  	_ =	shalt  }
0x75: {  	_ =	shalt  }
0x76: {  	_ =	shalt  }
0x77: {  	_ =	shalt  }
0x78: {  	_ =	shalt  }
0x79: {  	_ =	shalt  }
0x7a: {  	_ =	shalt  }
0x7b: {  	_ =	shalt  }
0x7c: {  	_ =	shalt  }
0x7d: {  	_ =	shalt  }
0x7e: {  	_ =	shalt  }
0x7f: {  	_ =	shalt  }
0x80: {  	_ =	shalt  }
0x81: {  	_ =	shalt  }
0x82: {  	_ =	shalt  }
0x83: {  	_ =	shalt  }
0x84: {  	_ =	shalt  }
0x85: {  	_ =	shalt  }
0x86: {  	_ =	shalt  }
0x87: {  	_ =	shalt  }
.Lfunc_end0:
.L_simem_size_0:
called_computation.8_lowered:
.L_overlay_start_0:
0x88: {  	s2 =	sld [smem:$0x3FD9]  }
0x89: {  	s3 =	sld [smem:$0x3FFE];
	_ =	sdelay $0x1  }
0x8a: {  	s1 =	srdreg.scid  }
0x8b: {  	s0 =	sand.u32 $0x1, s1  }
0x8c: {  	s17 =	sshll.u32 s0, $0xA;
	s2 =	sadd.s32 s3, s2  }
0x8d: {  	s2 =	sadd.s32 s2, s17  }
0x8e: {  	[smem:$0x3FB4] =	sst s2  }
0x8f: {  	_ = 	snop  }
0x90: {  	s2 =	sld [smem:$0x3FD0];
	(tm) =	ssettm $0x1  }
0x91: {  	s18 =	sld [smem:$0x3FFB];
	_ =	sdelay $0x3  }
0x92: {  	_ =	strace s18  }
0x93: {  	s3 =	sld [smem:$0x3FFC];
	_ =	sdelay $0x3  }
0x94: {  	_ =	strace s3  }
0x95: {  	s3 =	sld [smem:$0x3FFD];
	_ =	sdelay $0x3  }
0x96: {  	_ =	strace s3  }
0x97: {  	_ =	strace $0x8FFFFFFF  }
0x98: {  	s19 =	sld [smem:$0x3FDB];
	_ =	sdelay $0x1  }
0x99: {  	s4 =	simm.s32 $_scs_section_size  }
0x9a: {  	s5 =	simm.s32 $_size__tile_overlayer_lowered;
	s6 =	simm.s32 $_tile_overlayer_lowered  }
0x9b: {  	s22 =	simm.s32 $0x1BFF;
	s21 =	sshll.u32 s6, $0x1;
	s3 =	sadd.s32 s4, s19  }
0x9c: {  	s7 =	simm.s32 $0x0;
	s20 =	sshll.u32 s5, $0x1;
	s5 =	sadd.s32 s21, s3  }
0x9d: {  	[timem:s7], [sflag:s22] =	dma.local [hbm:s5], s20  }
0x9e: {  	_ =	swait.ge [sflag:s22], s20  }
0x9f: {  	s4 =	ssub.s32 $0x0, s20;
	[sflag:s22] =	ssyncset.done $0x0  }
0xa0: {  	[sflag:s22] =	ssyncadd.s32 s4;
	_ =	sdelay $0x1  }
0xa1: {  	s23 =	simm.s32 $0x1B8B  }
0xa2: {  	_ =	swait.ge [sflag:s23], $0x1  }
0xa3: {  	[sflag:s23] =	ssyncset.done $0x0  }
0xa4: {  	s25 =	simm.s32 $0x1B8E;
	s24 =	sld [smem:$0x3FFE];
	[sflag:s23] =	ssyncadd.s32 $0xFFFFFFFF  }
0xa5: {  	s26 =	simm.s32 $execute0_lowered;
	[smem:$0x3FD2] =	sst s25  }
0xa6: {  	s5 =	sshll.u32 s26, $0x1;
	_ =	strace $0x8000005E;
	[dreg:$0x1] =	wrdreg $0xFFFFFFFF  }
0xa7: {  	s28 =	simm.s32 $_size_execute0_lowered;
	s3 =	sadd.s32 s3, s5;
	[dreg:$0x0] =	wrdreg $0x0  }
0xa8: {  	s5 =	sshll.u32 s28, $0x1;
	[dreg:$0x2] =	wrdreg s3  }
0xa9: {  	[dreg:$0x3] =	wrdreg s5  }
0xaa: {  	[dreg:$0x4] =	wrdreg $0xC0  }
0xab: {  	_ =	task [dreg:s7], $0x5FFFF  }
0xac: {  	[dreg:$0x1] =	wrdreg $0xFFFFFFFF  }
0xad: {  	[dreg:$0x0] =	wrdreg $0x60  }
0xae: {  	[dreg:$0x2] =	wrdreg s24  }
0xaf: {  	[dreg:$0x3] =	wrdreg s2  }
0xb0: {  	[dreg:$0x4] =	wrdreg $0x9  }
0xb1: {  	_ =	task.clear_ibuf [dreg:s7], $0x5FFFF;
	_ =	strace $0x9000005E  }
0xb2: {  	s29 =	simm.s32 $0x9;
	_ =	strace $0x80000060  }
0xb3: {  	_ =	swait.ge [sflag:s29], $0x1  }
0xb4: {  	[sflag:s29] =	ssyncadd.s32 $0xFFFFFFFF  }
0xb5: {  	_ =	strace $0x90000060  }
0xb6: {  	_ =	sfence  }
0xb7: {  	s30 =	sld [smem:$0x0];
	_ =	sdelay $0x2  }
0xb8: {  	s31 =	sshll.u32 s1, $0xD;
	s1 =	sshrl.u32 s1, $0x2  }
0xb9: {  	s3 =	sand.u32 $0x4000, s31;
	s1 =	sadd.s32 s1, s30  }
0xba: {  	s0 =	sor.u32 s3, s0;
	s1 =	sshll.u32 s1, $0x11  }
0xbb: {  	s0 =	sor.u32 s1, s0  }
0xbc: {  	s0 =	sadd.s32 $0x8F2B, s0  }
0xbd: {  	[sflag:s0] =	ssyncadd.remote.s32 $0x1  }
0xbe: {  	_ =	sfence.sel $0xFFFF  }
0xbf: {  	[dreg:$0x0] =	wrdreg $0xFFFFFFFF;
	(pc) =	sbr.abs _section_cstart, $3  }
0xc0: {  	[dreg:$0x1] =	wrdreg $0xFFFFFFFF  }
0xc1: {  	_ =	task.clear_ibuf [dreg:s7], $0x2FFFF;
	_ =	strace $0x9FFFFFFF  }
0xc2: {  	(tm) =	ssettm $0x7FFFFFFF  }
0xc3: {  	_ =	shalt  }
tec
execute0_lowered:
.L_overlay_start_1:
0x0: {  	(tag) =	ssettag $0x1  }
0x1: {  	s1 =	srdreg.scid;
	s6 =	rddreg [dreg:$0x0]  }
0x2: {  	s0 =	stileid.u32;
	s4 =	rddreg [dreg:$0x1]  }
0x3: {  	s2 =	simm.s32 $0x0;
	s10 =	simm.s32 $0x80;
	s11 =	simm.s32 $0x880  }
0x4: {  	s12 =	simm.s32 $0x1080;
	s13 =	simm.s32 $0x1880;
	s14 =	simm.s32 $0x2080  }
0x5: {  	s15 =	simm.s32 $0x2880;
	s16 =	simm.s32 $0x3080;
	s17 =	simm.s32 $0x3880  }
0x6: {  	s18 =	simm.s32 $0x4080;
	s19 =	simm.s32 $0x4880;
	s20 =	simm.s32 $0x5080  }
0x7: {  	s21 =	simm.s32 $0x5880;
	s22 =	simm.s32 $0x1;
	s3 =	sand.u32 $0x1, s1  }
0x8: {  	s5 =	sshll.u32 s0, $0x3;
	s1 =	rddreg [dreg:$0x2];
	s7 =	sshll.u32 s3, $0x2  }
0x9: {  	[smem:$0x7FF] =	sst s2;
	s8 =	ssub.s32 $0x2, s3;
	s5 =	sor.u32 s7, s5  }
0xa: {  	_ =	strace $0x8000005F;
	s9 =	sshrl.u32 s8, $0x1;
	s7 =	smul.u32 $0x300, s5  }
0xb: {  	v2 =	vlaneseq.u32;
	s3 =	sadd.s32 $0x40C00, s6;
	s8 =	ssub.s32 s8, s9;
	s4 =	sadd.s32 s4, s5  }
0xc: {  	vm0 =	vmmov $0xffff;
	v1 =	vshrl.u32 v2, $0x3;
	s5 =	sadd.s32 $0x40D00, s6;
	s9 =	simm.s32 $0x2;
	s7 =	sadd.s32 s7, s6  }
0xd: {  	v0 =	vand.u32 $0x7, v2;
	v2 =	vor.u32 $0x8, v2;
	v1 =	vmul.u32 $0x8, v1;
	s8 =	smax.u32 s8, $0x1;
	s6 =	sadd.s32 $0x40E00, s6;
	s7 =	sadd.s32 $0x69600, s7  }
.LBB2_1:
0xe: {  	[tilespmem:s2], [sflag:$0x2] =	stream.linear.gather [hbm4b:s4+s2], $0x20, $0x38;
	[tilespmem:$0x6080] =	vst v63  }
0xf: {  	_ =	swait.ge [sflag:s9], $0x20  }
0x10: {  	[sflag:s9] =	ssyncset.done $0x0  }
0x11: {  	[sflag:s9] =	ssyncadd.s32 $0xFFFFFFE0  }
0x12: {  	v3 =	vld [tilespmem:$0x0];
	_ =	sdelay $0x4  }
0x13: {  	v4 =	vshrl.u32 v3, $0x3  }
0x14: {  	v4 =	vmul.u32 $0x30, v4  }
0x15: {  	v3 =	vand.u32 $0x7, v3  }
0x16: {  	v3 =	vor.u32 v3, v4  }
0x17: {  	v4 =	vperm.xlane v3, v0;
	_ =	sdelay $0x1  }
0x18: {  	v4 =	vadd.s32 v1, v4;
	_ =	sdelay $0x3  }
0x19: {  	v3 =	vperm.xlane v3, v2  }
0x1a: {  	[tilespmem:s10], [sflag:$0x1] =	stream.indirect_vreg.gather [hbm4b:s3+s2], $0x80, v4, vm0, $0xb8;
	[tilespmem:$0x6080] =	vst v63  }
0x1b: {  	v3 =	vadd.s32 v1, v3  }
0x1c: {  	[tilespmem:s11], [sflag:$0x1] =	stream.indirect_vreg.gather [hbm4b:s5+s2], $0x80, v4, vm0, $0xb8;
	[tilespmem:$0x6080] =	vst v63  }
0x1d: {  	_ = 	snop  }
0x1e: {  	[tilespmem:s12], [sflag:$0x1] =	stream.indirect_vreg.gather [hbm4b:s6+s2], $0x80, v4, vm0, $0xb8;
	[tilespmem:$0x6080] =	vst v63  }
0x1f: {  	_ = 	snop  }
0x20: {  	[tilespmem:s13], [sflag:$0x1] =	stream.indirect_vreg.gather [hbm4b:s3+s2], $0x80, v3, vm0, $0xb8;
	[tilespmem:$0x6080] =	vst v63  }
0x21: {  	_ = 	snop  }
0x22: {  	[tilespmem:s14], [sflag:$0x1] =	stream.indirect_vreg.gather [hbm4b:s5+s2], $0x80, v3, vm0, $0xb8;
	[tilespmem:$0x6080] =	vst v63  }
0x23: {  	_ = 	snop  }
0x24: {  	[tilespmem:s15], [sflag:$0x1] =	stream.indirect_vreg.gather [hbm4b:s6+s2], $0x80, v3, vm0, $0xb8;
	[tilespmem:$0x6080] =	vst v63  }
0x25: {  	v3 =	vld [tilespmem:$0x10];
	_ =	sdelay $0x4  }
0x26: {  	v63 =	vshrl.u32 v3, $0x3  }
0x27: {  	v4 =	vmul.u32 $0x30, v63  }
0x28: {  	v3 =	vand.u32 $0x7, v3  }
0x29: {  	v3 =	vor.u32 v3, v4  }
0x2a: {  	v4 =	vperm.xlane v3, v0;
	_ =	sdelay $0x1  }
0x2b: {  	v4 =	vadd.s32 v1, v4;
	_ =	sdelay $0x3  }
0x2c: {  	v3 =	vperm.xlane v3, v2  }
0x2d: {  	[tilespmem:s16], [sflag:$0x1] =	stream.indirect_vreg.gather [hbm4b:s3+s2], $0x80, v4, vm0, $0xb8;
	[tilespmem:$0x6080] =	vst v63  }
0x2e: {  	v3 =	vadd.s32 v1, v3  }
0x2f: {  	[tilespmem:s17], [sflag:$0x1] =	stream.indirect_vreg.gather [hbm4b:s5+s2], $0x80, v4, vm0, $0xb8;
	[tilespmem:$0x6080] =	vst v63  }
0x30: {  	_ = 	snop  }
0x31: {  	[tilespmem:s18], [sflag:$0x1] =	stream.indirect_vreg.gather [hbm4b:s6+s2], $0x80, v4, vm0, $0xb8;
	[tilespmem:$0x6080] =	vst v63  }
0x32: {  	_ = 	snop  }
0x33: {  	[tilespmem:s19], [sflag:$0x1] =	stream.indirect_vreg.gather [hbm4b:s3+s2], $0x80, v3, vm0, $0xb8;
	[tilespmem:$0x6080] =	vst v63  }
0x34: {  	_ = 	snop  }
0x35: {  	[tilespmem:s20], [sflag:$0x1] =	stream.indirect_vreg.gather [hbm4b:s5+s2], $0x80, v3, vm0, $0xb8;
	[tilespmem:$0x6080] =	vst v63  }
0x36: {  	_ = 	snop  }
0x37: {  	[tilespmem:s21], [sflag:$0x1] =	stream.indirect_vreg.gather [hbm4b:s6+s2], $0x80, v3, vm0, $0xb8;
	[tilespmem:$0x6080] =	vst v63  }
0x38: {  	_ =	swait.ge [sflag:s22], $0x6000  }
0x39: {  	p0 =	sne.s32 s8, $0x1;
	[sflag:s22] =	ssyncset.done $0x0  }
.Ltmp0:
0x3a: {  	[sflag:s22] =	ssyncadd.s32 $0xFFFFA000;
	(pc) =	sbr.rel @p0 .LBB2_1-.Ltmp0, $4  }
0x3b: {  	[hbm4b:s7+s2] =	stream.linear.scatter [tilespmem:s10], [sflag:$0x2], $0x6000, $0x38;
	[tilespmem:$0x6080] =	vst v63  }
0x3c: {  	_ =	swait.ge [sflag:s9], $0x6000  }
0x3d: {  	[sflag:s9] =	ssyncset.done $0x0  }
0x3e: {  	s8 =	sadd.s32 $0xFFFFFFFF, s8;
	[sflag:s9] =	ssyncadd.s32 $0xFFFFA000  }
0x3f: {  	_ =	sfence.sel $0x180000  }
0x40: {  	[bflag:$0x0] =	sbarrier.arrive $0xFFFF  }
0x41: {  	p0 =	sne.s32 s0, $0x0;
	_ =	strace $0x9000005F  }
0x42: {  	s0 =	sadd.s32 @!p0 $0x100000, s1;
	[bflag:$0x2] =	sbarrier.arrive $0xFFFF  }
0x43: {  	[sflag:s0] =	ssyncadd.tile.s32 @!p0 $0x1;
	_ =	shalt  }
.Lfunc_end2:
_tile_overlayer_lowered:
.L_overlay_start_2:
0x44: {  	(tag) =	ssettag $0x2  }
0x45: {  	s0 =	rddreg [dreg:$0x0];
	s2 =	stileid.u32  }
0x46: {  	s1 =	rddreg [dreg:$0x1];
	p0 =	sne.s32 s2, $0x0  }
0x47: {  	s3 =	rddreg [dreg:$0x2];
	[bflag:$0x3] =	sbarrier.arrive $0xFFFF;
	s2 =	simm.s32 @!p0 $0x1C02  }
0x48: {  	[timem:s3], [sflag:s2] =	dma.local @!p0 [hbm:s0], s1  }
0x49: {  	s0 =	simm.s32 @!p0 $0x2  }
0x4a: {  	_ =	swait.ge @!p0 [sflag:s0], s1  }
0x4b: {  	s1 =	ssub.s32 @!p0 $0x0, s1;
	[sflag:s0] =	ssyncset.done @!p0 $0x0  }
0x4c: {  	[sflag:s0] =	ssyncadd.s32 @!p0 s1  }
0x4d: {  	[bflag:$0x3] =	sbarrier.arrive $0xFFFF  }
0x4e: {  	_ =	shalt  }

// kernel: kernel.67.cloned.1.call-start
scs
__scs_entry_jumppad:
0x0: {  	(pc) =	sbr.rel $0x88, $3  }
0x1: {  	(tag) =	ssettag $0x0;
	lr =	simm.s32 $0x1  }
0x2: {  	[smem:$0x3F8D] =	sst lr;
	_ =	strace $0xD0000000  }
0x3: {  	_ = 	snop  }
0x4: {  	_ = 	snop  }
0x5: {  	_ = 	snop  }
0x6: {  	_ = 	snop  }
0x7: {  	_ = 	snop  }
__scs_overlays_trampoline_lowered:
0x8: {  	[smem:$0x3F9C] =	sst s0  }
0x9: {  	[smem:$0x3F9D] =	sst s1  }
0xa: {  	[smem:$0x3F9E] =	sst s2  }
0xb: {  	[smem:$0x3F9F] =	sst s3  }
0xc: {  	[smem:$0x3FA0] =	sst s4  }
0xd: {  	[smem:$0x3FA1] =	sst s5  }
0xe: {  	[smem:$0x3FA2] =	sst s6  }
0xf: {  	[smem:$0x3FA3] =	sst s7  }
0x10: {  	[smem:$0x3FA4] =	sst s8  }
0x11: {  	[smem:$0x3FA5] =	sst s9;
	s0 =	simm.s32 @!p0 $0x0  }
0x12: {  	s1 =	sld [smem:$0x3F8B];
	s0 =	simm.s32 @p0 $0x1  }
0x13: {  	[smem:$0x3FA6] =	sst s0;
	s0 =	simm.s32 @!p1 $0x0  }
0x14: {  	s2 =	sld [smem:$0x3F8A];
	s0 =	simm.s32 @p1 $0x1  }
0x15: {  	[smem:$0x3FA7] =	sst s0;
	s0 =	simm.s32 @!p2 $0x0  }
0x16: {  	s3 =	sld [smem:$0x3FDB];
	s0 =	simm.s32 @p2 $0x1  }
0x17: {  	s4 =	simm.s32 $0x1BF5;
	[smem:$0x3FA9] =	sst s0  }
0x18: {  	s0 =	sld [smem:$0x3F8C];
	_ =	swait.ge [sflag:s4], $0x0  }
0x19: {  	s7 =	sld [smem:$0x3F8D]  }
0x1a: {  	s8 =	sadd.s32 $0xFFFFE003, lr  }
0x1b: {  	s9 =	sadd.s32 $0xFFFFFEF7, lr;
	s5 =	simm.s32 $0xFFFFFFFF;
	p2 =	slt.u32 s8, $0xFFFFF086  }
0x1c: {  	p1 =	slt.u32 s9, $0xF7A;
	s5 =	simm.s32 @!p2 $0x0  }
0x1d: {  	s5 =	simm.s32 @p1 $0x1;
	p0 =	seq.s32 s7, s2  }
0x1e: {  	s7 =	smul.u32 @!p0 $0xF7A, s2;
	p2 =	seq.s32 @!p0 s5, $0x0  }
0x1f: {  	s9 =	smul.u32 $0xF7A, s1;
	s8 =	simm.s32 @!p0 $0x1BF5;
	p2 =	por !p2, p0  }
0x20: {  	[sflag:s8] =	ssyncset.s32 @!p0 $0xFFFFF086;
	s6 =	sadd.s32 @!p0 s3, s7;
	s7 =	simm.s32 @!p0 $0x108  }
0x21: {  	s3 =	sadd.s32 s3, s9;
	s6 =	sadd.s32 @!p0 $0x88, s6;
	s7 =	simm.s32 @p2 $0x1082  }
0x22: {  	[simem:s7], [sflag:s8] =	dma.local @!p0 [hbm:s6], $0xF7A  }
0x23: {  	s9 =	sor.u32 $0xD0000000, s2;
	s6 =	simm.s32 $0x108;
	_ =	swait.ge @!p0 [sflag:s8], $0x0  }
0x24: {  	s3 =	sadd.s32 $0x88, s3;
	s6 =	simm.s32 @!p1 $0x1082;
	[sflag:s4] =	ssyncset.s32 $0xFFFFF086  }
0x25: {  	[simem:s6], [sflag:s4] =	dma.local [hbm:s3], $0xF7A  }
0x26: {  	[smem:$0x3F8D] =	sst s1;
	(tag) =	ssettag s2;
	_ =	strace s9  }
0x27: {  	s1 =	sld [smem:$0x3F9D]  }
0x28: {  	s2 =	sld [smem:$0x3F9E]  }
0x29: {  	s4 =	sld [smem:$0x3FA0]  }
0x2a: {  	p0 =	seq.s32 s5, $0x0;
	s5 =	sld [smem:$0x3FA1]  }
0x2b: {  	s6 =	sld [smem:$0x3FA2]  }
0x2c: {  	s7 =	sld [smem:$0x3FA3]  }
0x2d: {  	s3 =	simm.s32 $0x108;
	s8 =	sld [smem:$0x3FA4]  }
0x2e: {  	s3 =	simm.s32 @!p0 $0x1082;
	s9 =	sld [smem:$0x3FA5]  }
0x2f: {  	lr =	sadd.s32 s0, s3;
	s0 =	sld [smem:$0x3F9C]  }
0x30: {  	s3 =	sld [smem:$0x3F9F]  }
0x31: {  	[smem:$0x3FA8] =	sst s10  }
0x32: {  	s10 =	sld [smem:$0x3FA6];
	_ =	sdelay $0x3  }
0x33: {  	p0 =	seq.s32 s10, $0x1;
	s10 =	sld [smem:$0x3FA8];
	_ =	sdelay $0x3  }
0x34: {  	[smem:$0x3FA8] =	sst s10  }
0x35: {  	s10 =	sld [smem:$0x3FA7];
	_ =	sdelay $0x3  }
0x36: {  	p1 =	seq.s32 s10, $0x1;
	s10 =	sld [smem:$0x3FA8];
	_ =	sdelay $0x3  }
0x37: {  	[smem:$0x3FA8] =	sst s10  }
0x38: {  	s10 =	sld [smem:$0x3FA9]  }
0x39: {  	_ = 	snop;
	(pc) =	sbr.ind lr, $3  }
0x3a: {  	_ = 	snop  }
0x3b: {  	_ = 	snop  }
0x3c: {  	p2 =	seq.s32 s10, $0x1;
	s10 =	sld [smem:$0x3FA8]  }
0x3d: {  	_ =	shalt  }
0x3e: {  	_ =	shalt  }
0x3f: {  	_ =	shalt  }
0x40: {  	_ =	shalt  }
0x41: {  	_ =	shalt  }
0x42: {  	_ =	shalt  }
0x43: {  	_ =	shalt  }
0x44: {  	_ =	shalt  }
0x45: {  	_ =	shalt  }
0x46: {  	_ =	shalt  }
0x47: {  	_ =	shalt  }
0x48: {  	_ =	shalt  }
0x49: {  	_ =	shalt  }
0x4a: {  	_ =	shalt  }
0x4b: {  	_ =	shalt  }
0x4c: {  	_ =	shalt  }
0x4d: {  	_ =	shalt  }
0x4e: {  	_ =	shalt  }
0x4f: {  	_ =	shalt  }
0x50: {  	_ =	shalt  }
0x51: {  	_ =	shalt  }
0x52: {  	_ =	shalt  }
0x53: {  	_ =	shalt  }
0x54: {  	_ =	shalt  }
0x55: {  	_ =	shalt  }
0x56: {  	_ =	shalt  }
0x57: {  	_ =	shalt  }
0x58: {  	_ =	shalt  }
0x59: {  	_ =	shalt  }
0x5a: {  	_ =	shalt  }
0x5b: {  	_ =	shalt  }
0x5c: {  	_ =	shalt  }
0x5d: {  	_ =	shalt  }
0x5e: {  	_ =	shalt  }
0x5f: {  	_ =	shalt  }
0x60: {  	_ =	shalt  }
0x61: {  	_ =	shalt  }
0x62: {  	_ =	shalt  }
0x63: {  	_ =	shalt  }
0x64: {  	_ =	shalt  }
0x65: {  	_ =	shalt  }
0x66: {  	_ =	shalt  }
0x67: {  	_ =	shalt  }
0x68: {  	_ =	shalt  }
0x69: {  	_ =	shalt  }
0x6a: {  	_ =	shalt  }
0x6b: {  	_ =	shalt  }
0x6c: {  	_ =	shalt  }
0x6d: {  	_ =	shalt  }
0x6e: {  	_ =	shalt  }
0x6f: {  	_ =	shalt  }
0x70: {  	_ =	shalt  }
0x71: {  	_ =	shalt  }
0x72: {  	_ =	shalt  }
0x73: {  	_ =	shalt  }
0x74: {  	_ =	shalt  }
0x75: {  	_ =	shalt  }
0x76: {  	_ =	shalt  }
0x77: {  	_ =	shalt  }
0x78: {  	_ =	shalt  }
0x79: {  	_ =	shalt  }
0x7a: {  	_ =	shalt  }
0x7b: {  	_ =	shalt  }
0x7c: {  	_ =	shalt  }
0x7d: {  	_ =	shalt  }
0x7e: {  	_ =	shalt  }
0x7f: {  	_ =	shalt  }
0x80: {  	_ =	shalt  }
0x81: {  	_ =	shalt  }
0x82: {  	_ =	shalt  }
0x83: {  	_ =	shalt  }
0x84: {  	_ =	shalt  }
0x85: {  	_ =	shalt  }
0x86: {  	_ =	shalt  }
0x87: {  	_ =	shalt  }
.Lfunc_end0:
.L_simem_size_0:
called_computation.9_lowered:
.L_overlay_start_0:
0x88: {  	s2 =	sld [smem:$0x3FD9]  }
0x89: {  	s3 =	sld [smem:$0x3FFE];
	_ =	sdelay $0x1  }
0x8a: {  	s1 =	srdreg.scid  }
0x8b: {  	s0 =	sand.u32 $0x1, s1  }
0x8c: {  	s17 =	sshll.u32 s0, $0xA;
	s2 =	sadd.s32 s3, s2  }
0x8d: {  	s2 =	sadd.s32 s2, s17  }
0x8e: {  	[smem:$0x3FB4] =	sst s2  }
0x8f: {  	_ = 	snop  }
0x90: {  	s2 =	sld [smem:$0x3FD0];
	(tm) =	ssettm $0x1  }
0x91: {  	s18 =	sld [smem:$0x3FFB];
	_ =	sdelay $0x3  }
0x92: {  	_ =	strace s18  }
0x93: {  	s3 =	sld [smem:$0x3FFC];
	_ =	sdelay $0x3  }
0x94: {  	_ =	strace s3  }
0x95: {  	s3 =	sld [smem:$0x3FFD];
	_ =	sdelay $0x3  }
0x96: {  	_ =	strace s3  }
0x97: {  	_ =	strace $0x8FFFFFFF  }
0x98: {  	s19 =	sld [smem:$0x3FDB];
	_ =	sdelay $0x1  }
0x99: {  	s4 =	simm.s32 $_scs_section_size  }
0x9a: {  	s5 =	simm.s32 $_size__tile_overlayer_lowered;
	s6 =	simm.s32 $_tile_overlayer_lowered  }
0x9b: {  	s22 =	simm.s32 $0x1BFF;
	s21 =	sshll.u32 s6, $0x1;
	s3 =	sadd.s32 s4, s19  }
0x9c: {  	s7 =	simm.s32 $0x0;
	s20 =	sshll.u32 s5, $0x1;
	s5 =	sadd.s32 s21, s3  }
0x9d: {  	[timem:s7], [sflag:s22] =	dma.local [hbm:s5], s20  }
0x9e: {  	_ =	swait.ge [sflag:s22], s20  }
0x9f: {  	s4 =	ssub.s32 $0x0, s20;
	[sflag:s22] =	ssyncset.done $0x0  }
0xa0: {  	[sflag:s22] =	ssyncadd.s32 s4;
	_ =	sdelay $0x1  }
0xa1: {  	s23 =	simm.s32 $0x1B8B  }
0xa2: {  	_ =	swait.ge [sflag:s23], $0x1  }
0xa3: {  	[sflag:s23] =	ssyncset.done $0x0  }
0xa4: {  	s25 =	simm.s32 $0x1B8E;
	s24 =	sld [smem:$0x3FFE];
	[sflag:s23] =	ssyncadd.s32 $0xFFFFFFFF  }
0xa5: {  	s26 =	simm.s32 $execute0_lowered;
	[smem:$0x3FD2] =	sst s25  }
0xa6: {  	s5 =	sshll.u32 s26, $0x1;
	_ =	strace $0x80000061;
	[dreg:$0x1] =	wrdreg $0xFFFFFFFF  }
0xa7: {  	s28 =	simm.s32 $_size_execute0_lowered;
	s3 =	sadd.s32 s3, s5;
	[dreg:$0x0] =	wrdreg $0x0  }
0xa8: {  	s5 =	sshll.u32 s28, $0x1;
	[dreg:$0x2] =	wrdreg s3  }
0xa9: {  	[dreg:$0x3] =	wrdreg s5  }
0xaa: {  	[dreg:$0x4] =	wrdreg $0xC0  }
0xab: {  	_ =	task [dreg:s7], $0x5FFFF  }
0xac: {  	[dreg:$0x1] =	wrdreg $0xFFFFFFFF  }
0xad: {  	[dreg:$0x0] =	wrdreg $0x60  }
0xae: {  	[dreg:$0x2] =	wrdreg s24  }
0xaf: {  	[dreg:$0x3] =	wrdreg s2  }
0xb0: {  	[dreg:$0x4] =	wrdreg $0x9  }
0xb1: {  	_ =	task.clear_ibuf [dreg:s7], $0x5FFFF;
	_ =	strace $0x90000061  }
0xb2: {  	s29 =	simm.s32 $0x9;
	_ =	strace $0x80000063  }
0xb3: {  	_ =	swait.ge [sflag:s29], $0x1  }
0xb4: {  	[sflag:s29] =	ssyncadd.s32 $0xFFFFFFFF  }
0xb5: {  	_ =	strace $0x90000063  }
0xb6: {  	_ =	sfence  }
0xb7: {  	s30 =	sld [smem:$0x0];
	_ =	sdelay $0x2  }
0xb8: {  	s31 =	sshll.u32 s1, $0xD;
	s1 =	sshrl.u32 s1, $0x2  }
0xb9: {  	s3 =	sand.u32 $0x4000, s31;
	s1 =	sadd.s32 s1, s30  }
0xba: {  	s0 =	sor.u32 s3, s0;
	s1 =	sshll.u32 s1, $0x11  }
0xbb: {  	s0 =	sor.u32 s1, s0  }
0xbc: {  	s0 =	sadd.s32 $0x8F2B, s0  }
0xbd: {  	[sflag:s0] =	ssyncadd.remote.s32 $0x1  }
0xbe: {  	_ =	sfence.sel $0xFFFF  }
0xbf: {  	[dreg:$0x0] =	wrdreg $0xFFFFFFFF;
	(pc) =	sbr.abs _section_cstart, $3  }
0xc0: {  	[dreg:$0x1] =	wrdreg $0xFFFFFFFF  }
0xc1: {  	_ =	task.clear_ibuf [dreg:s7], $0x2FFFF;
	_ =	strace $0x9FFFFFFF  }
0xc2: {  	(tm) =	ssettm $0x7FFFFFFF  }
0xc3: {  	_ =	shalt  }
tec
execute0_lowered:
.L_overlay_start_1:
0x0: {  	(tag) =	ssettag $0x1  }
0x1: {  	s1 =	srdreg.scid;
	s6 =	rddreg [dreg:$0x0]  }
0x2: {  	s0 =	stileid.u32;
	s4 =	rddreg [dreg:$0x1]  }
0x3: {  	s2 =	simm.s32 $0x0;
	s10 =	simm.s32 $0x80;
	s11 =	simm.s32 $0x880  }
0x4: {  	s12 =	simm.s32 $0x1080;
	s13 =	simm.s32 $0x1880;
	s14 =	simm.s32 $0x2080  }
0x5: {  	s15 =	simm.s32 $0x2880;
	s16 =	simm.s32 $0x3080;
	s17 =	simm.s32 $0x3880  }
0x6: {  	s18 =	simm.s32 $0x4080;
	s19 =	simm.s32 $0x4880;
	s20 =	simm.s32 $0x5080  }
0x7: {  	s21 =	simm.s32 $0x5880;
	s22 =	simm.s32 $0x1;
	s3 =	sand.u32 $0x1, s1  }
0x8: {  	s5 =	sshll.u32 s0, $0x3;
	s1 =	rddreg [dreg:$0x2];
	s7 =	sshll.u32 s3, $0x2  }
0x9: {  	[smem:$0x7FF] =	sst s2;
	s8 =	ssub.s32 $0x2, s3;
	s5 =	sor.u32 s7, s5  }
0xa: {  	_ =	strace $0x80000062;
	s9 =	sshrl.u32 s8, $0x1;
	s7 =	smul.u32 $0x300, s5  }
0xb: {  	v2 =	vlaneseq.u32;
	s3 =	sadd.s32 $0x40C00, s6;
	s8 =	ssub.s32 s8, s9;
	s4 =	sadd.s32 s4, s5  }
0xc: {  	vm0 =	vmmov $0xffff;
	v1 =	vshrl.u32 v2, $0x3;
	s5 =	sadd.s32 $0x40D00, s6;
	s9 =	simm.s32 $0x2;
	s7 =	sadd.s32 s7, s6  }
0xd: {  	v0 =	vand.u32 $0x7, v2;
	v2 =	vor.u32 $0x8, v2;
	v1 =	vmul.u32 $0x8, v1;
	s8 =	smax.u32 s8, $0x1;
	s6 =	sadd.s32 $0x40E00, s6;
	s7 =	sadd.s32 $0x69600, s7  }
.LBB2_1:
0xe: {  	[tilespmem:s2], [sflag:$0x2] =	stream.linear.gather [hbm4b:s4+s2], $0x20, $0x38;
	[tilespmem:$0x6080] =	vst v63  }
0xf: {  	_ =	swait.ge [sflag:s9], $0x20  }
0x10: {  	[sflag:s9] =	ssyncset.done $0x0  }
0x11: {  	[sflag:s9] =	ssyncadd.s32 $0xFFFFFFE0  }
0x12: {  	v3 =	vld [tilespmem:$0x0];
	_ =	sdelay $0x4  }
0x13: {  	v4 =	vshrl.u32 v3, $0x3  }
0x14: {  	v4 =	vmul.u32 $0x30, v4  }
0x15: {  	v3 =	vand.u32 $0x7, v3  }
0x16: {  	v3 =	vor.u32 v3, v4  }
0x17: {  	v4 =	vperm.xlane v3, v0;
	_ =	sdelay $0x1  }
0x18: {  	v4 =	vadd.s32 v1, v4;
	_ =	sdelay $0x3  }
0x19: {  	v3 =	vperm.xlane v3, v2  }
0x1a: {  	[tilespmem:s10], [sflag:$0x1] =	stream.indirect_vreg.gather [hbm4b:s3+s2], $0x80, v4, vm0, $0xb8;
	[tilespmem:$0x6080] =	vst v63  }
0x1b: {  	v3 =	vadd.s32 v1, v3  }
0x1c: {  	[tilespmem:s11], [sflag:$0x1] =	stream.indirect_vreg.gather [hbm4b:s5+s2], $0x80, v4, vm0, $0xb8;
	[tilespmem:$0x6080] =	vst v63  }
0x1d: {  	_ = 	snop  }
0x1e: {  	[tilespmem:s12], [sflag:$0x1] =	stream.indirect_vreg.gather [hbm4b:s6+s2], $0x80, v4, vm0, $0xb8;
	[tilespmem:$0x6080] =	vst v63  }
0x1f: {  	_ = 	snop  }
0x20: {  	[tilespmem:s13], [sflag:$0x1] =	stream.indirect_vreg.gather [hbm4b:s3+s2], $0x80, v3, vm0, $0xb8;
	[tilespmem:$0x6080] =	vst v63  }
0x21: {  	_ = 	snop  }
0x22: {  	[tilespmem:s14], [sflag:$0x1] =	stream.indirect_vreg.gather [hbm4b:s5+s2], $0x80, v3, vm0, $0xb8;
	[tilespmem:$0x6080] =	vst v63  }
0x23: {  	_ = 	snop  }
0x24: {  	[tilespmem:s15], [sflag:$0x1] =	stream.indirect_vreg.gather [hbm4b:s6+s2], $0x80, v3, vm0, $0xb8;
	[tilespmem:$0x6080] =	vst v63  }
0x25: {  	v3 =	vld [tilespmem:$0x10];
	_ =	sdelay $0x4  }
0x26: {  	v63 =	vshrl.u32 v3, $0x3  }
0x27: {  	v4 =	vmul.u32 $0x30, v63  }
0x28: {  	v3 =	vand.u32 $0x7, v3  }
0x29: {  	v3 =	vor.u32 v3, v4  }
0x2a: {  	v4 =	vperm.xlane v3, v0;
	_ =	sdelay $0x1  }
0x2b: {  	v4 =	vadd.s32 v1, v4;
	_ =	sdelay $0x3  }
0x2c: {  	v3 =	vperm.xlane v3, v2  }
0x2d: {  	[tilespmem:s16], [sflag:$0x1] =	stream.indirect_vreg.gather [hbm4b:s3+s2], $0x80, v4, vm0, $0xb8;
	[tilespmem:$0x6080] =	vst v63  }
0x2e: {  	v3 =	vadd.s32 v1, v3  }
0x2f: {  	[tilespmem:s17], [sflag:$0x1] =	stream.indirect_vreg.gather [hbm4b:s5+s2], $0x80, v4, vm0, $0xb8;
	[tilespmem:$0x6080] =	vst v63  }
0x30: {  	_ = 	snop  }
0x31: {  	[tilespmem:s18], [sflag:$0x1] =	stream.indirect_vreg.gather [hbm4b:s6+s2], $0x80, v4, vm0, $0xb8;
	[tilespmem:$0x6080] =	vst v63  }
0x32: {  	_ = 	snop  }
0x33: {  	[tilespmem:s19], [sflag:$0x1] =	stream.indirect_vreg.gather [hbm4b:s3+s2], $0x80, v3, vm0, $0xb8;
	[tilespmem:$0x6080] =	vst v63  }
0x34: {  	_ = 	snop  }
0x35: {  	[tilespmem:s20], [sflag:$0x1] =	stream.indirect_vreg.gather [hbm4b:s5+s2], $0x80, v3, vm0, $0xb8;
	[tilespmem:$0x6080] =	vst v63  }
0x36: {  	_ = 	snop  }
0x37: {  	[tilespmem:s21], [sflag:$0x1] =	stream.indirect_vreg.gather [hbm4b:s6+s2], $0x80, v3, vm0, $0xb8;
	[tilespmem:$0x6080] =	vst v63  }
0x38: {  	_ =	swait.ge [sflag:s22], $0x6000  }
0x39: {  	p0 =	sne.s32 s8, $0x1;
	[sflag:s22] =	ssyncset.done $0x0  }
.Ltmp0:
0x3a: {  	[sflag:s22] =	ssyncadd.s32 $0xFFFFA000;
	(pc) =	sbr.rel @p0 .LBB2_1-.Ltmp0, $4  }
0x3b: {  	[hbm4b:s7+s2] =	stream.linear.scatter [tilespmem:s10], [sflag:$0x2], $0x6000, $0x38;
	[tilespmem:$0x6080] =	vst v63  }
0x3c: {  	_ =	swait.ge [sflag:s9], $0x6000  }
0x3d: {  	[sflag:s9] =	ssyncset.done $0x0  }
0x3e: {  	s8 =	sadd.s32 $0xFFFFFFFF, s8;
	[sflag:s9] =	ssyncadd.s32 $0xFFFFA000  }
0x3f: {  	_ =	sfence.sel $0x180000  }
0x40: {  	[bflag:$0x0] =	sbarrier.arrive $0xFFFF  }
0x41: {  	p0 =	sne.s32 s0, $0x0;
	_ =	strace $0x90000062  }
0x42: {  	s0 =	sadd.s32 @!p0 $0x100000, s1;
	[bflag:$0x2] =	sbarrier.arrive $0xFFFF  }
0x43: {  	[sflag:s0] =	ssyncadd.tile.s32 @!p0 $0x1;
	_ =	shalt  }
.Lfunc_end2:
_tile_overlayer_lowered:
.L_overlay_start_2:
0x44: {  	(tag) =	ssettag $0x2  }
0x45: {  	s0 =	rddreg [dreg:$0x0];
	s2 =	stileid.u32  }
0x46: {  	s1 =	rddreg [dreg:$0x1];
	p0 =	sne.s32 s2, $0x0  }
0x47: {  	s3 =	rddreg [dreg:$0x2];
	[bflag:$0x3] =	sbarrier.arrive $0xFFFF;
	s2 =	simm.s32 @!p0 $0x1C02  }
0x48: {  	[timem:s3], [sflag:s2] =	dma.local @!p0 [hbm:s0], s1  }
0x49: {  	s0 =	simm.s32 @!p0 $0x2  }
0x4a: {  	_ =	swait.ge @!p0 [sflag:s0], s1  }
0x4b: {  	s1 =	ssub.s32 @!p0 $0x0, s1;
	[sflag:s0] =	ssyncset.done @!p0 $0x0  }
0x4c: {  	[sflag:s0] =	ssyncadd.s32 @!p0 s1  }
0x4d: {  	[bflag:$0x3] =	sbarrier.arrive $0xFFFF  }
0x4e: {  	_ =	shalt  }

// kernel: kernel.70.cloned.1.call-start
scs
__scs_entry_jumppad:
0x0: {  	(pc) =	sbr.rel $0x88, $3  }
0x1: {  	(tag) =	ssettag $0x0;
	lr =	simm.s32 $0x1  }
0x2: {  	[smem:$0x3F8D] =	sst lr;
	_ =	strace $0xD0000000  }
0x3: {  	_ = 	snop  }
0x4: {  	_ = 	snop  }
0x5: {  	_ = 	snop  }
0x6: {  	_ = 	snop  }
0x7: {  	_ = 	snop  }
__scs_overlays_trampoline_lowered:
0x8: {  	[smem:$0x3F9C] =	sst s0  }
0x9: {  	[smem:$0x3F9D] =	sst s1  }
0xa: {  	[smem:$0x3F9E] =	sst s2  }
0xb: {  	[smem:$0x3F9F] =	sst s3  }
0xc: {  	[smem:$0x3FA0] =	sst s4  }
0xd: {  	[smem:$0x3FA1] =	sst s5  }
0xe: {  	[smem:$0x3FA2] =	sst s6  }
0xf: {  	[smem:$0x3FA3] =	sst s7  }
0x10: {  	[smem:$0x3FA4] =	sst s8  }
0x11: {  	[smem:$0x3FA5] =	sst s9;
	s0 =	simm.s32 @!p0 $0x0  }
0x12: {  	s1 =	sld [smem:$0x3F8B];
	s0 =	simm.s32 @p0 $0x1  }
0x13: {  	[smem:$0x3FA6] =	sst s0;
	s0 =	simm.s32 @!p1 $0x0  }
0x14: {  	s2 =	sld [smem:$0x3F8A];
	s0 =	simm.s32 @p1 $0x1  }
0x15: {  	[smem:$0x3FA7] =	sst s0;
	s0 =	simm.s32 @!p2 $0x0  }
0x16: {  	s3 =	sld [smem:$0x3FDB];
	s0 =	simm.s32 @p2 $0x1  }
0x17: {  	s4 =	simm.s32 $0x1BF5;
	[smem:$0x3FA9] =	sst s0  }
0x18: {  	s0 =	sld [smem:$0x3F8C];
	_ =	swait.ge [sflag:s4], $0x0  }
0x19: {  	s7 =	sld [smem:$0x3F8D]  }
0x1a: {  	s8 =	sadd.s32 $0xFFFFE003, lr  }
0x1b: {  	s9 =	sadd.s32 $0xFFFFFEF7, lr;
	s5 =	simm.s32 $0xFFFFFFFF;
	p2 =	slt.u32 s8, $0xFFFFF086  }
0x1c: {  	p1 =	slt.u32 s9, $0xF7A;
	s5 =	simm.s32 @!p2 $0x0  }
0x1d: {  	s5 =	simm.s32 @p1 $0x1;
	p0 =	seq.s32 s7, s2  }
0x1e: {  	s7 =	smul.u32 @!p0 $0xF7A, s2;
	p2 =	seq.s32 @!p0 s5, $0x0  }
0x1f: {  	s9 =	smul.u32 $0xF7A, s1;
	s8 =	simm.s32 @!p0 $0x1BF5;
	p2 =	por !p2, p0  }
0x20: {  	[sflag:s8] =	ssyncset.s32 @!p0 $0xFFFFF086;
	s6 =	sadd.s32 @!p0 s3, s7;
	s7 =	simm.s32 @!p0 $0x108  }
0x21: {  	s3 =	sadd.s32 s3, s9;
	s6 =	sadd.s32 @!p0 $0x88, s6;
	s7 =	simm.s32 @p2 $0x1082  }
0x22: {  	[simem:s7], [sflag:s8] =	dma.local @!p0 [hbm:s6], $0xF7A  }
0x23: {  	s9 =	sor.u32 $0xD0000000, s2;
	s6 =	simm.s32 $0x108;
	_ =	swait.ge @!p0 [sflag:s8], $0x0  }
0x24: {  	s3 =	sadd.s32 $0x88, s3;
	s6 =	simm.s32 @!p1 $0x1082;
	[sflag:s4] =	ssyncset.s32 $0xFFFFF086  }
0x25: {  	[simem:s6], [sflag:s4] =	dma.local [hbm:s3], $0xF7A  }
0x26: {  	[smem:$0x3F8D] =	sst s1;
	(tag) =	ssettag s2;
	_ =	strace s9  }
0x27: {  	s1 =	sld [smem:$0x3F9D]  }
0x28: {  	s2 =	sld [smem:$0x3F9E]  }
0x29: {  	s4 =	sld [smem:$0x3FA0]  }
0x2a: {  	p0 =	seq.s32 s5, $0x0;
	s5 =	sld [smem:$0x3FA1]  }
0x2b: {  	s6 =	sld [smem:$0x3FA2]  }
0x2c: {  	s7 =	sld [smem:$0x3FA3]  }
0x2d: {  	s3 =	simm.s32 $0x108;
	s8 =	sld [smem:$0x3FA4]  }
0x2e: {  	s3 =	simm.s32 @!p0 $0x1082;
	s9 =	sld [smem:$0x3FA5]  }
0x2f: {  	lr =	sadd.s32 s0, s3;
	s0 =	sld [smem:$0x3F9C]  }
0x30: {  	s3 =	sld [smem:$0x3F9F]  }
0x31: {  	[smem:$0x3FA8] =	sst s10  }
0x32: {  	s10 =	sld [smem:$0x3FA6];
	_ =	sdelay $0x3  }
0x33: {  	p0 =	seq.s32 s10, $0x1;
	s10 =	sld [smem:$0x3FA8];
	_ =	sdelay $0x3  }
0x34: {  	[smem:$0x3FA8] =	sst s10  }
0x35: {  	s10 =	sld [smem:$0x3FA7];
	_ =	sdelay $0x3  }
0x36: {  	p1 =	seq.s32 s10, $0x1;
	s10 =	sld [smem:$0x3FA8];
	_ =	sdelay $0x3  }
0x37: {  	[smem:$0x3FA8] =	sst s10  }
0x38: {  	s10 =	sld [smem:$0x3FA9]  }
0x39: {  	_ = 	snop;
	(pc) =	sbr.ind lr, $3  }
0x3a: {  	_ = 	snop  }
0x3b: {  	_ = 	snop  }
0x3c: {  	p2 =	seq.s32 s10, $0x1;
	s10 =	sld [smem:$0x3FA8]  }
0x3d: {  	_ =	shalt  }
0x3e: {  	_ =	shalt  }
0x3f: {  	_ =	shalt  }
0x40: {  	_ =	shalt  }
0x41: {  	_ =	shalt  }
0x42: {  	_ =	shalt  }
0x43: {  	_ =	shalt  }
0x44: {  	_ =	shalt  }
0x45: {  	_ =	shalt  }
0x46: {  	_ =	shalt  }
0x47: {  	_ =	shalt  }
0x48: {  	_ =	shalt  }
0x49: {  	_ =	shalt  }
0x4a: {  	_ =	shalt  }
0x4b: {  	_ =	shalt  }
0x4c: {  	_ =	shalt  }
0x4d: {  	_ =	shalt  }
0x4e: {  	_ =	shalt  }
0x4f: {  	_ =	shalt  }
0x50: {  	_ =	shalt  }
0x51: {  	_ =	shalt  }
0x52: {  	_ =	shalt  }
0x53: {  	_ =	shalt  }
0x54: {  	_ =	shalt  }
0x55: {  	_ =	shalt  }
0x56: {  	_ =	shalt  }
0x57: {  	_ =	shalt  }
0x58: {  	_ =	shalt  }
0x59: {  	_ =	shalt  }
0x5a: {  	_ =	shalt  }
0x5b: {  	_ =	shalt  }
0x5c: {  	_ =	shalt  }
0x5d: {  	_ =	shalt  }
0x5e: {  	_ =	shalt  }
0x5f: {  	_ =	shalt  }
0x60: {  	_ =	shalt  }
0x61: {  	_ =	shalt  }
0x62: {  	_ =	shalt  }
0x63: {  	_ =	shalt  }
0x64: {  	_ =	shalt  }
0x65: {  	_ =	shalt  }
0x66: {  	_ =	shalt  }
0x67: {  	_ =	shalt  }
0x68: {  	_ =	shalt  }
0x69: {  	_ =	shalt  }
0x6a: {  	_ =	shalt  }
0x6b: {  	_ =	shalt  }
0x6c: {  	_ =	shalt  }
0x6d: {  	_ =	shalt  }
0x6e: {  	_ =	shalt  }
0x6f: {  	_ =	shalt  }
0x70: {  	_ =	shalt  }
0x71: {  	_ =	shalt  }
0x72: {  	_ =	shalt  }
0x73: {  	_ =	shalt  }
0x74: {  	_ =	shalt  }
0x75: {  	_ =	shalt  }
0x76: {  	_ =	shalt  }
0x77: {  	_ =	shalt  }
0x78: {  	_ =	shalt  }
0x79: {  	_ =	shalt  }
0x7a: {  	_ =	shalt  }
0x7b: {  	_ =	shalt  }
0x7c: {  	_ =	shalt  }
0x7d: {  	_ =	shalt  }
0x7e: {  	_ =	shalt  }
0x7f: {  	_ =	shalt  }
0x80: {  	_ =	shalt  }
0x81: {  	_ =	shalt  }
0x82: {  	_ =	shalt  }
0x83: {  	_ =	shalt  }
0x84: {  	_ =	shalt  }
0x85: {  	_ =	shalt  }
0x86: {  	_ =	shalt  }
0x87: {  	_ =	shalt  }
.Lfunc_end0:
.L_simem_size_0:
called_computation.10_lowered:
.L_overlay_start_0:
0x88: {  	s2 =	sld [smem:$0x3FD9]  }
0x89: {  	s3 =	sld [smem:$0x3FFE];
	_ =	sdelay $0x1  }
0x8a: {  	s1 =	srdreg.scid  }
0x8b: {  	s0 =	sand.u32 $0x1, s1  }
0x8c: {  	s17 =	sshll.u32 s0, $0xA;
	s2 =	sadd.s32 s3, s2  }
0x8d: {  	s2 =	sadd.s32 s2, s17  }
0x8e: {  	[smem:$0x3FB4] =	sst s2  }
0x8f: {  	_ = 	snop  }
0x90: {  	s2 =	sld [smem:$0x3FD0];
	(tm) =	ssettm $0x1  }
0x91: {  	s18 =	sld [smem:$0x3FFB];
	_ =	sdelay $0x3  }
0x92: {  	_ =	strace s18  }
0x93: {  	s3 =	sld [smem:$0x3FFC];
	_ =	sdelay $0x3  }
0x94: {  	_ =	strace s3  }
0x95: {  	s3 =	sld [smem:$0x3FFD];
	_ =	sdelay $0x3  }
0x96: {  	_ =	strace s3  }
0x97: {  	_ =	strace $0x8FFFFFFF  }
0x98: {  	s19 =	sld [smem:$0x3FDB];
	_ =	sdelay $0x1  }
0x99: {  	s4 =	simm.s32 $_scs_section_size  }
0x9a: {  	s5 =	simm.s32 $_size__tile_overlayer_lowered;
	s6 =	simm.s32 $_tile_overlayer_lowered  }
0x9b: {  	s22 =	simm.s32 $0x1BFF;
	s21 =	sshll.u32 s6, $0x1;
	s3 =	sadd.s32 s4, s19  }
0x9c: {  	s7 =	simm.s32 $0x0;
	s20 =	sshll.u32 s5, $0x1;
	s5 =	sadd.s32 s21, s3  }
0x9d: {  	[timem:s7], [sflag:s22] =	dma.local [hbm:s5], s20  }
0x9e: {  	_ =	swait.ge [sflag:s22], s20  }
0x9f: {  	s4 =	ssub.s32 $0x0, s20;
	[sflag:s22] =	ssyncset.done $0x0  }
0xa0: {  	[sflag:s22] =	ssyncadd.s32 s4;
	_ =	sdelay $0x1  }
0xa1: {  	s23 =	simm.s32 $0x1B8B  }
0xa2: {  	_ =	swait.ge [sflag:s23], $0x1  }
0xa3: {  	[sflag:s23] =	ssyncset.done $0x0  }
0xa4: {  	s25 =	simm.s32 $0x1B8E;
	s24 =	sld [smem:$0x3FFE];
	[sflag:s23] =	ssyncadd.s32 $0xFFFFFFFF  }
0xa5: {  	s26 =	simm.s32 $execute0_lowered;
	[smem:$0x3FD2] =	sst s25  }
0xa6: {  	s5 =	sshll.u32 s26, $0x1;
	_ =	strace $0x80000064;
	[dreg:$0x1] =	wrdreg $0xFFFFFFFF  }
0xa7: {  	s28 =	simm.s32 $_size_execute0_lowered;
	s3 =	sadd.s32 s3, s5;
	[dreg:$0x0] =	wrdreg $0x0  }
0xa8: {  	s5 =	sshll.u32 s28, $0x1;
	[dreg:$0x2] =	wrdreg s3  }
0xa9: {  	[dreg:$0x3] =	wrdreg s5  }
0xaa: {  	[dreg:$0x4] =	wrdreg $0xC0  }
0xab: {  	_ =	task [dreg:s7], $0x5FFFF  }
0xac: {  	[dreg:$0x1] =	wrdreg $0xFFFFFFFF  }
0xad: {  	[dreg:$0x0] =	wrdreg $0x60  }
0xae: {  	[dreg:$0x2] =	wrdreg s24  }
0xaf: {  	[dreg:$0x3] =	wrdreg s2  }
0xb0: {  	[dreg:$0x4] =	wrdreg $0x9  }
0xb1: {  	_ =	task.clear_ibuf [dreg:s7], $0x5FFFF;
	_ =	strace $0x90000064  }
0xb2: {  	s29 =	simm.s32 $0x9;
	_ =	strace $0x80000066  }
0xb3: {  	_ =	swait.ge [sflag:s29], $0x1  }
0xb4: {  	[sflag:s29] =	ssyncadd.s32 $0xFFFFFFFF  }
0xb5: {  	_ =	strace $0x90000066  }
0xb6: {  	_ =	sfence  }
0xb7: {  	s30 =	sld [smem:$0x0];
	_ =	sdelay $0x2  }
0xb8: {  	s31 =	sshll.u32 s1, $0xD;
	s1 =	sshrl.u32 s1, $0x2  }
0xb9: {  	s3 =	sand.u32 $0x4000, s31;
	s1 =	sadd.s32 s1, s30  }
0xba: {  	s0 =	sor.u32 s3, s0;
	s1 =	sshll.u32 s1, $0x11  }
0xbb: {  	s0 =	sor.u32 s1, s0  }
0xbc: {  	s0 =	sadd.s32 $0x8F2B, s0  }
0xbd: {  	[sflag:s0] =	ssyncadd.remote.s32 $0x1  }
0xbe: {  	_ =	sfence.sel $0xFFFF  }
0xbf: {  	[dreg:$0x0] =	wrdreg $0xFFFFFFFF;
	(pc) =	sbr.abs _section_cstart, $3  }
0xc0: {  	[dreg:$0x1] =	wrdreg $0xFFFFFFFF  }
0xc1: {  	_ =	task.clear_ibuf [dreg:s7], $0x2FFFF;
	_ =	strace $0x9FFFFFFF  }
0xc2: {  	(tm) =	ssettm $0x7FFFFFFF  }
0xc3: {  	_ =	shalt  }
tec
execute0_lowered:
.L_overlay_start_1:
0x0: {  	(tag) =	ssettag $0x1  }
0x1: {  	s1 =	srdreg.scid;
	s6 =	rddreg [dreg:$0x0]  }
0x2: {  	s0 =	stileid.u32;
	s4 =	rddreg [dreg:$0x1]  }
0x3: {  	s2 =	simm.s32 $0x0;
	s10 =	simm.s32 $0x80;
	s11 =	simm.s32 $0x880  }
0x4: {  	s12 =	simm.s32 $0x1080;
	s13 =	simm.s32 $0x1880;
	s14 =	simm.s32 $0x2080  }
0x5: {  	s15 =	simm.s32 $0x2880;
	s16 =	simm.s32 $0x3080;
	s17 =	simm.s32 $0x3880  }
0x6: {  	s18 =	simm.s32 $0x4080;
	s19 =	simm.s32 $0x4880;
	s20 =	simm.s32 $0x5080  }
0x7: {  	s21 =	simm.s32 $0x5880;
	s22 =	simm.s32 $0x1;
	s3 =	sand.u32 $0x1, s1  }
0x8: {  	s5 =	sshll.u32 s0, $0x3;
	s1 =	rddreg [dreg:$0x2];
	s7 =	sshll.u32 s3, $0x2  }
0x9: {  	[smem:$0x7FF] =	sst s2;
	s8 =	ssub.s32 $0x2, s3;
	s5 =	sor.u32 s7, s5  }
0xa: {  	_ =	strace $0x80000065;
	s9 =	sshrl.u32 s8, $0x1;
	s7 =	smul.u32 $0x300, s5  }
0xb: {  	v2 =	vlaneseq.u32;
	s3 =	sadd.s32 $0x40C00, s6;
	s8 =	ssub.s32 s8, s9;
	s4 =	sadd.s32 s4, s5  }
0xc: {  	vm0 =	vmmov $0xffff;
	v1 =	vshrl.u32 v2, $0x3;
	s5 =	sadd.s32 $0x40D00, s6;
	s9 =	simm.s32 $0x2;
	s7 =	sadd.s32 s7, s6  }
0xd: {  	v0 =	vand.u32 $0x7, v2;
	v2 =	vor.u32 $0x8, v2;
	v1 =	vmul.u32 $0x8, v1;
	s8 =	smax.u32 s8, $0x1;
	s6 =	sadd.s32 $0x40E00, s6;
	s7 =	sadd.s32 $0x69600, s7  }
.LBB2_1:
0xe: {  	[tilespmem:s2], [sflag:$0x2] =	stream.linear.gather [hbm4b:s4+s2], $0x20, $0x38;
	[tilespmem:$0x6080] =	vst v63  }
0xf: {  	_ =	swait.ge [sflag:s9], $0x20  }
0x10: {  	[sflag:s9] =	ssyncset.done $0x0  }
0x11: {  	[sflag:s9] =	ssyncadd.s32 $0xFFFFFFE0  }
0x12: {  	v3 =	vld [tilespmem:$0x0];
	_ =	sdelay $0x4  }
0x13: {  	v4 =	vshrl.u32 v3, $0x3  }
0x14: {  	v4 =	vmul.u32 $0x30, v4  }
0x15: {  	v3 =	vand.u32 $0x7, v3  }
0x16: {  	v3 =	vor.u32 v3, v4  }
0x17: {  	v4 =	vperm.xlane v3, v0;
	_ =	sdelay $0x1  }
0x18: {  	v4 =	vadd.s32 v1, v4;
	_ =	sdelay $0x3  }
0x19: {  	v3 =	vperm.xlane v3, v2  }
0x1a: {  	[tilespmem:s10], [sflag:$0x1] =	stream.indirect_vreg.gather [hbm4b:s3+s2], $0x80, v4, vm0, $0xb8;
	[tilespmem:$0x6080] =	vst v63  }
0x1b: {  	v3 =	vadd.s32 v1, v3  }
0x1c: {  	[tilespmem:s11], [sflag:$0x1] =	stream.indirect_vreg.gather [hbm4b:s5+s2], $0x80, v4, vm0, $0xb8;
	[tilespmem:$0x6080] =	vst v63  }
0x1d: {  	_ = 	snop  }
0x1e: {  	[tilespmem:s12], [sflag:$0x1] =	stream.indirect_vreg.gather [hbm4b:s6+s2], $0x80, v4, vm0, $0xb8;
	[tilespmem:$0x6080] =	vst v63  }
0x1f: {  	_ = 	snop  }
0x20: {  	[tilespmem:s13], [sflag:$0x1] =	stream.indirect_vreg.gather [hbm4b:s3+s2], $0x80, v3, vm0, $0xb8;
	[tilespmem:$0x6080] =	vst v63  }
0x21: {  	_ = 	snop  }
0x22: {  	[tilespmem:s14], [sflag:$0x1] =	stream.indirect_vreg.gather [hbm4b:s5+s2], $0x80, v3, vm0, $0xb8;
	[tilespmem:$0x6080] =	vst v63  }
0x23: {  	_ = 	snop  }
0x24: {  	[tilespmem:s15], [sflag:$0x1] =	stream.indirect_vreg.gather [hbm4b:s6+s2], $0x80, v3, vm0, $0xb8;
	[tilespmem:$0x6080] =	vst v63  }
0x25: {  	v3 =	vld [tilespmem:$0x10];
	_ =	sdelay $0x4  }
0x26: {  	v63 =	vshrl.u32 v3, $0x3  }
0x27: {  	v4 =	vmul.u32 $0x30, v63  }
0x28: {  	v3 =	vand.u32 $0x7, v3  }
0x29: {  	v3 =	vor.u32 v3, v4  }
0x2a: {  	v4 =	vperm.xlane v3, v0;
	_ =	sdelay $0x1  }
0x2b: {  	v4 =	vadd.s32 v1, v4;
	_ =	sdelay $0x3  }
0x2c: {  	v3 =	vperm.xlane v3, v2  }
0x2d: {  	[tilespmem:s16], [sflag:$0x1] =	stream.indirect_vreg.gather [hbm4b:s3+s2], $0x80, v4, vm0, $0xb8;
	[tilespmem:$0x6080] =	vst v63  }
0x2e: {  	v3 =	vadd.s32 v1, v3  }
0x2f: {  	[tilespmem:s17], [sflag:$0x1] =	stream.indirect_vreg.gather [hbm4b:s5+s2], $0x80, v4, vm0, $0xb8;
	[tilespmem:$0x6080] =	vst v63  }
0x30: {  	_ = 	snop  }
0x31: {  	[tilespmem:s18], [sflag:$0x1] =	stream.indirect_vreg.gather [hbm4b:s6+s2], $0x80, v4, vm0, $0xb8;
	[tilespmem:$0x6080] =	vst v63  }
0x32: {  	_ = 	snop  }
0x33: {  	[tilespmem:s19], [sflag:$0x1] =	stream.indirect_vreg.gather [hbm4b:s3+s2], $0x80, v3, vm0, $0xb8;
	[tilespmem:$0x6080] =	vst v63  }
0x34: {  	_ = 	snop  }
0x35: {  	[tilespmem:s20], [sflag:$0x1] =	stream.indirect_vreg.gather [hbm4b:s5+s2], $0x80, v3, vm0, $0xb8;
	[tilespmem:$0x6080] =	vst v63  }
0x36: {  	_ = 	snop  }
0x37: {  	[tilespmem:s21], [sflag:$0x1] =	stream.indirect_vreg.gather [hbm4b:s6+s2], $0x80, v3, vm0, $0xb8;
	[tilespmem:$0x6080] =	vst v63  }
0x38: {  	_ =	swait.ge [sflag:s22], $0x6000  }
0x39: {  	p0 =	sne.s32 s8, $0x1;
	[sflag:s22] =	ssyncset.done $0x0  }
.Ltmp0:
0x3a: {  	[sflag:s22] =	ssyncadd.s32 $0xFFFFA000;
	(pc) =	sbr.rel @p0 .LBB2_1-.Ltmp0, $4  }
0x3b: {  	[hbm4b:s7+s2] =	stream.linear.scatter [tilespmem:s10], [sflag:$0x2], $0x6000, $0x38;
	[tilespmem:$0x6080] =	vst v63  }
0x3c: {  	_ =	swait.ge [sflag:s9], $0x6000  }
0x3d: {  	[sflag:s9] =	ssyncset.done $0x0  }
0x3e: {  	s8 =	sadd.s32 $0xFFFFFFFF, s8;
	[sflag:s9] =	ssyncadd.s32 $0xFFFFA000  }
0x3f: {  	_ =	sfence.sel $0x180000  }
0x40: {  	[bflag:$0x0] =	sbarrier.arrive $0xFFFF  }
0x41: {  	p0 =	sne.s32 s0, $0x0;
	_ =	strace $0x90000065  }
0x42: {  	s0 =	sadd.s32 @!p0 $0x100000, s1;
	[bflag:$0x2] =	sbarrier.arrive $0xFFFF  }
0x43: {  	[sflag:s0] =	ssyncadd.tile.s32 @!p0 $0x1;
	_ =	shalt  }
.Lfunc_end2:
_tile_overlayer_lowered:
.L_overlay_start_2:
0x44: {  	(tag) =	ssettag $0x2  }
0x45: {  	s0 =	rddreg [dreg:$0x0];
	s2 =	stileid.u32  }
0x46: {  	s1 =	rddreg [dreg:$0x1];
	p0 =	sne.s32 s2, $0x0  }
0x47: {  	s3 =	rddreg [dreg:$0x2];
	[bflag:$0x3] =	sbarrier.arrive $0xFFFF;
	s2 =	simm.s32 @!p0 $0x1C02  }
0x48: {  	[timem:s3], [sflag:s2] =	dma.local @!p0 [hbm:s0], s1  }
0x49: {  	s0 =	simm.s32 @!p0 $0x2  }
0x4a: {  	_ =	swait.ge @!p0 [sflag:s0], s1  }
0x4b: {  	s1 =	ssub.s32 @!p0 $0x0, s1;
	[sflag:s0] =	ssyncset.done @!p0 $0x0  }
0x4c: {  	[sflag:s0] =	ssyncadd.s32 @!p0 s1  }
0x4d: {  	[bflag:$0x3] =	sbarrier.arrive $0xFFFF  }
0x4e: {  	_ =	shalt  }

// kernel: kernel.73.cloned.1.call-start
scs
__scs_entry_jumppad:
0x0: {  	(pc) =	sbr.rel $0x88, $3  }
0x1: {  	(tag) =	ssettag $0x0;
	lr =	simm.s32 $0x1  }
0x2: {  	[smem:$0x3F8D] =	sst lr;
	_ =	strace $0xD0000000  }
0x3: {  	_ = 	snop  }
0x4: {  	_ = 	snop  }
0x5: {  	_ = 	snop  }
0x6: {  	_ = 	snop  }
0x7: {  	_ = 	snop  }
__scs_overlays_trampoline_lowered:
0x8: {  	[smem:$0x3F9C] =	sst s0  }
0x9: {  	[smem:$0x3F9D] =	sst s1  }
0xa: {  	[smem:$0x3F9E] =	sst s2  }
0xb: {  	[smem:$0x3F9F] =	sst s3  }
0xc: {  	[smem:$0x3FA0] =	sst s4  }
0xd: {  	[smem:$0x3FA1] =	sst s5  }
0xe: {  	[smem:$0x3FA2] =	sst s6  }
0xf: {  	[smem:$0x3FA3] =	sst s7  }
0x10: {  	[smem:$0x3FA4] =	sst s8  }
0x11: {  	[smem:$0x3FA5] =	sst s9;
	s0 =	simm.s32 @!p0 $0x0  }
0x12: {  	s1 =	sld [smem:$0x3F8B];
	s0 =	simm.s32 @p0 $0x1  }
0x13: {  	[smem:$0x3FA6] =	sst s0;
	s0 =	simm.s32 @!p1 $0x0  }
0x14: {  	s2 =	sld [smem:$0x3F8A];
	s0 =	simm.s32 @p1 $0x1  }
0x15: {  	[smem:$0x3FA7] =	sst s0;
	s0 =	simm.s32 @!p2 $0x0  }
0x16: {  	s3 =	sld [smem:$0x3FDB];
	s0 =	simm.s32 @p2 $0x1  }
0x17: {  	s4 =	simm.s32 $0x1BF5;
	[smem:$0x3FA9] =	sst s0  }
0x18: {  	s0 =	sld [smem:$0x3F8C];
	_ =	swait.ge [sflag:s4], $0x0  }
0x19: {  	s7 =	sld [smem:$0x3F8D]  }
0x1a: {  	s8 =	sadd.s32 $0xFFFFE003, lr  }
0x1b: {  	s9 =	sadd.s32 $0xFFFFFEF7, lr;
	s5 =	simm.s32 $0xFFFFFFFF;
	p2 =	slt.u32 s8, $0xFFFFF086  }
0x1c: {  	p1 =	slt.u32 s9, $0xF7A;
	s5 =	simm.s32 @!p2 $0x0  }
0x1d: {  	s5 =	simm.s32 @p1 $0x1;
	p0 =	seq.s32 s7, s2  }
0x1e: {  	s7 =	smul.u32 @!p0 $0xF7A, s2;
	p2 =	seq.s32 @!p0 s5, $0x0  }
0x1f: {  	s9 =	smul.u32 $0xF7A, s1;
	s8 =	simm.s32 @!p0 $0x1BF5;
	p2 =	por !p2, p0  }
0x20: {  	[sflag:s8] =	ssyncset.s32 @!p0 $0xFFFFF086;
	s6 =	sadd.s32 @!p0 s3, s7;
	s7 =	simm.s32 @!p0 $0x108  }
0x21: {  	s3 =	sadd.s32 s3, s9;
	s6 =	sadd.s32 @!p0 $0x88, s6;
	s7 =	simm.s32 @p2 $0x1082  }
0x22: {  	[simem:s7], [sflag:s8] =	dma.local @!p0 [hbm:s6], $0xF7A  }
0x23: {  	s9 =	sor.u32 $0xD0000000, s2;
	s6 =	simm.s32 $0x108;
	_ =	swait.ge @!p0 [sflag:s8], $0x0  }
0x24: {  	s3 =	sadd.s32 $0x88, s3;
	s6 =	simm.s32 @!p1 $0x1082;
	[sflag:s4] =	ssyncset.s32 $0xFFFFF086  }
0x25: {  	[simem:s6], [sflag:s4] =	dma.local [hbm:s3], $0xF7A  }
0x26: {  	[smem:$0x3F8D] =	sst s1;
	(tag) =	ssettag s2;
	_ =	strace s9  }
0x27: {  	s1 =	sld [smem:$0x3F9D]  }
0x28: {  	s2 =	sld [smem:$0x3F9E]  }
0x29: {  	s4 =	sld [smem:$0x3FA0]  }
0x2a: {  	p0 =	seq.s32 s5, $0x0;
	s5 =	sld [smem:$0x3FA1]  }
0x2b: {  	s6 =	sld [smem:$0x3FA2]  }
0x2c: {  	s7 =	sld [smem:$0x3FA3]  }
0x2d: {  	s3 =	simm.s32 $0x108;
	s8 =	sld [smem:$0x3FA4]  }
0x2e: {  	s3 =	simm.s32 @!p0 $0x1082;
	s9 =	sld [smem:$0x3FA5]  }
0x2f: {  	lr =	sadd.s32 s0, s3;
	s0 =	sld [smem:$0x3F9C]  }
0x30: {  	s3 =	sld [smem:$0x3F9F]  }
0x31: {  	[smem:$0x3FA8] =	sst s10  }
0x32: {  	s10 =	sld [smem:$0x3FA6];
	_ =	sdelay $0x3  }
0x33: {  	p0 =	seq.s32 s10, $0x1;
	s10 =	sld [smem:$0x3FA8];
	_ =	sdelay $0x3  }
0x34: {  	[smem:$0x3FA8] =	sst s10  }
0x35: {  	s10 =	sld [smem:$0x3FA7];
	_ =	sdelay $0x3  }
0x36: {  	p1 =	seq.s32 s10, $0x1;
	s10 =	sld [smem:$0x3FA8];
	_ =	sdelay $0x3  }
0x37: {  	[smem:$0x3FA8] =	sst s10  }
0x38: {  	s10 =	sld [smem:$0x3FA9]  }
0x39: {  	_ = 	snop;
	(pc) =	sbr.ind lr, $3  }
0x3a: {  	_ = 	snop  }
0x3b: {  	_ = 	snop  }
0x3c: {  	p2 =	seq.s32 s10, $0x1;
	s10 =	sld [smem:$0x3FA8]  }
0x3d: {  	_ =	shalt  }
0x3e: {  	_ =	shalt  }
0x3f: {  	_ =	shalt  }
0x40: {  	_ =	shalt  }
0x41: {  	_ =	shalt  }
0x42: {  	_ =	shalt  }
0x43: {  	_ =	shalt  }
0x44: {  	_ =	shalt  }
0x45: {  	_ =	shalt  }
0x46: {  	_ =	shalt  }
0x47: {  	_ =	shalt  }
0x48: {  	_ =	shalt  }
0x49: {  	_ =	shalt  }
0x4a: {  	_ =	shalt  }
0x4b: {  	_ =	shalt  }
0x4c: {  	_ =	shalt  }
0x4d: {  	_ =	shalt  }
0x4e: {  	_ =	shalt  }
0x4f: {  	_ =	shalt  }
0x50: {  	_ =	shalt  }
0x51: {  	_ =	shalt  }
0x52: {  	_ =	shalt  }
0x53: {  	_ =	shalt  }
0x54: {  	_ =	shalt  }
0x55: {  	_ =	shalt  }
0x56: {  	_ =	shalt  }
0x57: {  	_ =	shalt  }
0x58: {  	_ =	shalt  }
0x59: {  	_ =	shalt  }
0x5a: {  	_ =	shalt  }
0x5b: {  	_ =	shalt  }
0x5c: {  	_ =	shalt  }
0x5d: {  	_ =	shalt  }
0x5e: {  	_ =	shalt  }
0x5f: {  	_ =	shalt  }
0x60: {  	_ =	shalt  }
0x61: {  	_ =	shalt  }
0x62: {  	_ =	shalt  }
0x63: {  	_ =	shalt  }
0x64: {  	_ =	shalt  }
0x65: {  	_ =	shalt  }
0x66: {  	_ =	shalt  }
0x67: {  	_ =	shalt  }
0x68: {  	_ =	shalt  }
0x69: {  	_ =	shalt  }
0x6a: {  	_ =	shalt  }
0x6b: {  	_ =	shalt  }
0x6c: {  	_ =	shalt  }
0x6d: {  	_ =	shalt  }
0x6e: {  	_ =	shalt  }
0x6f: {  	_ =	shalt  }
0x70: {  	_ =	shalt  }
0x71: {  	_ =	shalt  }
0x72: {  	_ =	shalt  }
0x73: {  	_ =	shalt  }
0x74: {  	_ =	shalt  }
0x75: {  	_ =	shalt  }
0x76: {  	_ =	shalt  }
0x77: {  	_ =	shalt  }
0x78: {  	_ =	shalt  }
0x79: {  	_ =	shalt  }
0x7a: {  	_ =	shalt  }
0x7b: {  	_ =	shalt  }
0x7c: {  	_ =	shalt  }
0x7d: {  	_ =	shalt  }
0x7e: {  	_ =	shalt  }
0x7f: {  	_ =	shalt  }
0x80: {  	_ =	shalt  }
0x81: {  	_ =	shalt  }
0x82: {  	_ =	shalt  }
0x83: {  	_ =	shalt  }
0x84: {  	_ =	shalt  }
0x85: {  	_ =	shalt  }
0x86: {  	_ =	shalt  }
0x87: {  	_ =	shalt  }
.Lfunc_end0:
.L_simem_size_0:
called_computation.11_lowered:
.L_overlay_start_0:
0x88: {  	s2 =	sld [smem:$0x3FD9]  }
0x89: {  	s3 =	sld [smem:$0x3FFE];
	_ =	sdelay $0x1  }
0x8a: {  	s1 =	srdreg.scid  }
0x8b: {  	s0 =	sand.u32 $0x1, s1  }
0x8c: {  	s16 =	sshll.u32 s0, $0xA;
	s2 =	sadd.s32 s3, s2  }
0x8d: {  	s2 =	sadd.s32 s2, s16  }
0x8e: {  	[smem:$0x3FB4] =	sst s2  }
0x8f: {  	_ = 	snop  }
0x90: {  	(tm) =	ssettm $0x1  }
0x91: {  	s17 =	sld [smem:$0x3FFB];
	_ =	sdelay $0x3  }
0x92: {  	_ =	strace s17  }
0x93: {  	s2 =	sld [smem:$0x3FFC];
	_ =	sdelay $0x3  }
0x94: {  	_ =	strace s2  }
0x95: {  	s2 =	sld [smem:$0x3FFD];
	_ =	sdelay $0x3  }
0x96: {  	_ =	strace s2  }
0x97: {  	_ =	strace $0x8FFFFFFF  }
0x98: {  	s18 =	sld [smem:$0x3FDB];
	_ =	sdelay $0x1  }
0x99: {  	s19 =	simm.s32 $_scs_section_size  }
0x9a: {  	s4 =	simm.s32 $_size__tile_overlayer_lowered;
	s5 =	simm.s32 $_tile_overlayer_lowered  }
0x9b: {  	s22 =	simm.s32 $0x1BFF;
	s21 =	sshll.u32 s5, $0x1;
	s2 =	sadd.s32 s19, s18  }
0x9c: {  	s6 =	simm.s32 $0x0;
	s20 =	sshll.u32 s4, $0x1;
	s4 =	sadd.s32 s21, s2  }
0x9d: {  	[timem:s6], [sflag:s22] =	dma.local [hbm:s4], s20  }
0x9e: {  	_ =	swait.ge [sflag:s22], s20  }
0x9f: {  	s3 =	ssub.s32 $0x0, s20;
	[sflag:s22] =	ssyncset.done $0x0  }
0xa0: {  	[sflag:s22] =	ssyncadd.s32 s3;
	_ =	sdelay $0x1  }
0xa1: {  	s23 =	simm.s32 $0x1B8B  }
0xa2: {  	_ =	swait.ge [sflag:s23], $0x1  }
0xa3: {  	[sflag:s23] =	ssyncset.done $0x0  }
0xa4: {  	s25 =	simm.s32 $0x1B8E;
	s24 =	sld [smem:$0x3FFE];
	[sflag:s23] =	ssyncadd.s32 $0xFFFFFFFF  }
0xa5: {  	s26 =	simm.s32 $execute0_lowered;
	[smem:$0x3FD2] =	sst s25  }
0xa6: {  	s4 =	sshll.u32 s26, $0x1;
	_ =	strace $0x80000067;
	[dreg:$0x1] =	wrdreg $0xFFFFFFFF  }
0xa7: {  	s28 =	simm.s32 $_size_execute0_lowered;
	s2 =	sadd.s32 s2, s4;
	[dreg:$0x0] =	wrdreg $0x0  }
0xa8: {  	s4 =	sshll.u32 s28, $0x1;
	[dreg:$0x2] =	wrdreg s2  }
0xa9: {  	[dreg:$0x3] =	wrdreg s4  }
0xaa: {  	[dreg:$0x4] =	wrdreg $0xC0  }
0xab: {  	_ =	task [dreg:s6], $0x5FFFF  }
0xac: {  	[dreg:$0x1] =	wrdreg $0xFFFFFFFF  }
0xad: {  	[dreg:$0x0] =	wrdreg $0x60  }
0xae: {  	[dreg:$0x2] =	wrdreg s24  }
0xaf: {  	[dreg:$0x3] =	wrdreg $0x9  }
0xb0: {  	_ =	task.clear_ibuf [dreg:s6], $0x4FFFF;
	_ =	strace $0x90000067  }
0xb1: {  	s29 =	simm.s32 $0x9;
	_ =	strace $0x80000069  }
0xb2: {  	_ =	swait.ge [sflag:s29], $0x1  }
0xb3: {  	[sflag:s29] =	ssyncadd.s32 $0xFFFFFFFF  }
0xb4: {  	_ =	strace $0x90000069  }
0xb5: {  	_ =	sfence  }
0xb6: {  	s30 =	sld [smem:$0x0];
	_ =	sdelay $0x2  }
0xb7: {  	s31 =	sshll.u32 s1, $0xD;
	s1 =	sshrl.u32 s1, $0x2  }
0xb8: {  	s3 =	sand.u32 $0x4000, s31;
	s1 =	sadd.s32 s1, s30  }
0xb9: {  	s0 =	sor.u32 s3, s0;
	s1 =	sshll.u32 s1, $0x11  }
0xba: {  	s0 =	sor.u32 s1, s0  }
0xbb: {  	s0 =	sadd.s32 $0x8F2B, s0  }
0xbc: {  	[sflag:s0] =	ssyncadd.remote.s32 $0x1  }
0xbd: {  	_ =	sfence.sel $0xFFFF  }
0xbe: {  	[dreg:$0x0] =	wrdreg $0xFFFFFFFF;
	(pc) =	sbr.abs _section_cstart, $3  }
0xbf: {  	[dreg:$0x1] =	wrdreg $0xFFFFFFFF  }
0xc0: {  	_ =	task.clear_ibuf [dreg:s6], $0x2FFFF;
	_ =	strace $0x9FFFFFFF  }
0xc1: {  	(tm) =	ssettm $0x7FFFFFFF  }
tec
execute0_lowered:
.L_overlay_start_1:
0x0: {  	(tag) =	ssettag $0x1  }
0x1: {  	s6 =	rddreg [dreg:$0x0];
	s2 =	srdreg.scid  }
0x2: {  	s0 =	rddreg [dreg:$0x1];
	s1 =	stileid.u32  }
0x3: {  	s10 =	simm.s32 $0x80;
	s11 =	simm.s32 $0x880;
	s12 =	simm.s32 $0x1080  }
0x4: {  	s13 =	simm.s32 $0x1880;
	s14 =	simm.s32 $0x2080;
	s15 =	simm.s32 $0x2880  }
0x5: {  	s16 =	simm.s32 $0x3080;
	s17 =	simm.s32 $0x3880;
	s18 =	simm.s32 $0x4080  }
0x6: {  	s19 =	simm.s32 $0x4880;
	s20 =	simm.s32 $0x5080;
	s21 =	simm.s32 $0x5880  }
0x7: {  	s22 =	simm.s32 $0x1;
	s3 =	sand.u32 $0x1, s2;
	s2 =	simm.s32 $0x0  }
0x8: {  	s4 =	sshll.u32 s1, $0x3;
	s5 =	sshll.u32 s3, $0x2;
	[smem:$0x7FF] =	sst s2  }
0x9: {  	s7 =	ssub.s32 $0x2, s3;
	s3 =	sadd.s32 $0x1A000, s6;
	s4 =	sor.u32 s5, s4  }
0xa: {  	s8 =	sshrl.u32 s7, $0x1;
	s5 =	smul.u32 $0x300, s4;
	s4 =	sadd.s32 s4, s6  }
0xb: {  	v2 =	vlaneseq.u32;
	_ =	strace $0x80000068;
	s8 =	ssub.s32 s7, s8;
	s4 =	sadd.s32 $0x2CC00, s4  }
0xc: {  	vm0 =	vmmov $0xffff;
	v1 =	vshrl.u32 v2, $0x3;
	s8 =	smax.u32 s8, $0x1;
	s9 =	sadd.s32 s5, s6;
	s5 =	sadd.s32 $0x1A100, s6  }
0xd: {  	v0 =	vand.u32 $0x7, v2;
	v2 =	vor.u32 $0x8, v2;
	v1 =	vmul.u32 $0x8, v1;
	s6 =	sadd.s32 $0x1A200, s6;
	s7 =	sadd.s32 $0x2CE00, s9;
	s9 =	simm.s32 $0x2  }
.LBB2_1:
0xe: {  	[tilespmem:s2], [sflag:$0x2] =	stream.linear.gather [hbm4b:s4+s2], $0x20, $0x38;
	[tilespmem:$0x6080] =	vst v63  }
0xf: {  	_ =	swait.ge [sflag:s9], $0x20  }
0x10: {  	[sflag:s9] =	ssyncset.done $0x0  }
0x11: {  	[sflag:s9] =	ssyncadd.s32 $0xFFFFFFE0  }
0x12: {  	v3 =	vld [tilespmem:$0x0];
	_ =	sdelay $0x4  }
0x13: {  	v4 =	vshrl.u32 v3, $0x3  }
0x14: {  	v4 =	vmul.u32 $0x30, v4  }
0x15: {  	v3 =	vand.u32 $0x7, v3  }
0x16: {  	v3 =	vor.u32 v3, v4  }
0x17: {  	v4 =	vperm.xlane v3, v0;
	_ =	sdelay $0x1  }
0x18: {  	v4 =	vadd.s32 v1, v4;
	_ =	sdelay $0x3  }
0x19: {  	v3 =	vperm.xlane v3, v2  }
0x1a: {  	[tilespmem:s10], [sflag:$0x1] =	stream.indirect_vreg.gather [hbm4b:s3+s2], $0x80, v4, vm0, $0xb8;
	[tilespmem:$0x6080] =	vst v63  }
0x1b: {  	v3 =	vadd.s32 v1, v3  }
0x1c: {  	[tilespmem:s11], [sflag:$0x1] =	stream.indirect_vreg.gather [hbm4b:s5+s2], $0x80, v4, vm0, $0xb8;
	[tilespmem:$0x6080] =	vst v63  }
0x1d: {  	_ = 	snop  }
0x1e: {  	[tilespmem:s12], [sflag:$0x1] =	stream.indirect_vreg.gather [hbm4b:s6+s2], $0x80, v4, vm0, $0xb8;
	[tilespmem:$0x6080] =	vst v63  }
0x1f: {  	_ = 	snop  }
0x20: {  	[tilespmem:s13], [sflag:$0x1] =	stream.indirect_vreg.gather [hbm4b:s3+s2], $0x80, v3, vm0, $0xb8;
	[tilespmem:$0x6080] =	vst v63  }
0x21: {  	_ = 	snop  }
0x22: {  	[tilespmem:s14], [sflag:$0x1] =	stream.indirect_vreg.gather [hbm4b:s5+s2], $0x80, v3, vm0, $0xb8;
	[tilespmem:$0x6080] =	vst v63  }
0x23: {  	_ = 	snop  }
0x24: {  	[tilespmem:s15], [sflag:$0x1] =	stream.indirect_vreg.gather [hbm4b:s6+s2], $0x80, v3, vm0, $0xb8;
	[tilespmem:$0x6080] =	vst v63  }
0x25: {  	v3 =	vld [tilespmem:$0x10];
	_ =	sdelay $0x4  }
0x26: {  	v63 =	vshrl.u32 v3, $0x3  }
0x27: {  	v4 =	vmul.u32 $0x30, v63  }
0x28: {  	v3 =	vand.u32 $0x7, v3  }
0x29: {  	v3 =	vor.u32 v3, v4  }
0x2a: {  	v4 =	vperm.xlane v3, v0;
	_ =	sdelay $0x1  }
0x2b: {  	v4 =	vadd.s32 v1, v4;
	_ =	sdelay $0x3  }
0x2c: {  	v3 =	vperm.xlane v3, v2  }
0x2d: {  	[tilespmem:s16], [sflag:$0x1] =	stream.indirect_vreg.gather [hbm4b:s3+s2], $0x80, v4, vm0, $0xb8;
	[tilespmem:$0x6080] =	vst v63  }
0x2e: {  	v3 =	vadd.s32 v1, v3  }
0x2f: {  	[tilespmem:s17], [sflag:$0x1] =	stream.indirect_vreg.gather [hbm4b:s5+s2], $0x80, v4, vm0, $0xb8;
	[tilespmem:$0x6080] =	vst v63  }
0x30: {  	_ = 	snop  }
0x31: {  	[tilespmem:s18], [sflag:$0x1] =	stream.indirect_vreg.gather [hbm4b:s6+s2], $0x80, v4, vm0, $0xb8;
	[tilespmem:$0x6080] =	vst v63  }
0x32: {  	_ = 	snop  }
0x33: {  	[tilespmem:s19], [sflag:$0x1] =	stream.indirect_vreg.gather [hbm4b:s3+s2], $0x80, v3, vm0, $0xb8;
	[tilespmem:$0x6080] =	vst v63  }
0x34: {  	_ = 	snop  }
0x35: {  	[tilespmem:s20], [sflag:$0x1] =	stream.indirect_vreg.gather [hbm4b:s5+s2], $0x80, v3, vm0, $0xb8;
	[tilespmem:$0x6080] =	vst v63  }
0x36: {  	_ = 	snop  }
0x37: {  	[tilespmem:s21], [sflag:$0x1] =	stream.indirect_vreg.gather [hbm4b:s6+s2], $0x80, v3, vm0, $0xb8;
	[tilespmem:$0x6080] =	vst v63  }
0x38: {  	_ =	swait.ge [sflag:s22], $0x6000  }
0x39: {  	p0 =	sne.s32 s8, $0x1;
	[sflag:s22] =	ssyncset.done $0x0  }
.Ltmp0:
0x3a: {  	[sflag:s22] =	ssyncadd.s32 $0xFFFFA000;
	(pc) =	sbr.rel @p0 .LBB2_1-.Ltmp0, $4  }
0x3b: {  	[hbm4b:s7+s2] =	stream.linear.scatter [tilespmem:s10], [sflag:$0x2], $0x6000, $0x38;
	[tilespmem:$0x6080] =	vst v63  }
0x3c: {  	_ =	swait.ge [sflag:s9], $0x6000  }
0x3d: {  	[sflag:s9] =	ssyncset.done $0x0  }
0x3e: {  	s8 =	sadd.s32 $0xFFFFFFFF, s8;
	[sflag:s9] =	ssyncadd.s32 $0xFFFFA000  }
0x3f: {  	_ =	sfence.sel $0x180000  }
0x40: {  	[bflag:$0x0] =	sbarrier.arrive $0xFFFF  }
0x41: {  	p0 =	sne.s32 s1, $0x0;
	_ =	strace $0x90000068  }
0x42: {  	s0 =	sadd.s32 @!p0 $0x100000, s0;
	[bflag:$0x2] =	sbarrier.arrive $0xFFFF  }
0x43: {  	[sflag:s0] =	ssyncadd.tile.s32 @!p0 $0x1;
	_ =	shalt  }
.Lfunc_end2:
_tile_overlayer_lowered:
.L_overlay_start_2:
0x44: {  	(tag) =	ssettag $0x2  }
0x45: {  	s0 =	rddreg [dreg:$0x0];
	s2 =	stileid.u32  }
0x46: {  	s1 =	rddreg [dreg:$0x1];
	p0 =	sne.s32 s2, $0x0  }
0x47: {  	s3 =	rddreg [dreg:$0x2];
	[bflag:$0x3] =	sbarrier.arrive $0xFFFF;
	s2 =	simm.s32 @!p0 $0x1C02  }
0x48: {  	[timem:s3], [sflag:s2] =	dma.local @!p0 [hbm:s0], s1  }
0x49: {  	s0 =	simm.s32 @!p0 $0x2  }
0x4a: {  	_ =	swait.ge @!p0 [sflag:s0], s1  }
0x4b: {  	s1 =	ssub.s32 @!p0 $0x0, s1;
	[sflag:s0] =	ssyncset.done @!p0 $0x0  }
0x4c: {  	[sflag:s0] =	ssyncadd.s32 @!p0 s1  }
0x4d: {  	[bflag:$0x3] =	sbarrier.arrive $0xFFFF  }
0x4e: {  	_ =	shalt  }

</sc_bundles>
